<compile_context>
chip_gen: v7x
topology: tpu7x:2x2x1
jax: 0.10.2.dev20260603
libtpu: 0.0.44.dev20260713+nightly
codegen_flags: <defaults>
</compile_context>

<pallas_src>
import jax
import jax.numpy as jnp
from jax import lax
from jax.experimental import pallas as pl
from jax.experimental.pallas import tpu as pltpu
from jax.experimental.pallas import tpu_sc as plsc

_N = 10000
_K = 27
_HID = 128
_CIN = 256
_E = 160000
_NK = _N * _K
_KH = _K * _HID

_BLK = 128
_NSUB = 16
_EP = 163840
_NBLK = _EP // _BLK
_SB = 4
_BN = 400
_BD = 1152

_mesh = plsc.VectorSubcoreMesh(core_axis_name="c", subcore_axis_name="s")

_NBT = _NBLK // 2 // _NSUB
_NSB = _NBT // _SB


def _sc_body(edg_hbm, tab_hbm, out_hbm,
             edg0, edg1, idx0, idx1, rows0, rows1,
             accum, isem0, isem1, gsem0, gsem1):
    c = lax.axis_index("c")
    s = lax.axis_index("s")

    blk0 = c * (_NBLK // 2) + s * _NBT

    pltpu.async_copy(edg_hbm.at[pl.ds(blk0, _SB)], edg0, isem0)

    def _zrow(i, _):
        r = i // 8
        col = (i % 8) * 16
        rows0[r, pl.ds(col, 16)] = jnp.zeros((16,), jnp.float32)
        return 0
    lax.fori_loop(0, _BLK * 8, _zrow, 0)

    @pl.when(s < 10)
    def _init():
        base = s * 1000
        for j in range(7):
            pltpu.sync_copy(rows0, accum.at[pl.ds(base + j * 128, 128)])
        pltpu.sync_copy(rows0.at[pl.ds(0, 104)],
                        accum.at[pl.ds(base + 896, 104)])

    plsc.subcore_barrier()

    rows = (rows0, rows1)
    gsems = (gsem0, gsem1)

    def _superblock(q, eb, isem, oeb, oisem, ib):
        pltpu.make_async_copy(edg_hbm.at[pl.ds(blk0 + q * _SB, _SB)],
                              eb, isem).wait()
        @pl.when(q < _NSB - 1)
        def _():
            pltpu.async_copy(edg_hbm.at[pl.ds(blk0 + (q + 1) * _SB, _SB)],
                             oeb, oisem)
        def _mkidx(b, _):
            for j in range(_BLK // 16):
                sl = pl.ds(j * 16, 16)
                ib[b, sl] = eb[b, 0, sl] * _K + eb[b, 1, sl]
            return 0
        lax.fori_loop(0, _SB, _mkidx, 0)
        pltpu.async_copy(tab_hbm.at[ib.at[0]], rows[0], gsems[0])
        for k in range(_SB):
            if k + 1 < _SB:
                pltpu.async_copy(tab_hbm.at[ib.at[k + 1]],
                                 rows[(k + 1) % 2], gsems[(k + 1) % 2])
            pltpu.make_async_copy(tab_hbm.at[ib.at[k]],
                                  rows[k % 2], gsems[k % 2]).wait()
            pltpu.sync_copy(rows[k % 2], accum.at[eb.at[k, 2]], add=True)

    def _pair(p, _):
        _superblock(2 * p, edg0, isem0, edg1, isem1, idx0)
        _superblock(2 * p + 1, edg1, isem1, edg0, isem0, idx1)
        return 0
    lax.fori_loop(0, _NSB // 2, _pair, 0)

    plsc.subcore_barrier()

    @pl.when(s < 10)
    def _flush():
        base = s * 1000
        pltpu.sync_copy(accum.at[pl.ds(base, 1000)],
                        out_hbm.at[pl.ds(c * _N + base, 1000)])


_sc_pass = pl.kernel(
    _sc_body,
    out_type=jax.ShapeDtypeStruct((2 * _N, _HID), jnp.float32),
    mesh=_mesh,
    scratch_types=[
        pltpu.VMEM((_SB, 3, _BLK), jnp.int32),
        pltpu.VMEM((_SB, 3, _BLK), jnp.int32),
        pltpu.VMEM((_SB, _BLK), jnp.int32),
        pltpu.VMEM((_SB, _BLK), jnp.int32),
        pltpu.VMEM((_BLK, _HID), jnp.float32),
        pltpu.VMEM((_BLK, _HID), jnp.float32),
        pltpu.VMEM_SHARED((_N + 8, _HID), jnp.float32),
        pltpu.SemaphoreType.DMA,
        pltpu.SemaphoreType.DMA,
        pltpu.SemaphoreType.DMA,
        pltpu.SemaphoreType.DMA,
    ],
)


def _mm_body(lhs_ref, w_ref, out_ref):
    out_ref[...] = jnp.dot(lhs_ref[...], w_ref[...],
                           preferred_element_type=jnp.float32)


_mm = pl.pallas_call(
    _mm_body,
    grid=(_KH // _BD, _N // _BN),
    in_specs=[
        pl.BlockSpec((_BN, _CIN), lambda j, i: (i, 0)),
        pl.BlockSpec((_CIN, _BD), lambda j, i: (0, j)),
    ],
    out_specs=pl.BlockSpec((_BN, _BD), lambda j, i: (i, j)),
    out_shape=jax.ShapeDtypeStruct((_N, _KH), jnp.float32),
)


def _q_mm_body(p0_ref, p1_ref, h_ref, x_ref, br_ref, wh_ref, wx_ref, out_ref):
    r = jax.nn.sigmoid(p0_ref[...] + p1_ref[...] + br_ref[0])
    rh = (r * h_ref[...]).astype(jnp.bfloat16)
    xb = x_ref[...].astype(jnp.bfloat16)
    out_ref[...] = (
        jnp.dot(rh, wh_ref[...], preferred_element_type=jnp.float32)
        + jnp.dot(xb, wx_ref[...], preferred_element_type=jnp.float32))


_q_mm = pl.pallas_call(
    _q_mm_body,
    grid=(_KH // _BD, _N // _BN),
    in_specs=[
        pl.BlockSpec((_BN, _HID), lambda j, i: (i, 0)),
        pl.BlockSpec((_BN, _HID), lambda j, i: (i, 0)),
        pl.BlockSpec((_BN, _HID), lambda j, i: (i, 0)),
        pl.BlockSpec((_BN, _HID), lambda j, i: (i, 0)),
        pl.BlockSpec((1, _HID), lambda j, i: (0, 0)),
        pl.BlockSpec((_HID, _BD), lambda j, i: (0, j)),
        pl.BlockSpec((_HID, _BD), lambda j, i: (0, j)),
    ],
    out_specs=pl.BlockSpec((_BN, _BD), lambda j, i: (i, j)),
    out_shape=jax.ShapeDtypeStruct((_N, _KH), jnp.float32),
)


def _gate_body(z0_ref, z1_ref, q0_ref, q1_ref, h_ref, bz_ref, bq_ref, out_ref):
    z = jax.nn.sigmoid(z0_ref[...] + z1_ref[...] + bz_ref[0])
    q = jnp.tanh(q0_ref[...] + q1_ref[...] + bq_ref[0])
    out_ref[...] = (1.0 - z) * h_ref[...] + z * q


_gate = pl.pallas_call(
    _gate_body,
    grid=(_N // _BN,),
    in_specs=[
        pl.BlockSpec((_BN, _HID), lambda i: (i, 0)),
        pl.BlockSpec((_BN, _HID), lambda i: (i, 0)),
        pl.BlockSpec((_BN, _HID), lambda i: (i, 0)),
        pl.BlockSpec((_BN, _HID), lambda i: (i, 0)),
        pl.BlockSpec((_BN, _HID), lambda i: (i, 0)),
        pl.BlockSpec((1, _HID), lambda i: (0, 0)),
        pl.BlockSpec((1, _HID), lambda i: (0, 0)),
    ],
    out_specs=pl.BlockSpec((_BN, _HID), lambda i: (i, 0)),
    out_shape=jax.ShapeDtypeStruct((_N, _HID), jnp.float32),
)


def kernel(h, x, edge_index, edge_kernel, Wz, bz, Wr, br, Wq, bq):
    hxb = jnp.concatenate([h, x], axis=1).astype(jnp.bfloat16)
    wzf = Wz.transpose(1, 0, 2).reshape(_CIN, _KH).astype(jnp.bfloat16)
    wrf = Wr.transpose(1, 0, 2).reshape(_CIN, _KH).astype(jnp.bfloat16)
    wqh = Wq[:, :_HID, :].transpose(1, 0, 2).reshape(_HID, _KH).astype(
        jnp.bfloat16)
    wqx = Wq[:, _HID:, :].transpose(1, 0, 2).reshape(_HID, _KH).astype(
        jnp.bfloat16)

    nchunk = 32
    chunk = _E // nchunk
    cpad = (_EP - _E) // nchunk
    src = jnp.pad(edge_index[0].reshape(nchunk, chunk), ((0, 0), (0, cpad)))
    kern = jnp.pad(edge_kernel.reshape(nchunk, chunk), ((0, 0), (0, cpad)))
    dpad = jnp.broadcast_to(_N + (jnp.arange(cpad, dtype=jnp.int32) % 8),
                            (nchunk, cpad))
    dst = jnp.concatenate([edge_index[1].reshape(nchunk, chunk), dpad], axis=1)
    edg = jnp.stack([src.reshape(_NBLK, _BLK), kern.reshape(_NBLK, _BLK),
                     dst.reshape(_NBLK, _BLK)], axis=1)

    t1r = _mm(hxb, wrf).reshape(_NK, _HID)
    pr = _sc_pass(edg, t1r)
    t1z = _mm(hxb, wzf).reshape(_NK, _HID)
    pz = _sc_pass(edg, t1z)
    t2 = _q_mm(pr[:_N], pr[_N:], h, x, br.reshape(1, _HID),
               wqh, wqx).reshape(_NK, _HID)
    qp = _sc_pass(edg, t2)
    return _gate(pz[:_N], pz[_N:], qp[:_N], qp[_N:], h,
                 bz.reshape(1, _HID), bq.reshape(1, _HID))

# --- scband reference (transcript-rebuilt; emitter-appended) ---
"""Pipeline reference for scband-conv-gru-85194971283736 (READ-ONLY COPY).

The authoritative reference and input builder live on the scoring server;
editing this copy changes nothing except your own understanding.
"""

import jax, jax.numpy as jnp
import numpy as np

N = 10000
E = 160000
HID = 128
INP = 128
KS = 3
K = KS * KS * KS  # 27 kernel offsets for a 3x3x3 sparse conv


def setup_inputs(seed: int = 0):
    key = jax.random.key(seed)
    ks = jax.random.split(key, 12)
    h = jax.random.normal(ks[0], (N, HID), dtype=jnp.float32)
    x = jax.random.normal(ks[1], (N, INP), dtype=jnp.float32)
    edge_index = jax.random.randint(ks[2], (2, E), 0, N, dtype=jnp.int32)
    edge_kernel = jax.random.randint(ks[3], (E,), 0, K, dtype=jnp.int32)
    cin = HID + INP
    scale = 1.0 / np.sqrt(cin * K)
    Wz = jax.random.normal(ks[4], (K, cin, HID), dtype=jnp.float32) * scale
    bz = jnp.zeros((HID,), dtype=jnp.float32)
    Wr = jax.random.normal(ks[5], (K, cin, HID), dtype=jnp.float32) * scale
    br = jnp.zeros((HID,), dtype=jnp.float32)
    Wq = jax.random.normal(ks[6], (K, cin, HID), dtype=jnp.float32) * scale
    bq = jnp.zeros((HID,), dtype=jnp.float32)
    return {"h": h, "x": x, "edge_index": edge_index, "edge_kernel": edge_kernel,
            "Wz": Wz, "bz": bz, "Wr": Wr, "br": br, "Wq": Wq, "bq": bq}


def _sconv3d(feat, src, dst, kernel, W, b):
    # torchsparse SConv3d modeled as gather -> scatter-add grouped by
    # (dst_point, kernel_offset) -> per-offset dense matmul.
    msg = jnp.take(feat, src, axis=0)                      # [E, Cin] gather
    seg = dst * K + kernel                                 # combined segment id
    agg = jax.ops.segment_sum(msg, seg, num_segments=N * K)  # [N*K, Cin] scatter-add
    agg = agg.reshape(N, K, feat.shape[1])
    out = jnp.einsum('nkc,kcd->nd', agg, W) + b            # per-offset weight
    return out


def reference(h, x, edge_index, edge_kernel, Wz, bz, Wr, br, Wq, bq):
    src = edge_index[0]
    dst = edge_index[1]
    hx = jnp.concatenate([h, x], axis=1)                   # torchsparse.cat([h, x]) on features
    z = jax.nn.sigmoid(_sconv3d(hx, src, dst, edge_kernel, Wz, bz))
    r = jax.nn.sigmoid(_sconv3d(hx, src, dst, edge_kernel, Wr, br))
    x2 = jnp.concatenate([r * h, x], axis=1)
    q = jnp.tanh(_sconv3d(x2, src, dst, edge_kernel, Wq, bq))
    h_new = (1.0 - z) * h + z * q
    return h_new

if __name__ == "__main__":
    import jax
    _d = setup_inputs()
    print(jax.jit(kernel)(*tuple(_d.values())))

</pallas_src>

<mosaic_0001>
#map = affine_map<(d0, d1) -> (0, 0, 0)>
#map1 = affine_map<(d0, d1) -> (0, 0)>
module attributes {stable_mosaic.version = 14 : i64} {
  func.func @_sc_body(%arg0: i32, %arg1: i32, %arg2: memref<1280x3x128xi32, #tpu.memory_space<hbm>>, %arg3: memref<270000x128xf32, #tpu.memory_space<hbm>>, %arg4: memref<20000x128xf32, #tpu.memory_space<hbm>>, %arg5: memref<4x3x128xi32, #tpu.memory_space<vmem>>, %arg6: memref<4x3x128xi32, #tpu.memory_space<vmem>>, %arg7: memref<4x128xi32, #tpu.memory_space<vmem>>, %arg8: memref<4x128xi32, #tpu.memory_space<vmem>>, %arg9: memref<128x128xf32, #tpu.memory_space<vmem>>, %arg10: memref<128x128xf32, #tpu.memory_space<vmem>>, %arg11: memref<10008x128xf32, #tpu.memory_space<vmem_shared>>, %arg12: memref<!tpu.dma_semaphore, #tpu.memory_space<semaphore_mem>>, %arg13: memref<!tpu.dma_semaphore, #tpu.memory_space<semaphore_mem>>, %arg14: memref<!tpu.dma_semaphore, #tpu.memory_space<semaphore_mem>>, %arg15: memref<!tpu.dma_semaphore, #tpu.memory_space<semaphore_mem>>) attributes {dimension_semantics = [#tpu.dimension_semantics<core_parallel>, #tpu.dimension_semantics<subcore_parallel>], iteration_bounds = array<i64: 2, 16>, scalar_prefetch = 0 : i64, scratch_operands = 11 : i64, tpu.core_type = #tpu.core_type<sc_vector_subcore>, window_params = [{transform_indices = #map}, {transform_indices = #map1}, {transform_indices = #map1}]} {
    %mul3A = arith.constant 640 : i32
    %mul3A_0 = arith.muli %arg0, %mul3A : i32
    %mul3A_1 = arith.constant 40 : i32
    %mul3A_2 = arith.muli %arg1, %mul3A_1 : i32
    %add3A = arith.addi %mul3A_0, %mul3A_2 : i32
    %dma_start3A = arith.constant 0 : i32
    %dma_start3A_3 = arith.constant 0 : i32
    %dma_start3A_4 = tpu.memref_slice %arg2[%add3A, %dma_start3A, %dma_start3A_3] : memref<1280x3x128xi32, #tpu.memory_space<hbm>> -> memref<4x3x128xi32, #tpu.memory_space<hbm>>
    %dma_start3A_5 = arith.constant 0 : i32
    %dma_start3A_6 = arith.constant 0 : i32
    %dma_start3A_7 = tpu.memref_slice %arg2[%add3A, %dma_start3A_5, %dma_start3A_6] : memref<1280x3x128xi32, #tpu.memory_space<hbm>> -> memref<4x3x128xi32, #tpu.memory_space<hbm>>
    tpu.enqueue_dma source(%dma_start3A_7 : memref<4x3x128xi32, #tpu.memory_space<hbm>>) target(%arg5 : memref<4x3x128xi32, #tpu.memory_space<vmem>>) target_semaphore(%arg12 : memref<!tpu.dma_semaphore, #tpu.memory_space<semaphore_mem>>)
    %scan3A = arith.constant 0 : i32
    %scan3A_8 = arith.constant 0 : i32
    %scan3A_9 = arith.constant 1024 : i32
    %scan3A_10 = arith.addi %scan3A_8, %scan3A_9 : i32
    %scan3A_11 = arith.constant 1 : i32
    %scan3A_12 = scf.for %scan3A_29 = %scan3A_8 to %scan3A_10 step %scan3A_11 iter_args(%scan3A_30 = %scan3A) -> (i32)  : i32 {
      %jit3A = arith.constant 8 : i32
      %div3A = arith.divsi %scan3A_29, %jit3A : i32
      %sign3A = arith.constant 0 : i32
      %sign3A_31 = arith.cmpi sgt, %scan3A_29, %sign3A : i32
      %sign3A_32 = arith.extui %sign3A_31 : i1 to i32
      %sign3A_33 = arith.constant 0 : i32
      %sign3A_34 = arith.cmpi slt, %scan3A_29, %sign3A_33 : i32
      %sign3A_35 = arith.extui %sign3A_34 : i1 to i32
      %sign3A_36 = arith.subi %sign3A_32, %sign3A_35 : i32
      %sign3A_37 = arith.constant 0 : i32
      %sign3A_38 = arith.cmpi sgt, %jit3A, %sign3A_37 : i32
      %sign3A_39 = arith.extui %sign3A_38 : i1 to i32
      %sign3A_40 = arith.constant 0 : i32
      %sign3A_41 = arith.cmpi slt, %jit3A, %sign3A_40 : i32
      %sign3A_42 = arith.extui %sign3A_41 : i1 to i32
      %sign3A_43 = arith.subi %sign3A_39, %sign3A_42 : i32
      %ne3A = arith.cmpi ne, %sign3A_36, %sign3A_43 : i32
      %rem3A = arith.remsi %scan3A_29, %jit3A : i32
      %ne3A_44 = arith.constant 0 : i32
      %ne3A_45 = arith.cmpi ne, %rem3A, %ne3A_44 : i32
      %and3A = arith.andi %ne3A, %ne3A_45 : i1
      %sub3A = arith.constant 1 : i32
      %sub3A_46 = arith.subi %div3A, %sub3A : i32
      %select_n3A = arith.select %and3A, %sub3A_46, %div3A : i32
      %jit3A_47 = arith.constant 8 : i32
      %eq3A = arith.constant 0 : i32
      %eq3A_48 = arith.cmpi eq, %jit3A_47, %eq3A : i32
      %jit3A_49 = arith.constant 1 : i32
      %select_n3A_50 = arith.select %eq3A_48, %jit3A_49, %jit3A_47 : i32
      %rem3A_51 = arith.remsi %scan3A_29, %select_n3A_50 : i32
      %ne3A_52 = arith.constant 0 : i32
      %ne3A_53 = arith.cmpi ne, %rem3A_51, %ne3A_52 : i32
      %lt3A_54 = arith.constant 0 : i32
      %lt3A_55 = arith.cmpi slt, %rem3A_51, %lt3A_54 : i32
      %lt3A_56 = arith.constant 0 : i32
      %lt3A_57 = arith.cmpi slt, %select_n3A_50, %lt3A_56 : i32
      %ne3A_58 = arith.xori %lt3A_55, %lt3A_57 : i1
      %and3A_59 = arith.andi %ne3A_58, %ne3A_53 : i1
      %add3A_60 = arith.addi %rem3A_51, %select_n3A_50 : i32
      %select_n3A_61 = arith.select %and3A_59, %add3A_60, %rem3A_51 : i32
      %mul3A_62 = arith.constant 16 : i32
      %mul3A_63 = arith.muli %select_n3A_61, %mul3A_62 : i32
      %broadcast_in_dim3A = arith.constant 0.000000e+00 : f32
      %broadcast_in_dim3A_64 = vector.broadcast %broadcast_in_dim3A : f32 to vector<16xf32>
      %swap3A = arith.index_cast %select_n3A : i32 to index
      %swap3A_65 = arith.index_cast %mul3A_63 : i32 to index
      %swap3A_66 = tpu.vector_load %arg9[%swap3A, %swap3A_65] {strides = array<i32>} : memref<128x128xf32, #tpu.memory_space<vmem>>, vector<1x16xf32>,
      %swap3A_67 = vector.shape_cast %swap3A_66 : vector<1x16xf32> to vector<16xf32>
      %swap3A_68 = vector.shape_cast %broadcast_in_dim3A_64 : vector<16xf32> to vector<1x16xf32>
      tpu.vector_store %arg9[%swap3A, %swap3A_65], %swap3A_68 {strides = array<i32>} : memref<128x128xf32, #tpu.memory_space<vmem>>, vector<1x16xf32>,
      %scan3A_69 = arith.constant 0 : i32
      scf.yield %scan3A_69 : i32
    }
    %scan3A_13 = arith.constant 1024 : i32
    %lt3A = arith.constant 10 : i32
    %lt3A_14 = arith.cmpi slt, %arg1, %lt3A : i32
    %convert_element_type3A = arith.extui %lt3A_14 : i1 to i32
    %cond3A = arith.constant 0 : i32
    %cond3A_15 = arith.cmpi ne, %convert_element_type3A, %cond3A : i32
    scf.if %cond3A_15 {
      %mul3A_29 = arith.constant 1000 : i32
      %mul3A_30 = arith.muli %arg1, %mul3A_29 : i32
      %add3A_31 = arith.constant 0 : i32
      %add3A_32 = arith.addi %mul3A_30, %add3A_31 : i32
      "tpu.region"() ({
        %run_scoped3A = tpu.sem_alloc : memref<!tpu.dma_semaphore, #tpu.memory_space<semaphore_mem>>
        %dma_start3A_47 = arith.constant 0 : i32
        %dma_start3A_48 = tpu.memref_slice %arg11[%add3A_32, %dma_start3A_47] : memref<10008x128xf32, #tpu.memory_space<vmem_shared>> -> memref<128x128xf32, #tpu.memory_space<vmem_shared>>
        %dma_start3A_49 = arith.constant 0 : i32
        %dma_start3A_50 = tpu.memref_slice %arg11[%add3A_32, %dma_start3A_49] : memref<10008x128xf32, #tpu.memory_space<vmem_shared>> -> memref<128x128xf32, #tpu.memory_space<vmem_shared>>
        tpu.enqueue_dma source(%arg9 : memref<128x128xf32, #tpu.memory_space<vmem>>) target(%dma_start3A_50 : memref<128x128xf32, #tpu.memory_space<vmem_shared>>) target_semaphore(%run_scoped3A : memref<!tpu.dma_semaphore, #tpu.memory_space<semaphore_mem>>)
        %dma_wait3A = arith.constant 0 : i32
        %dma_wait3A_51 = tpu.memref_slice %arg11[%add3A_32, %dma_wait3A] : memref<10008x128xf32, #tpu.memory_space<vmem_shared>> -> memref<128x128xf32, #tpu.memory_space<vmem_shared>>
        %dma_wait3A_52 = arith.constant 0 : i32
        %dma_wait3A_53 = tpu.memref_slice %arg11[%add3A_32, %dma_wait3A_52] : memref<10008x128xf32, #tpu.memory_space<vmem_shared>> -> memref<128x128xf32, #tpu.memory_space<vmem_shared>>
        tpu.wait_dma2 semaphore(%run_scoped3A : memref<!tpu.dma_semaphore, #tpu.memory_space<semaphore_mem>>) src(%arg9 : memref<128x128xf32, #tpu.memory_space<vmem>>) dst(%dma_wait3A_53 : memref<128x128xf32, #tpu.memory_space<vmem_shared>>)
        tpu.yield
      }) : () -> ()
      %add3A_33 = arith.constant 128 : i32
      %add3A_34 = arith.addi %mul3A_30, %add3A_33 : i32
      "tpu.region"() ({
        %run_scoped3A = tpu.sem_alloc : memref<!tpu.dma_semaphore, #tpu.memory_space<semaphore_mem>>
        %dma_start3A_47 = arith.constant 0 : i32
        %dma_start3A_48 = tpu.memref_slice %arg11[%add3A_34, %dma_start3A_47] : memref<10008x128xf32, #tpu.memory_space<vmem_shared>> -> memref<128x128xf32, #tpu.memory_space<vmem_shared>>
        %dma_start3A_49 = arith.constant 0 : i32
        %dma_start3A_50 = tpu.memref_slice %arg11[%add3A_34, %dma_start3A_49] : memref<10008x128xf32, #tpu.memory_space<vmem_shared>> -> memref<128x128xf32, #tpu.memory_space<vmem_shared>>
        tpu.enqueue_dma source(%arg9 : memref<128x128xf32, #tpu.memory_space<vmem>>) target(%dma_start3A_50 : memref<128x128xf32, #tpu.memory_space<vmem_shared>>) target_semaphore(%run_scoped3A : memref<!tpu.dma_semaphore, #tpu.memory_space<semaphore_mem>>)
        %dma_wait3A = arith.constant 0 : i32
        %dma_wait3A_51 = tpu.memref_slice %arg11[%add3A_34, %dma_wait3A] : memref<10008x128xf32, #tpu.memory_space<vmem_shared>> -> memref<128x128xf32, #tpu.memory_space<vmem_shared>>
        %dma_wait3A_52 = arith.constant 0 : i32
        %dma_wait3A_53 = tpu.memref_slice %arg11[%add3A_34, %dma_wait3A_52] : memref<10008x128xf32, #tpu.memory_space<vmem_shared>> -> memref<128x128xf32, #tpu.memory_space<vmem_shared>>
        tpu.wait_dma2 semaphore(%run_scoped3A : memref<!tpu.dma_semaphore, #tpu.memory_space<semaphore_mem>>) src(%arg9 : memref<128x128xf32, #tpu.memory_space<vmem>>) dst(%dma_wait3A_53 : memref<128x128xf32, #tpu.memory_space<vmem_shared>>)
        tpu.yield
      }) : () -> ()
      %add3A_35 = arith.constant 256 : i32
      %add3A_36 = arith.addi %mul3A_30, %add3A_35 : i32
      "tpu.region"() ({
        %run_scoped3A = tpu.sem_alloc : memref<!tpu.dma_semaphore, #tpu.memory_space<semaphore_mem>>
        %dma_start3A_47 = arith.constant 0 : i32
        %dma_start3A_48 = tpu.memref_slice %arg11[%add3A_36, %dma_start3A_47] : memref<10008x128xf32, #tpu.memory_space<vmem_shared>> -> memref<128x128xf32, #tpu.memory_space<vmem_shared>>
        %dma_start3A_49 = arith.constant 0 : i32
        %dma_start3A_50 = tpu.memref_slice %arg11[%add3A_36, %dma_start3A_49] : memref<10008x128xf32, #tpu.memory_space<vmem_shared>> -> memref<128x128xf32, #tpu.memory_space<vmem_shared>>
        tpu.enqueue_dma source(%arg9 : memref<128x128xf32, #tpu.memory_space<vmem>>) target(%dma_start3A_50 : memref<128x128xf32, #tpu.memory_space<vmem_shared>>) target_semaphore(%run_scoped3A : memref<!tpu.dma_semaphore, #tpu.memory_space<semaphore_mem>>)
        %dma_wait3A = arith.constant 0 : i32
        %dma_wait3A_51 = tpu.memref_slice %arg11[%add3A_36, %dma_wait3A] : memref<10008x128xf32, #tpu.memory_space<vmem_shared>> -> memref<128x128xf32, #tpu.memory_space<vmem_shared>>
        %dma_wait3A_52 = arith.constant 0 : i32
        %dma_wait3A_53 = tpu.memref_slice %arg11[%add3A_36, %dma_wait3A_52] : memref<10008x128xf32, #tpu.memory_space<vmem_shared>> -> memref<128x128xf32, #tpu.memory_space<vmem_shared>>
        tpu.wait_dma2 semaphore(%run_scoped3A : memref<!tpu.dma_semaphore, #tpu.memory_space<semaphore_mem>>) src(%arg9 : memref<128x128xf32, #tpu.memory_space<vmem>>) dst(%dma_wait3A_53 : memref<128x128xf32, #tpu.memory_space<vmem_shared>>)
        tpu.yield
      }) : () -> ()
      %add3A_37 = arith.constant 384 : i32
      %add3A_38 = arith.addi %mul3A_30, %add3A_37 : i32
      "tpu.region"() ({
        %run_scoped3A = tpu.sem_alloc : memref<!tpu.dma_semaphore, #tpu.memory_space<semaphore_mem>>
        %dma_start3A_47 = arith.constant 0 : i32
        %dma_start3A_48 = tpu.memref_slice %arg11[%add3A_38, %dma_start3A_47] : memref<10008x128xf32, #tpu.memory_space<vmem_shared>> -> memref<128x128xf32, #tpu.memory_space<vmem_shared>>
        %dma_start3A_49 = arith.constant 0 : i32
        %dma_start3A_50 = tpu.memref_slice %arg11[%add3A_38, %dma_start3A_49] : memref<10008x128xf32, #tpu.memory_space<vmem_shared>> -> memref<128x128xf32, #tpu.memory_space<vmem_shared>>
        tpu.enqueue_dma source(%arg9 : memref<128x128xf32, #tpu.memory_space<vmem>>) target(%dma_start3A_50 : memref<128x128xf32, #tpu.memory_space<vmem_shared>>) target_semaphore(%run_scoped3A : memref<!tpu.dma_semaphore, #tpu.memory_space<semaphore_mem>>)
        %dma_wait3A = arith.constant 0 : i32
        %dma_wait3A_51 = tpu.memref_slice %arg11[%add3A_38, %dma_wait3A] : memref<10008x128xf32, #tpu.memory_space<vmem_shared>> -> memref<128x128xf32, #tpu.memory_space<vmem_shared>>
        %dma_wait3A_52 = arith.constant 0 : i32
        %dma_wait3A_53 = tpu.memref_slice %arg11[%add3A_38, %dma_wait3A_52] : memref<10008x128xf32, #tpu.memory_space<vmem_shared>> -> memref<128x128xf32, #tpu.memory_space<vmem_shared>>
        tpu.wait_dma2 semaphore(%run_scoped3A : memref<!tpu.dma_semaphore, #tpu.memory_space<semaphore_mem>>) src(%arg9 : memref<128x128xf32, #tpu.memory_space<vmem>>) dst(%dma_wait3A_53 : memref<128x128xf32, #tpu.memory_space<vmem_shared>>)
        tpu.yield
      }) : () -> ()
      %add3A_39 = arith.constant 512 : i32
      %add3A_40 = arith.addi %mul3A_30, %add3A_39 : i32
      "tpu.region"() ({
        %run_scoped3A = tpu.sem_alloc : memref<!tpu.dma_semaphore, #tpu.memory_space<semaphore_mem>>
        %dma_start3A_47 = arith.constant 0 : i32
        %dma_start3A_48 = tpu.memref_slice %arg11[%add3A_40, %dma_start3A_47] : memref<10008x128xf32, #tpu.memory_space<vmem_shared>> -> memref<128x128xf32, #tpu.memory_space<vmem_shared>>
        %dma_start3A_49 = arith.constant 0 : i32
        %dma_start3A_50 = tpu.memref_slice %arg11[%add3A_40, %dma_start3A_49] : memref<10008x128xf32, #tpu.memory_space<vmem_shared>> -> memref<128x128xf32, #tpu.memory_space<vmem_shared>>
        tpu.enqueue_dma source(%arg9 : memref<128x128xf32, #tpu.memory_space<vmem>>) target(%dma_start3A_50 : memref<128x128xf32, #tpu.memory_space<vmem_shared>>) target_semaphore(%run_scoped3A : memref<!tpu.dma_semaphore, #tpu.memory_space<semaphore_mem>>)
        %dma_wait3A = arith.constant 0 : i32
        %dma_wait3A_51 = tpu.memref_slice %arg11[%add3A_40, %dma_wait3A] : memref<10008x128xf32, #tpu.memory_space<vmem_shared>> -> memref<128x128xf32, #tpu.memory_space<vmem_shared>>
        %dma_wait3A_52 = arith.constant 0 : i32
        %dma_wait3A_53 = tpu.memref_slice %arg11[%add3A_40, %dma_wait3A_52] : memref<10008x128xf32, #tpu.memory_space<vmem_shared>> -> memref<128x128xf32, #tpu.memory_space<vmem_shared>>
        tpu.wait_dma2 semaphore(%run_scoped3A : memref<!tpu.dma_semaphore, #tpu.memory_space<semaphore_mem>>) src(%arg9 : memref<128x128xf32, #tpu.memory_space<vmem>>) dst(%dma_wait3A_53 : memref<128x128xf32, #tpu.memory_space<vmem_shared>>)
        tpu.yield
      }) : () -> ()
      %add3A_41 = arith.constant 640 : i32
      %add3A_42 = arith.addi %mul3A_30, %add3A_41 : i32
      "tpu.region"() ({
        %run_scoped3A = tpu.sem_alloc : memref<!tpu.dma_semaphore, #tpu.memory_space<semaphore_mem>>
        %dma_start3A_47 = arith.constant 0 : i32
        %dma_start3A_48 = tpu.memref_slice %arg11[%add3A_42, %dma_start3A_47] : memref<10008x128xf32, #tpu.memory_space<vmem_shared>> -> memref<128x128xf32, #tpu.memory_space<vmem_shared>>
        %dma_start3A_49 = arith.constant 0 : i32
        %dma_start3A_50 = tpu.memref_slice %arg11[%add3A_42, %dma_start3A_49] : memref<10008x128xf32, #tpu.memory_space<vmem_shared>> -> memref<128x128xf32, #tpu.memory_space<vmem_shared>>
        tpu.enqueue_dma source(%arg9 : memref<128x128xf32, #tpu.memory_space<vmem>>) target(%dma_start3A_50 : memref<128x128xf32, #tpu.memory_space<vmem_shared>>) target_semaphore(%run_scoped3A : memref<!tpu.dma_semaphore, #tpu.memory_space<semaphore_mem>>)
        %dma_wait3A = arith.constant 0 : i32
        %dma_wait3A_51 = tpu.memref_slice %arg11[%add3A_42, %dma_wait3A] : memref<10008x128xf32, #tpu.memory_space<vmem_shared>> -> memref<128x128xf32, #tpu.memory_space<vmem_shared>>
        %dma_wait3A_52 = arith.constant 0 : i32
        %dma_wait3A_53 = tpu.memref_slice %arg11[%add3A_42, %dma_wait3A_52] : memref<10008x128xf32, #tpu.memory_space<vmem_shared>> -> memref<128x128xf32, #tpu.memory_space<vmem_shared>>
        tpu.wait_dma2 semaphore(%run_scoped3A : memref<!tpu.dma_semaphore, #tpu.memory_space<semaphore_mem>>) src(%arg9 : memref<128x128xf32, #tpu.memory_space<vmem>>) dst(%dma_wait3A_53 : memref<128x128xf32, #tpu.memory_space<vmem_shared>>)
        tpu.yield
      }) : () -> ()
      %add3A_43 = arith.constant 768 : i32
      %add3A_44 = arith.addi %mul3A_30, %add3A_43 : i32
      "tpu.region"() ({
        %run_scoped3A = tpu.sem_alloc : memref<!tpu.dma_semaphore, #tpu.memory_space<semaphore_mem>>
        %dma_start3A_47 = arith.constant 0 : i32
        %dma_start3A_48 = tpu.memref_slice %arg11[%add3A_44, %dma_start3A_47] : memref<10008x128xf32, #tpu.memory_space<vmem_shared>> -> memref<128x128xf32, #tpu.memory_space<vmem_shared>>
        %dma_start3A_49 = arith.constant 0 : i32
        %dma_start3A_50 = tpu.memref_slice %arg11[%add3A_44, %dma_start3A_49] : memref<10008x128xf32, #tpu.memory_space<vmem_shared>> -> memref<128x128xf32, #tpu.memory_space<vmem_shared>>
        tpu.enqueue_dma source(%arg9 : memref<128x128xf32, #tpu.memory_space<vmem>>) target(%dma_start3A_50 : memref<128x128xf32, #tpu.memory_space<vmem_shared>>) target_semaphore(%run_scoped3A : memref<!tpu.dma_semaphore, #tpu.memory_space<semaphore_mem>>)
        %dma_wait3A = arith.constant 0 : i32
        %dma_wait3A_51 = tpu.memref_slice %arg11[%add3A_44, %dma_wait3A] : memref<10008x128xf32, #tpu.memory_space<vmem_shared>> -> memref<128x128xf32, #tpu.memory_space<vmem_shared>>
        %dma_wait3A_52 = arith.constant 0 : i32
        %dma_wait3A_53 = tpu.memref_slice %arg11[%add3A_44, %dma_wait3A_52] : memref<10008x128xf32, #tpu.memory_space<vmem_shared>> -> memref<128x128xf32, #tpu.memory_space<vmem_shared>>
        tpu.wait_dma2 semaphore(%run_scoped3A : memref<!tpu.dma_semaphore, #tpu.memory_space<semaphore_mem>>) src(%arg9 : memref<128x128xf32, #tpu.memory_space<vmem>>) dst(%dma_wait3A_53 : memref<128x128xf32, #tpu.memory_space<vmem_shared>>)
        tpu.yield
      }) : () -> ()
      %add3A_45 = arith.constant 896 : i32
      %add3A_46 = arith.addi %mul3A_30, %add3A_45 : i32
      "tpu.region"() ({
        %run_scoped3A = tpu.sem_alloc : memref<!tpu.dma_semaphore, #tpu.memory_space<semaphore_mem>>
        %dma_start3A_47 = arith.constant 0 : i32
        %dma_start3A_48 = arith.constant 0 : i32
        %dma_start3A_49 = tpu.memref_slice %arg9[%dma_start3A_47, %dma_start3A_48] : memref<128x128xf32, #tpu.memory_space<vmem>> -> memref<104x128xf32, #tpu.memory_space<vmem>>
        %dma_start3A_50 = arith.constant 0 : i32
        %dma_start3A_51 = tpu.memref_slice %arg11[%add3A_46, %dma_start3A_50] : memref<10008x128xf32, #tpu.memory_space<vmem_shared>> -> memref<104x128xf32, #tpu.memory_space<vmem_shared>>
        %dma_start3A_52 = arith.constant 0 : i32
        %dma_start3A_53 = tpu.memref_slice %arg11[%add3A_46, %dma_start3A_52] : memref<10008x128xf32, #tpu.memory_space<vmem_shared>> -> memref<104x128xf32, #tpu.memory_space<vmem_shared>>
        %dma_start3A_54 = arith.constant 0 : i32
        %dma_start3A_55 = arith.constant 0 : i32
        %dma_start3A_56 = tpu.memref_slice %arg9[%dma_start3A_54, %dma_start3A_55] : memref<128x128xf32, #tpu.memory_space<vmem>> -> memref<104x128xf32, #tpu.memory_space<vmem>>
        tpu.enqueue_dma source(%dma_start3A_56 : memref<104x128xf32, #tpu.memory_space<vmem>>) target(%dma_start3A_53 : memref<104x128xf32, #tpu.memory_space<vmem_shared>>) target_semaphore(%run_scoped3A : memref<!tpu.dma_semaphore, #tpu.memory_space<semaphore_mem>>)
        %dma_wait3A = arith.constant 0 : i32
        %dma_wait3A_57 = arith.constant 0 : i32
        %dma_wait3A_58 = tpu.memref_slice %arg9[%dma_wait3A, %dma_wait3A_57] : memref<128x128xf32, #tpu.memory_space<vmem>> -> memref<104x128xf32, #tpu.memory_space<vmem>>
        %dma_wait3A_59 = arith.constant 0 : i32
        %dma_wait3A_60 = tpu.memref_slice %arg11[%add3A_46, %dma_wait3A_59] : memref<10008x128xf32, #tpu.memory_space<vmem_shared>> -> memref<104x128xf32, #tpu.memory_space<vmem_shared>>
        %dma_wait3A_61 = arith.constant 0 : i32
        %dma_wait3A_62 = tpu.memref_slice %arg11[%add3A_46, %dma_wait3A_61] : memref<10008x128xf32, #tpu.memory_space<vmem_shared>> -> memref<104x128xf32, #tpu.memory_space<vmem_shared>>
        %dma_wait3A_63 = arith.constant 0 : i32
        %dma_wait3A_64 = arith.constant 0 : i32
        %dma_wait3A_65 = tpu.memref_slice %arg9[%dma_wait3A_63, %dma_wait3A_64] : memref<128x128xf32, #tpu.memory_space<vmem>> -> memref<104x128xf32, #tpu.memory_space<vmem>>
        tpu.wait_dma2 semaphore(%run_scoped3A : memref<!tpu.dma_semaphore, #tpu.memory_space<semaphore_mem>>) src(%dma_wait3A_65 : memref<104x128xf32, #tpu.memory_space<vmem>>) dst(%dma_wait3A_62 : memref<104x128xf32, #tpu.memory_space<vmem_shared>>)
        tpu.yield
      }) : () -> ()
    } else {
    }
    %barrier3A = arith.constant 0 : index
    tpu.barrier barrier_id(%barrier3A)
    %scan3A_16 = arith.constant 0 : i32
    %scan3A_17 = arith.constant 0 : i32
    %scan3A_18 = arith.constant 5 : i32
    %scan3A_19 = arith.addi %scan3A_17, %scan3A_18 : i32
    %scan3A_20 = arith.constant 1 : i32
    %scan3A_21 = scf.for %scan3A_29 = %scan3A_17 to %scan3A_19 step %scan3A_20 iter_args(%scan3A_30 = %scan3A_16) -> (i32)  : i32 {
      %mul3A_31 = arith.constant 2 : i32
      %mul3A_32 = arith.muli %mul3A_31, %scan3A_29 : i32
      %mul3A_33 = arith.constant 4 : i32
      %mul3A_34 = arith.muli %mul3A_32, %mul3A_33 : i32
      %add3A_35 = arith.addi %add3A, %mul3A_34 : i32
      %dma_wait3A = arith.constant 0 : i32
      %dma_wait3A_36 = arith.constant 0 : i32
      %dma_wait3A_37 = tpu.memref_slice %arg2[%add3A_35, %dma_wait3A, %dma_wait3A_36] : memref<1280x3x128xi32, #tpu.memory_space<hbm>> -> memref<4x3x128xi32, #tpu.memory_space<hbm>>
      %dma_wait3A_38 = arith.constant 0 : i32
      %dma_wait3A_39 = arith.constant 0 : i32
      %dma_wait3A_40 = tpu.memref_slice %arg2[%add3A_35, %dma_wait3A_38, %dma_wait3A_39] : memref<1280x3x128xi32, #tpu.memory_space<hbm>> -> memref<4x3x128xi32, #tpu.memory_space<hbm>>
      tpu.wait_dma2 semaphore(%arg12 : memref<!tpu.dma_semaphore, #tpu.memory_space<semaphore_mem>>) src(%dma_wait3A_40 : memref<4x3x128xi32, #tpu.memory_space<hbm>>) dst(%arg5 : memref<4x3x128xi32, #tpu.memory_space<vmem>>)
      %lt3A_41 = arith.constant 9 : i32
      %lt3A_42 = arith.cmpi slt, %mul3A_32, %lt3A_41 : i32
      %convert_element_type3A_43 = arith.extui %lt3A_42 : i1 to i32
      %cond3A_44 = arith.constant 0 : i32
      %cond3A_45 = arith.cmpi ne, %convert_element_type3A_43, %cond3A_44 : i32
      scf.if %cond3A_45 {
        %add3A_206 = arith.constant 1 : i32
        %add3A_207 = arith.addi %mul3A_32, %add3A_206 : i32
        %mul3A_208 = arith.constant 4 : i32
        %mul3A_209 = arith.muli %add3A_207, %mul3A_208 : i32
        %add3A_210 = arith.addi %add3A, %mul3A_209 : i32
        %dma_start3A_211 = arith.constant 0 : i32
        %dma_start3A_212 = arith.constant 0 : i32
        %dma_start3A_213 = tpu.memref_slice %arg2[%add3A_210, %dma_start3A_211, %dma_start3A_212] : memref<1280x3x128xi32, #tpu.memory_space<hbm>> -> memref<4x3x128xi32, #tpu.memory_space<hbm>>
        %dma_start3A_214 = arith.constant 0 : i32
        %dma_start3A_215 = arith.constant 0 : i32
        %dma_start3A_216 = tpu.memref_slice %arg2[%add3A_210, %dma_start3A_214, %dma_start3A_215] : memref<1280x3x128xi32, #tpu.memory_space<hbm>> -> memref<4x3x128xi32, #tpu.memory_space<hbm>>
        tpu.enqueue_dma source(%dma_start3A_216 : memref<4x3x128xi32, #tpu.memory_space<hbm>>) target(%arg6 : memref<4x3x128xi32, #tpu.memory_space<vmem>>) target_semaphore(%arg13 : memref<!tpu.dma_semaphore, #tpu.memory_space<semaphore_mem>>)
      } else {
      }
      %scan3A_46 = arith.constant 0 : i32
      %scan3A_47 = arith.constant 0 : i32
      %scan3A_48 = arith.constant 4 : i32
      %scan3A_49 = arith.addi %scan3A_47, %scan3A_48 : i32
      %scan3A_50 = arith.constant 1 : i32
      %scan3A_51 = scf.for %scan3A_206 = %scan3A_47 to %scan3A_49 step %scan3A_50 iter_args(%scan3A_207 = %scan3A_46) -> (i32)  : i32 {
        %get3A = arith.constant 0 : i32
        %get3A_208 = arith.index_cast %scan3A_206 : i32 to index
        %get3A_209 = arith.index_cast %get3A : i32 to index
        %get3A_210 = arith.constant 0 : index
        %get3A_211 = tpu.vector_load %arg5[%get3A_208, %get3A_209, %get3A_210] {strides = array<i32>} : memref<4x3x128xi32, #tpu.memory_space<vmem>>, vector<1x1x16xi32>,
        %get3A_212 = vector.shape_cast %get3A_211 : vector<1x1x16xi32> to vector<16xi32>
        %mul3A_213 = arith.constant 27 : i32
        %mul3A_214 = vector.broadcast %mul3A_213 : i32 to vector<16xi32>
        %mul3A_215 = arith.muli %get3A_212, %mul3A_214 : vector<16xi32>
        %get3A_216 = arith.constant 1 : i32
        %get3A_217 = arith.index_cast %scan3A_206 : i32 to index
        %get3A_218 = arith.index_cast %get3A_216 : i32 to index
        %get3A_219 = arith.constant 0 : index
        %get3A_220 = tpu.vector_load %arg5[%get3A_217, %get3A_218, %get3A_219] {strides = array<i32>} : memref<4x3x128xi32, #tpu.memory_space<vmem>>, vector<1x1x16xi32>,
        %get3A_221 = vector.shape_cast %get3A_220 : vector<1x1x16xi32> to vector<16xi32>
        %add3A_222 = arith.addi %mul3A_215, %get3A_221 : vector<16xi32>
        %swap3A = arith.index_cast %scan3A_206 : i32 to index
        %swap3A_223 = arith.constant 0 : index
        %swap3A_224 = tpu.vector_load %arg7[%swap3A, %swap3A_223] {strides = array<i32>} : memref<4x128xi32, #tpu.memory_space<vmem>>, vector<1x16xi32>,
        %swap3A_225 = vector.shape_cast %swap3A_224 : vector<1x16xi32> to vector<16xi32>
        %swap3A_226 = vector.shape_cast %add3A_222 : vector<16xi32> to vector<1x16xi32>
        tpu.vector_store %arg7[%swap3A, %swap3A_223], %swap3A_226 {strides = array<i32>} : memref<4x128xi32, #tpu.memory_space<vmem>>, vector<1x16xi32>,
        %get3A_227 = arith.constant 0 : i32
        %get3A_228 = arith.index_cast %scan3A_206 : i32 to index
        %get3A_229 = arith.index_cast %get3A_227 : i32 to index
        %get3A_230 = arith.constant 16 : index
        %get3A_231 = tpu.vector_load %arg5[%get3A_228, %get3A_229, %get3A_230] {strides = array<i32>} : memref<4x3x128xi32, #tpu.memory_space<vmem>>, vector<1x1x16xi32>,
        %get3A_232 = vector.shape_cast %get3A_231 : vector<1x1x16xi32> to vector<16xi32>
        %mul3A_233 = arith.constant 27 : i32
        %mul3A_234 = vector.broadcast %mul3A_233 : i32 to vector<16xi32>
        %mul3A_235 = arith.muli %get3A_232, %mul3A_234 : vector<16xi32>
        %get3A_236 = arith.constant 1 : i32
        %get3A_237 = arith.index_cast %scan3A_206 : i32 to index
        %get3A_238 = arith.index_cast %get3A_236 : i32 to index
        %get3A_239 = arith.constant 16 : index
        %get3A_240 = tpu.vector_load %arg5[%get3A_237, %get3A_238, %get3A_239] {strides = array<i32>} : memref<4x3x128xi32, #tpu.memory_space<vmem>>, vector<1x1x16xi32>,
        %get3A_241 = vector.shape_cast %get3A_240 : vector<1x1x16xi32> to vector<16xi32>
        %add3A_242 = arith.addi %mul3A_235, %get3A_241 : vector<16xi32>
        %swap3A_243 = arith.index_cast %scan3A_206 : i32 to index
        %swap3A_244 = arith.constant 16 : index
        %swap3A_245 = tpu.vector_load %arg7[%swap3A_243, %swap3A_244] {strides = array<i32>} : memref<4x128xi32, #tpu.memory_space<vmem>>, vector<1x16xi32>,
        %swap3A_246 = vector.shape_cast %swap3A_245 : vector<1x16xi32> to vector<16xi32>
        %swap3A_247 = vector.shape_cast %add3A_242 : vector<16xi32> to vector<1x16xi32>
        tpu.vector_store %arg7[%swap3A_243, %swap3A_244], %swap3A_247 {strides = array<i32>} : memref<4x128xi32, #tpu.memory_space<vmem>>, vector<1x16xi32>,
        %get3A_248 = arith.constant 0 : i32
        %get3A_249 = arith.index_cast %scan3A_206 : i32 to index
        %get3A_250 = arith.index_cast %get3A_248 : i32 to index
        %get3A_251 = arith.constant 32 : index
        %get3A_252 = tpu.vector_load %arg5[%get3A_249, %get3A_250, %get3A_251] {strides = array<i32>} : memref<4x3x128xi32, #tpu.memory_space<vmem>>, vector<1x1x16xi32>,
        %get3A_253 = vector.shape_cast %get3A_252 : vector<1x1x16xi32> to vector<16xi32>
        %mul3A_254 = arith.constant 27 : i32
        %mul3A_255 = vector.broadcast %mul3A_254 : i32 to vector<16xi32>
        %mul3A_256 = arith.muli %get3A_253, %mul3A_255 : vector<16xi32>
        %get3A_257 = arith.constant 1 : i32
        %get3A_258 = arith.index_cast %scan3A_206 : i32 to index
        %get3A_259 = arith.index_cast %get3A_257 : i32 to index
        %get3A_260 = arith.constant 32 : index
        %get3A_261 = tpu.vector_load %arg5[%get3A_258, %get3A_259, %get3A_260] {strides = array<i32>} : memref<4x3x128xi32, #tpu.memory_space<vmem>>, vector<1x1x16xi32>,
        %get3A_262 = vector.shape_cast %get3A_261 : vector<1x1x16xi32> to vector<16xi32>
        %add3A_263 = arith.addi %mul3A_256, %get3A_262 : vector<16xi32>
        %swap3A_264 = arith.index_cast %scan3A_206 : i32 to index
        %swap3A_265 = arith.constant 32 : index
        %swap3A_266 = tpu.vector_load %arg7[%swap3A_264, %swap3A_265] {strides = array<i32>} : memref<4x128xi32, #tpu.memory_space<vmem>>, vector<1x16xi32>,
        %swap3A_267 = vector.shape_cast %swap3A_266 : vector<1x16xi32> to vector<16xi32>
        %swap3A_268 = vector.shape_cast %add3A_263 : vector<16xi32> to vector<1x16xi32>
        tpu.vector_store %arg7[%swap3A_264, %swap3A_265], %swap3A_268 {strides = array<i32>} : memref<4x128xi32, #tpu.memory_space<vmem>>, vector<1x16xi32>,
        %get3A_269 = arith.constant 0 : i32
        %get3A_270 = arith.index_cast %scan3A_206 : i32 to index
        %get3A_271 = arith.index_cast %get3A_269 : i32 to index
        %get3A_272 = arith.constant 48 : index
        %get3A_273 = tpu.vector_load %arg5[%get3A_270, %get3A_271, %get3A_272] {strides = array<i32>} : memref<4x3x128xi32, #tpu.memory_space<vmem>>, vector<1x1x16xi32>,
        %get3A_274 = vector.shape_cast %get3A_273 : vector<1x1x16xi32> to vector<16xi32>
        %mul3A_275 = arith.constant 27 : i32
        %mul3A_276 = vector.broadcast %mul3A_275 : i32 to vector<16xi32>
        %mul3A_277 = arith.muli %get3A_274, %mul3A_276 : vector<16xi32>
        %get3A_278 = arith.constant 1 : i32
        %get3A_279 = arith.index_cast %scan3A_206 : i32 to index
        %get3A_280 = arith.index_cast %get3A_278 : i32 to index
        %get3A_281 = arith.constant 48 : index
        %get3A_282 = tpu.vector_load %arg5[%get3A_279, %get3A_280, %get3A_281] {strides = array<i32>} : memref<4x3x128xi32, #tpu.memory_space<vmem>>, vector<1x1x16xi32>,
        %get3A_283 = vector.shape_cast %get3A_282 : vector<1x1x16xi32> to vector<16xi32>
        %add3A_284 = arith.addi %mul3A_277, %get3A_283 : vector<16xi32>
        %swap3A_285 = arith.index_cast %scan3A_206 : i32 to index
        %swap3A_286 = arith.constant 48 : index
        %swap3A_287 = tpu.vector_load %arg7[%swap3A_285, %swap3A_286] {strides = array<i32>} : memref<4x128xi32, #tpu.memory_space<vmem>>, vector<1x16xi32>,
        %swap3A_288 = vector.shape_cast %swap3A_287 : vector<1x16xi32> to vector<16xi32>
        %swap3A_289 = vector.shape_cast %add3A_284 : vector<16xi32> to vector<1x16xi32>
        tpu.vector_store %arg7[%swap3A_285, %swap3A_286], %swap3A_289 {strides = array<i32>} : memref<4x128xi32, #tpu.memory_space<vmem>>, vector<1x16xi32>,
        %get3A_290 = arith.constant 0 : i32
        %get3A_291 = arith.index_cast %scan3A_206 : i32 to index
        %get3A_292 = arith.index_cast %get3A_290 : i32 to index
        %get3A_293 = arith.constant 64 : index
        %get3A_294 = tpu.vector_load %arg5[%get3A_291, %get3A_292, %get3A_293] {strides = array<i32>} : memref<4x3x128xi32, #tpu.memory_space<vmem>>, vector<1x1x16xi32>,
        %get3A_295 = vector.shape_cast %get3A_294 : vector<1x1x16xi32> to vector<16xi32>
        %mul3A_296 = arith.constant 27 : i32
        %mul3A_297 = vector.broadcast %mul3A_296 : i32 to vector<16xi32>
        %mul3A_298 = arith.muli %get3A_295, %mul3A_297 : vector<16xi32>
        %get3A_299 = arith.constant 1 : i32
        %get3A_300 = arith.index_cast %scan3A_206 : i32 to index
        %get3A_301 = arith.index_cast %get3A_299 : i32 to index
        %get3A_302 = arith.constant 64 : index
        %get3A_303 = tpu.vector_load %arg5[%get3A_300, %get3A_301, %get3A_302] {strides = array<i32>} : memref<4x3x128xi32, #tpu.memory_space<vmem>>, vector<1x1x16xi32>,
        %get3A_304 = vector.shape_cast %get3A_303 : vector<1x1x16xi32> to vector<16xi32>
        %add3A_305 = arith.addi %mul3A_298, %get3A_304 : vector<16xi32>
        %swap3A_306 = arith.index_cast %scan3A_206 : i32 to index
        %swap3A_307 = arith.constant 64 : index
        %swap3A_308 = tpu.vector_load %arg7[%swap3A_306, %swap3A_307] {strides = array<i32>} : memref<4x128xi32, #tpu.memory_space<vmem>>, vector<1x16xi32>,
        %swap3A_309 = vector.shape_cast %swap3A_308 : vector<1x16xi32> to vector<16xi32>
        %swap3A_310 = vector.shape_cast %add3A_305 : vector<16xi32> to vector<1x16xi32>
        tpu.vector_store %arg7[%swap3A_306, %swap3A_307], %swap3A_310 {strides = array<i32>} : memref<4x128xi32, #tpu.memory_space<vmem>>, vector<1x16xi32>,
        %get3A_311 = arith.constant 0 : i32
        %get3A_312 = arith.index_cast %scan3A_206 : i32 to index
        %get3A_313 = arith.index_cast %get3A_311 : i32 to index
        %get3A_314 = arith.constant 80 : index
        %get3A_315 = tpu.vector_load %arg5[%get3A_312, %get3A_313, %get3A_314] {strides = array<i32>} : memref<4x3x128xi32, #tpu.memory_space<vmem>>, vector<1x1x16xi32>,
        %get3A_316 = vector.shape_cast %get3A_315 : vector<1x1x16xi32> to vector<16xi32>
        %mul3A_317 = arith.constant 27 : i32
        %mul3A_318 = vector.broadcast %mul3A_317 : i32 to vector<16xi32>
        %mul3A_319 = arith.muli %get3A_316, %mul3A_318 : vector<16xi32>
        %get3A_320 = arith.constant 1 : i32
        %get3A_321 = arith.index_cast %scan3A_206 : i32 to index
        %get3A_322 = arith.index_cast %get3A_320 : i32 to index
        %get3A_323 = arith.constant 80 : index
        %get3A_324 = tpu.vector_load %arg5[%get3A_321, %get3A_322, %get3A_323] {strides = array<i32>} : memref<4x3x128xi32, #tpu.memory_space<vmem>>, vector<1x1x16xi32>,
        %get3A_325 = vector.shape_cast %get3A_324 : vector<1x1x16xi32> to vector<16xi32>
        %add3A_326 = arith.addi %mul3A_319, %get3A_325 : vector<16xi32>
        %swap3A_327 = arith.index_cast %scan3A_206 : i32 to index
        %swap3A_328 = arith.constant 80 : index
        %swap3A_329 = tpu.vector_load %arg7[%swap3A_327, %swap3A_328] {strides = array<i32>} : memref<4x128xi32, #tpu.memory_space<vmem>>, vector<1x16xi32>,
        %swap3A_330 = vector.shape_cast %swap3A_329 : vector<1x16xi32> to vector<16xi32>
        %swap3A_331 = vector.shape_cast %add3A_326 : vector<16xi32> to vector<1x16xi32>
        tpu.vector_store %arg7[%swap3A_327, %swap3A_328], %swap3A_331 {strides = array<i32>} : memref<4x128xi32, #tpu.memory_space<vmem>>, vector<1x16xi32>,
        %get3A_332 = arith.constant 0 : i32
        %get3A_333 = arith.index_cast %scan3A_206 : i32 to index
        %get3A_334 = arith.index_cast %get3A_332 : i32 to index
        %get3A_335 = arith.constant 96 : index
        %get3A_336 = tpu.vector_load %arg5[%get3A_333, %get3A_334, %get3A_335] {strides = array<i32>} : memref<4x3x128xi32, #tpu.memory_space<vmem>>, vector<1x1x16xi32>,
        %get3A_337 = vector.shape_cast %get3A_336 : vector<1x1x16xi32> to vector<16xi32>
        %mul3A_338 = arith.constant 27 : i32
        %mul3A_339 = vector.broadcast %mul3A_338 : i32 to vector<16xi32>
        %mul3A_340 = arith.muli %get3A_337, %mul3A_339 : vector<16xi32>
        %get3A_341 = arith.constant 1 : i32
        %get3A_342 = arith.index_cast %scan3A_206 : i32 to index
        %get3A_343 = arith.index_cast %get3A_341 : i32 to index
        %get3A_344 = arith.constant 96 : index
        %get3A_345 = tpu.vector_load %arg5[%get3A_342, %get3A_343, %get3A_344] {strides = array<i32>} : memref<4x3x128xi32, #tpu.memory_space<vmem>>, vector<1x1x16xi32>,
        %get3A_346 = vector.shape_cast %get3A_345 : vector<1x1x16xi32> to vector<16xi32>
        %add3A_347 = arith.addi %mul3A_340, %get3A_346 : vector<16xi32>
        %swap3A_348 = arith.index_cast %scan3A_206 : i32 to index
        %swap3A_349 = arith.constant 96 : index
        %swap3A_350 = tpu.vector_load %arg7[%swap3A_348, %swap3A_349] {strides = array<i32>} : memref<4x128xi32, #tpu.memory_space<vmem>>, vector<1x16xi32>,
        %swap3A_351 = vector.shape_cast %swap3A_350 : vector<1x16xi32> to vector<16xi32>
        %swap3A_352 = vector.shape_cast %add3A_347 : vector<16xi32> to vector<1x16xi32>
        tpu.vector_store %arg7[%swap3A_348, %swap3A_349], %swap3A_352 {strides = array<i32>} : memref<4x128xi32, #tpu.memory_space<vmem>>, vector<1x16xi32>,
        %get3A_353 = arith.constant 0 : i32
        %get3A_354 = arith.index_cast %scan3A_206 : i32 to index
        %get3A_355 = arith.index_cast %get3A_353 : i32 to index
        %get3A_356 = arith.constant 112 : index
        %get3A_357 = tpu.vector_load %arg5[%get3A_354, %get3A_355, %get3A_356] {strides = array<i32>} : memref<4x3x128xi32, #tpu.memory_space<vmem>>, vector<1x1x16xi32>,
        %get3A_358 = vector.shape_cast %get3A_357 : vector<1x1x16xi32> to vector<16xi32>
        %mul3A_359 = arith.constant 27 : i32
        %mul3A_360 = vector.broadcast %mul3A_359 : i32 to vector<16xi32>
        %mul3A_361 = arith.muli %get3A_358, %mul3A_360 : vector<16xi32>
        %get3A_362 = arith.constant 1 : i32
        %get3A_363 = arith.index_cast %scan3A_206 : i32 to index
        %get3A_364 = arith.index_cast %get3A_362 : i32 to index
        %get3A_365 = arith.constant 112 : index
        %get3A_366 = tpu.vector_load %arg5[%get3A_363, %get3A_364, %get3A_365] {strides = array<i32>} : memref<4x3x128xi32, #tpu.memory_space<vmem>>, vector<1x1x16xi32>,
        %get3A_367 = vector.shape_cast %get3A_366 : vector<1x1x16xi32> to vector<16xi32>
        %add3A_368 = arith.addi %mul3A_361, %get3A_367 : vector<16xi32>
        %swap3A_369 = arith.index_cast %scan3A_206 : i32 to index
        %swap3A_370 = arith.constant 112 : index
        %swap3A_371 = tpu.vector_load %arg7[%swap3A_369, %swap3A_370] {strides = array<i32>} : memref<4x128xi32, #tpu.memory_space<vmem>>, vector<1x16xi32>,
        %swap3A_372 = vector.shape_cast %swap3A_371 : vector<1x16xi32> to vector<16xi32>
        %swap3A_373 = vector.shape_cast %add3A_368 : vector<16xi32> to vector<1x16xi32>
        tpu.vector_store %arg7[%swap3A_369, %swap3A_370], %swap3A_373 {strides = array<i32>} : memref<4x128xi32, #tpu.memory_space<vmem>>, vector<1x16xi32>,
        %scan3A_374 = arith.constant 0 : i32
        scf.yield %scan3A_374 : i32
      }
      %scan3A_52 = arith.constant 4 : i32
      %dma_start3A_53 = arith.constant 0 : i32
      %dma_start3A_54 = arith.constant 0 : i32
      %dma_start3A_55 = tpu.memref_slice %arg7[%dma_start3A_53, %dma_start3A_54] : memref<4x128xi32, #tpu.memory_space<vmem>> -> memref<1x128xi32, #tpu.memory_space<vmem>>
      %dma_start3A_56 = tpu.memref_squeeze %dma_start3A_55 : memref<1x128xi32, #tpu.memory_space<vmem>> -> memref<128xi32, #tpu.memory_space<vmem>>
      %dma_start3A_57 = arith.constant 0 : i32
      %dma_start3A_58 = arith.constant 0 : i32
      %dma_start3A_59 = tpu.memref_slice %arg3[%dma_start3A_57, %dma_start3A_58] : memref<270000x128xf32, #tpu.memory_space<hbm>> -> memref<270000x128xf32, #tpu.memory_space<hbm>>
      tpu.enqueue_indirect_dma source(%dma_start3A_59 : memref<270000x128xf32, #tpu.memory_space<hbm>>) target(%arg9 : memref<128x128xf32, #tpu.memory_space<vmem>>) offsets(%dma_start3A_56 : memref<128xi32, #tpu.memory_space<vmem>>) semaphore(%arg14 : memref<!tpu.dma_semaphore, #tpu.memory_space<semaphore_mem>>)
      %dma_start3A_60 = arith.constant 1 : i32
      %dma_start3A_61 = arith.constant 0 : i32
      %dma_start3A_62 = tpu.memref_slice %arg7[%dma_start3A_60, %dma_start3A_61] : memref<4x128xi32, #tpu.memory_space<vmem>> -> memref<1x128xi32, #tpu.memory_space<vmem>>
      %dma_start3A_63 = tpu.memref_squeeze %dma_start3A_62 : memref<1x128xi32, #tpu.memory_space<vmem>> -> memref<128xi32, #tpu.memory_space<vmem>>
      %dma_start3A_64 = arith.constant 0 : i32
      %dma_start3A_65 = arith.constant 0 : i32
      %dma_start3A_66 = tpu.memref_slice %arg3[%dma_start3A_64, %dma_start3A_65] : memref<270000x128xf32, #tpu.memory_space<hbm>> -> memref<270000x128xf32, #tpu.memory_space<hbm>>
      tpu.enqueue_indirect_dma source(%dma_start3A_66 : memref<270000x128xf32, #tpu.memory_space<hbm>>) target(%arg10 : memref<128x128xf32, #tpu.memory_space<vmem>>) offsets(%dma_start3A_63 : memref<128xi32, #tpu.memory_space<vmem>>) semaphore(%arg15 : memref<!tpu.dma_semaphore, #tpu.memory_space<semaphore_mem>>)
      %dma_wait3A_67 = arith.constant 0 : i32
      %dma_wait3A_68 = arith.constant 0 : i32
      %dma_wait3A_69 = tpu.memref_slice %arg7[%dma_wait3A_67, %dma_wait3A_68] : memref<4x128xi32, #tpu.memory_space<vmem>> -> memref<1x128xi32, #tpu.memory_space<vmem>>
      %dma_wait3A_70 = tpu.memref_squeeze %dma_wait3A_69 : memref<1x128xi32, #tpu.memory_space<vmem>> -> memref<128xi32, #tpu.memory_space<vmem>>
      %dma_wait3A_71 = arith.constant 0 : i32
      %dma_wait3A_72 = arith.constant 0 : i32
      %dma_wait3A_73 = tpu.memref_slice %arg3[%dma_wait3A_71, %dma_wait3A_72] : memref<270000x128xf32, #tpu.memory_space<hbm>> -> memref<270000x128xf32, #tpu.memory_space<hbm>>
      tpu.wait_indirect_dma semaphore(%arg14 : memref<!tpu.dma_semaphore, #tpu.memory_space<semaphore_mem>>) src(%dma_wait3A_73 : memref<270000x128xf32, #tpu.memory_space<hbm>>) dst(%arg9 : memref<128x128xf32, #tpu.memory_space<vmem>>)
      %run_scoped3A = arith.constant 0 : i32
      %run_scoped3A_74 = arith.constant 2 : i32
      "tpu.region"() ({
        %run_scoped3A_206 = tpu.sem_alloc : memref<!tpu.dma_semaphore, #tpu.memory_space<semaphore_mem>>
        %dma_start3A_207 = arith.constant 0 : i32
        %dma_start3A_208 = tpu.memref_slice %arg5[%run_scoped3A, %run_scoped3A_74, %dma_start3A_207] : memref<4x3x128xi32, #tpu.memory_space<vmem>> -> memref<1x1x128xi32, #tpu.memory_space<vmem>>
        %dma_start3A_209 = tpu.memref_squeeze %dma_start3A_208 : memref<1x1x128xi32, #tpu.memory_space<vmem>> -> memref<128xi32, #tpu.memory_space<vmem>>
        %dma_start3A_210 = arith.constant 0 : i32
        %dma_start3A_211 = arith.constant 0 : i32
        %dma_start3A_212 = tpu.memref_slice %arg11[%dma_start3A_210, %dma_start3A_211] : memref<10008x128xf32, #tpu.memory_space<vmem_shared>> -> memref<10008x128xf32, #tpu.memory_space<vmem_shared>>
        tpu.enqueue_indirect_dma source(%arg9 : memref<128x128xf32, #tpu.memory_space<vmem>>) target(%dma_start3A_212 : memref<10008x128xf32, #tpu.memory_space<vmem_shared>>) offsets(%dma_start3A_209 : memref<128xi32, #tpu.memory_space<vmem>>) semaphore(%run_scoped3A_206 : memref<!tpu.dma_semaphore, #tpu.memory_space<semaphore_mem>>) {add = true}
        %dma_wait3A_213 = arith.constant 0 : i32
        %dma_wait3A_214 = tpu.memref_slice %arg5[%run_scoped3A, %run_scoped3A_74, %dma_wait3A_213] : memref<4x3x128xi32, #tpu.memory_space<vmem>> -> memref<1x1x128xi32, #tpu.memory_space<vmem>>
        %dma_wait3A_215 = tpu.memref_squeeze %dma_wait3A_214 : memref<1x1x128xi32, #tpu.memory_space<vmem>> -> memref<128xi32, #tpu.memory_space<vmem>>
        %dma_wait3A_216 = arith.constant 0 : i32
        %dma_wait3A_217 = arith.constant 0 : i32
        %dma_wait3A_218 = tpu.memref_slice %arg11[%dma_wait3A_216, %dma_wait3A_217] : memref<10008x128xf32, #tpu.memory_space<vmem_shared>> -> memref<10008x128xf32, #tpu.memory_space<vmem_shared>>
        tpu.wait_indirect_dma semaphore(%run_scoped3A_206 : memref<!tpu.dma_semaphore, #tpu.memory_space<semaphore_mem>>) src(%arg9 : memref<128x128xf32, #tpu.memory_space<vmem>>) dst(%dma_wait3A_218 : memref<10008x128xf32, #tpu.memory_space<vmem_shared>>)
        tpu.yield
      }) : () -> ()
      %dma_start3A_75 = arith.constant 2 : i32
      %dma_start3A_76 = arith.constant 0 : i32
      %dma_start3A_77 = tpu.memref_slice %arg7[%dma_start3A_75, %dma_start3A_76] : memref<4x128xi32, #tpu.memory_space<vmem>> -> memref<1x128xi32, #tpu.memory_space<vmem>>
      %dma_start3A_78 = tpu.memref_squeeze %dma_start3A_77 : memref<1x128xi32, #tpu.memory_space<vmem>> -> memref<128xi32, #tpu.memory_space<vmem>>
      %dma_start3A_79 = arith.constant 0 : i32
      %dma_start3A_80 = arith.constant 0 : i32
      %dma_start3A_81 = tpu.memref_slice %arg3[%dma_start3A_79, %dma_start3A_80] : memref<270000x128xf32, #tpu.memory_space<hbm>> -> memref<270000x128xf32, #tpu.memory_space<hbm>>
      tpu.enqueue_indirect_dma source(%dma_start3A_81 : memref<270000x128xf32, #tpu.memory_space<hbm>>) target(%arg9 : memref<128x128xf32, #tpu.memory_space<vmem>>) offsets(%dma_start3A_78 : memref<128xi32, #tpu.memory_space<vmem>>) semaphore(%arg14 : memref<!tpu.dma_semaphore, #tpu.memory_space<semaphore_mem>>)
      %dma_wait3A_82 = arith.constant 1 : i32
      %dma_wait3A_83 = arith.constant 0 : i32
      %dma_wait3A_84 = tpu.memref_slice %arg7[%dma_wait3A_82, %dma_wait3A_83] : memref<4x128xi32, #tpu.memory_space<vmem>> -> memref<1x128xi32, #tpu.memory_space<vmem>>
      %dma_wait3A_85 = tpu.memref_squeeze %dma_wait3A_84 : memref<1x128xi32, #tpu.memory_space<vmem>> -> memref<128xi32, #tpu.memory_space<vmem>>
      %dma_wait3A_86 = arith.constant 0 : i32
      %dma_wait3A_87 = arith.constant 0 : i32
      %dma_wait3A_88 = tpu.memref_slice %arg3[%dma_wait3A_86, %dma_wait3A_87] : memref<270000x128xf32, #tpu.memory_space<hbm>> -> memref<270000x128xf32, #tpu.memory_space<hbm>>
      tpu.wait_indirect_dma semaphore(%arg15 : memref<!tpu.dma_semaphore, #tpu.memory_space<semaphore_mem>>) src(%dma_wait3A_88 : memref<270000x128xf32, #tpu.memory_space<hbm>>) dst(%arg10 : memref<128x128xf32, #tpu.memory_space<vmem>>)
      %run_scoped3A_89 = arith.constant 1 : i32
      %run_scoped3A_90 = arith.constant 2 : i32
      "tpu.region"() ({
        %run_scoped3A_206 = tpu.sem_alloc : memref<!tpu.dma_semaphore, #tpu.memory_space<semaphore_mem>>
        %dma_start3A_207 = arith.constant 0 : i32
        %dma_start3A_208 = tpu.memref_slice %arg5[%run_scoped3A_89, %run_scoped3A_90, %dma_start3A_207] : memref<4x3x128xi32, #tpu.memory_space<vmem>> -> memref<1x1x128xi32, #tpu.memory_space<vmem>>
        %dma_start3A_209 = tpu.memref_squeeze %dma_start3A_208 : memref<1x1x128xi32, #tpu.memory_space<vmem>> -> memref<128xi32, #tpu.memory_space<vmem>>
        %dma_start3A_210 = arith.constant 0 : i32
        %dma_start3A_211 = arith.constant 0 : i32
        %dma_start3A_212 = tpu.memref_slice %arg11[%dma_start3A_210, %dma_start3A_211] : memref<10008x128xf32, #tpu.memory_space<vmem_shared>> -> memref<10008x128xf32, #tpu.memory_space<vmem_shared>>
        tpu.enqueue_indirect_dma source(%arg10 : memref<128x128xf32, #tpu.memory_space<vmem>>) target(%dma_start3A_212 : memref<10008x128xf32, #tpu.memory_space<vmem_shared>>) offsets(%dma_start3A_209 : memref<128xi32, #tpu.memory_space<vmem>>) semaphore(%run_scoped3A_206 : memref<!tpu.dma_semaphore, #tpu.memory_space<semaphore_mem>>) {add = true}
        %dma_wait3A_213 = arith.constant 0 : i32
        %dma_wait3A_214 = tpu.memref_slice %arg5[%run_scoped3A_89, %run_scoped3A_90, %dma_wait3A_213] : memref<4x3x128xi32, #tpu.memory_space<vmem>> -> memref<1x1x128xi32, #tpu.memory_space<vmem>>
        %dma_wait3A_215 = tpu.memref_squeeze %dma_wait3A_214 : memref<1x1x128xi32, #tpu.memory_space<vmem>> -> memref<128xi32, #tpu.memory_space<vmem>>
        %dma_wait3A_216 = arith.constant 0 : i32
        %dma_wait3A_217 = arith.constant 0 : i32
        %dma_wait3A_218 = tpu.memref_slice %arg11[%dma_wait3A_216, %dma_wait3A_217] : memref<10008x128xf32, #tpu.memory_space<vmem_shared>> -> memref<10008x128xf32, #tpu.memory_space<vmem_shared>>
        tpu.wait_indirect_dma semaphore(%run_scoped3A_206 : memref<!tpu.dma_semaphore, #tpu.memory_space<semaphore_mem>>) src(%arg10 : memref<128x128xf32, #tpu.memory_space<vmem>>) dst(%dma_wait3A_218 : memref<10008x128xf32, #tpu.memory_space<vmem_shared>>)
        tpu.yield
      }) : () -> ()
      %dma_start3A_91 = arith.constant 3 : i32
      %dma_start3A_92 = arith.constant 0 : i32
      %dma_start3A_93 = tpu.memref_slice %arg7[%dma_start3A_91, %dma_start3A_92] : memref<4x128xi32, #tpu.memory_space<vmem>> -> memref<1x128xi32, #tpu.memory_space<vmem>>
      %dma_start3A_94 = tpu.memref_squeeze %dma_start3A_93 : memref<1x128xi32, #tpu.memory_space<vmem>> -> memref<128xi32, #tpu.memory_space<vmem>>
      %dma_start3A_95 = arith.constant 0 : i32
      %dma_start3A_96 = arith.constant 0 : i32
      %dma_start3A_97 = tpu.memref_slice %arg3[%dma_start3A_95, %dma_start3A_96] : memref<270000x128xf32, #tpu.memory_space<hbm>> -> memref<270000x128xf32, #tpu.memory_space<hbm>>
      tpu.enqueue_indirect_dma source(%dma_start3A_97 : memref<270000x128xf32, #tpu.memory_space<hbm>>) target(%arg10 : memref<128x128xf32, #tpu.memory_space<vmem>>) offsets(%dma_start3A_94 : memref<128xi32, #tpu.memory_space<vmem>>) semaphore(%arg15 : memref<!tpu.dma_semaphore, #tpu.memory_space<semaphore_mem>>)
      %dma_wait3A_98 = arith.constant 2 : i32
      %dma_wait3A_99 = arith.constant 0 : i32
      %dma_wait3A_100 = tpu.memref_slice %arg7[%dma_wait3A_98, %dma_wait3A_99] : memref<4x128xi32, #tpu.memory_space<vmem>> -> memref<1x128xi32, #tpu.memory_space<vmem>>
      %dma_wait3A_101 = tpu.memref_squeeze %dma_wait3A_100 : memref<1x128xi32, #tpu.memory_space<vmem>> -> memref<128xi32, #tpu.memory_space<vmem>>
      %dma_wait3A_102 = arith.constant 0 : i32
      %dma_wait3A_103 = arith.constant 0 : i32
      %dma_wait3A_104 = tpu.memref_slice %arg3[%dma_wait3A_102, %dma_wait3A_103] : memref<270000x128xf32, #tpu.memory_space<hbm>> -> memref<270000x128xf32, #tpu.memory_space<hbm>>
      tpu.wait_indirect_dma semaphore(%arg14 : memref<!tpu.dma_semaphore, #tpu.memory_space<semaphore_mem>>) src(%dma_wait3A_104 : memref<270000x128xf32, #tpu.memory_space<hbm>>) dst(%arg9 : memref<128x128xf32, #tpu.memory_space<vmem>>)
      %run_scoped3A_105 = arith.constant 2 : i32
      %run_scoped3A_106 = arith.constant 2 : i32
      "tpu.region"() ({
        %run_scoped3A_206 = tpu.sem_alloc : memref<!tpu.dma_semaphore, #tpu.memory_space<semaphore_mem>>
        %dma_start3A_207 = arith.constant 0 : i32
        %dma_start3A_208 = tpu.memref_slice %arg5[%run_scoped3A_105, %run_scoped3A_106, %dma_start3A_207] : memref<4x3x128xi32, #tpu.memory_space<vmem>> -> memref<1x1x128xi32, #tpu.memory_space<vmem>>
        %dma_start3A_209 = tpu.memref_squeeze %dma_start3A_208 : memref<1x1x128xi32, #tpu.memory_space<vmem>> -> memref<128xi32, #tpu.memory_space<vmem>>
        %dma_start3A_210 = arith.constant 0 : i32
        %dma_start3A_211 = arith.constant 0 : i32
        %dma_start3A_212 = tpu.memref_slice %arg11[%dma_start3A_210, %dma_start3A_211] : memref<10008x128xf32, #tpu.memory_space<vmem_shared>> -> memref<10008x128xf32, #tpu.memory_space<vmem_shared>>
        tpu.enqueue_indirect_dma source(%arg9 : memref<128x128xf32, #tpu.memory_space<vmem>>) target(%dma_start3A_212 : memref<10008x128xf32, #tpu.memory_space<vmem_shared>>) offsets(%dma_start3A_209 : memref<128xi32, #tpu.memory_space<vmem>>) semaphore(%run_scoped3A_206 : memref<!tpu.dma_semaphore, #tpu.memory_space<semaphore_mem>>) {add = true}
        %dma_wait3A_213 = arith.constant 0 : i32
        %dma_wait3A_214 = tpu.memref_slice %arg5[%run_scoped3A_105, %run_scoped3A_106, %dma_wait3A_213] : memref<4x3x128xi32, #tpu.memory_space<vmem>> -> memref<1x1x128xi32, #tpu.memory_space<vmem>>
        %dma_wait3A_215 = tpu.memref_squeeze %dma_wait3A_214 : memref<1x1x128xi32, #tpu.memory_space<vmem>> -> memref<128xi32, #tpu.memory_space<vmem>>
        %dma_wait3A_216 = arith.constant 0 : i32
        %dma_wait3A_217 = arith.constant 0 : i32
        %dma_wait3A_218 = tpu.memref_slice %arg11[%dma_wait3A_216, %dma_wait3A_217] : memref<10008x128xf32, #tpu.memory_space<vmem_shared>> -> memref<10008x128xf32, #tpu.memory_space<vmem_shared>>
        tpu.wait_indirect_dma semaphore(%run_scoped3A_206 : memref<!tpu.dma_semaphore, #tpu.memory_space<semaphore_mem>>) src(%arg9 : memref<128x128xf32, #tpu.memory_space<vmem>>) dst(%dma_wait3A_218 : memref<10008x128xf32, #tpu.memory_space<vmem_shared>>)
        tpu.yield
      }) : () -> ()
      %dma_wait3A_107 = arith.constant 3 : i32
      %dma_wait3A_108 = arith.constant 0 : i32
      %dma_wait3A_109 = tpu.memref_slice %arg7[%dma_wait3A_107, %dma_wait3A_108] : memref<4x128xi32, #tpu.memory_space<vmem>> -> memref<1x128xi32, #tpu.memory_space<vmem>>
      %dma_wait3A_110 = tpu.memref_squeeze %dma_wait3A_109 : memref<1x128xi32, #tpu.memory_space<vmem>> -> memref<128xi32, #tpu.memory_space<vmem>>
      %dma_wait3A_111 = arith.constant 0 : i32
      %dma_wait3A_112 = arith.constant 0 : i32
      %dma_wait3A_113 = tpu.memref_slice %arg3[%dma_wait3A_111, %dma_wait3A_112] : memref<270000x128xf32, #tpu.memory_space<hbm>> -> memref<270000x128xf32, #tpu.memory_space<hbm>>
      tpu.wait_indirect_dma semaphore(%arg15 : memref<!tpu.dma_semaphore, #tpu.memory_space<semaphore_mem>>) src(%dma_wait3A_113 : memref<270000x128xf32, #tpu.memory_space<hbm>>) dst(%arg10 : memref<128x128xf32, #tpu.memory_space<vmem>>)
      %run_scoped3A_114 = arith.constant 3 : i32
      %run_scoped3A_115 = arith.constant 2 : i32
      "tpu.region"() ({
        %run_scoped3A_206 = tpu.sem_alloc : memref<!tpu.dma_semaphore, #tpu.memory_space<semaphore_mem>>
        %dma_start3A_207 = arith.constant 0 : i32
        %dma_start3A_208 = tpu.memref_slice %arg5[%run_scoped3A_114, %run_scoped3A_115, %dma_start3A_207] : memref<4x3x128xi32, #tpu.memory_space<vmem>> -> memref<1x1x128xi32, #tpu.memory_space<vmem>>
        %dma_start3A_209 = tpu.memref_squeeze %dma_start3A_208 : memref<1x1x128xi32, #tpu.memory_space<vmem>> -> memref<128xi32, #tpu.memory_space<vmem>>
        %dma_start3A_210 = arith.constant 0 : i32
        %dma_start3A_211 = arith.constant 0 : i32
        %dma_start3A_212 = tpu.memref_slice %arg11[%dma_start3A_210, %dma_start3A_211] : memref<10008x128xf32, #tpu.memory_space<vmem_shared>> -> memref<10008x128xf32, #tpu.memory_space<vmem_shared>>
        tpu.enqueue_indirect_dma source(%arg10 : memref<128x128xf32, #tpu.memory_space<vmem>>) target(%dma_start3A_212 : memref<10008x128xf32, #tpu.memory_space<vmem_shared>>) offsets(%dma_start3A_209 : memref<128xi32, #tpu.memory_space<vmem>>) semaphore(%run_scoped3A_206 : memref<!tpu.dma_semaphore, #tpu.memory_space<semaphore_mem>>) {add = true}
        %dma_wait3A_213 = arith.constant 0 : i32
        %dma_wait3A_214 = tpu.memref_slice %arg5[%run_scoped3A_114, %run_scoped3A_115, %dma_wait3A_213] : memref<4x3x128xi32, #tpu.memory_space<vmem>> -> memref<1x1x128xi32, #tpu.memory_space<vmem>>
        %dma_wait3A_215 = tpu.memref_squeeze %dma_wait3A_214 : memref<1x1x128xi32, #tpu.memory_space<vmem>> -> memref<128xi32, #tpu.memory_space<vmem>>
        %dma_wait3A_216 = arith.constant 0 : i32
        %dma_wait3A_217 = arith.constant 0 : i32
        %dma_wait3A_218 = tpu.memref_slice %arg11[%dma_wait3A_216, %dma_wait3A_217] : memref<10008x128xf32, #tpu.memory_space<vmem_shared>> -> memref<10008x128xf32, #tpu.memory_space<vmem_shared>>
        tpu.wait_indirect_dma semaphore(%run_scoped3A_206 : memref<!tpu.dma_semaphore, #tpu.memory_space<semaphore_mem>>) src(%arg10 : memref<128x128xf32, #tpu.memory_space<vmem>>) dst(%dma_wait3A_218 : memref<10008x128xf32, #tpu.memory_space<vmem_shared>>)
        tpu.yield
      }) : () -> ()
      %mul3A_116 = arith.constant 2 : i32
      %mul3A_117 = arith.muli %mul3A_116, %scan3A_29 : i32
      %add3A_118 = arith.constant 1 : i32
      %add3A_119 = arith.addi %mul3A_117, %add3A_118 : i32
      %mul3A_120 = arith.constant 4 : i32
      %mul3A_121 = arith.muli %add3A_119, %mul3A_120 : i32
      %add3A_122 = arith.addi %add3A, %mul3A_121 : i32
      %dma_wait3A_123 = arith.constant 0 : i32
      %dma_wait3A_124 = arith.constant 0 : i32
      %dma_wait3A_125 = tpu.memref_slice %arg2[%add3A_122, %dma_wait3A_123, %dma_wait3A_124] : memref<1280x3x128xi32, #tpu.memory_space<hbm>> -> memref<4x3x128xi32, #tpu.memory_space<hbm>>
      %dma_wait3A_126 = arith.constant 0 : i32
      %dma_wait3A_127 = arith.constant 0 : i32
      %dma_wait3A_128 = tpu.memref_slice %arg2[%add3A_122, %dma_wait3A_126, %dma_wait3A_127] : memref<1280x3x128xi32, #tpu.memory_space<hbm>> -> memref<4x3x128xi32, #tpu.memory_space<hbm>>
      tpu.wait_dma2 semaphore(%arg13 : memref<!tpu.dma_semaphore, #tpu.memory_space<semaphore_mem>>) src(%dma_wait3A_128 : memref<4x3x128xi32, #tpu.memory_space<hbm>>) dst(%arg6 : memref<4x3x128xi32, #tpu.memory_space<vmem>>)
      %lt3A_129 = arith.constant 9 : i32
      %lt3A_130 = arith.cmpi slt, %add3A_119, %lt3A_129 : i32
      %convert_element_type3A_131 = arith.extui %lt3A_130 : i1 to i32
      %cond3A_132 = arith.constant 0 : i32
      %cond3A_133 = arith.cmpi ne, %convert_element_type3A_131, %cond3A_132 : i32
      scf.if %cond3A_133 {
        %add3A_206 = arith.constant 1 : i32
        %add3A_207 = arith.addi %add3A_119, %add3A_206 : i32
        %mul3A_208 = arith.constant 4 : i32
        %mul3A_209 = arith.muli %add3A_207, %mul3A_208 : i32
        %add3A_210 = arith.addi %add3A, %mul3A_209 : i32
        %dma_start3A_211 = arith.constant 0 : i32
        %dma_start3A_212 = arith.constant 0 : i32
        %dma_start3A_213 = tpu.memref_slice %arg2[%add3A_210, %dma_start3A_211, %dma_start3A_212] : memref<1280x3x128xi32, #tpu.memory_space<hbm>> -> memref<4x3x128xi32, #tpu.memory_space<hbm>>
        %dma_start3A_214 = arith.constant 0 : i32
        %dma_start3A_215 = arith.constant 0 : i32
        %dma_start3A_216 = tpu.memref_slice %arg2[%add3A_210, %dma_start3A_214, %dma_start3A_215] : memref<1280x3x128xi32, #tpu.memory_space<hbm>> -> memref<4x3x128xi32, #tpu.memory_space<hbm>>
        tpu.enqueue_dma source(%dma_start3A_216 : memref<4x3x128xi32, #tpu.memory_space<hbm>>) target(%arg5 : memref<4x3x128xi32, #tpu.memory_space<vmem>>) target_semaphore(%arg12 : memref<!tpu.dma_semaphore, #tpu.memory_space<semaphore_mem>>)
      } else {
      }
      %scan3A_134 = arith.constant 0 : i32
      %scan3A_135 = arith.constant 0 : i32
      %scan3A_136 = arith.constant 4 : i32
      %scan3A_137 = arith.addi %scan3A_135, %scan3A_136 : i32
      %scan3A_138 = arith.constant 1 : i32
      %scan3A_139 = scf.for %scan3A_206 = %scan3A_135 to %scan3A_137 step %scan3A_138 iter_args(%scan3A_207 = %scan3A_134) -> (i32)  : i32 {
        %get3A = arith.constant 0 : i32
        %get3A_208 = arith.index_cast %scan3A_206 : i32 to index
        %get3A_209 = arith.index_cast %get3A : i32 to index
        %get3A_210 = arith.constant 0 : index
        %get3A_211 = tpu.vector_load %arg6[%get3A_208, %get3A_209, %get3A_210] {strides = array<i32>} : memref<4x3x128xi32, #tpu.memory_space<vmem>>, vector<1x1x16xi32>,
        %get3A_212 = vector.shape_cast %get3A_211 : vector<1x1x16xi32> to vector<16xi32>
        %mul3A_213 = arith.constant 27 : i32
        %mul3A_214 = vector.broadcast %mul3A_213 : i32 to vector<16xi32>
        %mul3A_215 = arith.muli %get3A_212, %mul3A_214 : vector<16xi32>
        %get3A_216 = arith.constant 1 : i32
        %get3A_217 = arith.index_cast %scan3A_206 : i32 to index
        %get3A_218 = arith.index_cast %get3A_216 : i32 to index
        %get3A_219 = arith.constant 0 : index
        %get3A_220 = tpu.vector_load %arg6[%get3A_217, %get3A_218, %get3A_219] {strides = array<i32>} : memref<4x3x128xi32, #tpu.memory_space<vmem>>, vector<1x1x16xi32>,
        %get3A_221 = vector.shape_cast %get3A_220 : vector<1x1x16xi32> to vector<16xi32>
        %add3A_222 = arith.addi %mul3A_215, %get3A_221 : vector<16xi32>
        %swap3A = arith.index_cast %scan3A_206 : i32 to index
        %swap3A_223 = arith.constant 0 : index
        %swap3A_224 = tpu.vector_load %arg8[%swap3A, %swap3A_223] {strides = array<i32>} : memref<4x128xi32, #tpu.memory_space<vmem>>, vector<1x16xi32>,
        %swap3A_225 = vector.shape_cast %swap3A_224 : vector<1x16xi32> to vector<16xi32>
        %swap3A_226 = vector.shape_cast %add3A_222 : vector<16xi32> to vector<1x16xi32>
        tpu.vector_store %arg8[%swap3A, %swap3A_223], %swap3A_226 {strides = array<i32>} : memref<4x128xi32, #tpu.memory_space<vmem>>, vector<1x16xi32>,
        %get3A_227 = arith.constant 0 : i32
        %get3A_228 = arith.index_cast %scan3A_206 : i32 to index
        %get3A_229 = arith.index_cast %get3A_227 : i32 to index
        %get3A_230 = arith.constant 16 : index
        %get3A_231 = tpu.vector_load %arg6[%get3A_228, %get3A_229, %get3A_230] {strides = array<i32>} : memref<4x3x128xi32, #tpu.memory_space<vmem>>, vector<1x1x16xi32>,
        %get3A_232 = vector.shape_cast %get3A_231 : vector<1x1x16xi32> to vector<16xi32>
        %mul3A_233 = arith.constant 27 : i32
        %mul3A_234 = vector.broadcast %mul3A_233 : i32 to vector<16xi32>
        %mul3A_235 = arith.muli %get3A_232, %mul3A_234 : vector<16xi32>
        %get3A_236 = arith.constant 1 : i32
        %get3A_237 = arith.index_cast %scan3A_206 : i32 to index
        %get3A_238 = arith.index_cast %get3A_236 : i32 to index
        %get3A_239 = arith.constant 16 : index
        %get3A_240 = tpu.vector_load %arg6[%get3A_237, %get3A_238, %get3A_239] {strides = array<i32>} : memref<4x3x128xi32, #tpu.memory_space<vmem>>, vector<1x1x16xi32>,
        %get3A_241 = vector.shape_cast %get3A_240 : vector<1x1x16xi32> to vector<16xi32>
        %add3A_242 = arith.addi %mul3A_235, %get3A_241 : vector<16xi32>
        %swap3A_243 = arith.index_cast %scan3A_206 : i32 to index
        %swap3A_244 = arith.constant 16 : index
        %swap3A_245 = tpu.vector_load %arg8[%swap3A_243, %swap3A_244] {strides = array<i32>} : memref<4x128xi32, #tpu.memory_space<vmem>>, vector<1x16xi32>,
        %swap3A_246 = vector.shape_cast %swap3A_245 : vector<1x16xi32> to vector<16xi32>
        %swap3A_247 = vector.shape_cast %add3A_242 : vector<16xi32> to vector<1x16xi32>
        tpu.vector_store %arg8[%swap3A_243, %swap3A_244], %swap3A_247 {strides = array<i32>} : memref<4x128xi32, #tpu.memory_space<vmem>>, vector<1x16xi32>,
        %get3A_248 = arith.constant 0 : i32
        %get3A_249 = arith.index_cast %scan3A_206 : i32 to index
        %get3A_250 = arith.index_cast %get3A_248 : i32 to index
        %get3A_251 = arith.constant 32 : index
        %get3A_252 = tpu.vector_load %arg6[%get3A_249, %get3A_250, %get3A_251] {strides = array<i32>} : memref<4x3x128xi32, #tpu.memory_space<vmem>>, vector<1x1x16xi32>,
        %get3A_253 = vector.shape_cast %get3A_252 : vector<1x1x16xi32> to vector<16xi32>
        %mul3A_254 = arith.constant 27 : i32
        %mul3A_255 = vector.broadcast %mul3A_254 : i32 to vector<16xi32>
        %mul3A_256 = arith.muli %get3A_253, %mul3A_255 : vector<16xi32>
        %get3A_257 = arith.constant 1 : i32
        %get3A_258 = arith.index_cast %scan3A_206 : i32 to index
        %get3A_259 = arith.index_cast %get3A_257 : i32 to index
        %get3A_260 = arith.constant 32 : index
        %get3A_261 = tpu.vector_load %arg6[%get3A_258, %get3A_259, %get3A_260] {strides = array<i32>} : memref<4x3x128xi32, #tpu.memory_space<vmem>>, vector<1x1x16xi32>,
        %get3A_262 = vector.shape_cast %get3A_261 : vector<1x1x16xi32> to vector<16xi32>
        %add3A_263 = arith.addi %mul3A_256, %get3A_262 : vector<16xi32>
        %swap3A_264 = arith.index_cast %scan3A_206 : i32 to index
        %swap3A_265 = arith.constant 32 : index
        %swap3A_266 = tpu.vector_load %arg8[%swap3A_264, %swap3A_265] {strides = array<i32>} : memref<4x128xi32, #tpu.memory_space<vmem>>, vector<1x16xi32>,
        %swap3A_267 = vector.shape_cast %swap3A_266 : vector<1x16xi32> to vector<16xi32>
        %swap3A_268 = vector.shape_cast %add3A_263 : vector<16xi32> to vector<1x16xi32>
        tpu.vector_store %arg8[%swap3A_264, %swap3A_265], %swap3A_268 {strides = array<i32>} : memref<4x128xi32, #tpu.memory_space<vmem>>, vector<1x16xi32>,
        %get3A_269 = arith.constant 0 : i32
        %get3A_270 = arith.index_cast %scan3A_206 : i32 to index
        %get3A_271 = arith.index_cast %get3A_269 : i32 to index
        %get3A_272 = arith.constant 48 : index
        %get3A_273 = tpu.vector_load %arg6[%get3A_270, %get3A_271, %get3A_272] {strides = array<i32>} : memref<4x3x128xi32, #tpu.memory_space<vmem>>, vector<1x1x16xi32>,
        %get3A_274 = vector.shape_cast %get3A_273 : vector<1x1x16xi32> to vector<16xi32>
        %mul3A_275 = arith.constant 27 : i32
        %mul3A_276 = vector.broadcast %mul3A_275 : i32 to vector<16xi32>
        %mul3A_277 = arith.muli %get3A_274, %mul3A_276 : vector<16xi32>
        %get3A_278 = arith.constant 1 : i32
        %get3A_279 = arith.index_cast %scan3A_206 : i32 to index
        %get3A_280 = arith.index_cast %get3A_278 : i32 to index
        %get3A_281 = arith.constant 48 : index
        %get3A_282 = tpu.vector_load %arg6[%get3A_279, %get3A_280, %get3A_281] {strides = array<i32>} : memref<4x3x128xi32, #tpu.memory_space<vmem>>, vector<1x1x16xi32>,
        %get3A_283 = vector.shape_cast %get3A_282 : vector<1x1x16xi32> to vector<16xi32>
        %add3A_284 = arith.addi %mul3A_277, %get3A_283 : vector<16xi32>
        %swap3A_285 = arith.index_cast %scan3A_206 : i32 to index
        %swap3A_286 = arith.constant 48 : index
        %swap3A_287 = tpu.vector_load %arg8[%swap3A_285, %swap3A_286] {strides = array<i32>} : memref<4x128xi32, #tpu.memory_space<vmem>>, vector<1x16xi32>,
        %swap3A_288 = vector.shape_cast %swap3A_287 : vector<1x16xi32> to vector<16xi32>
        %swap3A_289 = vector.shape_cast %add3A_284 : vector<16xi32> to vector<1x16xi32>
        tpu.vector_store %arg8[%swap3A_285, %swap3A_286], %swap3A_289 {strides = array<i32>} : memref<4x128xi32, #tpu.memory_space<vmem>>, vector<1x16xi32>,
        %get3A_290 = arith.constant 0 : i32
        %get3A_291 = arith.index_cast %scan3A_206 : i32 to index
        %get3A_292 = arith.index_cast %get3A_290 : i32 to index
        %get3A_293 = arith.constant 64 : index
        %get3A_294 = tpu.vector_load %arg6[%get3A_291, %get3A_292, %get3A_293] {strides = array<i32>} : memref<4x3x128xi32, #tpu.memory_space<vmem>>, vector<1x1x16xi32>,
        %get3A_295 = vector.shape_cast %get3A_294 : vector<1x1x16xi32> to vector<16xi32>
        %mul3A_296 = arith.constant 27 : i32
        %mul3A_297 = vector.broadcast %mul3A_296 : i32 to vector<16xi32>
        %mul3A_298 = arith.muli %get3A_295, %mul3A_297 : vector<16xi32>
        %get3A_299 = arith.constant 1 : i32
        %get3A_300 = arith.index_cast %scan3A_206 : i32 to index
        %get3A_301 = arith.index_cast %get3A_299 : i32 to index
        %get3A_302 = arith.constant 64 : index
        %get3A_303 = tpu.vector_load %arg6[%get3A_300, %get3A_301, %get3A_302] {strides = array<i32>} : memref<4x3x128xi32, #tpu.memory_space<vmem>>, vector<1x1x16xi32>,
        %get3A_304 = vector.shape_cast %get3A_303 : vector<1x1x16xi32> to vector<16xi32>
        %add3A_305 = arith.addi %mul3A_298, %get3A_304 : vector<16xi32>
        %swap3A_306 = arith.index_cast %scan3A_206 : i32 to index
        %swap3A_307 = arith.constant 64 : index
        %swap3A_308 = tpu.vector_load %arg8[%swap3A_306, %swap3A_307] {strides = array<i32>} : memref<4x128xi32, #tpu.memory_space<vmem>>, vector<1x16xi32>,
        %swap3A_309 = vector.shape_cast %swap3A_308 : vector<1x16xi32> to vector<16xi32>
        %swap3A_310 = vector.shape_cast %add3A_305 : vector<16xi32> to vector<1x16xi32>
        tpu.vector_store %arg8[%swap3A_306, %swap3A_307], %swap3A_310 {strides = array<i32>} : memref<4x128xi32, #tpu.memory_space<vmem>>, vector<1x16xi32>,
        %get3A_311 = arith.constant 0 : i32
        %get3A_312 = arith.index_cast %scan3A_206 : i32 to index
        %get3A_313 = arith.index_cast %get3A_311 : i32 to index
        %get3A_314 = arith.constant 80 : index
        %get3A_315 = tpu.vector_load %arg6[%get3A_312, %get3A_313, %get3A_314] {strides = array<i32>} : memref<4x3x128xi32, #tpu.memory_space<vmem>>, vector<1x1x16xi32>,
        %get3A_316 = vector.shape_cast %get3A_315 : vector<1x1x16xi32> to vector<16xi32>
        %mul3A_317 = arith.constant 27 : i32
        %mul3A_318 = vector.broadcast %mul3A_317 : i32 to vector<16xi32>
        %mul3A_319 = arith.muli %get3A_316, %mul3A_318 : vector<16xi32>
        %get3A_320 = arith.constant 1 : i32
        %get3A_321 = arith.index_cast %scan3A_206 : i32 to index
        %get3A_322 = arith.index_cast %get3A_320 : i32 to index
        %get3A_323 = arith.constant 80 : index
        %get3A_324 = tpu.vector_load %arg6[%get3A_321, %get3A_322, %get3A_323] {strides = array<i32>} : memref<4x3x128xi32, #tpu.memory_space<vmem>>, vector<1x1x16xi32>,
        %get3A_325 = vector.shape_cast %get3A_324 : vector<1x1x16xi32> to vector<16xi32>
        %add3A_326 = arith.addi %mul3A_319, %get3A_325 : vector<16xi32>
        %swap3A_327 = arith.index_cast %scan3A_206 : i32 to index
        %swap3A_328 = arith.constant 80 : index
        %swap3A_329 = tpu.vector_load %arg8[%swap3A_327, %swap3A_328] {strides = array<i32>} : memref<4x128xi32, #tpu.memory_space<vmem>>, vector<1x16xi32>,
        %swap3A_330 = vector.shape_cast %swap3A_329 : vector<1x16xi32> to vector<16xi32>
        %swap3A_331 = vector.shape_cast %add3A_326 : vector<16xi32> to vector<1x16xi32>
        tpu.vector_store %arg8[%swap3A_327, %swap3A_328], %swap3A_331 {strides = array<i32>} : memref<4x128xi32, #tpu.memory_space<vmem>>, vector<1x16xi32>,
        %get3A_332 = arith.constant 0 : i32
        %get3A_333 = arith.index_cast %scan3A_206 : i32 to index
        %get3A_334 = arith.index_cast %get3A_332 : i32 to index
        %get3A_335 = arith.constant 96 : index
        %get3A_336 = tpu.vector_load %arg6[%get3A_333, %get3A_334, %get3A_335] {strides = array<i32>} : memref<4x3x128xi32, #tpu.memory_space<vmem>>, vector<1x1x16xi32>,
        %get3A_337 = vector.shape_cast %get3A_336 : vector<1x1x16xi32> to vector<16xi32>
        %mul3A_338 = arith.constant 27 : i32
        %mul3A_339 = vector.broadcast %mul3A_338 : i32 to vector<16xi32>
        %mul3A_340 = arith.muli %get3A_337, %mul3A_339 : vector<16xi32>
        %get3A_341 = arith.constant 1 : i32
        %get3A_342 = arith.index_cast %scan3A_206 : i32 to index
        %get3A_343 = arith.index_cast %get3A_341 : i32 to index
        %get3A_344 = arith.constant 96 : index
        %get3A_345 = tpu.vector_load %arg6[%get3A_342, %get3A_343, %get3A_344] {strides = array<i32>} : memref<4x3x128xi32, #tpu.memory_space<vmem>>, vector<1x1x16xi32>,
        %get3A_346 = vector.shape_cast %get3A_345 : vector<1x1x16xi32> to vector<16xi32>
        %add3A_347 = arith.addi %mul3A_340, %get3A_346 : vector<16xi32>
        %swap3A_348 = arith.index_cast %scan3A_206 : i32 to index
        %swap3A_349 = arith.constant 96 : index
        %swap3A_350 = tpu.vector_load %arg8[%swap3A_348, %swap3A_349] {strides = array<i32>} : memref<4x128xi32, #tpu.memory_space<vmem>>, vector<1x16xi32>,
        %swap3A_351 = vector.shape_cast %swap3A_350 : vector<1x16xi32> to vector<16xi32>
        %swap3A_352 = vector.shape_cast %add3A_347 : vector<16xi32> to vector<1x16xi32>
        tpu.vector_store %arg8[%swap3A_348, %swap3A_349], %swap3A_352 {strides = array<i32>} : memref<4x128xi32, #tpu.memory_space<vmem>>, vector<1x16xi32>,
        %get3A_353 = arith.constant 0 : i32
        %get3A_354 = arith.index_cast %scan3A_206 : i32 to index
        %get3A_355 = arith.index_cast %get3A_353 : i32 to index
        %get3A_356 = arith.constant 112 : index
        %get3A_357 = tpu.vector_load %arg6[%get3A_354, %get3A_355, %get3A_356] {strides = array<i32>} : memref<4x3x128xi32, #tpu.memory_space<vmem>>, vector<1x1x16xi32>,
        %get3A_358 = vector.shape_cast %get3A_357 : vector<1x1x16xi32> to vector<16xi32>
        %mul3A_359 = arith.constant 27 : i32
        %mul3A_360 = vector.broadcast %mul3A_359 : i32 to vector<16xi32>
        %mul3A_361 = arith.muli %get3A_358, %mul3A_360 : vector<16xi32>
        %get3A_362 = arith.constant 1 : i32
        %get3A_363 = arith.index_cast %scan3A_206 : i32 to index
        %get3A_364 = arith.index_cast %get3A_362 : i32 to index
        %get3A_365 = arith.constant 112 : index
        %get3A_366 = tpu.vector_load %arg6[%get3A_363, %get3A_364, %get3A_365] {strides = array<i32>} : memref<4x3x128xi32, #tpu.memory_space<vmem>>, vector<1x1x16xi32>,
        %get3A_367 = vector.shape_cast %get3A_366 : vector<1x1x16xi32> to vector<16xi32>
        %add3A_368 = arith.addi %mul3A_361, %get3A_367 : vector<16xi32>
        %swap3A_369 = arith.index_cast %scan3A_206 : i32 to index
        %swap3A_370 = arith.constant 112 : index
        %swap3A_371 = tpu.vector_load %arg8[%swap3A_369, %swap3A_370] {strides = array<i32>} : memref<4x128xi32, #tpu.memory_space<vmem>>, vector<1x16xi32>,
        %swap3A_372 = vector.shape_cast %swap3A_371 : vector<1x16xi32> to vector<16xi32>
        %swap3A_373 = vector.shape_cast %add3A_368 : vector<16xi32> to vector<1x16xi32>
        tpu.vector_store %arg8[%swap3A_369, %swap3A_370], %swap3A_373 {strides = array<i32>} : memref<4x128xi32, #tpu.memory_space<vmem>>, vector<1x16xi32>,
        %scan3A_374 = arith.constant 0 : i32
        scf.yield %scan3A_374 : i32
      }
      %scan3A_140 = arith.constant 4 : i32
      %dma_start3A_141 = arith.constant 0 : i32
      %dma_start3A_142 = arith.constant 0 : i32
      %dma_start3A_143 = tpu.memref_slice %arg8[%dma_start3A_141, %dma_start3A_142] : memref<4x128xi32, #tpu.memory_space<vmem>> -> memref<1x128xi32, #tpu.memory_space<vmem>>
      %dma_start3A_144 = tpu.memref_squeeze %dma_start3A_143 : memref<1x128xi32, #tpu.memory_space<vmem>> -> memref<128xi32, #tpu.memory_space<vmem>>
      %dma_start3A_145 = arith.constant 0 : i32
      %dma_start3A_146 = arith.constant 0 : i32
      %dma_start3A_147 = tpu.memref_slice %arg3[%dma_start3A_145, %dma_start3A_146] : memref<270000x128xf32, #tpu.memory_space<hbm>> -> memref<270000x128xf32, #tpu.memory_space<hbm>>
      tpu.enqueue_indirect_dma source(%dma_start3A_147 : memref<270000x128xf32, #tpu.memory_space<hbm>>) target(%arg9 : memref<128x128xf32, #tpu.memory_space<vmem>>) offsets(%dma_start3A_144 : memref<128xi32, #tpu.memory_space<vmem>>) semaphore(%arg14 : memref<!tpu.dma_semaphore, #tpu.memory_space<semaphore_mem>>)
      %dma_start3A_148 = arith.constant 1 : i32
      %dma_start3A_149 = arith.constant 0 : i32
      %dma_start3A_150 = tpu.memref_slice %arg8[%dma_start3A_148, %dma_start3A_149] : memref<4x128xi32, #tpu.memory_space<vmem>> -> memref<1x128xi32, #tpu.memory_space<vmem>>
      %dma_start3A_151 = tpu.memref_squeeze %dma_start3A_150 : memref<1x128xi32, #tpu.memory_space<vmem>> -> memref<128xi32, #tpu.memory_space<vmem>>
      %dma_start3A_152 = arith.constant 0 : i32
      %dma_start3A_153 = arith.constant 0 : i32
      %dma_start3A_154 = tpu.memref_slice %arg3[%dma_start3A_152, %dma_start3A_153] : memref<270000x128xf32, #tpu.memory_space<hbm>> -> memref<270000x128xf32, #tpu.memory_space<hbm>>
      tpu.enqueue_indirect_dma source(%dma_start3A_154 : memref<270000x128xf32, #tpu.memory_space<hbm>>) target(%arg10 : memref<128x128xf32, #tpu.memory_space<vmem>>) offsets(%dma_start3A_151 : memref<128xi32, #tpu.memory_space<vmem>>) semaphore(%arg15 : memref<!tpu.dma_semaphore, #tpu.memory_space<semaphore_mem>>)
      %dma_wait3A_155 = arith.constant 0 : i32
      %dma_wait3A_156 = arith.constant 0 : i32
      %dma_wait3A_157 = tpu.memref_slice %arg8[%dma_wait3A_155, %dma_wait3A_156] : memref<4x128xi32, #tpu.memory_space<vmem>> -> memref<1x128xi32, #tpu.memory_space<vmem>>
      %dma_wait3A_158 = tpu.memref_squeeze %dma_wait3A_157 : memref<1x128xi32, #tpu.memory_space<vmem>> -> memref<128xi32, #tpu.memory_space<vmem>>
      %dma_wait3A_159 = arith.constant 0 : i32
      %dma_wait3A_160 = arith.constant 0 : i32
      %dma_wait3A_161 = tpu.memref_slice %arg3[%dma_wait3A_159, %dma_wait3A_160] : memref<270000x128xf32, #tpu.memory_space<hbm>> -> memref<270000x128xf32, #tpu.memory_space<hbm>>
      tpu.wait_indirect_dma semaphore(%arg14 : memref<!tpu.dma_semaphore, #tpu.memory_space<semaphore_mem>>) src(%dma_wait3A_161 : memref<270000x128xf32, #tpu.memory_space<hbm>>) dst(%arg9 : memref<128x128xf32, #tpu.memory_space<vmem>>)
      %run_scoped3A_162 = arith.constant 0 : i32
      %run_scoped3A_163 = arith.constant 2 : i32
      "tpu.region"() ({
        %run_scoped3A_206 = tpu.sem_alloc : memref<!tpu.dma_semaphore, #tpu.memory_space<semaphore_mem>>
        %dma_start3A_207 = arith.constant 0 : i32
        %dma_start3A_208 = tpu.memref_slice %arg6[%run_scoped3A_162, %run_scoped3A_163, %dma_start3A_207] : memref<4x3x128xi32, #tpu.memory_space<vmem>> -> memref<1x1x128xi32, #tpu.memory_space<vmem>>
        %dma_start3A_209 = tpu.memref_squeeze %dma_start3A_208 : memref<1x1x128xi32, #tpu.memory_space<vmem>> -> memref<128xi32, #tpu.memory_space<vmem>>
        %dma_start3A_210 = arith.constant 0 : i32
        %dma_start3A_211 = arith.constant 0 : i32
        %dma_start3A_212 = tpu.memref_slice %arg11[%dma_start3A_210, %dma_start3A_211] : memref<10008x128xf32, #tpu.memory_space<vmem_shared>> -> memref<10008x128xf32, #tpu.memory_space<vmem_shared>>
        tpu.enqueue_indirect_dma source(%arg9 : memref<128x128xf32, #tpu.memory_space<vmem>>) target(%dma_start3A_212 : memref<10008x128xf32, #tpu.memory_space<vmem_shared>>) offsets(%dma_start3A_209 : memref<128xi32, #tpu.memory_space<vmem>>) semaphore(%run_scoped3A_206 : memref<!tpu.dma_semaphore, #tpu.memory_space<semaphore_mem>>) {add = true}
        %dma_wait3A_213 = arith.constant 0 : i32
        %dma_wait3A_214 = tpu.memref_slice %arg6[%run_scoped3A_162, %run_scoped3A_163, %dma_wait3A_213] : memref<4x3x128xi32, #tpu.memory_space<vmem>> -> memref<1x1x128xi32, #tpu.memory_space<vmem>>
        %dma_wait3A_215 = tpu.memref_squeeze %dma_wait3A_214 : memref<1x1x128xi32, #tpu.memory_space<vmem>> -> memref<128xi32, #tpu.memory_space<vmem>>
        %dma_wait3A_216 = arith.constant 0 : i32
        %dma_wait3A_217 = arith.constant 0 : i32
        %dma_wait3A_218 = tpu.memref_slice %arg11[%dma_wait3A_216, %dma_wait3A_217] : memref<10008x128xf32, #tpu.memory_space<vmem_shared>> -> memref<10008x128xf32, #tpu.memory_space<vmem_shared>>
        tpu.wait_indirect_dma semaphore(%run_scoped3A_206 : memref<!tpu.dma_semaphore, #tpu.memory_space<semaphore_mem>>) src(%arg9 : memref<128x128xf32, #tpu.memory_space<vmem>>) dst(%dma_wait3A_218 : memref<10008x128xf32, #tpu.memory_space<vmem_shared>>)
        tpu.yield
      }) : () -> ()
      %dma_start3A_164 = arith.constant 2 : i32
      %dma_start3A_165 = arith.constant 0 : i32
      %dma_start3A_166 = tpu.memref_slice %arg8[%dma_start3A_164, %dma_start3A_165] : memref<4x128xi32, #tpu.memory_space<vmem>> -> memref<1x128xi32, #tpu.memory_space<vmem>>
      %dma_start3A_167 = tpu.memref_squeeze %dma_start3A_166 : memref<1x128xi32, #tpu.memory_space<vmem>> -> memref<128xi32, #tpu.memory_space<vmem>>
      %dma_start3A_168 = arith.constant 0 : i32
      %dma_start3A_169 = arith.constant 0 : i32
      %dma_start3A_170 = tpu.memref_slice %arg3[%dma_start3A_168, %dma_start3A_169] : memref<270000x128xf32, #tpu.memory_space<hbm>> -> memref<270000x128xf32, #tpu.memory_space<hbm>>
      tpu.enqueue_indirect_dma source(%dma_start3A_170 : memref<270000x128xf32, #tpu.memory_space<hbm>>) target(%arg9 : memref<128x128xf32, #tpu.memory_space<vmem>>) offsets(%dma_start3A_167 : memref<128xi32, #tpu.memory_space<vmem>>) semaphore(%arg14 : memref<!tpu.dma_semaphore, #tpu.memory_space<semaphore_mem>>)
      %dma_wait3A_171 = arith.constant 1 : i32
      %dma_wait3A_172 = arith.constant 0 : i32
      %dma_wait3A_173 = tpu.memref_slice %arg8[%dma_wait3A_171, %dma_wait3A_172] : memref<4x128xi32, #tpu.memory_space<vmem>> -> memref<1x128xi32, #tpu.memory_space<vmem>>
      %dma_wait3A_174 = tpu.memref_squeeze %dma_wait3A_173 : memref<1x128xi32, #tpu.memory_space<vmem>> -> memref<128xi32, #tpu.memory_space<vmem>>
      %dma_wait3A_175 = arith.constant 0 : i32
      %dma_wait3A_176 = arith.constant 0 : i32
      %dma_wait3A_177 = tpu.memref_slice %arg3[%dma_wait3A_175, %dma_wait3A_176] : memref<270000x128xf32, #tpu.memory_space<hbm>> -> memref<270000x128xf32, #tpu.memory_space<hbm>>
      tpu.wait_indirect_dma semaphore(%arg15 : memref<!tpu.dma_semaphore, #tpu.memory_space<semaphore_mem>>) src(%dma_wait3A_177 : memref<270000x128xf32, #tpu.memory_space<hbm>>) dst(%arg10 : memref<128x128xf32, #tpu.memory_space<vmem>>)
      %run_scoped3A_178 = arith.constant 1 : i32
      %run_scoped3A_179 = arith.constant 2 : i32
      "tpu.region"() ({
        %run_scoped3A_206 = tpu.sem_alloc : memref<!tpu.dma_semaphore, #tpu.memory_space<semaphore_mem>>
        %dma_start3A_207 = arith.constant 0 : i32
        %dma_start3A_208 = tpu.memref_slice %arg6[%run_scoped3A_178, %run_scoped3A_179, %dma_start3A_207] : memref<4x3x128xi32, #tpu.memory_space<vmem>> -> memref<1x1x128xi32, #tpu.memory_space<vmem>>
        %dma_start3A_209 = tpu.memref_squeeze %dma_start3A_208 : memref<1x1x128xi32, #tpu.memory_space<vmem>> -> memref<128xi32, #tpu.memory_space<vmem>>
        %dma_start3A_210 = arith.constant 0 : i32
        %dma_start3A_211 = arith.constant 0 : i32
        %dma_start3A_212 = tpu.memref_slice %arg11[%dma_start3A_210, %dma_start3A_211] : memref<10008x128xf32, #tpu.memory_space<vmem_shared>> -> memref<10008x128xf32, #tpu.memory_space<vmem_shared>>
        tpu.enqueue_indirect_dma source(%arg10 : memref<128x128xf32, #tpu.memory_space<vmem>>) target(%dma_start3A_212 : memref<10008x128xf32, #tpu.memory_space<vmem_shared>>) offsets(%dma_start3A_209 : memref<128xi32, #tpu.memory_space<vmem>>) semaphore(%run_scoped3A_206 : memref<!tpu.dma_semaphore, #tpu.memory_space<semaphore_mem>>) {add = true}
        %dma_wait3A_213 = arith.constant 0 : i32
        %dma_wait3A_214 = tpu.memref_slice %arg6[%run_scoped3A_178, %run_scoped3A_179, %dma_wait3A_213] : memref<4x3x128xi32, #tpu.memory_space<vmem>> -> memref<1x1x128xi32, #tpu.memory_space<vmem>>
        %dma_wait3A_215 = tpu.memref_squeeze %dma_wait3A_214 : memref<1x1x128xi32, #tpu.memory_space<vmem>> -> memref<128xi32, #tpu.memory_space<vmem>>
        %dma_wait3A_216 = arith.constant 0 : i32
        %dma_wait3A_217 = arith.constant 0 : i32
        %dma_wait3A_218 = tpu.memref_slice %arg11[%dma_wait3A_216, %dma_wait3A_217] : memref<10008x128xf32, #tpu.memory_space<vmem_shared>> -> memref<10008x128xf32, #tpu.memory_space<vmem_shared>>
        tpu.wait_indirect_dma semaphore(%run_scoped3A_206 : memref<!tpu.dma_semaphore, #tpu.memory_space<semaphore_mem>>) src(%arg10 : memref<128x128xf32, #tpu.memory_space<vmem>>) dst(%dma_wait3A_218 : memref<10008x128xf32, #tpu.memory_space<vmem_shared>>)
        tpu.yield
      }) : () -> ()
      %dma_start3A_180 = arith.constant 3 : i32
      %dma_start3A_181 = arith.constant 0 : i32
      %dma_start3A_182 = tpu.memref_slice %arg8[%dma_start3A_180, %dma_start3A_181] : memref<4x128xi32, #tpu.memory_space<vmem>> -> memref<1x128xi32, #tpu.memory_space<vmem>>
      %dma_start3A_183 = tpu.memref_squeeze %dma_start3A_182 : memref<1x128xi32, #tpu.memory_space<vmem>> -> memref<128xi32, #tpu.memory_space<vmem>>
      %dma_start3A_184 = arith.constant 0 : i32
      %dma_start3A_185 = arith.constant 0 : i32
      %dma_start3A_186 = tpu.memref_slice %arg3[%dma_start3A_184, %dma_start3A_185] : memref<270000x128xf32, #tpu.memory_space<hbm>> -> memref<270000x128xf32, #tpu.memory_space<hbm>>
      tpu.enqueue_indirect_dma source(%dma_start3A_186 : memref<270000x128xf32, #tpu.memory_space<hbm>>) target(%arg10 : memref<128x128xf32, #tpu.memory_space<vmem>>) offsets(%dma_start3A_183 : memref<128xi32, #tpu.memory_space<vmem>>) semaphore(%arg15 : memref<!tpu.dma_semaphore, #tpu.memory_space<semaphore_mem>>)
      %dma_wait3A_187 = arith.constant 2 : i32
      %dma_wait3A_188 = arith.constant 0 : i32
      %dma_wait3A_189 = tpu.memref_slice %arg8[%dma_wait3A_187, %dma_wait3A_188] : memref<4x128xi32, #tpu.memory_space<vmem>> -> memref<1x128xi32, #tpu.memory_space<vmem>>
      %dma_wait3A_190 = tpu.memref_squeeze %dma_wait3A_189 : memref<1x128xi32, #tpu.memory_space<vmem>> -> memref<128xi32, #tpu.memory_space<vmem>>
      %dma_wait3A_191 = arith.constant 0 : i32
      %dma_wait3A_192 = arith.constant 0 : i32
      %dma_wait3A_193 = tpu.memref_slice %arg3[%dma_wait3A_191, %dma_wait3A_192] : memref<270000x128xf32, #tpu.memory_space<hbm>> -> memref<270000x128xf32, #tpu.memory_space<hbm>>
      tpu.wait_indirect_dma semaphore(%arg14 : memref<!tpu.dma_semaphore, #tpu.memory_space<semaphore_mem>>) src(%dma_wait3A_193 : memref<270000x128xf32, #tpu.memory_space<hbm>>) dst(%arg9 : memref<128x128xf32, #tpu.memory_space<vmem>>)
      %run_scoped3A_194 = arith.constant 2 : i32
      %run_scoped3A_195 = arith.constant 2 : i32
      "tpu.region"() ({
        %run_scoped3A_206 = tpu.sem_alloc : memref<!tpu.dma_semaphore, #tpu.memory_space<semaphore_mem>>
        %dma_start3A_207 = arith.constant 0 : i32
        %dma_start3A_208 = tpu.memref_slice %arg6[%run_scoped3A_194, %run_scoped3A_195, %dma_start3A_207] : memref<4x3x128xi32, #tpu.memory_space<vmem>> -> memref<1x1x128xi32, #tpu.memory_space<vmem>>
        %dma_start3A_209 = tpu.memref_squeeze %dma_start3A_208 : memref<1x1x128xi32, #tpu.memory_space<vmem>> -> memref<128xi32, #tpu.memory_space<vmem>>
        %dma_start3A_210 = arith.constant 0 : i32
        %dma_start3A_211 = arith.constant 0 : i32
        %dma_start3A_212 = tpu.memref_slice %arg11[%dma_start3A_210, %dma_start3A_211] : memref<10008x128xf32, #tpu.memory_space<vmem_shared>> -> memref<10008x128xf32, #tpu.memory_space<vmem_shared>>
        tpu.enqueue_indirect_dma source(%arg9 : memref<128x128xf32, #tpu.memory_space<vmem>>) target(%dma_start3A_212 : memref<10008x128xf32, #tpu.memory_space<vmem_shared>>) offsets(%dma_start3A_209 : memref<128xi32, #tpu.memory_space<vmem>>) semaphore(%run_scoped3A_206 : memref<!tpu.dma_semaphore, #tpu.memory_space<semaphore_mem>>) {add = true}
        %dma_wait3A_213 = arith.constant 0 : i32
        %dma_wait3A_214 = tpu.memref_slice %arg6[%run_scoped3A_194, %run_scoped3A_195, %dma_wait3A_213] : memref<4x3x128xi32, #tpu.memory_space<vmem>> -> memref<1x1x128xi32, #tpu.memory_space<vmem>>
        %dma_wait3A_215 = tpu.memref_squeeze %dma_wait3A_214 : memref<1x1x128xi32, #tpu.memory_space<vmem>> -> memref<128xi32, #tpu.memory_space<vmem>>
        %dma_wait3A_216 = arith.constant 0 : i32
        %dma_wait3A_217 = arith.constant 0 : i32
        %dma_wait3A_218 = tpu.memref_slice %arg11[%dma_wait3A_216, %dma_wait3A_217] : memref<10008x128xf32, #tpu.memory_space<vmem_shared>> -> memref<10008x128xf32, #tpu.memory_space<vmem_shared>>
        tpu.wait_indirect_dma semaphore(%run_scoped3A_206 : memref<!tpu.dma_semaphore, #tpu.memory_space<semaphore_mem>>) src(%arg9 : memref<128x128xf32, #tpu.memory_space<vmem>>) dst(%dma_wait3A_218 : memref<10008x128xf32, #tpu.memory_space<vmem_shared>>)
        tpu.yield
      }) : () -> ()
      %dma_wait3A_196 = arith.constant 3 : i32
      %dma_wait3A_197 = arith.constant 0 : i32
      %dma_wait3A_198 = tpu.memref_slice %arg8[%dma_wait3A_196, %dma_wait3A_197] : memref<4x128xi32, #tpu.memory_space<vmem>> -> memref<1x128xi32, #tpu.memory_space<vmem>>
      %dma_wait3A_199 = tpu.memref_squeeze %dma_wait3A_198 : memref<1x128xi32, #tpu.memory_space<vmem>> -> memref<128xi32, #tpu.memory_space<vmem>>
      %dma_wait3A_200 = arith.constant 0 : i32
      %dma_wait3A_201 = arith.constant 0 : i32
      %dma_wait3A_202 = tpu.memref_slice %arg3[%dma_wait3A_200, %dma_wait3A_201] : memref<270000x128xf32, #tpu.memory_space<hbm>> -> memref<270000x128xf32, #tpu.memory_space<hbm>>
      tpu.wait_indirect_dma semaphore(%arg15 : memref<!tpu.dma_semaphore, #tpu.memory_space<semaphore_mem>>) src(%dma_wait3A_202 : memref<270000x128xf32, #tpu.memory_space<hbm>>) dst(%arg10 : memref<128x128xf32, #tpu.memory_space<vmem>>)
      %run_scoped3A_203 = arith.constant 3 : i32
      %run_scoped3A_204 = arith.constant 2 : i32
      "tpu.region"() ({
        %run_scoped3A_206 = tpu.sem_alloc : memref<!tpu.dma_semaphore, #tpu.memory_space<semaphore_mem>>
        %dma_start3A_207 = arith.constant 0 : i32
        %dma_start3A_208 = tpu.memref_slice %arg6[%run_scoped3A_203, %run_scoped3A_204, %dma_start3A_207] : memref<4x3x128xi32, #tpu.memory_space<vmem>> -> memref<1x1x128xi32, #tpu.memory_space<vmem>>
        %dma_start3A_209 = tpu.memref_squeeze %dma_start3A_208 : memref<1x1x128xi32, #tpu.memory_space<vmem>> -> memref<128xi32, #tpu.memory_space<vmem>>
        %dma_start3A_210 = arith.constant 0 : i32
        %dma_start3A_211 = arith.constant 0 : i32
        %dma_start3A_212 = tpu.memref_slice %arg11[%dma_start3A_210, %dma_start3A_211] : memref<10008x128xf32, #tpu.memory_space<vmem_shared>> -> memref<10008x128xf32, #tpu.memory_space<vmem_shared>>
        tpu.enqueue_indirect_dma source(%arg10 : memref<128x128xf32, #tpu.memory_space<vmem>>) target(%dma_start3A_212 : memref<10008x128xf32, #tpu.memory_space<vmem_shared>>) offsets(%dma_start3A_209 : memref<128xi32, #tpu.memory_space<vmem>>) semaphore(%run_scoped3A_206 : memref<!tpu.dma_semaphore, #tpu.memory_space<semaphore_mem>>) {add = true}
        %dma_wait3A_213 = arith.constant 0 : i32
        %dma_wait3A_214 = tpu.memref_slice %arg6[%run_scoped3A_203, %run_scoped3A_204, %dma_wait3A_213] : memref<4x3x128xi32, #tpu.memory_space<vmem>> -> memref<1x1x128xi32, #tpu.memory_space<vmem>>
        %dma_wait3A_215 = tpu.memref_squeeze %dma_wait3A_214 : memref<1x1x128xi32, #tpu.memory_space<vmem>> -> memref<128xi32, #tpu.memory_space<vmem>>
        %dma_wait3A_216 = arith.constant 0 : i32
        %dma_wait3A_217 = arith.constant 0 : i32
        %dma_wait3A_218 = tpu.memref_slice %arg11[%dma_wait3A_216, %dma_wait3A_217] : memref<10008x128xf32, #tpu.memory_space<vmem_shared>> -> memref<10008x128xf32, #tpu.memory_space<vmem_shared>>
        tpu.wait_indirect_dma semaphore(%run_scoped3A_206 : memref<!tpu.dma_semaphore, #tpu.memory_space<semaphore_mem>>) src(%arg10 : memref<128x128xf32, #tpu.memory_space<vmem>>) dst(%dma_wait3A_218 : memref<10008x128xf32, #tpu.memory_space<vmem_shared>>)
        tpu.yield
      }) : () -> ()
      %scan3A_205 = arith.constant 0 : i32
      scf.yield %scan3A_205 : i32
    }
    %scan3A_22 = arith.constant 5 : i32
    %barrier3A_23 = arith.constant 0 : index
    tpu.barrier barrier_id(%barrier3A_23)
    %lt3A_24 = arith.constant 10 : i32
    %lt3A_25 = arith.cmpi slt, %arg1, %lt3A_24 : i32
    %convert_element_type3A_26 = arith.extui %lt3A_25 : i1 to i32
    %cond3A_27 = arith.constant 0 : i32
    %cond3A_28 = arith.cmpi ne, %convert_element_type3A_26, %cond3A_27 : i32
    scf.if %cond3A_28 {
      %mul3A_29 = arith.constant 1000 : i32
      %mul3A_30 = arith.muli %arg1, %mul3A_29 : i32
      %mul3A_31 = arith.constant 10000 : i32
      %mul3A_32 = arith.muli %arg0, %mul3A_31 : i32
      %add3A_33 = arith.addi %mul3A_32, %mul3A_30 : i32
      "tpu.region"() ({
        %run_scoped3A = tpu.sem_alloc : memref<!tpu.dma_semaphore, #tpu.memory_space<semaphore_mem>>
        %dma_start3A_34 = arith.constant 0 : i32
        %dma_start3A_35 = tpu.memref_slice %arg4[%add3A_33, %dma_start3A_34] : memref<20000x128xf32, #tpu.memory_space<hbm>> -> memref<1000x128xf32, #tpu.memory_space<hbm>>
        %dma_start3A_36 = arith.constant 0 : i32
        %dma_start3A_37 = tpu.memref_slice %arg11[%mul3A_30, %dma_start3A_36] : memref<10008x128xf32, #tpu.memory_space<vmem_shared>> -> memref<1000x128xf32, #tpu.memory_space<vmem_shared>>
        tpu.enqueue_dma source(%dma_start3A_37 : memref<1000x128xf32, #tpu.memory_space<vmem_shared>>) target(%dma_start3A_35 : memref<1000x128xf32, #tpu.memory_space<hbm>>) target_semaphore(%run_scoped3A : memref<!tpu.dma_semaphore, #tpu.memory_space<semaphore_mem>>)
        %dma_wait3A = arith.constant 0 : i32
        %dma_wait3A_38 = tpu.memref_slice %arg4[%add3A_33, %dma_wait3A] : memref<20000x128xf32, #tpu.memory_space<hbm>> -> memref<1000x128xf32, #tpu.memory_space<hbm>>
        %dma_wait3A_39 = arith.constant 0 : i32
        %dma_wait3A_40 = tpu.memref_slice %arg11[%mul3A_30, %dma_wait3A_39] : memref<10008x128xf32, #tpu.memory_space<vmem_shared>> -> memref<1000x128xf32, #tpu.memory_space<vmem_shared>>
        tpu.wait_dma2 semaphore(%run_scoped3A : memref<!tpu.dma_semaphore, #tpu.memory_space<semaphore_mem>>) src(%dma_wait3A_40 : memref<1000x128xf32, #tpu.memory_space<vmem_shared>>) dst(%dma_wait3A_38 : memref<1000x128xf32, #tpu.memory_space<hbm>>)
        tpu.yield
      }) : () -> ()
    } else {
    }
    return
  }
}

#map = affine_map<(d0, d1) -> (0, 0, 0)>
#map1 = affine_map<(d0, d1) -> (0, 0)>
module attributes {stable_mosaic.version = 14 : i64} {
  func.func @_sc_body(%arg0: i32, %arg1: i32, %arg2: memref<1280x3x128xi32, #tpu.memory_space<hbm>>, %arg3: memref<270000x128xf32, #tpu.memory_space<hbm>>, %arg4: memref<20000x128xf32, #tpu.memory_space<hbm>>, %arg5: memref<4x3x128xi32, #tpu.memory_space<vmem>>, %arg6: memref<4x3x128xi32, #tpu.memory_space<vmem>>, %arg7: memref<4x128xi32, #tpu.memory_space<vmem>>, %arg8: memref<4x128xi32, #tpu.memory_space<vmem>>, %arg9: memref<128x128xf32, #tpu.memory_space<vmem>>, %arg10: memref<128x128xf32, #tpu.memory_space<vmem>>, %arg11: memref<10008x128xf32, #tpu.memory_space<vmem_shared>>, %arg12: memref<!tpu.dma_semaphore, #tpu.memory_space<semaphore_mem>>, %arg13: memref<!tpu.dma_semaphore, #tpu.memory_space<semaphore_mem>>, %arg14: memref<!tpu.dma_semaphore, #tpu.memory_space<semaphore_mem>>, %arg15: memref<!tpu.dma_semaphore, #tpu.memory_space<semaphore_mem>>) attributes {dimension_semantics = [#tpu.dimension_semantics<core_parallel>, #tpu.dimension_semantics<subcore_parallel>], iteration_bounds = array<i64: 2, 16>, scalar_prefetch = 0 : i64, scratch_operands = 11 : i64, tpu.core_type = #tpu.core_type<sc_vector_subcore>, window_params = [{transform_indices = #map}, {transform_indices = #map1}, {transform_indices = #map1}]} {
    %mul3A = arith.constant 640 : i32
    %mul3A_0 = arith.muli %arg0, %mul3A : i32
    %mul3A_1 = arith.constant 40 : i32
    %mul3A_2 = arith.muli %arg1, %mul3A_1 : i32
    %add3A = arith.addi %mul3A_0, %mul3A_2 : i32
    %dma_start3A = arith.constant 0 : i32
    %dma_start3A_3 = arith.constant 0 : i32
    %dma_start3A_4 = tpu.memref_slice %arg2[%add3A, %dma_start3A, %dma_start3A_3] : memref<1280x3x128xi32, #tpu.memory_space<hbm>> -> memref<4x3x128xi32, #tpu.memory_space<hbm>>
    %dma_start3A_5 = arith.constant 0 : i32
    %dma_start3A_6 = arith.constant 0 : i32
    %dma_start3A_7 = tpu.memref_slice %arg2[%add3A, %dma_start3A_5, %dma_start3A_6] : memref<1280x3x128xi32, #tpu.memory_space<hbm>> -> memref<4x3x128xi32, #tpu.memory_space<hbm>>
    tpu.enqueue_dma source(%dma_start3A_7 : memref<4x3x128xi32, #tpu.memory_space<hbm>>) target(%arg5 : memref<4x3x128xi32, #tpu.memory_space<vmem>>) target_semaphore(%arg12 : memref<!tpu.dma_semaphore, #tpu.memory_space<semaphore_mem>>)
    %scan3A = arith.constant 0 : i32
    %scan3A_8 = arith.constant 0 : i32
    %scan3A_9 = arith.constant 1024 : i32
    %scan3A_10 = arith.addi %scan3A_8, %scan3A_9 : i32
    %scan3A_11 = arith.constant 1 : i32
    %scan3A_12 = scf.for %scan3A_29 = %scan3A_8 to %scan3A_10 step %scan3A_11 iter_args(%scan3A_30 = %scan3A) -> (i32)  : i32 {
      %jit3A = arith.constant 8 : i32
      %div3A = arith.divsi %scan3A_29, %jit3A : i32
      %sign3A = arith.constant 0 : i32
      %sign3A_31 = arith.cmpi sgt, %scan3A_29, %sign3A : i32
      %sign3A_32 = arith.extui %sign3A_31 : i1 to i32
      %sign3A_33 = arith.constant 0 : i32
      %sign3A_34 = arith.cmpi slt, %scan3A_29, %sign3A_33 : i32
      %sign3A_35 = arith.extui %sign3A_34 : i1 to i32
      %sign3A_36 = arith.subi %sign3A_32, %sign3A_35 : i32
      %sign3A_37 = arith.constant 0 : i32
      %sign3A_38 = arith.cmpi sgt, %jit3A, %sign3A_37 : i32
      %sign3A_39 = arith.extui %sign3A_38 : i1 to i32
      %sign3A_40 = arith.constant 0 : i32
      %sign3A_41 = arith.cmpi slt, %jit3A, %sign3A_40 : i32
      %sign3A_42 = arith.extui %sign3A_41 : i1 to i32
      %sign3A_43 = arith.subi %sign3A_39, %sign3A_42 : i32
      %ne3A = arith.cmpi ne, %sign3A_36, %sign3A_43 : i32
      %rem3A = arith.remsi %scan3A_29, %jit3A : i32
      %ne3A_44 = arith.constant 0 : i32
      %ne3A_45 = arith.cmpi ne, %rem3A, %ne3A_44 : i32
      %and3A = arith.andi %ne3A, %ne3A_45 : i1
      %sub3A = arith.constant 1 : i32
      %sub3A_46 = arith.subi %div3A, %sub3A : i32
      %select_n3A = arith.select %and3A, %sub3A_46, %div3A : i32
      %jit3A_47 = arith.constant 8 : i32
      %eq3A = arith.constant 0 : i32
      %eq3A_48 = arith.cmpi eq, %jit3A_47, %eq3A : i32
      %jit3A_49 = arith.constant 1 : i32
      %select_n3A_50 = arith.select %eq3A_48, %jit3A_49, %jit3A_47 : i32
      %rem3A_51 = arith.remsi %scan3A_29, %select_n3A_50 : i32
      %ne3A_52 = arith.constant 0 : i32
      %ne3A_53 = arith.cmpi ne, %rem3A_51, %ne3A_52 : i32
      %lt3A_54 = arith.constant 0 : i32
      %lt3A_55 = arith.cmpi slt, %rem3A_51, %lt3A_54 : i32
      %lt3A_56 = arith.constant 0 : i32
      %lt3A_57 = arith.cmpi slt, %select_n3A_50, %lt3A_56 : i32
      %ne3A_58 = arith.xori %lt3A_55, %lt3A_57 : i1
      %and3A_59 = arith.andi %ne3A_58, %ne3A_53 : i1
      %add3A_60 = arith.addi %rem3A_51, %select_n3A_50 : i32
      %select_n3A_61 = arith.select %and3A_59, %add3A_60, %rem3A_51 : i32
      %mul3A_62 = arith.constant 16 : i32
      %mul3A_63 = arith.muli %select_n3A_61, %mul3A_62 : i32
      %broadcast_in_dim3A = arith.constant 0.000000e+00 : f32
      %broadcast_in_dim3A_64 = vector.broadcast %broadcast_in_dim3A : f32 to vector<16xf32>
      %swap3A = arith.index_cast %select_n3A : i32 to index
      %swap3A_65 = arith.index_cast %mul3A_63 : i32 to index
      %swap3A_66 = tpu.vector_load %arg9[%swap3A, %swap3A_65] {strides = array<i32>} : memref<128x128xf32, #tpu.memory_space<vmem>>, vector<1x16xf32>,
      %swap3A_67 = vector.shape_cast %swap3A_66 : vector<1x16xf32> to vector<16xf32>
      %swap3A_68 = vector.shape_cast %broadcast_in_dim3A_64 : vector<16xf32> to vector<1x16xf32>
      tpu.vector_store %arg9[%swap3A, %swap3A_65], %swap3A_68 {strides = array<i32>} : memref<128x128xf32, #tpu.memory_space<vmem>>, vector<1x16xf32>,
      %scan3A_69 = arith.constant 0 : i32
      scf.yield %scan3A_69 : i32
    }
    %scan3A_13 = arith.constant 1024 : i32
    %lt3A = arith.constant 10 : i32
    %lt3A_14 = arith.cmpi slt, %arg1, %lt3A : i32
    %convert_element_type3A = arith.extui %lt3A_14 : i1 to i32
    %cond3A = arith.constant 0 : i32
    %cond3A_15 = arith.cmpi ne, %convert_element_type3A, %cond3A : i32
    scf.if %cond3A_15 {
      %mul3A_29 = arith.constant 1000 : i32
      %mul3A_30 = arith.muli %arg1, %mul3A_29 : i32
      %add3A_31 = arith.constant 0 : i32
      %add3A_32 = arith.addi %mul3A_30, %add3A_31 : i32
      "tpu.region"() ({
        %run_scoped3A = tpu.sem_alloc : memref<!tpu.dma_semaphore, #tpu.memory_space<semaphore_mem>>
        %dma_start3A_47 = arith.constant 0 : i32
        %dma_start3A_48 = tpu.memref_slice %arg11[%add3A_32, %dma_start3A_47] : memref<10008x128xf32, #tpu.memory_space<vmem_shared>> -> memref<128x128xf32, #tpu.memory_space<vmem_shared>>
        %dma_start3A_49 = arith.constant 0 : i32
        %dma_start3A_50 = tpu.memref_slice %arg11[%add3A_32, %dma_start3A_49] : memref<10008x128xf32, #tpu.memory_space<vmem_shared>> -> memref<128x128xf32, #tpu.memory_space<vmem_shared>>
        tpu.enqueue_dma source(%arg9 : memref<128x128xf32, #tpu.memory_space<vmem>>) target(%dma_start3A_50 : memref<128x128xf32, #tpu.memory_space<vmem_shared>>) target_semaphore(%run_scoped3A : memref<!tpu.dma_semaphore, #tpu.memory_space<semaphore_mem>>)
        %dma_wait3A = arith.constant 0 : i32
        %dma_wait3A_51 = tpu.memref_slice %arg11[%add3A_32, %dma_wait3A] : memref<10008x128xf32, #tpu.memory_space<vmem_shared>> -> memref<128x128xf32, #tpu.memory_space<vmem_shared>>
        %dma_wait3A_52 = arith.constant 0 : i32
        %dma_wait3A_53 = tpu.memref_slice %arg11[%add3A_32, %dma_wait3A_52] : memref<10008x128xf32, #tpu.memory_space<vmem_shared>> -> memref<128x128xf32, #tpu.memory_space<vmem_shared>>
        tpu.wait_dma2 semaphore(%run_scoped3A : memref<!tpu.dma_semaphore, #tpu.memory_space<semaphore_mem>>) src(%arg9 : memref<128x128xf32, #tpu.memory_space<vmem>>) dst(%dma_wait3A_53 : memref<128x128xf32, #tpu.memory_space<vmem_shared>>)
        tpu.yield
      }) : () -> ()
      %add3A_33 = arith.constant 128 : i32
      %add3A_34 = arith.addi %mul3A_30, %add3A_33 : i32
      "tpu.region"() ({
        %run_scoped3A = tpu.sem_alloc : memref<!tpu.dma_semaphore, #tpu.memory_space<semaphore_mem>>
        %dma_start3A_47 = arith.constant 0 : i32
        %dma_start3A_48 = tpu.memref_slice %arg11[%add3A_34, %dma_start3A_47] : memref<10008x128xf32, #tpu.memory_space<vmem_shared>> -> memref<128x128xf32, #tpu.memory_space<vmem_shared>>
        %dma_start3A_49 = arith.constant 0 : i32
        %dma_start3A_50 = tpu.memref_slice %arg11[%add3A_34, %dma_start3A_49] : memref<10008x128xf32, #tpu.memory_space<vmem_shared>> -> memref<128x128xf32, #tpu.memory_space<vmem_shared>>
        tpu.enqueue_dma source(%arg9 : memref<128x128xf32, #tpu.memory_space<vmem>>) target(%dma_start3A_50 : memref<128x128xf32, #tpu.memory_space<vmem_shared>>) target_semaphore(%run_scoped3A : memref<!tpu.dma_semaphore, #tpu.memory_space<semaphore_mem>>)
        %dma_wait3A = arith.constant 0 : i32
        %dma_wait3A_51 = tpu.memref_slice %arg11[%add3A_34, %dma_wait3A] : memref<10008x128xf32, #tpu.memory_space<vmem_shared>> -> memref<128x128xf32, #tpu.memory_space<vmem_shared>>
        %dma_wait3A_52 = arith.constant 0 : i32
        %dma_wait3A_53 = tpu.memref_slice %arg11[%add3A_34, %dma_wait3A_52] : memref<10008x128xf32, #tpu.memory_space<vmem_shared>> -> memref<128x128xf32, #tpu.memory_space<vmem_shared>>
        tpu.wait_dma2 semaphore(%run_scoped3A : memref<!tpu.dma_semaphore, #tpu.memory_space<semaphore_mem>>) src(%arg9 : memref<128x128xf32, #tpu.memory_space<vmem>>) dst(%dma_wait3A_53 : memref<128x128xf32, #tpu.memory_space<vmem_shared>>)
        tpu.yield
      }) : () -> ()
      %add3A_35 = arith.constant 256 : i32
      %add3A_36 = arith.addi %mul3A_30, %add3A_35 : i32
      "tpu.region"() ({
        %run_scoped3A = tpu.sem_alloc : memref<!tpu.dma_semaphore, #tpu.memory_space<semaphore_mem>>
        %dma_start3A_47 = arith.constant 0 : i32
        %dma_start3A_48 = tpu.memref_slice %arg11[%add3A_36, %dma_start3A_47] : memref<10008x128xf32, #tpu.memory_space<vmem_shared>> -> memref<128x128xf32, #tpu.memory_space<vmem_shared>>
        %dma_start3A_49 = arith.constant 0 : i32
        %dma_start3A_50 = tpu.memref_slice %arg11[%add3A_36, %dma_start3A_49] : memref<10008x128xf32, #tpu.memory_space<vmem_shared>> -> memref<128x128xf32, #tpu.memory_space<vmem_shared>>
        tpu.enqueue_dma source(%arg9 : memref<128x128xf32, #tpu.memory_space<vmem>>) target(%dma_start3A_50 : memref<128x128xf32, #tpu.memory_space<vmem_shared>>) target_semaphore(%run_scoped3A : memref<!tpu.dma_semaphore, #tpu.memory_space<semaphore_mem>>)
        %dma_wait3A = arith.constant 0 : i32
        %dma_wait3A_51 = tpu.memref_slice %arg11[%add3A_36, %dma_wait3A] : memref<10008x128xf32, #tpu.memory_space<vmem_shared>> -> memref<128x128xf32, #tpu.memory_space<vmem_shared>>
        %dma_wait3A_52 = arith.constant 0 : i32
        %dma_wait3A_53 = tpu.memref_slice %arg11[%add3A_36, %dma_wait3A_52] : memref<10008x128xf32, #tpu.memory_space<vmem_shared>> -> memref<128x128xf32, #tpu.memory_space<vmem_shared>>
        tpu.wait_dma2 semaphore(%run_scoped3A : memref<!tpu.dma_semaphore, #tpu.memory_space<semaphore_mem>>) src(%arg9 : memref<128x128xf32, #tpu.memory_space<vmem>>) dst(%dma_wait3A_53 : memref<128x128xf32, #tpu.memory_space<vmem_shared>>)
        tpu.yield
      }) : () -> ()
      %add3A_37 = arith.constant 384 : i32
      %add3A_38 = arith.addi %mul3A_30, %add3A_37 : i32
      "tpu.region"() ({
        %run_scoped3A = tpu.sem_alloc : memref<!tpu.dma_semaphore, #tpu.memory_space<semaphore_mem>>
        %dma_start3A_47 = arith.constant 0 : i32
        %dma_start3A_48 = tpu.memref_slice %arg11[%add3A_38, %dma_start3A_47] : memref<10008x128xf32, #tpu.memory_space<vmem_shared>> -> memref<128x128xf32, #tpu.memory_space<vmem_shared>>
        %dma_start3A_49 = arith.constant 0 : i32
        %dma_start3A_50 = tpu.memref_slice %arg11[%add3A_38, %dma_start3A_49] : memref<10008x128xf32, #tpu.memory_space<vmem_shared>> -> memref<128x128xf32, #tpu.memory_space<vmem_shared>>
        tpu.enqueue_dma source(%arg9 : memref<128x128xf32, #tpu.memory_space<vmem>>) target(%dma_start3A_50 : memref<128x128xf32, #tpu.memory_space<vmem_shared>>) target_semaphore(%run_scoped3A : memref<!tpu.dma_semaphore, #tpu.memory_space<semaphore_mem>>)
        %dma_wait3A = arith.constant 0 : i32
        %dma_wait3A_51 = tpu.memref_slice %arg11[%add3A_38, %dma_wait3A] : memref<10008x128xf32, #tpu.memory_space<vmem_shared>> -> memref<128x128xf32, #tpu.memory_space<vmem_shared>>
        %dma_wait3A_52 = arith.constant 0 : i32
        %dma_wait3A_53 = tpu.memref_slice %arg11[%add3A_38, %dma_wait3A_52] : memref<10008x128xf32, #tpu.memory_space<vmem_shared>> -> memref<128x128xf32, #tpu.memory_space<vmem_shared>>
        tpu.wait_dma2 semaphore(%run_scoped3A : memref<!tpu.dma_semaphore, #tpu.memory_space<semaphore_mem>>) src(%arg9 : memref<128x128xf32, #tpu.memory_space<vmem>>) dst(%dma_wait3A_53 : memref<128x128xf32, #tpu.memory_space<vmem_shared>>)
        tpu.yield
      }) : () -> ()
      %add3A_39 = arith.constant 512 : i32
      %add3A_40 = arith.addi %mul3A_30, %add3A_39 : i32
      "tpu.region"() ({
        %run_scoped3A = tpu.sem_alloc : memref<!tpu.dma_semaphore, #tpu.memory_space<semaphore_mem>>
        %dma_start3A_47 = arith.constant 0 : i32
        %dma_start3A_48 = tpu.memref_slice %arg11[%add3A_40, %dma_start3A_47] : memref<10008x128xf32, #tpu.memory_space<vmem_shared>> -> memref<128x128xf32, #tpu.memory_space<vmem_shared>>
        %dma_start3A_49 = arith.constant 0 : i32
        %dma_start3A_50 = tpu.memref_slice %arg11[%add3A_40, %dma_start3A_49] : memref<10008x128xf32, #tpu.memory_space<vmem_shared>> -> memref<128x128xf32, #tpu.memory_space<vmem_shared>>
        tpu.enqueue_dma source(%arg9 : memref<128x128xf32, #tpu.memory_space<vmem>>) target(%dma_start3A_50 : memref<128x128xf32, #tpu.memory_space<vmem_shared>>) target_semaphore(%run_scoped3A : memref<!tpu.dma_semaphore, #tpu.memory_space<semaphore_mem>>)
        %dma_wait3A = arith.constant 0 : i32
        %dma_wait3A_51 = tpu.memref_slice %arg11[%add3A_40, %dma_wait3A] : memref<10008x128xf32, #tpu.memory_space<vmem_shared>> -> memref<128x128xf32, #tpu.memory_space<vmem_shared>>
        %dma_wait3A_52 = arith.constant 0 : i32
        %dma_wait3A_53 = tpu.memref_slice %arg11[%add3A_40, %dma_wait3A_52] : memref<10008x128xf32, #tpu.memory_space<vmem_shared>> -> memref<128x128xf32, #tpu.memory_space<vmem_shared>>
        tpu.wait_dma2 semaphore(%run_scoped3A : memref<!tpu.dma_semaphore, #tpu.memory_space<semaphore_mem>>) src(%arg9 : memref<128x128xf32, #tpu.memory_space<vmem>>) dst(%dma_wait3A_53 : memref<128x128xf32, #tpu.memory_space<vmem_shared>>)
        tpu.yield
      }) : () -> ()
      %add3A_41 = arith.constant 640 : i32
      %add3A_42 = arith.addi %mul3A_30, %add3A_41 : i32
      "tpu.region"() ({
        %run_scoped3A = tpu.sem_alloc : memref<!tpu.dma_semaphore, #tpu.memory_space<semaphore_mem>>
        %dma_start3A_47 = arith.constant 0 : i32
        %dma_start3A_48 = tpu.memref_slice %arg11[%add3A_42, %dma_start3A_47] : memref<10008x128xf32, #tpu.memory_space<vmem_shared>> -> memref<128x128xf32, #tpu.memory_space<vmem_shared>>
        %dma_start3A_49 = arith.constant 0 : i32
        %dma_start3A_50 = tpu.memref_slice %arg11[%add3A_42, %dma_start3A_49] : memref<10008x128xf32, #tpu.memory_space<vmem_shared>> -> memref<128x128xf32, #tpu.memory_space<vmem_shared>>
        tpu.enqueue_dma source(%arg9 : memref<128x128xf32, #tpu.memory_space<vmem>>) target(%dma_start3A_50 : memref<128x128xf32, #tpu.memory_space<vmem_shared>>) target_semaphore(%run_scoped3A : memref<!tpu.dma_semaphore, #tpu.memory_space<semaphore_mem>>)
        %dma_wait3A = arith.constant 0 : i32
        %dma_wait3A_51 = tpu.memref_slice %arg11[%add3A_42, %dma_wait3A] : memref<10008x128xf32, #tpu.memory_space<vmem_shared>> -> memref<128x128xf32, #tpu.memory_space<vmem_shared>>
        %dma_wait3A_52 = arith.constant 0 : i32
        %dma_wait3A_53 = tpu.memref_slice %arg11[%add3A_42, %dma_wait3A_52] : memref<10008x128xf32, #tpu.memory_space<vmem_shared>> -> memref<128x128xf32, #tpu.memory_space<vmem_shared>>
        tpu.wait_dma2 semaphore(%run_scoped3A : memref<!tpu.dma_semaphore, #tpu.memory_space<semaphore_mem>>) src(%arg9 : memref<128x128xf32, #tpu.memory_space<vmem>>) dst(%dma_wait3A_53 : memref<128x128xf32, #tpu.memory_space<vmem_shared>>)
        tpu.yield
      }) : () -> ()
      %add3A_43 = arith.constant 768 : i32
      %add3A_44 = arith.addi %mul3A_30, %add3A_43 : i32
      "tpu.region"() ({
        %run_scoped3A = tpu.sem_alloc : memref<!tpu.dma_semaphore, #tpu.memory_space<semaphore_mem>>
        %dma_start3A_47 = arith.constant 0 : i32
        %dma_start3A_48 = tpu.memref_slice %arg11[%add3A_44, %dma_start3A_47] : memref<10008x128xf32, #tpu.memory_space<vmem_shared>> -> memref<128x128xf32, #tpu.memory_space<vmem_shared>>
        %dma_start3A_49 = arith.constant 0 : i32
        %dma_start3A_50 = tpu.memref_slice %arg11[%add3A_44, %dma_start3A_49] : memref<10008x128xf32, #tpu.memory_space<vmem_shared>> -> memref<128x128xf32, #tpu.memory_space<vmem_shared>>
        tpu.enqueue_dma source(%arg9 : memref<128x128xf32, #tpu.memory_space<vmem>>) target(%dma_start3A_50 : memref<128x128xf32, #tpu.memory_space<vmem_shared>>) target_semaphore(%run_scoped3A : memref<!tpu.dma_semaphore, #tpu.memory_space<semaphore_mem>>)
        %dma_wait3A = arith.constant 0 : i32
        %dma_wait3A_51 = tpu.memref_slice %arg11[%add3A_44, %dma_wait3A] : memref<10008x128xf32, #tpu.memory_space<vmem_shared>> -> memref<128x128xf32, #tpu.memory_space<vmem_shared>>
        %dma_wait3A_52 = arith.constant 0 : i32
        %dma_wait3A_53 = tpu.memref_slice %arg11[%add3A_44, %dma_wait3A_52] : memref<10008x128xf32, #tpu.memory_space<vmem_shared>> -> memref<128x128xf32, #tpu.memory_space<vmem_shared>>
        tpu.wait_dma2 semaphore(%run_scoped3A : memref<!tpu.dma_semaphore, #tpu.memory_space<semaphore_mem>>) src(%arg9 : memref<128x128xf32, #tpu.memory_space<vmem>>) dst(%dma_wait3A_53 : memref<128x128xf32, #tpu.memory_space<vmem_shared>>)
        tpu.yield
      }) : () -> ()
      %add3A_45 = arith.constant 896 : i32
      %add3A_46 = arith.addi %mul3A_30, %add3A_45 : i32
      "tpu.region"() ({
        %run_scoped3A = tpu.sem_alloc : memref<!tpu.dma_semaphore, #tpu.memory_space<semaphore_mem>>
        %dma_start3A_47 = arith.constant 0 : i32
        %dma_start3A_48 = arith.constant 0 : i32
        %dma_start3A_49 = tpu.memref_slice %arg9[%dma_start3A_47, %dma_start3A_48] : memref<128x128xf32, #tpu.memory_space<vmem>> -> memref<104x128xf32, #tpu.memory_space<vmem>>
        %dma_start3A_50 = arith.constant 0 : i32
        %dma_start3A_51 = tpu.memref_slice %arg11[%add3A_46, %dma_start3A_50] : memref<10008x128xf32, #tpu.memory_space<vmem_shared>> -> memref<104x128xf32, #tpu.memory_space<vmem_shared>>
        %dma_start3A_52 = arith.constant 0 : i32
        %dma_start3A_53 = tpu.memref_slice %arg11[%add3A_46, %dma_start3A_52] : memref<10008x128xf32, #tpu.memory_space<vmem_shared>> -> memref<104x128xf32, #tpu.memory_space<vmem_shared>>
        %dma_start3A_54 = arith.constant 0 : i32
        %dma_start3A_55 = arith.constant 0 : i32
        %dma_start3A_56 = tpu.memref_slice %arg9[%dma_start3A_54, %dma_start3A_55] : memref<128x128xf32, #tpu.memory_space<vmem>> -> memref<104x128xf32, #tpu.memory_space<vmem>>
        tpu.enqueue_dma source(%dma_start3A_56 : memref<104x128xf32, #tpu.memory_space<vmem>>) target(%dma_start3A_53 : memref<104x128xf32, #tpu.memory_space<vmem_shared>>) target_semaphore(%run_scoped3A : memref<!tpu.dma_semaphore, #tpu.memory_space<semaphore_mem>>)
        %dma_wait3A = arith.constant 0 : i32
        %dma_wait3A_57 = arith.constant 0 : i32
        %dma_wait3A_58 = tpu.memref_slice %arg9[%dma_wait3A, %dma_wait3A_57] : memref<128x128xf32, #tpu.memory_space<vmem>> -> memref<104x128xf32, #tpu.memory_space<vmem>>
        %dma_wait3A_59 = arith.constant 0 : i32
        %dma_wait3A_60 = tpu.memref_slice %arg11[%add3A_46, %dma_wait3A_59] : memref<10008x128xf32, #tpu.memory_space<vmem_shared>> -> memref<104x128xf32, #tpu.memory_space<vmem_shared>>
        %dma_wait3A_61 = arith.constant 0 : i32
        %dma_wait3A_62 = tpu.memref_slice %arg11[%add3A_46, %dma_wait3A_61] : memref<10008x128xf32, #tpu.memory_space<vmem_shared>> -> memref<104x128xf32, #tpu.memory_space<vmem_shared>>
        %dma_wait3A_63 = arith.constant 0 : i32
        %dma_wait3A_64 = arith.constant 0 : i32
        %dma_wait3A_65 = tpu.memref_slice %arg9[%dma_wait3A_63, %dma_wait3A_64] : memref<128x128xf32, #tpu.memory_space<vmem>> -> memref<104x128xf32, #tpu.memory_space<vmem>>
        tpu.wait_dma2 semaphore(%run_scoped3A : memref<!tpu.dma_semaphore, #tpu.memory_space<semaphore_mem>>) src(%dma_wait3A_65 : memref<104x128xf32, #tpu.memory_space<vmem>>) dst(%dma_wait3A_62 : memref<104x128xf32, #tpu.memory_space<vmem_shared>>)
        tpu.yield
      }) : () -> ()
    } else {
    }
    %barrier3A = arith.constant 0 : index
    tpu.barrier barrier_id(%barrier3A)
    %scan3A_16 = arith.constant 0 : i32
    %scan3A_17 = arith.constant 0 : i32
    %scan3A_18 = arith.constant 5 : i32
    %scan3A_19 = arith.addi %scan3A_17, %scan3A_18 : i32
    %scan3A_20 = arith.constant 1 : i32
    %scan3A_21 = scf.for %scan3A_29 = %scan3A_17 to %scan3A_19 step %scan3A_20 iter_args(%scan3A_30 = %scan3A_16) -> (i32)  : i32 {
      %mul3A_31 = arith.constant 2 : i32
      %mul3A_32 = arith.muli %mul3A_31, %scan3A_29 : i32
      %mul3A_33 = arith.constant 4 : i32
      %mul3A_34 = arith.muli %mul3A_32, %mul3A_33 : i32
      %add3A_35 = arith.addi %add3A, %mul3A_34 : i32
      %dma_wait3A = arith.constant 0 : i32
      %dma_wait3A_36 = arith.constant 0 : i32
      %dma_wait3A_37 = tpu.memref_slice %arg2[%add3A_35, %dma_wait3A, %dma_wait3A_36] : memref<1280x3x128xi32, #tpu.memory_space<hbm>> -> memref<4x3x128xi32, #tpu.memory_space<hbm>>
      %dma_wait3A_38 = arith.constant 0 : i32
      %dma_wait3A_39 = arith.constant 0 : i32
      %dma_wait3A_40 = tpu.memref_slice %arg2[%add3A_35, %dma_wait3A_38, %dma_wait3A_39] : memref<1280x3x128xi32, #tpu.memory_space<hbm>> -> memref<4x3x128xi32, #tpu.memory_space<hbm>>
      tpu.wait_dma2 semaphore(%arg12 : memref<!tpu.dma_semaphore, #tpu.memory_space<semaphore_mem>>) src(%dma_wait3A_40 : memref<4x3x128xi32, #tpu.memory_space<hbm>>) dst(%arg5 : memref<4x3x128xi32, #tpu.memory_space<vmem>>)
      %lt3A_41 = arith.constant 9 : i32
      %lt3A_42 = arith.cmpi slt, %mul3A_32, %lt3A_41 : i32
      %convert_element_type3A_43 = arith.extui %lt3A_42 : i1 to i32
      %cond3A_44 = arith.constant 0 : i32
      %cond3A_45 = arith.cmpi ne, %convert_element_type3A_43, %cond3A_44 : i32
      scf.if %cond3A_45 {
        %add3A_206 = arith.constant 1 : i32
        %add3A_207 = arith.addi %mul3A_32, %add3A_206 : i32
        %mul3A_208 = arith.constant 4 : i32
        %mul3A_209 = arith.muli %add3A_207, %mul3A_208 : i32
        %add3A_210 = arith.addi %add3A, %mul3A_209 : i32
        %dma_start3A_211 = arith.constant 0 : i32
        %dma_start3A_212 = arith.constant 0 : i32
        %dma_start3A_213 = tpu.memref_slice %arg2[%add3A_210, %dma_start3A_211, %dma_start3A_212] : memref<1280x3x128xi32, #tpu.memory_space<hbm>> -> memref<4x3x128xi32, #tpu.memory_space<hbm>>
        %dma_start3A_214 = arith.constant 0 : i32
        %dma_start3A_215 = arith.constant 0 : i32
        %dma_start3A_216 = tpu.memref_slice %arg2[%add3A_210, %dma_start3A_214, %dma_start3A_215] : memref<1280x3x128xi32, #tpu.memory_space<hbm>> -> memref<4x3x128xi32, #tpu.memory_space<hbm>>
        tpu.enqueue_dma source(%dma_start3A_216 : memref<4x3x128xi32, #tpu.memory_space<hbm>>) target(%arg6 : memref<4x3x128xi32, #tpu.memory_space<vmem>>) target_semaphore(%arg13 : memref<!tpu.dma_semaphore, #tpu.memory_space<semaphore_mem>>)
      } else {
      }
      %scan3A_46 = arith.constant 0 : i32
      %scan3A_47 = arith.constant 0 : i32
      %scan3A_48 = arith.constant 4 : i32
      %scan3A_49 = arith.addi %scan3A_47, %scan3A_48 : i32
      %scan3A_50 = arith.constant 1 : i32
      %scan3A_51 = scf.for %scan3A_206 = %scan3A_47 to %scan3A_49 step %scan3A_50 iter_args(%scan3A_207 = %scan3A_46) -> (i32)  : i32 {
        %get3A = arith.constant 0 : i32
        %get3A_208 = arith.index_cast %scan3A_206 : i32 to index
        %get3A_209 = arith.index_cast %get3A : i32 to index
        %get3A_210 = arith.constant 0 : index
        %get3A_211 = tpu.vector_load %arg5[%get3A_208, %get3A_209, %get3A_210] {strides = array<i32>} : memref<4x3x128xi32, #tpu.memory_space<vmem>>, vector<1x1x16xi32>,
        %get3A_212 = vector.shape_cast %get3A_211 : vector<1x1x16xi32> to vector<16xi32>
        %mul3A_213 = arith.constant 27 : i32
        %mul3A_214 = vector.broadcast %mul3A_213 : i32 to vector<16xi32>
        %mul3A_215 = arith.muli %get3A_212, %mul3A_214 : vector<16xi32>
        %get3A_216 = arith.constant 1 : i32
        %get3A_217 = arith.index_cast %scan3A_206 : i32 to index
        %get3A_218 = arith.index_cast %get3A_216 : i32 to index
        %get3A_219 = arith.constant 0 : index
        %get3A_220 = tpu.vector_load %arg5[%get3A_217, %get3A_218, %get3A_219] {strides = array<i32>} : memref<4x3x128xi32, #tpu.memory_space<vmem>>, vector<1x1x16xi32>,
        %get3A_221 = vector.shape_cast %get3A_220 : vector<1x1x16xi32> to vector<16xi32>
        %add3A_222 = arith.addi %mul3A_215, %get3A_221 : vector<16xi32>
        %swap3A = arith.index_cast %scan3A_206 : i32 to index
        %swap3A_223 = arith.constant 0 : index
        %swap3A_224 = tpu.vector_load %arg7[%swap3A, %swap3A_223] {strides = array<i32>} : memref<4x128xi32, #tpu.memory_space<vmem>>, vector<1x16xi32>,
        %swap3A_225 = vector.shape_cast %swap3A_224 : vector<1x16xi32> to vector<16xi32>
        %swap3A_226 = vector.shape_cast %add3A_222 : vector<16xi32> to vector<1x16xi32>
        tpu.vector_store %arg7[%swap3A, %swap3A_223], %swap3A_226 {strides = array<i32>} : memref<4x128xi32, #tpu.memory_space<vmem>>, vector<1x16xi32>,
        %get3A_227 = arith.constant 0 : i32
        %get3A_228 = arith.index_cast %scan3A_206 : i32 to index
        %get3A_229 = arith.index_cast %get3A_227 : i32 to index
        %get3A_230 = arith.constant 16 : index
        %get3A_231 = tpu.vector_load %arg5[%get3A_228, %get3A_229, %get3A_230] {strides = array<i32>} : memref<4x3x128xi32, #tpu.memory_space<vmem>>, vector<1x1x16xi32>,
        %get3A_232 = vector.shape_cast %get3A_231 : vector<1x1x16xi32> to vector<16xi32>
        %mul3A_233 = arith.constant 27 : i32
        %mul3A_234 = vector.broadcast %mul3A_233 : i32 to vector<16xi32>
        %mul3A_235 = arith.muli %get3A_232, %mul3A_234 : vector<16xi32>
        %get3A_236 = arith.constant 1 : i32
        %get3A_237 = arith.index_cast %scan3A_206 : i32 to index
        %get3A_238 = arith.index_cast %get3A_236 : i32 to index
        %get3A_239 = arith.constant 16 : index
        %get3A_240 = tpu.vector_load %arg5[%get3A_237, %get3A_238, %get3A_239] {strides = array<i32>} : memref<4x3x128xi32, #tpu.memory_space<vmem>>, vector<1x1x16xi32>,
        %get3A_241 = vector.shape_cast %get3A_240 : vector<1x1x16xi32> to vector<16xi32>
        %add3A_242 = arith.addi %mul3A_235, %get3A_241 : vector<16xi32>
        %swap3A_243 = arith.index_cast %scan3A_206 : i32 to index
        %swap3A_244 = arith.constant 16 : index
        %swap3A_245 = tpu.vector_load %arg7[%swap3A_243, %swap3A_244] {strides = array<i32>} : memref<4x128xi32, #tpu.memory_space<vmem>>, vector<1x16xi32>,
        %swap3A_246 = vector.shape_cast %swap3A_245 : vector<1x16xi32> to vector<16xi32>
        %swap3A_247 = vector.shape_cast %add3A_242 : vector<16xi32> to vector<1x16xi32>
        tpu.vector_store %arg7[%swap3A_243, %swap3A_244], %swap3A_247 {strides = array<i32>} : memref<4x128xi32, #tpu.memory_space<vmem>>, vector<1x16xi32>,
        %get3A_248 = arith.constant 0 : i32
        %get3A_249 = arith.index_cast %scan3A_206 : i32 to index
        %get3A_250 = arith.index_cast %get3A_248 : i32 to index
        %get3A_251 = arith.constant 32 : index
        %get3A_252 = tpu.vector_load %arg5[%get3A_249, %get3A_250, %get3A_251] {strides = array<i32>} : memref<4x3x128xi32, #tpu.memory_space<vmem>>, vector<1x1x16xi32>,
        %get3A_253 = vector.shape_cast %get3A_252 : vector<1x1x16xi32> to vector<16xi32>
        %mul3A_254 = arith.constant 27 : i32
        %mul3A_255 = vector.broadcast %mul3A_254 : i32 to vector<16xi32>
        %mul3A_256 = arith.muli %get3A_253, %mul3A_255 : vector<16xi32>
        %get3A_257 = arith.constant 1 : i32
        %get3A_258 = arith.index_cast %scan3A_206 : i32 to index
        %get3A_259 = arith.index_cast %get3A_257 : i32 to index
        %get3A_260 = arith.constant 32 : index
        %get3A_261 = tpu.vector_load %arg5[%get3A_258, %get3A_259, %get3A_260] {strides = array<i32>} : memref<4x3x128xi32, #tpu.memory_space<vmem>>, vector<1x1x16xi32>,
        %get3A_262 = vector.shape_cast %get3A_261 : vector<1x1x16xi32> to vector<16xi32>
        %add3A_263 = arith.addi %mul3A_256, %get3A_262 : vector<16xi32>
        %swap3A_264 = arith.index_cast %scan3A_206 : i32 to index
        %swap3A_265 = arith.constant 32 : index
        %swap3A_266 = tpu.vector_load %arg7[%swap3A_264, %swap3A_265] {strides = array<i32>} : memref<4x128xi32, #tpu.memory_space<vmem>>, vector<1x16xi32>,
        %swap3A_267 = vector.shape_cast %swap3A_266 : vector<1x16xi32> to vector<16xi32>
        %swap3A_268 = vector.shape_cast %add3A_263 : vector<16xi32> to vector<1x16xi32>
        tpu.vector_store %arg7[%swap3A_264, %swap3A_265], %swap3A_268 {strides = array<i32>} : memref<4x128xi32, #tpu.memory_space<vmem>>, vector<1x16xi32>,
        %get3A_269 = arith.constant 0 : i32
        %get3A_270 = arith.index_cast %scan3A_206 : i32 to index
        %get3A_271 = arith.index_cast %get3A_269 : i32 to index
        %get3A_272 = arith.constant 48 : index
        %get3A_273 = tpu.vector_load %arg5[%get3A_270, %get3A_271, %get3A_272] {strides = array<i32>} : memref<4x3x128xi32, #tpu.memory_space<vmem>>, vector<1x1x16xi32>,
        %get3A_274 = vector.shape_cast %get3A_273 : vector<1x1x16xi32> to vector<16xi32>
        %mul3A_275 = arith.constant 27 : i32
        %mul3A_276 = vector.broadcast %mul3A_275 : i32 to vector<16xi32>
        %mul3A_277 = arith.muli %get3A_274, %mul3A_276 : vector<16xi32>
        %get3A_278 = arith.constant 1 : i32
        %get3A_279 = arith.index_cast %scan3A_206 : i32 to index
        %get3A_280 = arith.index_cast %get3A_278 : i32 to index
        %get3A_281 = arith.constant 48 : index
        %get3A_282 = tpu.vector_load %arg5[%get3A_279, %get3A_280, %get3A_281] {strides = array<i32>} : memref<4x3x128xi32, #tpu.memory_space<vmem>>, vector<1x1x16xi32>,
        %get3A_283 = vector.shape_cast %get3A_282 : vector<1x1x16xi32> to vector<16xi32>
        %add3A_284 = arith.addi %mul3A_277, %get3A_283 : vector<16xi32>
        %swap3A_285 = arith.index_cast %scan3A_206 : i32 to index
        %swap3A_286 = arith.constant 48 : index
        %swap3A_287 = tpu.vector_load %arg7[%swap3A_285, %swap3A_286] {strides = array<i32>} : memref<4x128xi32, #tpu.memory_space<vmem>>, vector<1x16xi32>,
        %swap3A_288 = vector.shape_cast %swap3A_287 : vector<1x16xi32> to vector<16xi32>
        %swap3A_289 = vector.shape_cast %add3A_284 : vector<16xi32> to vector<1x16xi32>
        tpu.vector_store %arg7[%swap3A_285, %swap3A_286], %swap3A_289 {strides = array<i32>} : memref<4x128xi32, #tpu.memory_space<vmem>>, vector<1x16xi32>,
        %get3A_290 = arith.constant 0 : i32
        %get3A_291 = arith.index_cast %scan3A_206 : i32 to index
        %get3A_292 = arith.index_cast %get3A_290 : i32 to index
        %get3A_293 = arith.constant 64 : index
        %get3A_294 = tpu.vector_load %arg5[%get3A_291, %get3A_292, %get3A_293] {strides = array<i32>} : memref<4x3x128xi32, #tpu.memory_space<vmem>>, vector<1x1x16xi32>,
        %get3A_295 = vector.shape_cast %get3A_294 : vector<1x1x16xi32> to vector<16xi32>
        %mul3A_296 = arith.constant 27 : i32
        %mul3A_297 = vector.broadcast %mul3A_296 : i32 to vector<16xi32>
        %mul3A_298 = arith.muli %get3A_295, %mul3A_297 : vector<16xi32>
        %get3A_299 = arith.constant 1 : i32
        %get3A_300 = arith.index_cast %scan3A_206 : i32 to index
        %get3A_301 = arith.index_cast %get3A_299 : i32 to index
        %get3A_302 = arith.constant 64 : index
        %get3A_303 = tpu.vector_load %arg5[%get3A_300, %get3A_301, %get3A_302] {strides = array<i32>} : memref<4x3x128xi32, #tpu.memory_space<vmem>>, vector<1x1x16xi32>,
        %get3A_304 = vector.shape_cast %get3A_303 : vector<1x1x16xi32> to vector<16xi32>
        %add3A_305 = arith.addi %mul3A_298, %get3A_304 : vector<16xi32>
        %swap3A_306 = arith.index_cast %scan3A_206 : i32 to index
        %swap3A_307 = arith.constant 64 : index
        %swap3A_308 = tpu.vector_load %arg7[%swap3A_306, %swap3A_307] {strides = array<i32>} : memref<4x128xi32, #tpu.memory_space<vmem>>, vector<1x16xi32>,
        %swap3A_309 = vector.shape_cast %swap3A_308 : vector<1x16xi32> to vector<16xi32>
        %swap3A_310 = vector.shape_cast %add3A_305 : vector<16xi32> to vector<1x16xi32>
        tpu.vector_store %arg7[%swap3A_306, %swap3A_307], %swap3A_310 {strides = array<i32>} : memref<4x128xi32, #tpu.memory_space<vmem>>, vector<1x16xi32>,
        %get3A_311 = arith.constant 0 : i32
        %get3A_312 = arith.index_cast %scan3A_206 : i32 to index
        %get3A_313 = arith.index_cast %get3A_311 : i32 to index
        %get3A_314 = arith.constant 80 : index
        %get3A_315 = tpu.vector_load %arg5[%get3A_312, %get3A_313, %get3A_314] {strides = array<i32>} : memref<4x3x128xi32, #tpu.memory_space<vmem>>, vector<1x1x16xi32>,
        %get3A_316 = vector.shape_cast %get3A_315 : vector<1x1x16xi32> to vector<16xi32>
        %mul3A_317 = arith.constant 27 : i32
        %mul3A_318 = vector.broadcast %mul3A_317 : i32 to vector<16xi32>
        %mul3A_319 = arith.muli %get3A_316, %mul3A_318 : vector<16xi32>
        %get3A_320 = arith.constant 1 : i32
        %get3A_321 = arith.index_cast %scan3A_206 : i32 to index
        %get3A_322 = arith.index_cast %get3A_320 : i32 to index
        %get3A_323 = arith.constant 80 : index
        %get3A_324 = tpu.vector_load %arg5[%get3A_321, %get3A_322, %get3A_323] {strides = array<i32>} : memref<4x3x128xi32, #tpu.memory_space<vmem>>, vector<1x1x16xi32>,
        %get3A_325 = vector.shape_cast %get3A_324 : vector<1x1x16xi32> to vector<16xi32>
        %add3A_326 = arith.addi %mul3A_319, %get3A_325 : vector<16xi32>
        %swap3A_327 = arith.index_cast %scan3A_206 : i32 to index
        %swap3A_328 = arith.constant 80 : index
        %swap3A_329 = tpu.vector_load %arg7[%swap3A_327, %swap3A_328] {strides = array<i32>} : memref<4x128xi32, #tpu.memory_space<vmem>>, vector<1x16xi32>,
        %swap3A_330 = vector.shape_cast %swap3A_329 : vector<1x16xi32> to vector<16xi32>
        %swap3A_331 = vector.shape_cast %add3A_326 : vector<16xi32> to vector<1x16xi32>
        tpu.vector_store %arg7[%swap3A_327, %swap3A_328], %swap3A_331 {strides = array<i32>} : memref<4x128xi32, #tpu.memory_space<vmem>>, vector<1x16xi32>,
        %get3A_332 = arith.constant 0 : i32
        %get3A_333 = arith.index_cast %scan3A_206 : i32 to index
        %get3A_334 = arith.index_cast %get3A_332 : i32 to index
        %get3A_335 = arith.constant 96 : index
        %get3A_336 = tpu.vector_load %arg5[%get3A_333, %get3A_334, %get3A_335] {strides = array<i32>} : memref<4x3x128xi32, #tpu.memory_space<vmem>>, vector<1x1x16xi32>,
        %get3A_337 = vector.shape_cast %get3A_336 : vector<1x1x16xi32> to vector<16xi32>
        %mul3A_338 = arith.constant 27 : i32
        %mul3A_339 = vector.broadcast %mul3A_338 : i32 to vector<16xi32>
        %mul3A_340 = arith.muli %get3A_337, %mul3A_339 : vector<16xi32>
        %get3A_341 = arith.constant 1 : i32
        %get3A_342 = arith.index_cast %scan3A_206 : i32 to index
        %get3A_343 = arith.index_cast %get3A_341 : i32 to index
        %get3A_344 = arith.constant 96 : index
        %get3A_345 = tpu.vector_load %arg5[%get3A_342, %get3A_343, %get3A_344] {strides = array<i32>} : memref<4x3x128xi32, #tpu.memory_space<vmem>>, vector<1x1x16xi32>,
        %get3A_346 = vector.shape_cast %get3A_345 : vector<1x1x16xi32> to vector<16xi32>
        %add3A_347 = arith.addi %mul3A_340, %get3A_346 : vector<16xi32>
        %swap3A_348 = arith.index_cast %scan3A_206 : i32 to index
        %swap3A_349 = arith.constant 96 : index
        %swap3A_350 = tpu.vector_load %arg7[%swap3A_348, %swap3A_349] {strides = array<i32>} : memref<4x128xi32, #tpu.memory_space<vmem>>, vector<1x16xi32>,
        %swap3A_351 = vector.shape_cast %swap3A_350 : vector<1x16xi32> to vector<16xi32>
        %swap3A_352 = vector.shape_cast %add3A_347 : vector<16xi32> to vector<1x16xi32>
        tpu.vector_store %arg7[%swap3A_348, %swap3A_349], %swap3A_352 {strides = array<i32>} : memref<4x128xi32, #tpu.memory_space<vmem>>, vector<1x16xi32>,
        %get3A_353 = arith.constant 0 : i32
        %get3A_354 = arith.index_cast %scan3A_206 : i32 to index
        %get3A_355 = arith.index_cast %get3A_353 : i32 to index
        %get3A_356 = arith.constant 112 : index
        %get3A_357 = tpu.vector_load %arg5[%get3A_354, %get3A_355, %get3A_356] {strides = array<i32>} : memref<4x3x128xi32, #tpu.memory_space<vmem>>, vector<1x1x16xi32>,
        %get3A_358 = vector.shape_cast %get3A_357 : vector<1x1x16xi32> to vector<16xi32>
        %mul3A_359 = arith.constant 27 : i32
        %mul3A_360 = vector.broadcast %mul3A_359 : i32 to vector<16xi32>
        %mul3A_361 = arith.muli %get3A_358, %mul3A_360 : vector<16xi32>
        %get3A_362 = arith.constant 1 : i32
        %get3A_363 = arith.index_cast %scan3A_206 : i32 to index
        %get3A_364 = arith.index_cast %get3A_362 : i32 to index
        %get3A_365 = arith.constant 112 : index
        %get3A_366 = tpu.vector_load %arg5[%get3A_363, %get3A_364, %get3A_365] {strides = array<i32>} : memref<4x3x128xi32, #tpu.memory_space<vmem>>, vector<1x1x16xi32>,
        %get3A_367 = vector.shape_cast %get3A_366 : vector<1x1x16xi32> to vector<16xi32>
        %add3A_368 = arith.addi %mul3A_361, %get3A_367 : vector<16xi32>
        %swap3A_369 = arith.index_cast %scan3A_206 : i32 to index
        %swap3A_370 = arith.constant 112 : index
        %swap3A_371 = tpu.vector_load %arg7[%swap3A_369, %swap3A_370] {strides = array<i32>} : memref<4x128xi32, #tpu.memory_space<vmem>>, vector<1x16xi32>,
        %swap3A_372 = vector.shape_cast %swap3A_371 : vector<1x16xi32> to vector<16xi32>
        %swap3A_373 = vector.shape_cast %add3A_368 : vector<16xi32> to vector<1x16xi32>
        tpu.vector_store %arg7[%swap3A_369, %swap3A_370], %swap3A_373 {strides = array<i32>} : memref<4x128xi32, #tpu.memory_space<vmem>>, vector<1x16xi32>,
        %scan3A_374 = arith.constant 0 : i32
        scf.yield %scan3A_374 : i32
      }
      %scan3A_52 = arith.constant 4 : i32
      %dma_start3A_53 = arith.constant 0 : i32
      %dma_start3A_54 = arith.constant 0 : i32
      %dma_start3A_55 = tpu.memref_slice %arg7[%dma_start3A_53, %dma_start3A_54] : memref<4x128xi32, #tpu.memory_space<vmem>> -> memref<1x128xi32, #tpu.memory_space<vmem>>
      %dma_start3A_56 = tpu.memref_squeeze %dma_start3A_55 : memref<1x128xi32, #tpu.memory_space<vmem>> -> memref<128xi32, #tpu.memory_space<vmem>>
      %dma_start3A_57 = arith.constant 0 : i32
      %dma_start3A_58 = arith.constant 0 : i32
      %dma_start3A_59 = tpu.memref_slice %arg3[%dma_start3A_57, %dma_start3A_58] : memref<270000x128xf32, #tpu.memory_space<hbm>> -> memref<270000x128xf32, #tpu.memory_space<hbm>>
      tpu.enqueue_indirect_dma source(%dma_start3A_59 : memref<270000x128xf32, #tpu.memory_space<hbm>>) target(%arg9 : memref<128x128xf32, #tpu.memory_space<vmem>>) offsets(%dma_start3A_56 : memref<128xi32, #tpu.memory_space<vmem>>) semaphore(%arg14 : memref<!tpu.dma_semaphore, #tpu.memory_space<semaphore_mem>>)
      %dma_start3A_60 = arith.constant 1 : i32
      %dma_start3A_61 = arith.constant 0 : i32
      %dma_start3A_62 = tpu.memref_slice %arg7[%dma_start3A_60, %dma_start3A_61] : memref<4x128xi32, #tpu.memory_space<vmem>> -> memref<1x128xi32, #tpu.memory_space<vmem>>
      %dma_start3A_63 = tpu.memref_squeeze %dma_start3A_62 : memref<1x128xi32, #tpu.memory_space<vmem>> -> memref<128xi32, #tpu.memory_space<vmem>>
      %dma_start3A_64 = arith.constant 0 : i32
      %dma_start3A_65 = arith.constant 0 : i32
      %dma_start3A_66 = tpu.memref_slice %arg3[%dma_start3A_64, %dma_start3A_65] : memref<270000x128xf32, #tpu.memory_space<hbm>> -> memref<270000x128xf32, #tpu.memory_space<hbm>>
      tpu.enqueue_indirect_dma source(%dma_start3A_66 : memref<270000x128xf32, #tpu.memory_space<hbm>>) target(%arg10 : memref<128x128xf32, #tpu.memory_space<vmem>>) offsets(%dma_start3A_63 : memref<128xi32, #tpu.memory_space<vmem>>) semaphore(%arg15 : memref<!tpu.dma_semaphore, #tpu.memory_space<semaphore_mem>>)
      %dma_wait3A_67 = arith.constant 0 : i32
      %dma_wait3A_68 = arith.constant 0 : i32
      %dma_wait3A_69 = tpu.memref_slice %arg7[%dma_wait3A_67, %dma_wait3A_68] : memref<4x128xi32, #tpu.memory_space<vmem>> -> memref<1x128xi32, #tpu.memory_space<vmem>>
      %dma_wait3A_70 = tpu.memref_squeeze %dma_wait3A_69 : memref<1x128xi32, #tpu.memory_space<vmem>> -> memref<128xi32, #tpu.memory_space<vmem>>
      %dma_wait3A_71 = arith.constant 0 : i32
      %dma_wait3A_72 = arith.constant 0 : i32
      %dma_wait3A_73 = tpu.memref_slice %arg3[%dma_wait3A_71, %dma_wait3A_72] : memref<270000x128xf32, #tpu.memory_space<hbm>> -> memref<270000x128xf32, #tpu.memory_space<hbm>>
      tpu.wait_indirect_dma semaphore(%arg14 : memref<!tpu.dma_semaphore, #tpu.memory_space<semaphore_mem>>) src(%dma_wait3A_73 : memref<270000x128xf32, #tpu.memory_space<hbm>>) dst(%arg9 : memref<128x128xf32, #tpu.memory_space<vmem>>)
      %run_scoped3A = arith.constant 0 : i32
      %run_scoped3A_74 = arith.constant 2 : i32
      "tpu.region"() ({
        %run_scoped3A_206 = tpu.sem_alloc : memref<!tpu.dma_semaphore, #tpu.memory_space<semaphore_mem>>
        %dma_start3A_207 = arith.constant 0 : i32
        %dma_start3A_208 = tpu.memref_slice %arg5[%run_scoped3A, %run_scoped3A_74, %dma_start3A_207] : memref<4x3x128xi32, #tpu.memory_space<vmem>> -> memref<1x1x128xi32, #tpu.memory_space<vmem>>
        %dma_start3A_209 = tpu.memref_squeeze %dma_start3A_208 : memref<1x1x128xi32, #tpu.memory_space<vmem>> -> memref<128xi32, #tpu.memory_space<vmem>>
        %dma_start3A_210 = arith.constant 0 : i32
        %dma_start3A_211 = arith.constant 0 : i32
        %dma_start3A_212 = tpu.memref_slice %arg11[%dma_start3A_210, %dma_start3A_211] : memref<10008x128xf32, #tpu.memory_space<vmem_shared>> -> memref<10008x128xf32, #tpu.memory_space<vmem_shared>>
        tpu.enqueue_indirect_dma source(%arg9 : memref<128x128xf32, #tpu.memory_space<vmem>>) target(%dma_start3A_212 : memref<10008x128xf32, #tpu.memory_space<vmem_shared>>) offsets(%dma_start3A_209 : memref<128xi32, #tpu.memory_space<vmem>>) semaphore(%run_scoped3A_206 : memref<!tpu.dma_semaphore, #tpu.memory_space<semaphore_mem>>) {add = true}
        %dma_wait3A_213 = arith.constant 0 : i32
        %dma_wait3A_214 = tpu.memref_slice %arg5[%run_scoped3A, %run_scoped3A_74, %dma_wait3A_213] : memref<4x3x128xi32, #tpu.memory_space<vmem>> -> memref<1x1x128xi32, #tpu.memory_space<vmem>>
        %dma_wait3A_215 = tpu.memref_squeeze %dma_wait3A_214 : memref<1x1x128xi32, #tpu.memory_space<vmem>> -> memref<128xi32, #tpu.memory_space<vmem>>
        %dma_wait3A_216 = arith.constant 0 : i32
        %dma_wait3A_217 = arith.constant 0 : i32
        %dma_wait3A_218 = tpu.memref_slice %arg11[%dma_wait3A_216, %dma_wait3A_217] : memref<10008x128xf32, #tpu.memory_space<vmem_shared>> -> memref<10008x128xf32, #tpu.memory_space<vmem_shared>>
        tpu.wait_indirect_dma semaphore(%run_scoped3A_206 : memref<!tpu.dma_semaphore, #tpu.memory_space<semaphore_mem>>) src(%arg9 : memref<128x128xf32, #tpu.memory_space<vmem>>) dst(%dma_wait3A_218 : memref<10008x128xf32, #tpu.memory_space<vmem_shared>>)
        tpu.yield
      }) : () -> ()
      %dma_start3A_75 = arith.constant 2 : i32
      %dma_start3A_76 = arith.constant 0 : i32
      %dma_start3A_77 = tpu.memref_slice %arg7[%dma_start3A_75, %dma_start3A_76] : memref<4x128xi32, #tpu.memory_space<vmem>> -> memref<1x128xi32, #tpu.memory_space<vmem>>
      %dma_start3A_78 = tpu.memref_squeeze %dma_start3A_77 : memref<1x128xi32, #tpu.memory_space<vmem>> -> memref<128xi32, #tpu.memory_space<vmem>>
      %dma_start3A_79 = arith.constant 0 : i32
      %dma_start3A_80 = arith.constant 0 : i32
      %dma_start3A_81 = tpu.memref_slice %arg3[%dma_start3A_79, %dma_start3A_80] : memref<270000x128xf32, #tpu.memory_space<hbm>> -> memref<270000x128xf32, #tpu.memory_space<hbm>>
      tpu.enqueue_indirect_dma source(%dma_start3A_81 : memref<270000x128xf32, #tpu.memory_space<hbm>>) target(%arg9 : memref<128x128xf32, #tpu.memory_space<vmem>>) offsets(%dma_start3A_78 : memref<128xi32, #tpu.memory_space<vmem>>) semaphore(%arg14 : memref<!tpu.dma_semaphore, #tpu.memory_space<semaphore_mem>>)
      %dma_wait3A_82 = arith.constant 1 : i32
      %dma_wait3A_83 = arith.constant 0 : i32
      %dma_wait3A_84 = tpu.memref_slice %arg7[%dma_wait3A_82, %dma_wait3A_83] : memref<4x128xi32, #tpu.memory_space<vmem>> -> memref<1x128xi32, #tpu.memory_space<vmem>>
      %dma_wait3A_85 = tpu.memref_squeeze %dma_wait3A_84 : memref<1x128xi32, #tpu.memory_space<vmem>> -> memref<128xi32, #tpu.memory_space<vmem>>
      %dma_wait3A_86 = arith.constant 0 : i32
      %dma_wait3A_87 = arith.constant 0 : i32
      %dma_wait3A_88 = tpu.memref_slice %arg3[%dma_wait3A_86, %dma_wait3A_87] : memref<270000x128xf32, #tpu.memory_space<hbm>> -> memref<270000x128xf32, #tpu.memory_space<hbm>>
      tpu.wait_indirect_dma semaphore(%arg15 : memref<!tpu.dma_semaphore, #tpu.memory_space<semaphore_mem>>) src(%dma_wait3A_88 : memref<270000x128xf32, #tpu.memory_space<hbm>>) dst(%arg10 : memref<128x128xf32, #tpu.memory_space<vmem>>)
      %run_scoped3A_89 = arith.constant 1 : i32
      %run_scoped3A_90 = arith.constant 2 : i32
      "tpu.region"() ({
        %run_scoped3A_206 = tpu.sem_alloc : memref<!tpu.dma_semaphore, #tpu.memory_space<semaphore_mem>>
        %dma_start3A_207 = arith.constant 0 : i32
        %dma_start3A_208 = tpu.memref_slice %arg5[%run_scoped3A_89, %run_scoped3A_90, %dma_start3A_207] : memref<4x3x128xi32, #tpu.memory_space<vmem>> -> memref<1x1x128xi32, #tpu.memory_space<vmem>>
        %dma_start3A_209 = tpu.memref_squeeze %dma_start3A_208 : memref<1x1x128xi32, #tpu.memory_space<vmem>> -> memref<128xi32, #tpu.memory_space<vmem>>
        %dma_start3A_210 = arith.constant 0 : i32
        %dma_start3A_211 = arith.constant 0 : i32
        %dma_start3A_212 = tpu.memref_slice %arg11[%dma_start3A_210, %dma_start3A_211] : memref<10008x128xf32, #tpu.memory_space<vmem_shared>> -> memref<10008x128xf32, #tpu.memory_space<vmem_shared>>
        tpu.enqueue_indirect_dma source(%arg10 : memref<128x128xf32, #tpu.memory_space<vmem>>) target(%dma_start3A_212 : memref<10008x128xf32, #tpu.memory_space<vmem_shared>>) offsets(%dma_start3A_209 : memref<128xi32, #tpu.memory_space<vmem>>) semaphore(%run_scoped3A_206 : memref<!tpu.dma_semaphore, #tpu.memory_space<semaphore_mem>>) {add = true}
        %dma_wait3A_213 = arith.constant 0 : i32
        %dma_wait3A_214 = tpu.memref_slice %arg5[%run_scoped3A_89, %run_scoped3A_90, %dma_wait3A_213] : memref<4x3x128xi32, #tpu.memory_space<vmem>> -> memref<1x1x128xi32, #tpu.memory_space<vmem>>
        %dma_wait3A_215 = tpu.memref_squeeze %dma_wait3A_214 : memref<1x1x128xi32, #tpu.memory_space<vmem>> -> memref<128xi32, #tpu.memory_space<vmem>>
        %dma_wait3A_216 = arith.constant 0 : i32
        %dma_wait3A_217 = arith.constant 0 : i32
        %dma_wait3A_218 = tpu.memref_slice %arg11[%dma_wait3A_216, %dma_wait3A_217] : memref<10008x128xf32, #tpu.memory_space<vmem_shared>> -> memref<10008x128xf32, #tpu.memory_space<vmem_shared>>
        tpu.wait_indirect_dma semaphore(%run_scoped3A_206 : memref<!tpu.dma_semaphore, #tpu.memory_space<semaphore_mem>>) src(%arg10 : memref<128x128xf32, #tpu.memory_space<vmem>>) dst(%dma_wait3A_218 : memref<10008x128xf32, #tpu.memory_space<vmem_shared>>)
        tpu.yield
      }) : () -> ()
      %dma_start3A_91 = arith.constant 3 : i32
      %dma_start3A_92 = arith.constant 0 : i32
      %dma_start3A_93 = tpu.memref_slice %arg7[%dma_start3A_91, %dma_start3A_92] : memref<4x128xi32, #tpu.memory_space<vmem>> -> memref<1x128xi32, #tpu.memory_space<vmem>>
      %dma_start3A_94 = tpu.memref_squeeze %dma_start3A_93 : memref<1x128xi32, #tpu.memory_space<vmem>> -> memref<128xi32, #tpu.memory_space<vmem>>
      %dma_start3A_95 = arith.constant 0 : i32
      %dma_start3A_96 = arith.constant 0 : i32
      %dma_start3A_97 = tpu.memref_slice %arg3[%dma_start3A_95, %dma_start3A_96] : memref<270000x128xf32, #tpu.memory_space<hbm>> -> memref<270000x128xf32, #tpu.memory_space<hbm>>
      tpu.enqueue_indirect_dma source(%dma_start3A_97 : memref<270000x128xf32, #tpu.memory_space<hbm>>) target(%arg10 : memref<128x128xf32, #tpu.memory_space<vmem>>) offsets(%dma_start3A_94 : memref<128xi32, #tpu.memory_space<vmem>>) semaphore(%arg15 : memref<!tpu.dma_semaphore, #tpu.memory_space<semaphore_mem>>)
      %dma_wait3A_98 = arith.constant 2 : i32
      %dma_wait3A_99 = arith.constant 0 : i32
      %dma_wait3A_100 = tpu.memref_slice %arg7[%dma_wait3A_98, %dma_wait3A_99] : memref<4x128xi32, #tpu.memory_space<vmem>> -> memref<1x128xi32, #tpu.memory_space<vmem>>
      %dma_wait3A_101 = tpu.memref_squeeze %dma_wait3A_100 : memref<1x128xi32, #tpu.memory_space<vmem>> -> memref<128xi32, #tpu.memory_space<vmem>>
      %dma_wait3A_102 = arith.constant 0 : i32
      %dma_wait3A_103 = arith.constant 0 : i32
      %dma_wait3A_104 = tpu.memref_slice %arg3[%dma_wait3A_102, %dma_wait3A_103] : memref<270000x128xf32, #tpu.memory_space<hbm>> -> memref<270000x128xf32, #tpu.memory_space<hbm>>
      tpu.wait_indirect_dma semaphore(%arg14 : memref<!tpu.dma_semaphore, #tpu.memory_space<semaphore_mem>>) src(%dma_wait3A_104 : memref<270000x128xf32, #tpu.memory_space<hbm>>) dst(%arg9 : memref<128x128xf32, #tpu.memory_space<vmem>>)
      %run_scoped3A_105 = arith.constant 2 : i32
      %run_scoped3A_106 = arith.constant 2 : i32
      "tpu.region"() ({
        %run_scoped3A_206 = tpu.sem_alloc : memref<!tpu.dma_semaphore, #tpu.memory_space<semaphore_mem>>
        %dma_start3A_207 = arith.constant 0 : i32
        %dma_start3A_208 = tpu.memref_slice %arg5[%run_scoped3A_105, %run_scoped3A_106, %dma_start3A_207] : memref<4x3x128xi32, #tpu.memory_space<vmem>> -> memref<1x1x128xi32, #tpu.memory_space<vmem>>
        %dma_start3A_209 = tpu.memref_squeeze %dma_start3A_208 : memref<1x1x128xi32, #tpu.memory_space<vmem>> -> memref<128xi32, #tpu.memory_space<vmem>>
        %dma_start3A_210 = arith.constant 0 : i32
        %dma_start3A_211 = arith.constant 0 : i32
        %dma_start3A_212 = tpu.memref_slice %arg11[%dma_start3A_210, %dma_start3A_211] : memref<10008x128xf32, #tpu.memory_space<vmem_shared>> -> memref<10008x128xf32, #tpu.memory_space<vmem_shared>>
        tpu.enqueue_indirect_dma source(%arg9 : memref<128x128xf32, #tpu.memory_space<vmem>>) target(%dma_start3A_212 : memref<10008x128xf32, #tpu.memory_space<vmem_shared>>) offsets(%dma_start3A_209 : memref<128xi32, #tpu.memory_space<vmem>>) semaphore(%run_scoped3A_206 : memref<!tpu.dma_semaphore, #tpu.memory_space<semaphore_mem>>) {add = true}
        %dma_wait3A_213 = arith.constant 0 : i32
        %dma_wait3A_214 = tpu.memref_slice %arg5[%run_scoped3A_105, %run_scoped3A_106, %dma_wait3A_213] : memref<4x3x128xi32, #tpu.memory_space<vmem>> -> memref<1x1x128xi32, #tpu.memory_space<vmem>>
        %dma_wait3A_215 = tpu.memref_squeeze %dma_wait3A_214 : memref<1x1x128xi32, #tpu.memory_space<vmem>> -> memref<128xi32, #tpu.memory_space<vmem>>
        %dma_wait3A_216 = arith.constant 0 : i32
        %dma_wait3A_217 = arith.constant 0 : i32
        %dma_wait3A_218 = tpu.memref_slice %arg11[%dma_wait3A_216, %dma_wait3A_217] : memref<10008x128xf32, #tpu.memory_space<vmem_shared>> -> memref<10008x128xf32, #tpu.memory_space<vmem_shared>>
        tpu.wait_indirect_dma semaphore(%run_scoped3A_206 : memref<!tpu.dma_semaphore, #tpu.memory_space<semaphore_mem>>) src(%arg9 : memref<128x128xf32, #tpu.memory_space<vmem>>) dst(%dma_wait3A_218 : memref<10008x128xf32, #tpu.memory_space<vmem_shared>>)
        tpu.yield
      }) : () -> ()
      %dma_wait3A_107 = arith.constant 3 : i32
      %dma_wait3A_108 = arith.constant 0 : i32
      %dma_wait3A_109 = tpu.memref_slice %arg7[%dma_wait3A_107, %dma_wait3A_108] : memref<4x128xi32, #tpu.memory_space<vmem>> -> memref<1x128xi32, #tpu.memory_space<vmem>>
      %dma_wait3A_110 = tpu.memref_squeeze %dma_wait3A_109 : memref<1x128xi32, #tpu.memory_space<vmem>> -> memref<128xi32, #tpu.memory_space<vmem>>
      %dma_wait3A_111 = arith.constant 0 : i32
      %dma_wait3A_112 = arith.constant 0 : i32
      %dma_wait3A_113 = tpu.memref_slice %arg3[%dma_wait3A_111, %dma_wait3A_112] : memref<270000x128xf32, #tpu.memory_space<hbm>> -> memref<270000x128xf32, #tpu.memory_space<hbm>>
      tpu.wait_indirect_dma semaphore(%arg15 : memref<!tpu.dma_semaphore, #tpu.memory_space<semaphore_mem>>) src(%dma_wait3A_113 : memref<270000x128xf32, #tpu.memory_space<hbm>>) dst(%arg10 : memref<128x128xf32, #tpu.memory_space<vmem>>)
      %run_scoped3A_114 = arith.constant 3 : i32
      %run_scoped3A_115 = arith.constant 2 : i32
      "tpu.region"() ({
        %run_scoped3A_206 = tpu.sem_alloc : memref<!tpu.dma_semaphore, #tpu.memory_space<semaphore_mem>>
        %dma_start3A_207 = arith.constant 0 : i32
        %dma_start3A_208 = tpu.memref_slice %arg5[%run_scoped3A_114, %run_scoped3A_115, %dma_start3A_207] : memref<4x3x128xi32, #tpu.memory_space<vmem>> -> memref<1x1x128xi32, #tpu.memory_space<vmem>>
        %dma_start3A_209 = tpu.memref_squeeze %dma_start3A_208 : memref<1x1x128xi32, #tpu.memory_space<vmem>> -> memref<128xi32, #tpu.memory_space<vmem>>
        %dma_start3A_210 = arith.constant 0 : i32
        %dma_start3A_211 = arith.constant 0 : i32
        %dma_start3A_212 = tpu.memref_slice %arg11[%dma_start3A_210, %dma_start3A_211] : memref<10008x128xf32, #tpu.memory_space<vmem_shared>> -> memref<10008x128xf32, #tpu.memory_space<vmem_shared>>
        tpu.enqueue_indirect_dma source(%arg10 : memref<128x128xf32, #tpu.memory_space<vmem>>) target(%dma_start3A_212 : memref<10008x128xf32, #tpu.memory_space<vmem_shared>>) offsets(%dma_start3A_209 : memref<128xi32, #tpu.memory_space<vmem>>) semaphore(%run_scoped3A_206 : memref<!tpu.dma_semaphore, #tpu.memory_space<semaphore_mem>>) {add = true}
        %dma_wait3A_213 = arith.constant 0 : i32
        %dma_wait3A_214 = tpu.memref_slice %arg5[%run_scoped3A_114, %run_scoped3A_115, %dma_wait3A_213] : memref<4x3x128xi32, #tpu.memory_space<vmem>> -> memref<1x1x128xi32, #tpu.memory_space<vmem>>
        %dma_wait3A_215 = tpu.memref_squeeze %dma_wait3A_214 : memref<1x1x128xi32, #tpu.memory_space<vmem>> -> memref<128xi32, #tpu.memory_space<vmem>>
        %dma_wait3A_216 = arith.constant 0 : i32
        %dma_wait3A_217 = arith.constant 0 : i32
        %dma_wait3A_218 = tpu.memref_slice %arg11[%dma_wait3A_216, %dma_wait3A_217] : memref<10008x128xf32, #tpu.memory_space<vmem_shared>> -> memref<10008x128xf32, #tpu.memory_space<vmem_shared>>
        tpu.wait_indirect_dma semaphore(%run_scoped3A_206 : memref<!tpu.dma_semaphore, #tpu.memory_space<semaphore_mem>>) src(%arg10 : memref<128x128xf32, #tpu.memory_space<vmem>>) dst(%dma_wait3A_218 : memref<10008x128xf32, #tpu.memory_space<vmem_shared>>)
        tpu.yield
      }) : () -> ()
      %mul3A_116 = arith.constant 2 : i32
      %mul3A_117 = arith.muli %mul3A_116, %scan3A_29 : i32
      %add3A_118 = arith.constant 1 : i32
      %add3A_119 = arith.addi %mul3A_117, %add3A_118 : i32
      %mul3A_120 = arith.constant 4 : i32
      %mul3A_121 = arith.muli %add3A_119, %mul3A_120 : i32
      %add3A_122 = arith.addi %add3A, %mul3A_121 : i32
      %dma_wait3A_123 = arith.constant 0 : i32
      %dma_wait3A_124 = arith.constant 0 : i32
      %dma_wait3A_125 = tpu.memref_slice %arg2[%add3A_122, %dma_wait3A_123, %dma_wait3A_124] : memref<1280x3x128xi32, #tpu.memory_space<hbm>> -> memref<4x3x128xi32, #tpu.memory_space<hbm>>
      %dma_wait3A_126 = arith.constant 0 : i32
      %dma_wait3A_127 = arith.constant 0 : i32
      %dma_wait3A_128 = tpu.memref_slice %arg2[%add3A_122, %dma_wait3A_126, %dma_wait3A_127] : memref<1280x3x128xi32, #tpu.memory_space<hbm>> -> memref<4x3x128xi32, #tpu.memory_space<hbm>>
      tpu.wait_dma2 semaphore(%arg13 : memref<!tpu.dma_semaphore, #tpu.memory_space<semaphore_mem>>) src(%dma_wait3A_128 : memref<4x3x128xi32, #tpu.memory_space<hbm>>) dst(%arg6 : memref<4x3x128xi32, #tpu.memory_space<vmem>>)
      %lt3A_129 = arith.constant 9 : i32
      %lt3A_130 = arith.cmpi slt, %add3A_119, %lt3A_129 : i32
      %convert_element_type3A_131 = arith.extui %lt3A_130 : i1 to i32
      %cond3A_132 = arith.constant 0 : i32
      %cond3A_133 = arith.cmpi ne, %convert_element_type3A_131, %cond3A_132 : i32
      scf.if %cond3A_133 {
        %add3A_206 = arith.constant 1 : i32
        %add3A_207 = arith.addi %add3A_119, %add3A_206 : i32
        %mul3A_208 = arith.constant 4 : i32
        %mul3A_209 = arith.muli %add3A_207, %mul3A_208 : i32
        %add3A_210 = arith.addi %add3A, %mul3A_209 : i32
        %dma_start3A_211 = arith.constant 0 : i32
        %dma_start3A_212 = arith.constant 0 : i32
        %dma_start3A_213 = tpu.memref_slice %arg2[%add3A_210, %dma_start3A_211, %dma_start3A_212] : memref<1280x3x128xi32, #tpu.memory_space<hbm>> -> memref<4x3x128xi32, #tpu.memory_space<hbm>>
        %dma_start3A_214 = arith.constant 0 : i32
        %dma_start3A_215 = arith.constant 0 : i32
        %dma_start3A_216 = tpu.memref_slice %arg2[%add3A_210, %dma_start3A_214, %dma_start3A_215] : memref<1280x3x128xi32, #tpu.memory_space<hbm>> -> memref<4x3x128xi32, #tpu.memory_space<hbm>>
        tpu.enqueue_dma source(%dma_start3A_216 : memref<4x3x128xi32, #tpu.memory_space<hbm>>) target(%arg5 : memref<4x3x128xi32, #tpu.memory_space<vmem>>) target_semaphore(%arg12 : memref<!tpu.dma_semaphore, #tpu.memory_space<semaphore_mem>>)
      } else {
      }
      %scan3A_134 = arith.constant 0 : i32
      %scan3A_135 = arith.constant 0 : i32
      %scan3A_136 = arith.constant 4 : i32
      %scan3A_137 = arith.addi %scan3A_135, %scan3A_136 : i32
      %scan3A_138 = arith.constant 1 : i32
      %scan3A_139 = scf.for %scan3A_206 = %scan3A_135 to %scan3A_137 step %scan3A_138 iter_args(%scan3A_207 = %scan3A_134) -> (i32)  : i32 {
        %get3A = arith.constant 0 : i32
        %get3A_208 = arith.index_cast %scan3A_206 : i32 to index
        %get3A_209 = arith.index_cast %get3A : i32 to index
        %get3A_210 = arith.constant 0 : index
        %get3A_211 = tpu.vector_load %arg6[%get3A_208, %get3A_209, %get3A_210] {strides = array<i32>} : memref<4x3x128xi32, #tpu.memory_space<vmem>>, vector<1x1x16xi32>,
        %get3A_212 = vector.shape_cast %get3A_211 : vector<1x1x16xi32> to vector<16xi32>
        %mul3A_213 = arith.constant 27 : i32
        %mul3A_214 = vector.broadcast %mul3A_213 : i32 to vector<16xi32>
        %mul3A_215 = arith.muli %get3A_212, %mul3A_214 : vector<16xi32>
        %get3A_216 = arith.constant 1 : i32
        %get3A_217 = arith.index_cast %scan3A_206 : i32 to index
        %get3A_218 = arith.index_cast %get3A_216 : i32 to index
        %get3A_219 = arith.constant 0 : index
        %get3A_220 = tpu.vector_load %arg6[%get3A_217, %get3A_218, %get3A_219] {strides = array<i32>} : memref<4x3x128xi32, #tpu.memory_space<vmem>>, vector<1x1x16xi32>,
        %get3A_221 = vector.shape_cast %get3A_220 : vector<1x1x16xi32> to vector<16xi32>
        %add3A_222 = arith.addi %mul3A_215, %get3A_221 : vector<16xi32>
        %swap3A = arith.index_cast %scan3A_206 : i32 to index
        %swap3A_223 = arith.constant 0 : index
        %swap3A_224 = tpu.vector_load %arg8[%swap3A, %swap3A_223] {strides = array<i32>} : memref<4x128xi32, #tpu.memory_space<vmem>>, vector<1x16xi32>,
        %swap3A_225 = vector.shape_cast %swap3A_224 : vector<1x16xi32> to vector<16xi32>
        %swap3A_226 = vector.shape_cast %add3A_222 : vector<16xi32> to vector<1x16xi32>
        tpu.vector_store %arg8[%swap3A, %swap3A_223], %swap3A_226 {strides = array<i32>} : memref<4x128xi32, #tpu.memory_space<vmem>>, vector<1x16xi32>,
        %get3A_227 = arith.constant 0 : i32
        %get3A_228 = arith.index_cast %scan3A_206 : i32 to index
        %get3A_229 = arith.index_cast %get3A_227 : i32 to index
        %get3A_230 = arith.constant 16 : index
        %get3A_231 = tpu.vector_load %arg6[%get3A_228, %get3A_229, %get3A_230] {strides = array<i32>} : memref<4x3x128xi32, #tpu.memory_space<vmem>>, vector<1x1x16xi32>,
        %get3A_232 = vector.shape_cast %get3A_231 : vector<1x1x16xi32> to vector<16xi32>
        %mul3A_233 = arith.constant 27 : i32
        %mul3A_234 = vector.broadcast %mul3A_233 : i32 to vector<16xi32>
        %mul3A_235 = arith.muli %get3A_232, %mul3A_234 : vector<16xi32>
        %get3A_236 = arith.constant 1 : i32
        %get3A_237 = arith.index_cast %scan3A_206 : i32 to index
        %get3A_238 = arith.index_cast %get3A_236 : i32 to index
        %get3A_239 = arith.constant 16 : index
        %get3A_240 = tpu.vector_load %arg6[%get3A_237, %get3A_238, %get3A_239] {strides = array<i32>} : memref<4x3x128xi32, #tpu.memory_space<vmem>>, vector<1x1x16xi32>,
        %get3A_241 = vector.shape_cast %get3A_240 : vector<1x1x16xi32> to vector<16xi32>
        %add3A_242 = arith.addi %mul3A_235, %get3A_241 : vector<16xi32>
        %swap3A_243 = arith.index_cast %scan3A_206 : i32 to index
        %swap3A_244 = arith.constant 16 : index
        %swap3A_245 = tpu.vector_load %arg8[%swap3A_243, %swap3A_244] {strides = array<i32>} : memref<4x128xi32, #tpu.memory_space<vmem>>, vector<1x16xi32>,
        %swap3A_246 = vector.shape_cast %swap3A_245 : vector<1x16xi32> to vector<16xi32>
        %swap3A_247 = vector.shape_cast %add3A_242 : vector<16xi32> to vector<1x16xi32>
        tpu.vector_store %arg8[%swap3A_243, %swap3A_244], %swap3A_247 {strides = array<i32>} : memref<4x128xi32, #tpu.memory_space<vmem>>, vector<1x16xi32>,
        %get3A_248 = arith.constant 0 : i32
        %get3A_249 = arith.index_cast %scan3A_206 : i32 to index
        %get3A_250 = arith.index_cast %get3A_248 : i32 to index
        %get3A_251 = arith.constant 32 : index
        %get3A_252 = tpu.vector_load %arg6[%get3A_249, %get3A_250, %get3A_251] {strides = array<i32>} : memref<4x3x128xi32, #tpu.memory_space<vmem>>, vector<1x1x16xi32>,
        %get3A_253 = vector.shape_cast %get3A_252 : vector<1x1x16xi32> to vector<16xi32>
        %mul3A_254 = arith.constant 27 : i32
        %mul3A_255 = vector.broadcast %mul3A_254 : i32 to vector<16xi32>
        %mul3A_256 = arith.muli %get3A_253, %mul3A_255 : vector<16xi32>
        %get3A_257 = arith.constant 1 : i32
        %get3A_258 = arith.index_cast %scan3A_206 : i32 to index
        %get3A_259 = arith.index_cast %get3A_257 : i32 to index
        %get3A_260 = arith.constant 32 : index
        %get3A_261 = tpu.vector_load %arg6[%get3A_258, %get3A_259, %get3A_260] {strides = array<i32>} : memref<4x3x128xi32, #tpu.memory_space<vmem>>, vector<1x1x16xi32>,
        %get3A_262 = vector.shape_cast %get3A_261 : vector<1x1x16xi32> to vector<16xi32>
        %add3A_263 = arith.addi %mul3A_256, %get3A_262 : vector<16xi32>
        %swap3A_264 = arith.index_cast %scan3A_206 : i32 to index
        %swap3A_265 = arith.constant 32 : index
        %swap3A_266 = tpu.vector_load %arg8[%swap3A_264, %swap3A_265] {strides = array<i32>} : memref<4x128xi32, #tpu.memory_space<vmem>>, vector<1x16xi32>,
        %swap3A_267 = vector.shape_cast %swap3A_266 : vector<1x16xi32> to vector<16xi32>
        %swap3A_268 = vector.shape_cast %add3A_263 : vector<16xi32> to vector<1x16xi32>
        tpu.vector_store %arg8[%swap3A_264, %swap3A_265], %swap3A_268 {strides = array<i32>} : memref<4x128xi32, #tpu.memory_space<vmem>>, vector<1x16xi32>,
        %get3A_269 = arith.constant 0 : i32
        %get3A_270 = arith.index_cast %scan3A_206 : i32 to index
        %get3A_271 = arith.index_cast %get3A_269 : i32 to index
        %get3A_272 = arith.constant 48 : index
        %get3A_273 = tpu.vector_load %arg6[%get3A_270, %get3A_271, %get3A_272] {strides = array<i32>} : memref<4x3x128xi32, #tpu.memory_space<vmem>>, vector<1x1x16xi32>,
        %get3A_274 = vector.shape_cast %get3A_273 : vector<1x1x16xi32> to vector<16xi32>
        %mul3A_275 = arith.constant 27 : i32
        %mul3A_276 = vector.broadcast %mul3A_275 : i32 to vector<16xi32>
        %mul3A_277 = arith.muli %get3A_274, %mul3A_276 : vector<16xi32>
        %get3A_278 = arith.constant 1 : i32
        %get3A_279 = arith.index_cast %scan3A_206 : i32 to index
        %get3A_280 = arith.index_cast %get3A_278 : i32 to index
        %get3A_281 = arith.constant 48 : index
        %get3A_282 = tpu.vector_load %arg6[%get3A_279, %get3A_280, %get3A_281] {strides = array<i32>} : memref<4x3x128xi32, #tpu.memory_space<vmem>>, vector<1x1x16xi32>,
        %get3A_283 = vector.shape_cast %get3A_282 : vector<1x1x16xi32> to vector<16xi32>
        %add3A_284 = arith.addi %mul3A_277, %get3A_283 : vector<16xi32>
        %swap3A_285 = arith.index_cast %scan3A_206 : i32 to index
        %swap3A_286 = arith.constant 48 : index
        %swap3A_287 = tpu.vector_load %arg8[%swap3A_285, %swap3A_286] {strides = array<i32>} : memref<4x128xi32, #tpu.memory_space<vmem>>, vector<1x16xi32>,
        %swap3A_288 = vector.shape_cast %swap3A_287 : vector<1x16xi32> to vector<16xi32>
        %swap3A_289 = vector.shape_cast %add3A_284 : vector<16xi32> to vector<1x16xi32>
        tpu.vector_store %arg8[%swap3A_285, %swap3A_286], %swap3A_289 {strides = array<i32>} : memref<4x128xi32, #tpu.memory_space<vmem>>, vector<1x16xi32>,
        %get3A_290 = arith.constant 0 : i32
        %get3A_291 = arith.index_cast %scan3A_206 : i32 to index
        %get3A_292 = arith.index_cast %get3A_290 : i32 to index
        %get3A_293 = arith.constant 64 : index
        %get3A_294 = tpu.vector_load %arg6[%get3A_291, %get3A_292, %get3A_293] {strides = array<i32>} : memref<4x3x128xi32, #tpu.memory_space<vmem>>, vector<1x1x16xi32>,
        %get3A_295 = vector.shape_cast %get3A_294 : vector<1x1x16xi32> to vector<16xi32>
        %mul3A_296 = arith.constant 27 : i32
        %mul3A_297 = vector.broadcast %mul3A_296 : i32 to vector<16xi32>
        %mul3A_298 = arith.muli %get3A_295, %mul3A_297 : vector<16xi32>
        %get3A_299 = arith.constant 1 : i32
        %get3A_300 = arith.index_cast %scan3A_206 : i32 to index
        %get3A_301 = arith.index_cast %get3A_299 : i32 to index
        %get3A_302 = arith.constant 64 : index
        %get3A_303 = tpu.vector_load %arg6[%get3A_300, %get3A_301, %get3A_302] {strides = array<i32>} : memref<4x3x128xi32, #tpu.memory_space<vmem>>, vector<1x1x16xi32>,
        %get3A_304 = vector.shape_cast %get3A_303 : vector<1x1x16xi32> to vector<16xi32>
        %add3A_305 = arith.addi %mul3A_298, %get3A_304 : vector<16xi32>
        %swap3A_306 = arith.index_cast %scan3A_206 : i32 to index
        %swap3A_307 = arith.constant 64 : index
        %swap3A_308 = tpu.vector_load %arg8[%swap3A_306, %swap3A_307] {strides = array<i32>} : memref<4x128xi32, #tpu.memory_space<vmem>>, vector<1x16xi32>,
        %swap3A_309 = vector.shape_cast %swap3A_308 : vector<1x16xi32> to vector<16xi32>
        %swap3A_310 = vector.shape_cast %add3A_305 : vector<16xi32> to vector<1x16xi32>
        tpu.vector_store %arg8[%swap3A_306, %swap3A_307], %swap3A_310 {strides = array<i32>} : memref<4x128xi32, #tpu.memory_space<vmem>>, vector<1x16xi32>,
        %get3A_311 = arith.constant 0 : i32
        %get3A_312 = arith.index_cast %scan3A_206 : i32 to index
        %get3A_313 = arith.index_cast %get3A_311 : i32 to index
        %get3A_314 = arith.constant 80 : index
        %get3A_315 = tpu.vector_load %arg6[%get3A_312, %get3A_313, %get3A_314] {strides = array<i32>} : memref<4x3x128xi32, #tpu.memory_space<vmem>>, vector<1x1x16xi32>,
        %get3A_316 = vector.shape_cast %get3A_315 : vector<1x1x16xi32> to vector<16xi32>
        %mul3A_317 = arith.constant 27 : i32
        %mul3A_318 = vector.broadcast %mul3A_317 : i32 to vector<16xi32>
        %mul3A_319 = arith.muli %get3A_316, %mul3A_318 : vector<16xi32>
        %get3A_320 = arith.constant 1 : i32
        %get3A_321 = arith.index_cast %scan3A_206 : i32 to index
        %get3A_322 = arith.index_cast %get3A_320 : i32 to index
        %get3A_323 = arith.constant 80 : index
        %get3A_324 = tpu.vector_load %arg6[%get3A_321, %get3A_322, %get3A_323] {strides = array<i32>} : memref<4x3x128xi32, #tpu.memory_space<vmem>>, vector<1x1x16xi32>,
        %get3A_325 = vector.shape_cast %get3A_324 : vector<1x1x16xi32> to vector<16xi32>
        %add3A_326 = arith.addi %mul3A_319, %get3A_325 : vector<16xi32>
        %swap3A_327 = arith.index_cast %scan3A_206 : i32 to index
        %swap3A_328 = arith.constant 80 : index
        %swap3A_329 = tpu.vector_load %arg8[%swap3A_327, %swap3A_328] {strides = array<i32>} : memref<4x128xi32, #tpu.memory_space<vmem>>, vector<1x16xi32>,
        %swap3A_330 = vector.shape_cast %swap3A_329 : vector<1x16xi32> to vector<16xi32>
        %swap3A_331 = vector.shape_cast %add3A_326 : vector<16xi32> to vector<1x16xi32>
        tpu.vector_store %arg8[%swap3A_327, %swap3A_328], %swap3A_331 {strides = array<i32>} : memref<4x128xi32, #tpu.memory_space<vmem>>, vector<1x16xi32>,
        %get3A_332 = arith.constant 0 : i32
        %get3A_333 = arith.index_cast %scan3A_206 : i32 to index
        %get3A_334 = arith.index_cast %get3A_332 : i32 to index
        %get3A_335 = arith.constant 96 : index
        %get3A_336 = tpu.vector_load %arg6[%get3A_333, %get3A_334, %get3A_335] {strides = array<i32>} : memref<4x3x128xi32, #tpu.memory_space<vmem>>, vector<1x1x16xi32>,
        %get3A_337 = vector.shape_cast %get3A_336 : vector<1x1x16xi32> to vector<16xi32>
        %mul3A_338 = arith.constant 27 : i32
        %mul3A_339 = vector.broadcast %mul3A_338 : i32 to vector<16xi32>
        %mul3A_340 = arith.muli %get3A_337, %mul3A_339 : vector<16xi32>
        %get3A_341 = arith.constant 1 : i32
        %get3A_342 = arith.index_cast %scan3A_206 : i32 to index
        %get3A_343 = arith.index_cast %get3A_341 : i32 to index
        %get3A_344 = arith.constant 96 : index
        %get3A_345 = tpu.vector_load %arg6[%get3A_342, %get3A_343, %get3A_344] {strides = array<i32>} : memref<4x3x128xi32, #tpu.memory_space<vmem>>, vector<1x1x16xi32>,
        %get3A_346 = vector.shape_cast %get3A_345 : vector<1x1x16xi32> to vector<16xi32>
        %add3A_347 = arith.addi %mul3A_340, %get3A_346 : vector<16xi32>
        %swap3A_348 = arith.index_cast %scan3A_206 : i32 to index
        %swap3A_349 = arith.constant 96 : index
        %swap3A_350 = tpu.vector_load %arg8[%swap3A_348, %swap3A_349] {strides = array<i32>} : memref<4x128xi32, #tpu.memory_space<vmem>>, vector<1x16xi32>,
        %swap3A_351 = vector.shape_cast %swap3A_350 : vector<1x16xi32> to vector<16xi32>
        %swap3A_352 = vector.shape_cast %add3A_347 : vector<16xi32> to vector<1x16xi32>
        tpu.vector_store %arg8[%swap3A_348, %swap3A_349], %swap3A_352 {strides = array<i32>} : memref<4x128xi32, #tpu.memory_space<vmem>>, vector<1x16xi32>,
        %get3A_353 = arith.constant 0 : i32
        %get3A_354 = arith.index_cast %scan3A_206 : i32 to index
        %get3A_355 = arith.index_cast %get3A_353 : i32 to index
        %get3A_356 = arith.constant 112 : index
        %get3A_357 = tpu.vector_load %arg6[%get3A_354, %get3A_355, %get3A_356] {strides = array<i32>} : memref<4x3x128xi32, #tpu.memory_space<vmem>>, vector<1x1x16xi32>,
        %get3A_358 = vector.shape_cast %get3A_357 : vector<1x1x16xi32> to vector<16xi32>
        %mul3A_359 = arith.constant 27 : i32
        %mul3A_360 = vector.broadcast %mul3A_359 : i32 to vector<16xi32>
        %mul3A_361 = arith.muli %get3A_358, %mul3A_360 : vector<16xi32>
        %get3A_362 = arith.constant 1 : i32
        %get3A_363 = arith.index_cast %scan3A_206 : i32 to index
        %get3A_364 = arith.index_cast %get3A_362 : i32 to index
        %get3A_365 = arith.constant 112 : index
        %get3A_366 = tpu.vector_load %arg6[%get3A_363, %get3A_364, %get3A_365] {strides = array<i32>} : memref<4x3x128xi32, #tpu.memory_space<vmem>>, vector<1x1x16xi32>,
        %get3A_367 = vector.shape_cast %get3A_366 : vector<1x1x16xi32> to vector<16xi32>
        %add3A_368 = arith.addi %mul3A_361, %get3A_367 : vector<16xi32>
        %swap3A_369 = arith.index_cast %scan3A_206 : i32 to index
        %swap3A_370 = arith.constant 112 : index
        %swap3A_371 = tpu.vector_load %arg8[%swap3A_369, %swap3A_370] {strides = array<i32>} : memref<4x128xi32, #tpu.memory_space<vmem>>, vector<1x16xi32>,
        %swap3A_372 = vector.shape_cast %swap3A_371 : vector<1x16xi32> to vector<16xi32>
        %swap3A_373 = vector.shape_cast %add3A_368 : vector<16xi32> to vector<1x16xi32>
        tpu.vector_store %arg8[%swap3A_369, %swap3A_370], %swap3A_373 {strides = array<i32>} : memref<4x128xi32, #tpu.memory_space<vmem>>, vector<1x16xi32>,
        %scan3A_374 = arith.constant 0 : i32
        scf.yield %scan3A_374 : i32
      }
      %scan3A_140 = arith.constant 4 : i32
      %dma_start3A_141 = arith.constant 0 : i32
      %dma_start3A_142 = arith.constant 0 : i32
      %dma_start3A_143 = tpu.memref_slice %arg8[%dma_start3A_141, %dma_start3A_142] : memref<4x128xi32, #tpu.memory_space<vmem>> -> memref<1x128xi32, #tpu.memory_space<vmem>>
      %dma_start3A_144 = tpu.memref_squeeze %dma_start3A_143 : memref<1x128xi32, #tpu.memory_space<vmem>> -> memref<128xi32, #tpu.memory_space<vmem>>
      %dma_start3A_145 = arith.constant 0 : i32
      %dma_start3A_146 = arith.constant 0 : i32
      %dma_start3A_147 = tpu.memref_slice %arg3[%dma_start3A_145, %dma_start3A_146] : memref<270000x128xf32, #tpu.memory_space<hbm>> -> memref<270000x128xf32, #tpu.memory_space<hbm>>
      tpu.enqueue_indirect_dma source(%dma_start3A_147 : memref<270000x128xf32, #tpu.memory_space<hbm>>) target(%arg9 : memref<128x128xf32, #tpu.memory_space<vmem>>) offsets(%dma_start3A_144 : memref<128xi32, #tpu.memory_space<vmem>>) semaphore(%arg14 : memref<!tpu.dma_semaphore, #tpu.memory_space<semaphore_mem>>)
      %dma_start3A_148 = arith.constant 1 : i32
      %dma_start3A_149 = arith.constant 0 : i32
      %dma_start3A_150 = tpu.memref_slice %arg8[%dma_start3A_148, %dma_start3A_149] : memref<4x128xi32, #tpu.memory_space<vmem>> -> memref<1x128xi32, #tpu.memory_space<vmem>>
      %dma_start3A_151 = tpu.memref_squeeze %dma_start3A_150 : memref<1x128xi32, #tpu.memory_space<vmem>> -> memref<128xi32, #tpu.memory_space<vmem>>
      %dma_start3A_152 = arith.constant 0 : i32
      %dma_start3A_153 = arith.constant 0 : i32
      %dma_start3A_154 = tpu.memref_slice %arg3[%dma_start3A_152, %dma_start3A_153] : memref<270000x128xf32, #tpu.memory_space<hbm>> -> memref<270000x128xf32, #tpu.memory_space<hbm>>
      tpu.enqueue_indirect_dma source(%dma_start3A_154 : memref<270000x128xf32, #tpu.memory_space<hbm>>) target(%arg10 : memref<128x128xf32, #tpu.memory_space<vmem>>) offsets(%dma_start3A_151 : memref<128xi32, #tpu.memory_space<vmem>>) semaphore(%arg15 : memref<!tpu.dma_semaphore, #tpu.memory_space<semaphore_mem>>)
      %dma_wait3A_155 = arith.constant 0 : i32
      %dma_wait3A_156 = arith.constant 0 : i32
      %dma_wait3A_157 = tpu.memref_slice %arg8[%dma_wait3A_155, %dma_wait3A_156] : memref<4x128xi32, #tpu.memory_space<vmem>> -> memref<1x128xi32, #tpu.memory_space<vmem>>
      %dma_wait3A_158 = tpu.memref_squeeze %dma_wait3A_157 : memref<1x128xi32, #tpu.memory_space<vmem>> -> memref<128xi32, #tpu.memory_space<vmem>>
      %dma_wait3A_159 = arith.constant 0 : i32
      %dma_wait3A_160 = arith.constant 0 : i32
      %dma_wait3A_161 = tpu.memref_slice %arg3[%dma_wait3A_159, %dma_wait3A_160] : memref<270000x128xf32, #tpu.memory_space<hbm>> -> memref<270000x128xf32, #tpu.memory_space<hbm>>
      tpu.wait_indirect_dma semaphore(%arg14 : memref<!tpu.dma_semaphore, #tpu.memory_space<semaphore_mem>>) src(%dma_wait3A_161 : memref<270000x128xf32, #tpu.memory_space<hbm>>) dst(%arg9 : memref<128x128xf32, #tpu.memory_space<vmem>>)
      %run_scoped3A_162 = arith.constant 0 : i32
      %run_scoped3A_163 = arith.constant 2 : i32
      "tpu.region"() ({
        %run_scoped3A_206 = tpu.sem_alloc : memref<!tpu.dma_semaphore, #tpu.memory_space<semaphore_mem>>
        %dma_start3A_207 = arith.constant 0 : i32
        %dma_start3A_208 = tpu.memref_slice %arg6[%run_scoped3A_162, %run_scoped3A_163, %dma_start3A_207] : memref<4x3x128xi32, #tpu.memory_space<vmem>> -> memref<1x1x128xi32, #tpu.memory_space<vmem>>
        %dma_start3A_209 = tpu.memref_squeeze %dma_start3A_208 : memref<1x1x128xi32, #tpu.memory_space<vmem>> -> memref<128xi32, #tpu.memory_space<vmem>>
        %dma_start3A_210 = arith.constant 0 : i32
        %dma_start3A_211 = arith.constant 0 : i32
        %dma_start3A_212 = tpu.memref_slice %arg11[%dma_start3A_210, %dma_start3A_211] : memref<10008x128xf32, #tpu.memory_space<vmem_shared>> -> memref<10008x128xf32, #tpu.memory_space<vmem_shared>>
        tpu.enqueue_indirect_dma source(%arg9 : memref<128x128xf32, #tpu.memory_space<vmem>>) target(%dma_start3A_212 : memref<10008x128xf32, #tpu.memory_space<vmem_shared>>) offsets(%dma_start3A_209 : memref<128xi32, #tpu.memory_space<vmem>>) semaphore(%run_scoped3A_206 : memref<!tpu.dma_semaphore, #tpu.memory_space<semaphore_mem>>) {add = true}
        %dma_wait3A_213 = arith.constant 0 : i32
        %dma_wait3A_214 = tpu.memref_slice %arg6[%run_scoped3A_162, %run_scoped3A_163, %dma_wait3A_213] : memref<4x3x128xi32, #tpu.memory_space<vmem>> -> memref<1x1x128xi32, #tpu.memory_space<vmem>>
        %dma_wait3A_215 = tpu.memref_squeeze %dma_wait3A_214 : memref<1x1x128xi32, #tpu.memory_space<vmem>> -> memref<128xi32, #tpu.memory_space<vmem>>
        %dma_wait3A_216 = arith.constant 0 : i32
        %dma_wait3A_217 = arith.constant 0 : i32
        %dma_wait3A_218 = tpu.memref_slice %arg11[%dma_wait3A_216, %dma_wait3A_217] : memref<10008x128xf32, #tpu.memory_space<vmem_shared>> -> memref<10008x128xf32, #tpu.memory_space<vmem_shared>>
        tpu.wait_indirect_dma semaphore(%run_scoped3A_206 : memref<!tpu.dma_semaphore, #tpu.memory_space<semaphore_mem>>) src(%arg9 : memref<128x128xf32, #tpu.memory_space<vmem>>) dst(%dma_wait3A_218 : memref<10008x128xf32, #tpu.memory_space<vmem_shared>>)
        tpu.yield
      }) : () -> ()
      %dma_start3A_164 = arith.constant 2 : i32
      %dma_start3A_165 = arith.constant 0 : i32
      %dma_start3A_166 = tpu.memref_slice %arg8[%dma_start3A_164, %dma_start3A_165] : memref<4x128xi32, #tpu.memory_space<vmem>> -> memref<1x128xi32, #tpu.memory_space<vmem>>
      %dma_start3A_167 = tpu.memref_squeeze %dma_start3A_166 : memref<1x128xi32, #tpu.memory_space<vmem>> -> memref<128xi32, #tpu.memory_space<vmem>>
      %dma_start3A_168 = arith.constant 0 : i32
      %dma_start3A_169 = arith.constant 0 : i32
      %dma_start3A_170 = tpu.memref_slice %arg3[%dma_start3A_168, %dma_start3A_169] : memref<270000x128xf32, #tpu.memory_space<hbm>> -> memref<270000x128xf32, #tpu.memory_space<hbm>>
      tpu.enqueue_indirect_dma source(%dma_start3A_170 : memref<270000x128xf32, #tpu.memory_space<hbm>>) target(%arg9 : memref<128x128xf32, #tpu.memory_space<vmem>>) offsets(%dma_start3A_167 : memref<128xi32, #tpu.memory_space<vmem>>) semaphore(%arg14 : memref<!tpu.dma_semaphore, #tpu.memory_space<semaphore_mem>>)
      %dma_wait3A_171 = arith.constant 1 : i32
      %dma_wait3A_172 = arith.constant 0 : i32
      %dma_wait3A_173 = tpu.memref_slice %arg8[%dma_wait3A_171, %dma_wait3A_172] : memref<4x128xi32, #tpu.memory_space<vmem>> -> memref<1x128xi32, #tpu.memory_space<vmem>>
      %dma_wait3A_174 = tpu.memref_squeeze %dma_wait3A_173 : memref<1x128xi32, #tpu.memory_space<vmem>> -> memref<128xi32, #tpu.memory_space<vmem>>
      %dma_wait3A_175 = arith.constant 0 : i32
      %dma_wait3A_176 = arith.constant 0 : i32
      %dma_wait3A_177 = tpu.memref_slice %arg3[%dma_wait3A_175, %dma_wait3A_176] : memref<270000x128xf32, #tpu.memory_space<hbm>> -> memref<270000x128xf32, #tpu.memory_space<hbm>>
      tpu.wait_indirect_dma semaphore(%arg15 : memref<!tpu.dma_semaphore, #tpu.memory_space<semaphore_mem>>) src(%dma_wait3A_177 : memref<270000x128xf32, #tpu.memory_space<hbm>>) dst(%arg10 : memref<128x128xf32, #tpu.memory_space<vmem>>)
      %run_scoped3A_178 = arith.constant 1 : i32
      %run_scoped3A_179 = arith.constant 2 : i32
      "tpu.region"() ({
        %run_scoped3A_206 = tpu.sem_alloc : memref<!tpu.dma_semaphore, #tpu.memory_space<semaphore_mem>>
        %dma_start3A_207 = arith.constant 0 : i32
        %dma_start3A_208 = tpu.memref_slice %arg6[%run_scoped3A_178, %run_scoped3A_179, %dma_start3A_207] : memref<4x3x128xi32, #tpu.memory_space<vmem>> -> memref<1x1x128xi32, #tpu.memory_space<vmem>>
        %dma_start3A_209 = tpu.memref_squeeze %dma_start3A_208 : memref<1x1x128xi32, #tpu.memory_space<vmem>> -> memref<128xi32, #tpu.memory_space<vmem>>
        %dma_start3A_210 = arith.constant 0 : i32
        %dma_start3A_211 = arith.constant 0 : i32
        %dma_start3A_212 = tpu.memref_slice %arg11[%dma_start3A_210, %dma_start3A_211] : memref<10008x128xf32, #tpu.memory_space<vmem_shared>> -> memref<10008x128xf32, #tpu.memory_space<vmem_shared>>
        tpu.enqueue_indirect_dma source(%arg10 : memref<128x128xf32, #tpu.memory_space<vmem>>) target(%dma_start3A_212 : memref<10008x128xf32, #tpu.memory_space<vmem_shared>>) offsets(%dma_start3A_209 : memref<128xi32, #tpu.memory_space<vmem>>) semaphore(%run_scoped3A_206 : memref<!tpu.dma_semaphore, #tpu.memory_space<semaphore_mem>>) {add = true}
        %dma_wait3A_213 = arith.constant 0 : i32
        %dma_wait3A_214 = tpu.memref_slice %arg6[%run_scoped3A_178, %run_scoped3A_179, %dma_wait3A_213] : memref<4x3x128xi32, #tpu.memory_space<vmem>> -> memref<1x1x128xi32, #tpu.memory_space<vmem>>
        %dma_wait3A_215 = tpu.memref_squeeze %dma_wait3A_214 : memref<1x1x128xi32, #tpu.memory_space<vmem>> -> memref<128xi32, #tpu.memory_space<vmem>>
        %dma_wait3A_216 = arith.constant 0 : i32
        %dma_wait3A_217 = arith.constant 0 : i32
        %dma_wait3A_218 = tpu.memref_slice %arg11[%dma_wait3A_216, %dma_wait3A_217] : memref<10008x128xf32, #tpu.memory_space<vmem_shared>> -> memref<10008x128xf32, #tpu.memory_space<vmem_shared>>
        tpu.wait_indirect_dma semaphore(%run_scoped3A_206 : memref<!tpu.dma_semaphore, #tpu.memory_space<semaphore_mem>>) src(%arg10 : memref<128x128xf32, #tpu.memory_space<vmem>>) dst(%dma_wait3A_218 : memref<10008x128xf32, #tpu.memory_space<vmem_shared>>)
        tpu.yield
      }) : () -> ()
      %dma_start3A_180 = arith.constant 3 : i32
      %dma_start3A_181 = arith.constant 0 : i32
      %dma_start3A_182 = tpu.memref_slice %arg8[%dma_start3A_180, %dma_start3A_181] : memref<4x128xi32, #tpu.memory_space<vmem>> -> memref<1x128xi32, #tpu.memory_space<vmem>>
      %dma_start3A_183 = tpu.memref_squeeze %dma_start3A_182 : memref<1x128xi32, #tpu.memory_space<vmem>> -> memref<128xi32, #tpu.memory_space<vmem>>
      %dma_start3A_184 = arith.constant 0 : i32
      %dma_start3A_185 = arith.constant 0 : i32
      %dma_start3A_186 = tpu.memref_slice %arg3[%dma_start3A_184, %dma_start3A_185] : memref<270000x128xf32, #tpu.memory_space<hbm>> -> memref<270000x128xf32, #tpu.memory_space<hbm>>
      tpu.enqueue_indirect_dma source(%dma_start3A_186 : memref<270000x128xf32, #tpu.memory_space<hbm>>) target(%arg10 : memref<128x128xf32, #tpu.memory_space<vmem>>) offsets(%dma_start3A_183 : memref<128xi32, #tpu.memory_space<vmem>>) semaphore(%arg15 : memref<!tpu.dma_semaphore, #tpu.memory_space<semaphore_mem>>)
      %dma_wait3A_187 = arith.constant 2 : i32
      %dma_wait3A_188 = arith.constant 0 : i32
      %dma_wait3A_189 = tpu.memref_slice %arg8[%dma_wait3A_187, %dma_wait3A_188] : memref<4x128xi32, #tpu.memory_space<vmem>> -> memref<1x128xi32, #tpu.memory_space<vmem>>
      %dma_wait3A_190 = tpu.memref_squeeze %dma_wait3A_189 : memref<1x128xi32, #tpu.memory_space<vmem>> -> memref<128xi32, #tpu.memory_space<vmem>>
      %dma_wait3A_191 = arith.constant 0 : i32
      %dma_wait3A_192 = arith.constant 0 : i32
      %dma_wait3A_193 = tpu.memref_slice %arg3[%dma_wait3A_191, %dma_wait3A_192] : memref<270000x128xf32, #tpu.memory_space<hbm>> -> memref<270000x128xf32, #tpu.memory_space<hbm>>
      tpu.wait_indirect_dma semaphore(%arg14 : memref<!tpu.dma_semaphore, #tpu.memory_space<semaphore_mem>>) src(%dma_wait3A_193 : memref<270000x128xf32, #tpu.memory_space<hbm>>) dst(%arg9 : memref<128x128xf32, #tpu.memory_space<vmem>>)
      %run_scoped3A_194 = arith.constant 2 : i32
      %run_scoped3A_195 = arith.constant 2 : i32
      "tpu.region"() ({
        %run_scoped3A_206 = tpu.sem_alloc : memref<!tpu.dma_semaphore, #tpu.memory_space<semaphore_mem>>
        %dma_start3A_207 = arith.constant 0 : i32
        %dma_start3A_208 = tpu.memref_slice %arg6[%run_scoped3A_194, %run_scoped3A_195, %dma_start3A_207] : memref<4x3x128xi32, #tpu.memory_space<vmem>> -> memref<1x1x128xi32, #tpu.memory_space<vmem>>
        %dma_start3A_209 = tpu.memref_squeeze %dma_start3A_208 : memref<1x1x128xi32, #tpu.memory_space<vmem>> -> memref<128xi32, #tpu.memory_space<vmem>>
        %dma_start3A_210 = arith.constant 0 : i32
        %dma_start3A_211 = arith.constant 0 : i32
        %dma_start3A_212 = tpu.memref_slice %arg11[%dma_start3A_210, %dma_start3A_211] : memref<10008x128xf32, #tpu.memory_space<vmem_shared>> -> memref<10008x128xf32, #tpu.memory_space<vmem_shared>>
        tpu.enqueue_indirect_dma source(%arg9 : memref<128x128xf32, #tpu.memory_space<vmem>>) target(%dma_start3A_212 : memref<10008x128xf32, #tpu.memory_space<vmem_shared>>) offsets(%dma_start3A_209 : memref<128xi32, #tpu.memory_space<vmem>>) semaphore(%run_scoped3A_206 : memref<!tpu.dma_semaphore, #tpu.memory_space<semaphore_mem>>) {add = true}
        %dma_wait3A_213 = arith.constant 0 : i32
        %dma_wait3A_214 = tpu.memref_slice %arg6[%run_scoped3A_194, %run_scoped3A_195, %dma_wait3A_213] : memref<4x3x128xi32, #tpu.memory_space<vmem>> -> memref<1x1x128xi32, #tpu.memory_space<vmem>>
        %dma_wait3A_215 = tpu.memref_squeeze %dma_wait3A_214 : memref<1x1x128xi32, #tpu.memory_space<vmem>> -> memref<128xi32, #tpu.memory_space<vmem>>
        %dma_wait3A_216 = arith.constant 0 : i32
        %dma_wait3A_217 = arith.constant 0 : i32
        %dma_wait3A_218 = tpu.memref_slice %arg11[%dma_wait3A_216, %dma_wait3A_217] : memref<10008x128xf32, #tpu.memory_space<vmem_shared>> -> memref<10008x128xf32, #tpu.memory_space<vmem_shared>>
        tpu.wait_indirect_dma semaphore(%run_scoped3A_206 : memref<!tpu.dma_semaphore, #tpu.memory_space<semaphore_mem>>) src(%arg9 : memref<128x128xf32, #tpu.memory_space<vmem>>) dst(%dma_wait3A_218 : memref<10008x128xf32, #tpu.memory_space<vmem_shared>>)
        tpu.yield
      }) : () -> ()
      %dma_wait3A_196 = arith.constant 3 : i32
      %dma_wait3A_197 = arith.constant 0 : i32
      %dma_wait3A_198 = tpu.memref_slice %arg8[%dma_wait3A_196, %dma_wait3A_197] : memref<4x128xi32, #tpu.memory_space<vmem>> -> memref<1x128xi32, #tpu.memory_space<vmem>>
      %dma_wait3A_199 = tpu.memref_squeeze %dma_wait3A_198 : memref<1x128xi32, #tpu.memory_space<vmem>> -> memref<128xi32, #tpu.memory_space<vmem>>
      %dma_wait3A_200 = arith.constant 0 : i32
      %dma_wait3A_201 = arith.constant 0 : i32
      %dma_wait3A_202 = tpu.memref_slice %arg3[%dma_wait3A_200, %dma_wait3A_201] : memref<270000x128xf32, #tpu.memory_space<hbm>> -> memref<270000x128xf32, #tpu.memory_space<hbm>>
      tpu.wait_indirect_dma semaphore(%arg15 : memref<!tpu.dma_semaphore, #tpu.memory_space<semaphore_mem>>) src(%dma_wait3A_202 : memref<270000x128xf32, #tpu.memory_space<hbm>>) dst(%arg10 : memref<128x128xf32, #tpu.memory_space<vmem>>)
      %run_scoped3A_203 = arith.constant 3 : i32
      %run_scoped3A_204 = arith.constant 2 : i32
      "tpu.region"() ({
        %run_scoped3A_206 = tpu.sem_alloc : memref<!tpu.dma_semaphore, #tpu.memory_space<semaphore_mem>>
        %dma_start3A_207 = arith.constant 0 : i32
        %dma_start3A_208 = tpu.memref_slice %arg6[%run_scoped3A_203, %run_scoped3A_204, %dma_start3A_207] : memref<4x3x128xi32, #tpu.memory_space<vmem>> -> memref<1x1x128xi32, #tpu.memory_space<vmem>>
        %dma_start3A_209 = tpu.memref_squeeze %dma_start3A_208 : memref<1x1x128xi32, #tpu.memory_space<vmem>> -> memref<128xi32, #tpu.memory_space<vmem>>
        %dma_start3A_210 = arith.constant 0 : i32
        %dma_start3A_211 = arith.constant 0 : i32
        %dma_start3A_212 = tpu.memref_slice %arg11[%dma_start3A_210, %dma_start3A_211] : memref<10008x128xf32, #tpu.memory_space<vmem_shared>> -> memref<10008x128xf32, #tpu.memory_space<vmem_shared>>
        tpu.enqueue_indirect_dma source(%arg10 : memref<128x128xf32, #tpu.memory_space<vmem>>) target(%dma_start3A_212 : memref<10008x128xf32, #tpu.memory_space<vmem_shared>>) offsets(%dma_start3A_209 : memref<128xi32, #tpu.memory_space<vmem>>) semaphore(%run_scoped3A_206 : memref<!tpu.dma_semaphore, #tpu.memory_space<semaphore_mem>>) {add = true}
        %dma_wait3A_213 = arith.constant 0 : i32
        %dma_wait3A_214 = tpu.memref_slice %arg6[%run_scoped3A_203, %run_scoped3A_204, %dma_wait3A_213] : memref<4x3x128xi32, #tpu.memory_space<vmem>> -> memref<1x1x128xi32, #tpu.memory_space<vmem>>
        %dma_wait3A_215 = tpu.memref_squeeze %dma_wait3A_214 : memref<1x1x128xi32, #tpu.memory_space<vmem>> -> memref<128xi32, #tpu.memory_space<vmem>>
        %dma_wait3A_216 = arith.constant 0 : i32
        %dma_wait3A_217 = arith.constant 0 : i32
        %dma_wait3A_218 = tpu.memref_slice %arg11[%dma_wait3A_216, %dma_wait3A_217] : memref<10008x128xf32, #tpu.memory_space<vmem_shared>> -> memref<10008x128xf32, #tpu.memory_space<vmem_shared>>
        tpu.wait_indirect_dma semaphore(%run_scoped3A_206 : memref<!tpu.dma_semaphore, #tpu.memory_space<semaphore_mem>>) src(%arg10 : memref<128x128xf32, #tpu.memory_space<vmem>>) dst(%dma_wait3A_218 : memref<10008x128xf32, #tpu.memory_space<vmem_shared>>)
        tpu.yield
      }) : () -> ()
      %scan3A_205 = arith.constant 0 : i32
      scf.yield %scan3A_205 : i32
    }
    %scan3A_22 = arith.constant 5 : i32
    %barrier3A_23 = arith.constant 0 : index
    tpu.barrier barrier_id(%barrier3A_23)
    %lt3A_24 = arith.constant 10 : i32
    %lt3A_25 = arith.cmpi slt, %arg1, %lt3A_24 : i32
    %convert_element_type3A_26 = arith.extui %lt3A_25 : i1 to i32
    %cond3A_27 = arith.constant 0 : i32
    %cond3A_28 = arith.cmpi ne, %convert_element_type3A_26, %cond3A_27 : i32
    scf.if %cond3A_28 {
      %mul3A_29 = arith.constant 1000 : i32
      %mul3A_30 = arith.muli %arg1, %mul3A_29 : i32
      %mul3A_31 = arith.constant 10000 : i32
      %mul3A_32 = arith.muli %arg0, %mul3A_31 : i32
      %add3A_33 = arith.addi %mul3A_32, %mul3A_30 : i32
      "tpu.region"() ({
        %run_scoped3A = tpu.sem_alloc : memref<!tpu.dma_semaphore, #tpu.memory_space<semaphore_mem>>
        %dma_start3A_34 = arith.constant 0 : i32
        %dma_start3A_35 = tpu.memref_slice %arg4[%add3A_33, %dma_start3A_34] : memref<20000x128xf32, #tpu.memory_space<hbm>> -> memref<1000x128xf32, #tpu.memory_space<hbm>>
        %dma_start3A_36 = arith.constant 0 : i32
        %dma_start3A_37 = tpu.memref_slice %arg11[%mul3A_30, %dma_start3A_36] : memref<10008x128xf32, #tpu.memory_space<vmem_shared>> -> memref<1000x128xf32, #tpu.memory_space<vmem_shared>>
        tpu.enqueue_dma source(%dma_start3A_37 : memref<1000x128xf32, #tpu.memory_space<vmem_shared>>) target(%dma_start3A_35 : memref<1000x128xf32, #tpu.memory_space<hbm>>) target_semaphore(%run_scoped3A : memref<!tpu.dma_semaphore, #tpu.memory_space<semaphore_mem>>)
        %dma_wait3A = arith.constant 0 : i32
        %dma_wait3A_38 = tpu.memref_slice %arg4[%add3A_33, %dma_wait3A] : memref<20000x128xf32, #tpu.memory_space<hbm>> -> memref<1000x128xf32, #tpu.memory_space<hbm>>
        %dma_wait3A_39 = arith.constant 0 : i32
        %dma_wait3A_40 = tpu.memref_slice %arg11[%mul3A_30, %dma_wait3A_39] : memref<10008x128xf32, #tpu.memory_space<vmem_shared>> -> memref<1000x128xf32, #tpu.memory_space<vmem_shared>>
        tpu.wait_dma2 semaphore(%run_scoped3A : memref<!tpu.dma_semaphore, #tpu.memory_space<semaphore_mem>>) src(%dma_wait3A_40 : memref<1000x128xf32, #tpu.memory_space<vmem_shared>>) dst(%dma_wait3A_38 : memref<1000x128xf32, #tpu.memory_space<hbm>>)
        tpu.yield
      }) : () -> ()
    } else {
    }
    return
  }
}

#map = affine_map<(d0, d1) -> (0, 0, 0)>
#map1 = affine_map<(d0, d1) -> (0, 0)>
module attributes {stable_mosaic.version = 14 : i64} {
  func.func @_sc_body(%arg0: i32, %arg1: i32, %arg2: memref<1280x3x128xi32, #tpu.memory_space<hbm>>, %arg3: memref<270000x128xf32, #tpu.memory_space<hbm>>, %arg4: memref<20000x128xf32, #tpu.memory_space<hbm>>, %arg5: memref<4x3x128xi32, #tpu.memory_space<vmem>>, %arg6: memref<4x3x128xi32, #tpu.memory_space<vmem>>, %arg7: memref<4x128xi32, #tpu.memory_space<vmem>>, %arg8: memref<4x128xi32, #tpu.memory_space<vmem>>, %arg9: memref<128x128xf32, #tpu.memory_space<vmem>>, %arg10: memref<128x128xf32, #tpu.memory_space<vmem>>, %arg11: memref<10008x128xf32, #tpu.memory_space<vmem_shared>>, %arg12: memref<!tpu.dma_semaphore, #tpu.memory_space<semaphore_mem>>, %arg13: memref<!tpu.dma_semaphore, #tpu.memory_space<semaphore_mem>>, %arg14: memref<!tpu.dma_semaphore, #tpu.memory_space<semaphore_mem>>, %arg15: memref<!tpu.dma_semaphore, #tpu.memory_space<semaphore_mem>>) attributes {dimension_semantics = [#tpu.dimension_semantics<core_parallel>, #tpu.dimension_semantics<subcore_parallel>], iteration_bounds = array<i64: 2, 16>, scalar_prefetch = 0 : i64, scratch_operands = 11 : i64, tpu.core_type = #tpu.core_type<sc_vector_subcore>, window_params = [{transform_indices = #map}, {transform_indices = #map1}, {transform_indices = #map1}]} {
    %mul3A = arith.constant 640 : i32
    %mul3A_0 = arith.muli %arg0, %mul3A : i32
    %mul3A_1 = arith.constant 40 : i32
    %mul3A_2 = arith.muli %arg1, %mul3A_1 : i32
    %add3A = arith.addi %mul3A_0, %mul3A_2 : i32
    %dma_start3A = arith.constant 0 : i32
    %dma_start3A_3 = arith.constant 0 : i32
    %dma_start3A_4 = tpu.memref_slice %arg2[%add3A, %dma_start3A, %dma_start3A_3] : memref<1280x3x128xi32, #tpu.memory_space<hbm>> -> memref<4x3x128xi32, #tpu.memory_space<hbm>>
    %dma_start3A_5 = arith.constant 0 : i32
    %dma_start3A_6 = arith.constant 0 : i32
    %dma_start3A_7 = tpu.memref_slice %arg2[%add3A, %dma_start3A_5, %dma_start3A_6] : memref<1280x3x128xi32, #tpu.memory_space<hbm>> -> memref<4x3x128xi32, #tpu.memory_space<hbm>>
    tpu.enqueue_dma source(%dma_start3A_7 : memref<4x3x128xi32, #tpu.memory_space<hbm>>) target(%arg5 : memref<4x3x128xi32, #tpu.memory_space<vmem>>) target_semaphore(%arg12 : memref<!tpu.dma_semaphore, #tpu.memory_space<semaphore_mem>>)
    %scan3A = arith.constant 0 : i32
    %scan3A_8 = arith.constant 0 : i32
    %scan3A_9 = arith.constant 1024 : i32
    %scan3A_10 = arith.addi %scan3A_8, %scan3A_9 : i32
    %scan3A_11 = arith.constant 1 : i32
    %scan3A_12 = scf.for %scan3A_29 = %scan3A_8 to %scan3A_10 step %scan3A_11 iter_args(%scan3A_30 = %scan3A) -> (i32)  : i32 {
      %jit3A = arith.constant 8 : i32
      %div3A = arith.divsi %scan3A_29, %jit3A : i32
      %sign3A = arith.constant 0 : i32
      %sign3A_31 = arith.cmpi sgt, %scan3A_29, %sign3A : i32
      %sign3A_32 = arith.extui %sign3A_31 : i1 to i32
      %sign3A_33 = arith.constant 0 : i32
      %sign3A_34 = arith.cmpi slt, %scan3A_29, %sign3A_33 : i32
      %sign3A_35 = arith.extui %sign3A_34 : i1 to i32
      %sign3A_36 = arith.subi %sign3A_32, %sign3A_35 : i32
      %sign3A_37 = arith.constant 0 : i32
      %sign3A_38 = arith.cmpi sgt, %jit3A, %sign3A_37 : i32
      %sign3A_39 = arith.extui %sign3A_38 : i1 to i32
      %sign3A_40 = arith.constant 0 : i32
      %sign3A_41 = arith.cmpi slt, %jit3A, %sign3A_40 : i32
      %sign3A_42 = arith.extui %sign3A_41 : i1 to i32
      %sign3A_43 = arith.subi %sign3A_39, %sign3A_42 : i32
      %ne3A = arith.cmpi ne, %sign3A_36, %sign3A_43 : i32
      %rem3A = arith.remsi %scan3A_29, %jit3A : i32
      %ne3A_44 = arith.constant 0 : i32
      %ne3A_45 = arith.cmpi ne, %rem3A, %ne3A_44 : i32
      %and3A = arith.andi %ne3A, %ne3A_45 : i1
      %sub3A = arith.constant 1 : i32
      %sub3A_46 = arith.subi %div3A, %sub3A : i32
      %select_n3A = arith.select %and3A, %sub3A_46, %div3A : i32
      %jit3A_47 = arith.constant 8 : i32
      %eq3A = arith.constant 0 : i32
      %eq3A_48 = arith.cmpi eq, %jit3A_47, %eq3A : i32
      %jit3A_49 = arith.constant 1 : i32
      %select_n3A_50 = arith.select %eq3A_48, %jit3A_49, %jit3A_47 : i32
      %rem3A_51 = arith.remsi %scan3A_29, %select_n3A_50 : i32
      %ne3A_52 = arith.constant 0 : i32
      %ne3A_53 = arith.cmpi ne, %rem3A_51, %ne3A_52 : i32
      %lt3A_54 = arith.constant 0 : i32
      %lt3A_55 = arith.cmpi slt, %rem3A_51, %lt3A_54 : i32
      %lt3A_56 = arith.constant 0 : i32
      %lt3A_57 = arith.cmpi slt, %select_n3A_50, %lt3A_56 : i32
      %ne3A_58 = arith.xori %lt3A_55, %lt3A_57 : i1
      %and3A_59 = arith.andi %ne3A_58, %ne3A_53 : i1
      %add3A_60 = arith.addi %rem3A_51, %select_n3A_50 : i32
      %select_n3A_61 = arith.select %and3A_59, %add3A_60, %rem3A_51 : i32
      %mul3A_62 = arith.constant 16 : i32
      %mul3A_63 = arith.muli %select_n3A_61, %mul3A_62 : i32
      %broadcast_in_dim3A = arith.constant 0.000000e+00 : f32
      %broadcast_in_dim3A_64 = vector.broadcast %broadcast_in_dim3A : f32 to vector<16xf32>
      %swap3A = arith.index_cast %select_n3A : i32 to index
      %swap3A_65 = arith.index_cast %mul3A_63 : i32 to index
      %swap3A_66 = tpu.vector_load %arg9[%swap3A, %swap3A_65] {strides = array<i32>} : memref<128x128xf32, #tpu.memory_space<vmem>>, vector<1x16xf32>,
      %swap3A_67 = vector.shape_cast %swap3A_66 : vector<1x16xf32> to vector<16xf32>
      %swap3A_68 = vector.shape_cast %broadcast_in_dim3A_64 : vector<16xf32> to vector<1x16xf32>
      tpu.vector_store %arg9[%swap3A, %swap3A_65], %swap3A_68 {strides = array<i32>} : memref<128x128xf32, #tpu.memory_space<vmem>>, vector<1x16xf32>,
      %scan3A_69 = arith.constant 0 : i32
      scf.yield %scan3A_69 : i32
    }
    %scan3A_13 = arith.constant 1024 : i32
    %lt3A = arith.constant 10 : i32
    %lt3A_14 = arith.cmpi slt, %arg1, %lt3A : i32
    %convert_element_type3A = arith.extui %lt3A_14 : i1 to i32
    %cond3A = arith.constant 0 : i32
    %cond3A_15 = arith.cmpi ne, %convert_element_type3A, %cond3A : i32
    scf.if %cond3A_15 {
      %mul3A_29 = arith.constant 1000 : i32
      %mul3A_30 = arith.muli %arg1, %mul3A_29 : i32
      %add3A_31 = arith.constant 0 : i32
      %add3A_32 = arith.addi %mul3A_30, %add3A_31 : i32
      "tpu.region"() ({
        %run_scoped3A = tpu.sem_alloc : memref<!tpu.dma_semaphore, #tpu.memory_space<semaphore_mem>>
        %dma_start3A_47 = arith.constant 0 : i32
        %dma_start3A_48 = tpu.memref_slice %arg11[%add3A_32, %dma_start3A_47] : memref<10008x128xf32, #tpu.memory_space<vmem_shared>> -> memref<128x128xf32, #tpu.memory_space<vmem_shared>>
        %dma_start3A_49 = arith.constant 0 : i32
        %dma_start3A_50 = tpu.memref_slice %arg11[%add3A_32, %dma_start3A_49] : memref<10008x128xf32, #tpu.memory_space<vmem_shared>> -> memref<128x128xf32, #tpu.memory_space<vmem_shared>>
        tpu.enqueue_dma source(%arg9 : memref<128x128xf32, #tpu.memory_space<vmem>>) target(%dma_start3A_50 : memref<128x128xf32, #tpu.memory_space<vmem_shared>>) target_semaphore(%run_scoped3A : memref<!tpu.dma_semaphore, #tpu.memory_space<semaphore_mem>>)
        %dma_wait3A = arith.constant 0 : i32
        %dma_wait3A_51 = tpu.memref_slice %arg11[%add3A_32, %dma_wait3A] : memref<10008x128xf32, #tpu.memory_space<vmem_shared>> -> memref<128x128xf32, #tpu.memory_space<vmem_shared>>
        %dma_wait3A_52 = arith.constant 0 : i32
        %dma_wait3A_53 = tpu.memref_slice %arg11[%add3A_32, %dma_wait3A_52] : memref<10008x128xf32, #tpu.memory_space<vmem_shared>> -> memref<128x128xf32, #tpu.memory_space<vmem_shared>>
        tpu.wait_dma2 semaphore(%run_scoped3A : memref<!tpu.dma_semaphore, #tpu.memory_space<semaphore_mem>>) src(%arg9 : memref<128x128xf32, #tpu.memory_space<vmem>>) dst(%dma_wait3A_53 : memref<128x128xf32, #tpu.memory_space<vmem_shared>>)
        tpu.yield
      }) : () -> ()
      %add3A_33 = arith.constant 128 : i32
      %add3A_34 = arith.addi %mul3A_30, %add3A_33 : i32
      "tpu.region"() ({
        %run_scoped3A = tpu.sem_alloc : memref<!tpu.dma_semaphore, #tpu.memory_space<semaphore_mem>>
        %dma_start3A_47 = arith.constant 0 : i32
        %dma_start3A_48 = tpu.memref_slice %arg11[%add3A_34, %dma_start3A_47] : memref<10008x128xf32, #tpu.memory_space<vmem_shared>> -> memref<128x128xf32, #tpu.memory_space<vmem_shared>>
        %dma_start3A_49 = arith.constant 0 : i32
        %dma_start3A_50 = tpu.memref_slice %arg11[%add3A_34, %dma_start3A_49] : memref<10008x128xf32, #tpu.memory_space<vmem_shared>> -> memref<128x128xf32, #tpu.memory_space<vmem_shared>>
        tpu.enqueue_dma source(%arg9 : memref<128x128xf32, #tpu.memory_space<vmem>>) target(%dma_start3A_50 : memref<128x128xf32, #tpu.memory_space<vmem_shared>>) target_semaphore(%run_scoped3A : memref<!tpu.dma_semaphore, #tpu.memory_space<semaphore_mem>>)
        %dma_wait3A = arith.constant 0 : i32
        %dma_wait3A_51 = tpu.memref_slice %arg11[%add3A_34, %dma_wait3A] : memref<10008x128xf32, #tpu.memory_space<vmem_shared>> -> memref<128x128xf32, #tpu.memory_space<vmem_shared>>
        %dma_wait3A_52 = arith.constant 0 : i32
        %dma_wait3A_53 = tpu.memref_slice %arg11[%add3A_34, %dma_wait3A_52] : memref<10008x128xf32, #tpu.memory_space<vmem_shared>> -> memref<128x128xf32, #tpu.memory_space<vmem_shared>>
        tpu.wait_dma2 semaphore(%run_scoped3A : memref<!tpu.dma_semaphore, #tpu.memory_space<semaphore_mem>>) src(%arg9 : memref<128x128xf32, #tpu.memory_space<vmem>>) dst(%dma_wait3A_53 : memref<128x128xf32, #tpu.memory_space<vmem_shared>>)
        tpu.yield
      }) : () -> ()
      %add3A_35 = arith.constant 256 : i32
      %add3A_36 = arith.addi %mul3A_30, %add3A_35 : i32
      "tpu.region"() ({
        %run_scoped3A = tpu.sem_alloc : memref<!tpu.dma_semaphore, #tpu.memory_space<semaphore_mem>>
        %dma_start3A_47 = arith.constant 0 : i32
        %dma_start3A_48 = tpu.memref_slice %arg11[%add3A_36, %dma_start3A_47] : memref<10008x128xf32, #tpu.memory_space<vmem_shared>> -> memref<128x128xf32, #tpu.memory_space<vmem_shared>>
        %dma_start3A_49 = arith.constant 0 : i32
        %dma_start3A_50 = tpu.memref_slice %arg11[%add3A_36, %dma_start3A_49] : memref<10008x128xf32, #tpu.memory_space<vmem_shared>> -> memref<128x128xf32, #tpu.memory_space<vmem_shared>>
        tpu.enqueue_dma source(%arg9 : memref<128x128xf32, #tpu.memory_space<vmem>>) target(%dma_start3A_50 : memref<128x128xf32, #tpu.memory_space<vmem_shared>>) target_semaphore(%run_scoped3A : memref<!tpu.dma_semaphore, #tpu.memory_space<semaphore_mem>>)
        %dma_wait3A = arith.constant 0 : i32
        %dma_wait3A_51 = tpu.memref_slice %arg11[%add3A_36, %dma_wait3A] : memref<10008x128xf32, #tpu.memory_space<vmem_shared>> -> memref<128x128xf32, #tpu.memory_space<vmem_shared>>
        %dma_wait3A_52 = arith.constant 0 : i32
        %dma_wait3A_53 = tpu.memref_slice %arg11[%add3A_36, %dma_wait3A_52] : memref<10008x128xf32, #tpu.memory_space<vmem_shared>> -> memref<128x128xf32, #tpu.memory_space<vmem_shared>>
        tpu.wait_dma2 semaphore(%run_scoped3A : memref<!tpu.dma_semaphore, #tpu.memory_space<semaphore_mem>>) src(%arg9 : memref<128x128xf32, #tpu.memory_space<vmem>>) dst(%dma_wait3A_53 : memref<128x128xf32, #tpu.memory_space<vmem_shared>>)
        tpu.yield
      }) : () -> ()
      %add3A_37 = arith.constant 384 : i32
      %add3A_38 = arith.addi %mul3A_30, %add3A_37 : i32
      "tpu.region"() ({
        %run_scoped3A = tpu.sem_alloc : memref<!tpu.dma_semaphore, #tpu.memory_space<semaphore_mem>>
        %dma_start3A_47 = arith.constant 0 : i32
        %dma_start3A_48 = tpu.memref_slice %arg11[%add3A_38, %dma_start3A_47] : memref<10008x128xf32, #tpu.memory_space<vmem_shared>> -> memref<128x128xf32, #tpu.memory_space<vmem_shared>>
        %dma_start3A_49 = arith.constant 0 : i32
        %dma_start3A_50 = tpu.memref_slice %arg11[%add3A_38, %dma_start3A_49] : memref<10008x128xf32, #tpu.memory_space<vmem_shared>> -> memref<128x128xf32, #tpu.memory_space<vmem_shared>>
        tpu.enqueue_dma source(%arg9 : memref<128x128xf32, #tpu.memory_space<vmem>>) target(%dma_start3A_50 : memref<128x128xf32, #tpu.memory_space<vmem_shared>>) target_semaphore(%run_scoped3A : memref<!tpu.dma_semaphore, #tpu.memory_space<semaphore_mem>>)
        %dma_wait3A = arith.constant 0 : i32
        %dma_wait3A_51 = tpu.memref_slice %arg11[%add3A_38, %dma_wait3A] : memref<10008x128xf32, #tpu.memory_space<vmem_shared>> -> memref<128x128xf32, #tpu.memory_space<vmem_shared>>
        %dma_wait3A_52 = arith.constant 0 : i32
        %dma_wait3A_53 = tpu.memref_slice %arg11[%add3A_38, %dma_wait3A_52] : memref<10008x128xf32, #tpu.memory_space<vmem_shared>> -> memref<128x128xf32, #tpu.memory_space<vmem_shared>>
        tpu.wait_dma2 semaphore(%run_scoped3A : memref<!tpu.dma_semaphore, #tpu.memory_space<semaphore_mem>>) src(%arg9 : memref<128x128xf32, #tpu.memory_space<vmem>>) dst(%dma_wait3A_53 : memref<128x128xf32, #tpu.memory_space<vmem_shared>>)
        tpu.yield
      }) : () -> ()
      %add3A_39 = arith.constant 512 : i32
      %add3A_40 = arith.addi %mul3A_30, %add3A_39 : i32
      "tpu.region"() ({
        %run_scoped3A = tpu.sem_alloc : memref<!tpu.dma_semaphore, #tpu.memory_space<semaphore_mem>>
        %dma_start3A_47 = arith.constant 0 : i32
        %dma_start3A_48 = tpu.memref_slice %arg11[%add3A_40, %dma_start3A_47] : memref<10008x128xf32, #tpu.memory_space<vmem_shared>> -> memref<128x128xf32, #tpu.memory_space<vmem_shared>>
        %dma_start3A_49 = arith.constant 0 : i32
        %dma_start3A_50 = tpu.memref_slice %arg11[%add3A_40, %dma_start3A_49] : memref<10008x128xf32, #tpu.memory_space<vmem_shared>> -> memref<128x128xf32, #tpu.memory_space<vmem_shared>>
        tpu.enqueue_dma source(%arg9 : memref<128x128xf32, #tpu.memory_space<vmem>>) target(%dma_start3A_50 : memref<128x128xf32, #tpu.memory_space<vmem_shared>>) target_semaphore(%run_scoped3A : memref<!tpu.dma_semaphore, #tpu.memory_space<semaphore_mem>>)
        %dma_wait3A = arith.constant 0 : i32
        %dma_wait3A_51 = tpu.memref_slice %arg11[%add3A_40, %dma_wait3A] : memref<10008x128xf32, #tpu.memory_space<vmem_shared>> -> memref<128x128xf32, #tpu.memory_space<vmem_shared>>
        %dma_wait3A_52 = arith.constant 0 : i32
        %dma_wait3A_53 = tpu.memref_slice %arg11[%add3A_40, %dma_wait3A_52] : memref<10008x128xf32, #tpu.memory_space<vmem_shared>> -> memref<128x128xf32, #tpu.memory_space<vmem_shared>>
        tpu.wait_dma2 semaphore(%run_scoped3A : memref<!tpu.dma_semaphore, #tpu.memory_space<semaphore_mem>>) src(%arg9 : memref<128x128xf32, #tpu.memory_space<vmem>>) dst(%dma_wait3A_53 : memref<128x128xf32, #tpu.memory_space<vmem_shared>>)
        tpu.yield
      }) : () -> ()
      %add3A_41 = arith.constant 640 : i32
      %add3A_42 = arith.addi %mul3A_30, %add3A_41 : i32
      "tpu.region"() ({
        %run_scoped3A = tpu.sem_alloc : memref<!tpu.dma_semaphore, #tpu.memory_space<semaphore_mem>>
        %dma_start3A_47 = arith.constant 0 : i32
        %dma_start3A_48 = tpu.memref_slice %arg11[%add3A_42, %dma_start3A_47] : memref<10008x128xf32, #tpu.memory_space<vmem_shared>> -> memref<128x128xf32, #tpu.memory_space<vmem_shared>>
        %dma_start3A_49 = arith.constant 0 : i32
        %dma_start3A_50 = tpu.memref_slice %arg11[%add3A_42, %dma_start3A_49] : memref<10008x128xf32, #tpu.memory_space<vmem_shared>> -> memref<128x128xf32, #tpu.memory_space<vmem_shared>>
        tpu.enqueue_dma source(%arg9 : memref<128x128xf32, #tpu.memory_space<vmem>>) target(%dma_start3A_50 : memref<128x128xf32, #tpu.memory_space<vmem_shared>>) target_semaphore(%run_scoped3A : memref<!tpu.dma_semaphore, #tpu.memory_space<semaphore_mem>>)
        %dma_wait3A = arith.constant 0 : i32
        %dma_wait3A_51 = tpu.memref_slice %arg11[%add3A_42, %dma_wait3A] : memref<10008x128xf32, #tpu.memory_space<vmem_shared>> -> memref<128x128xf32, #tpu.memory_space<vmem_shared>>
        %dma_wait3A_52 = arith.constant 0 : i32
        %dma_wait3A_53 = tpu.memref_slice %arg11[%add3A_42, %dma_wait3A_52] : memref<10008x128xf32, #tpu.memory_space<vmem_shared>> -> memref<128x128xf32, #tpu.memory_space<vmem_shared>>
        tpu.wait_dma2 semaphore(%run_scoped3A : memref<!tpu.dma_semaphore, #tpu.memory_space<semaphore_mem>>) src(%arg9 : memref<128x128xf32, #tpu.memory_space<vmem>>) dst(%dma_wait3A_53 : memref<128x128xf32, #tpu.memory_space<vmem_shared>>)
        tpu.yield
      }) : () -> ()
      %add3A_43 = arith.constant 768 : i32
      %add3A_44 = arith.addi %mul3A_30, %add3A_43 : i32
      "tpu.region"() ({
        %run_scoped3A = tpu.sem_alloc : memref<!tpu.dma_semaphore, #tpu.memory_space<semaphore_mem>>
        %dma_start3A_47 = arith.constant 0 : i32
        %dma_start3A_48 = tpu.memref_slice %arg11[%add3A_44, %dma_start3A_47] : memref<10008x128xf32, #tpu.memory_space<vmem_shared>> -> memref<128x128xf32, #tpu.memory_space<vmem_shared>>
        %dma_start3A_49 = arith.constant 0 : i32
        %dma_start3A_50 = tpu.memref_slice %arg11[%add3A_44, %dma_start3A_49] : memref<10008x128xf32, #tpu.memory_space<vmem_shared>> -> memref<128x128xf32, #tpu.memory_space<vmem_shared>>
        tpu.enqueue_dma source(%arg9 : memref<128x128xf32, #tpu.memory_space<vmem>>) target(%dma_start3A_50 : memref<128x128xf32, #tpu.memory_space<vmem_shared>>) target_semaphore(%run_scoped3A : memref<!tpu.dma_semaphore, #tpu.memory_space<semaphore_mem>>)
        %dma_wait3A = arith.constant 0 : i32
        %dma_wait3A_51 = tpu.memref_slice %arg11[%add3A_44, %dma_wait3A] : memref<10008x128xf32, #tpu.memory_space<vmem_shared>> -> memref<128x128xf32, #tpu.memory_space<vmem_shared>>
        %dma_wait3A_52 = arith.constant 0 : i32
        %dma_wait3A_53 = tpu.memref_slice %arg11[%add3A_44, %dma_wait3A_52] : memref<10008x128xf32, #tpu.memory_space<vmem_shared>> -> memref<128x128xf32, #tpu.memory_space<vmem_shared>>
        tpu.wait_dma2 semaphore(%run_scoped3A : memref<!tpu.dma_semaphore, #tpu.memory_space<semaphore_mem>>) src(%arg9 : memref<128x128xf32, #tpu.memory_space<vmem>>) dst(%dma_wait3A_53 : memref<128x128xf32, #tpu.memory_space<vmem_shared>>)
        tpu.yield
      }) : () -> ()
      %add3A_45 = arith.constant 896 : i32
      %add3A_46 = arith.addi %mul3A_30, %add3A_45 : i32
      "tpu.region"() ({
        %run_scoped3A = tpu.sem_alloc : memref<!tpu.dma_semaphore, #tpu.memory_space<semaphore_mem>>
        %dma_start3A_47 = arith.constant 0 : i32
        %dma_start3A_48 = arith.constant 0 : i32
        %dma_start3A_49 = tpu.memref_slice %arg9[%dma_start3A_47, %dma_start3A_48] : memref<128x128xf32, #tpu.memory_space<vmem>> -> memref<104x128xf32, #tpu.memory_space<vmem>>
        %dma_start3A_50 = arith.constant 0 : i32
        %dma_start3A_51 = tpu.memref_slice %arg11[%add3A_46, %dma_start3A_50] : memref<10008x128xf32, #tpu.memory_space<vmem_shared>> -> memref<104x128xf32, #tpu.memory_space<vmem_shared>>
        %dma_start3A_52 = arith.constant 0 : i32
        %dma_start3A_53 = tpu.memref_slice %arg11[%add3A_46, %dma_start3A_52] : memref<10008x128xf32, #tpu.memory_space<vmem_shared>> -> memref<104x128xf32, #tpu.memory_space<vmem_shared>>
        %dma_start3A_54 = arith.constant 0 : i32
        %dma_start3A_55 = arith.constant 0 : i32
        %dma_start3A_56 = tpu.memref_slice %arg9[%dma_start3A_54, %dma_start3A_55] : memref<128x128xf32, #tpu.memory_space<vmem>> -> memref<104x128xf32, #tpu.memory_space<vmem>>
        tpu.enqueue_dma source(%dma_start3A_56 : memref<104x128xf32, #tpu.memory_space<vmem>>) target(%dma_start3A_53 : memref<104x128xf32, #tpu.memory_space<vmem_shared>>) target_semaphore(%run_scoped3A : memref<!tpu.dma_semaphore, #tpu.memory_space<semaphore_mem>>)
        %dma_wait3A = arith.constant 0 : i32
        %dma_wait3A_57 = arith.constant 0 : i32
        %dma_wait3A_58 = tpu.memref_slice %arg9[%dma_wait3A, %dma_wait3A_57] : memref<128x128xf32, #tpu.memory_space<vmem>> -> memref<104x128xf32, #tpu.memory_space<vmem>>
        %dma_wait3A_59 = arith.constant 0 : i32
        %dma_wait3A_60 = tpu.memref_slice %arg11[%add3A_46, %dma_wait3A_59] : memref<10008x128xf32, #tpu.memory_space<vmem_shared>> -> memref<104x128xf32, #tpu.memory_space<vmem_shared>>
        %dma_wait3A_61 = arith.constant 0 : i32
        %dma_wait3A_62 = tpu.memref_slice %arg11[%add3A_46, %dma_wait3A_61] : memref<10008x128xf32, #tpu.memory_space<vmem_shared>> -> memref<104x128xf32, #tpu.memory_space<vmem_shared>>
        %dma_wait3A_63 = arith.constant 0 : i32
        %dma_wait3A_64 = arith.constant 0 : i32
        %dma_wait3A_65 = tpu.memref_slice %arg9[%dma_wait3A_63, %dma_wait3A_64] : memref<128x128xf32, #tpu.memory_space<vmem>> -> memref<104x128xf32, #tpu.memory_space<vmem>>
        tpu.wait_dma2 semaphore(%run_scoped3A : memref<!tpu.dma_semaphore, #tpu.memory_space<semaphore_mem>>) src(%dma_wait3A_65 : memref<104x128xf32, #tpu.memory_space<vmem>>) dst(%dma_wait3A_62 : memref<104x128xf32, #tpu.memory_space<vmem_shared>>)
        tpu.yield
      }) : () -> ()
    } else {
    }
    %barrier3A = arith.constant 0 : index
    tpu.barrier barrier_id(%barrier3A)
    %scan3A_16 = arith.constant 0 : i32
    %scan3A_17 = arith.constant 0 : i32
    %scan3A_18 = arith.constant 5 : i32
    %scan3A_19 = arith.addi %scan3A_17, %scan3A_18 : i32
    %scan3A_20 = arith.constant 1 : i32
    %scan3A_21 = scf.for %scan3A_29 = %scan3A_17 to %scan3A_19 step %scan3A_20 iter_args(%scan3A_30 = %scan3A_16) -> (i32)  : i32 {
      %mul3A_31 = arith.constant 2 : i32
      %mul3A_32 = arith.muli %mul3A_31, %scan3A_29 : i32
      %mul3A_33 = arith.constant 4 : i32
      %mul3A_34 = arith.muli %mul3A_32, %mul3A_33 : i32
      %add3A_35 = arith.addi %add3A, %mul3A_34 : i32
      %dma_wait3A = arith.constant 0 : i32
      %dma_wait3A_36 = arith.constant 0 : i32
      %dma_wait3A_37 = tpu.memref_slice %arg2[%add3A_35, %dma_wait3A, %dma_wait3A_36] : memref<1280x3x128xi32, #tpu.memory_space<hbm>> -> memref<4x3x128xi32, #tpu.memory_space<hbm>>
      %dma_wait3A_38 = arith.constant 0 : i32
      %dma_wait3A_39 = arith.constant 0 : i32
      %dma_wait3A_40 = tpu.memref_slice %arg2[%add3A_35, %dma_wait3A_38, %dma_wait3A_39] : memref<1280x3x128xi32, #tpu.memory_space<hbm>> -> memref<4x3x128xi32, #tpu.memory_space<hbm>>
      tpu.wait_dma2 semaphore(%arg12 : memref<!tpu.dma_semaphore, #tpu.memory_space<semaphore_mem>>) src(%dma_wait3A_40 : memref<4x3x128xi32, #tpu.memory_space<hbm>>) dst(%arg5 : memref<4x3x128xi32, #tpu.memory_space<vmem>>)
      %lt3A_41 = arith.constant 9 : i32
      %lt3A_42 = arith.cmpi slt, %mul3A_32, %lt3A_41 : i32
      %convert_element_type3A_43 = arith.extui %lt3A_42 : i1 to i32
      %cond3A_44 = arith.constant 0 : i32
      %cond3A_45 = arith.cmpi ne, %convert_element_type3A_43, %cond3A_44 : i32
      scf.if %cond3A_45 {
        %add3A_206 = arith.constant 1 : i32
        %add3A_207 = arith.addi %mul3A_32, %add3A_206 : i32
        %mul3A_208 = arith.constant 4 : i32
        %mul3A_209 = arith.muli %add3A_207, %mul3A_208 : i32
        %add3A_210 = arith.addi %add3A, %mul3A_209 : i32
        %dma_start3A_211 = arith.constant 0 : i32
        %dma_start3A_212 = arith.constant 0 : i32
        %dma_start3A_213 = tpu.memref_slice %arg2[%add3A_210, %dma_start3A_211, %dma_start3A_212] : memref<1280x3x128xi32, #tpu.memory_space<hbm>> -> memref<4x3x128xi32, #tpu.memory_space<hbm>>
        %dma_start3A_214 = arith.constant 0 : i32
        %dma_start3A_215 = arith.constant 0 : i32
        %dma_start3A_216 = tpu.memref_slice %arg2[%add3A_210, %dma_start3A_214, %dma_start3A_215] : memref<1280x3x128xi32, #tpu.memory_space<hbm>> -> memref<4x3x128xi32, #tpu.memory_space<hbm>>
        tpu.enqueue_dma source(%dma_start3A_216 : memref<4x3x128xi32, #tpu.memory_space<hbm>>) target(%arg6 : memref<4x3x128xi32, #tpu.memory_space<vmem>>) target_semaphore(%arg13 : memref<!tpu.dma_semaphore, #tpu.memory_space<semaphore_mem>>)
      } else {
      }
      %scan3A_46 = arith.constant 0 : i32
      %scan3A_47 = arith.constant 0 : i32
      %scan3A_48 = arith.constant 4 : i32
      %scan3A_49 = arith.addi %scan3A_47, %scan3A_48 : i32
      %scan3A_50 = arith.constant 1 : i32
      %scan3A_51 = scf.for %scan3A_206 = %scan3A_47 to %scan3A_49 step %scan3A_50 iter_args(%scan3A_207 = %scan3A_46) -> (i32)  : i32 {
        %get3A = arith.constant 0 : i32
        %get3A_208 = arith.index_cast %scan3A_206 : i32 to index
        %get3A_209 = arith.index_cast %get3A : i32 to index
        %get3A_210 = arith.constant 0 : index
        %get3A_211 = tpu.vector_load %arg5[%get3A_208, %get3A_209, %get3A_210] {strides = array<i32>} : memref<4x3x128xi32, #tpu.memory_space<vmem>>, vector<1x1x16xi32>,
        %get3A_212 = vector.shape_cast %get3A_211 : vector<1x1x16xi32> to vector<16xi32>
        %mul3A_213 = arith.constant 27 : i32
        %mul3A_214 = vector.broadcast %mul3A_213 : i32 to vector<16xi32>
        %mul3A_215 = arith.muli %get3A_212, %mul3A_214 : vector<16xi32>
        %get3A_216 = arith.constant 1 : i32
        %get3A_217 = arith.index_cast %scan3A_206 : i32 to index
        %get3A_218 = arith.index_cast %get3A_216 : i32 to index
        %get3A_219 = arith.constant 0 : index
        %get3A_220 = tpu.vector_load %arg5[%get3A_217, %get3A_218, %get3A_219] {strides = array<i32>} : memref<4x3x128xi32, #tpu.memory_space<vmem>>, vector<1x1x16xi32>,
        %get3A_221 = vector.shape_cast %get3A_220 : vector<1x1x16xi32> to vector<16xi32>
        %add3A_222 = arith.addi %mul3A_215, %get3A_221 : vector<16xi32>
        %swap3A = arith.index_cast %scan3A_206 : i32 to index
        %swap3A_223 = arith.constant 0 : index
        %swap3A_224 = tpu.vector_load %arg7[%swap3A, %swap3A_223] {strides = array<i32>} : memref<4x128xi32, #tpu.memory_space<vmem>>, vector<1x16xi32>,
        %swap3A_225 = vector.shape_cast %swap3A_224 : vector<1x16xi32> to vector<16xi32>
        %swap3A_226 = vector.shape_cast %add3A_222 : vector<16xi32> to vector<1x16xi32>
        tpu.vector_store %arg7[%swap3A, %swap3A_223], %swap3A_226 {strides = array<i32>} : memref<4x128xi32, #tpu.memory_space<vmem>>, vector<1x16xi32>,
        %get3A_227 = arith.constant 0 : i32
        %get3A_228 = arith.index_cast %scan3A_206 : i32 to index
        %get3A_229 = arith.index_cast %get3A_227 : i32 to index
        %get3A_230 = arith.constant 16 : index
        %get3A_231 = tpu.vector_load %arg5[%get3A_228, %get3A_229, %get3A_230] {strides = array<i32>} : memref<4x3x128xi32, #tpu.memory_space<vmem>>, vector<1x1x16xi32>,
        %get3A_232 = vector.shape_cast %get3A_231 : vector<1x1x16xi32> to vector<16xi32>
        %mul3A_233 = arith.constant 27 : i32
        %mul3A_234 = vector.broadcast %mul3A_233 : i32 to vector<16xi32>
        %mul3A_235 = arith.muli %get3A_232, %mul3A_234 : vector<16xi32>
        %get3A_236 = arith.constant 1 : i32
        %get3A_237 = arith.index_cast %scan3A_206 : i32 to index
        %get3A_238 = arith.index_cast %get3A_236 : i32 to index
        %get3A_239 = arith.constant 16 : index
        %get3A_240 = tpu.vector_load %arg5[%get3A_237, %get3A_238, %get3A_239] {strides = array<i32>} : memref<4x3x128xi32, #tpu.memory_space<vmem>>, vector<1x1x16xi32>,
        %get3A_241 = vector.shape_cast %get3A_240 : vector<1x1x16xi32> to vector<16xi32>
        %add3A_242 = arith.addi %mul3A_235, %get3A_241 : vector<16xi32>
        %swap3A_243 = arith.index_cast %scan3A_206 : i32 to index
        %swap3A_244 = arith.constant 16 : index
        %swap3A_245 = tpu.vector_load %arg7[%swap3A_243, %swap3A_244] {strides = array<i32>} : memref<4x128xi32, #tpu.memory_space<vmem>>, vector<1x16xi32>,
        %swap3A_246 = vector.shape_cast %swap3A_245 : vector<1x16xi32> to vector<16xi32>
        %swap3A_247 = vector.shape_cast %add3A_242 : vector<16xi32> to vector<1x16xi32>
        tpu.vector_store %arg7[%swap3A_243, %swap3A_244], %swap3A_247 {strides = array<i32>} : memref<4x128xi32, #tpu.memory_space<vmem>>, vector<1x16xi32>,
        %get3A_248 = arith.constant 0 : i32
        %get3A_249 = arith.index_cast %scan3A_206 : i32 to index
        %get3A_250 = arith.index_cast %get3A_248 : i32 to index
        %get3A_251 = arith.constant 32 : index
        %get3A_252 = tpu.vector_load %arg5[%get3A_249, %get3A_250, %get3A_251] {strides = array<i32>} : memref<4x3x128xi32, #tpu.memory_space<vmem>>, vector<1x1x16xi32>,
        %get3A_253 = vector.shape_cast %get3A_252 : vector<1x1x16xi32> to vector<16xi32>
        %mul3A_254 = arith.constant 27 : i32
        %mul3A_255 = vector.broadcast %mul3A_254 : i32 to vector<16xi32>
        %mul3A_256 = arith.muli %get3A_253, %mul3A_255 : vector<16xi32>
        %get3A_257 = arith.constant 1 : i32
        %get3A_258 = arith.index_cast %scan3A_206 : i32 to index
        %get3A_259 = arith.index_cast %get3A_257 : i32 to index
        %get3A_260 = arith.constant 32 : index
        %get3A_261 = tpu.vector_load %arg5[%get3A_258, %get3A_259, %get3A_260] {strides = array<i32>} : memref<4x3x128xi32, #tpu.memory_space<vmem>>, vector<1x1x16xi32>,
        %get3A_262 = vector.shape_cast %get3A_261 : vector<1x1x16xi32> to vector<16xi32>
        %add3A_263 = arith.addi %mul3A_256, %get3A_262 : vector<16xi32>
        %swap3A_264 = arith.index_cast %scan3A_206 : i32 to index
        %swap3A_265 = arith.constant 32 : index
        %swap3A_266 = tpu.vector_load %arg7[%swap3A_264, %swap3A_265] {strides = array<i32>} : memref<4x128xi32, #tpu.memory_space<vmem>>, vector<1x16xi32>,
        %swap3A_267 = vector.shape_cast %swap3A_266 : vector<1x16xi32> to vector<16xi32>
        %swap3A_268 = vector.shape_cast %add3A_263 : vector<16xi32> to vector<1x16xi32>
        tpu.vector_store %arg7[%swap3A_264, %swap3A_265], %swap3A_268 {strides = array<i32>} : memref<4x128xi32, #tpu.memory_space<vmem>>, vector<1x16xi32>,
        %get3A_269 = arith.constant 0 : i32
        %get3A_270 = arith.index_cast %scan3A_206 : i32 to index
        %get3A_271 = arith.index_cast %get3A_269 : i32 to index
        %get3A_272 = arith.constant 48 : index
        %get3A_273 = tpu.vector_load %arg5[%get3A_270, %get3A_271, %get3A_272] {strides = array<i32>} : memref<4x3x128xi32, #tpu.memory_space<vmem>>, vector<1x1x16xi32>,
        %get3A_274 = vector.shape_cast %get3A_273 : vector<1x1x16xi32> to vector<16xi32>
        %mul3A_275 = arith.constant 27 : i32
        %mul3A_276 = vector.broadcast %mul3A_275 : i32 to vector<16xi32>
        %mul3A_277 = arith.muli %get3A_274, %mul3A_276 : vector<16xi32>
        %get3A_278 = arith.constant 1 : i32
        %get3A_279 = arith.index_cast %scan3A_206 : i32 to index
        %get3A_280 = arith.index_cast %get3A_278 : i32 to index
        %get3A_281 = arith.constant 48 : index
        %get3A_282 = tpu.vector_load %arg5[%get3A_279, %get3A_280, %get3A_281] {strides = array<i32>} : memref<4x3x128xi32, #tpu.memory_space<vmem>>, vector<1x1x16xi32>,
        %get3A_283 = vector.shape_cast %get3A_282 : vector<1x1x16xi32> to vector<16xi32>
        %add3A_284 = arith.addi %mul3A_277, %get3A_283 : vector<16xi32>
        %swap3A_285 = arith.index_cast %scan3A_206 : i32 to index
        %swap3A_286 = arith.constant 48 : index
        %swap3A_287 = tpu.vector_load %arg7[%swap3A_285, %swap3A_286] {strides = array<i32>} : memref<4x128xi32, #tpu.memory_space<vmem>>, vector<1x16xi32>,
        %swap3A_288 = vector.shape_cast %swap3A_287 : vector<1x16xi32> to vector<16xi32>
        %swap3A_289 = vector.shape_cast %add3A_284 : vector<16xi32> to vector<1x16xi32>
        tpu.vector_store %arg7[%swap3A_285, %swap3A_286], %swap3A_289 {strides = array<i32>} : memref<4x128xi32, #tpu.memory_space<vmem>>, vector<1x16xi32>,
        %get3A_290 = arith.constant 0 : i32
        %get3A_291 = arith.index_cast %scan3A_206 : i32 to index
        %get3A_292 = arith.index_cast %get3A_290 : i32 to index
        %get3A_293 = arith.constant 64 : index
        %get3A_294 = tpu.vector_load %arg5[%get3A_291, %get3A_292, %get3A_293] {strides = array<i32>} : memref<4x3x128xi32, #tpu.memory_space<vmem>>, vector<1x1x16xi32>,
        %get3A_295 = vector.shape_cast %get3A_294 : vector<1x1x16xi32> to vector<16xi32>
        %mul3A_296 = arith.constant 27 : i32
        %mul3A_297 = vector.broadcast %mul3A_296 : i32 to vector<16xi32>
        %mul3A_298 = arith.muli %get3A_295, %mul3A_297 : vector<16xi32>
        %get3A_299 = arith.constant 1 : i32
        %get3A_300 = arith.index_cast %scan3A_206 : i32 to index
        %get3A_301 = arith.index_cast %get3A_299 : i32 to index
        %get3A_302 = arith.constant 64 : index
        %get3A_303 = tpu.vector_load %arg5[%get3A_300, %get3A_301, %get3A_302] {strides = array<i32>} : memref<4x3x128xi32, #tpu.memory_space<vmem>>, vector<1x1x16xi32>,
        %get3A_304 = vector.shape_cast %get3A_303 : vector<1x1x16xi32> to vector<16xi32>
        %add3A_305 = arith.addi %mul3A_298, %get3A_304 : vector<16xi32>
        %swap3A_306 = arith.index_cast %scan3A_206 : i32 to index
        %swap3A_307 = arith.constant 64 : index
        %swap3A_308 = tpu.vector_load %arg7[%swap3A_306, %swap3A_307] {strides = array<i32>} : memref<4x128xi32, #tpu.memory_space<vmem>>, vector<1x16xi32>,
        %swap3A_309 = vector.shape_cast %swap3A_308 : vector<1x16xi32> to vector<16xi32>
        %swap3A_310 = vector.shape_cast %add3A_305 : vector<16xi32> to vector<1x16xi32>
        tpu.vector_store %arg7[%swap3A_306, %swap3A_307], %swap3A_310 {strides = array<i32>} : memref<4x128xi32, #tpu.memory_space<vmem>>, vector<1x16xi32>,
        %get3A_311 = arith.constant 0 : i32
        %get3A_312 = arith.index_cast %scan3A_206 : i32 to index
        %get3A_313 = arith.index_cast %get3A_311 : i32 to index
        %get3A_314 = arith.constant 80 : index
        %get3A_315 = tpu.vector_load %arg5[%get3A_312, %get3A_313, %get3A_314] {strides = array<i32>} : memref<4x3x128xi32, #tpu.memory_space<vmem>>, vector<1x1x16xi32>,
        %get3A_316 = vector.shape_cast %get3A_315 : vector<1x1x16xi32> to vector<16xi32>
        %mul3A_317 = arith.constant 27 : i32
        %mul3A_318 = vector.broadcast %mul3A_317 : i32 to vector<16xi32>
        %mul3A_319 = arith.muli %get3A_316, %mul3A_318 : vector<16xi32>
        %get3A_320 = arith.constant 1 : i32
        %get3A_321 = arith.index_cast %scan3A_206 : i32 to index
        %get3A_322 = arith.index_cast %get3A_320 : i32 to index
        %get3A_323 = arith.constant 80 : index
        %get3A_324 = tpu.vector_load %arg5[%get3A_321, %get3A_322, %get3A_323] {strides = array<i32>} : memref<4x3x128xi32, #tpu.memory_space<vmem>>, vector<1x1x16xi32>,
        %get3A_325 = vector.shape_cast %get3A_324 : vector<1x1x16xi32> to vector<16xi32>
        %add3A_326 = arith.addi %mul3A_319, %get3A_325 : vector<16xi32>
        %swap3A_327 = arith.index_cast %scan3A_206 : i32 to index
        %swap3A_328 = arith.constant 80 : index
        %swap3A_329 = tpu.vector_load %arg7[%swap3A_327, %swap3A_328] {strides = array<i32>} : memref<4x128xi32, #tpu.memory_space<vmem>>, vector<1x16xi32>,
        %swap3A_330 = vector.shape_cast %swap3A_329 : vector<1x16xi32> to vector<16xi32>
        %swap3A_331 = vector.shape_cast %add3A_326 : vector<16xi32> to vector<1x16xi32>
        tpu.vector_store %arg7[%swap3A_327, %swap3A_328], %swap3A_331 {strides = array<i32>} : memref<4x128xi32, #tpu.memory_space<vmem>>, vector<1x16xi32>,
        %get3A_332 = arith.constant 0 : i32
        %get3A_333 = arith.index_cast %scan3A_206 : i32 to index
        %get3A_334 = arith.index_cast %get3A_332 : i32 to index
        %get3A_335 = arith.constant 96 : index
        %get3A_336 = tpu.vector_load %arg5[%get3A_333, %get3A_334, %get3A_335] {strides = array<i32>} : memref<4x3x128xi32, #tpu.memory_space<vmem>>, vector<1x1x16xi32>,
        %get3A_337 = vector.shape_cast %get3A_336 : vector<1x1x16xi32> to vector<16xi32>
        %mul3A_338 = arith.constant 27 : i32
        %mul3A_339 = vector.broadcast %mul3A_338 : i32 to vector<16xi32>
        %mul3A_340 = arith.muli %get3A_337, %mul3A_339 : vector<16xi32>
        %get3A_341 = arith.constant 1 : i32
        %get3A_342 = arith.index_cast %scan3A_206 : i32 to index
        %get3A_343 = arith.index_cast %get3A_341 : i32 to index
        %get3A_344 = arith.constant 96 : index
        %get3A_345 = tpu.vector_load %arg5[%get3A_342, %get3A_343, %get3A_344] {strides = array<i32>} : memref<4x3x128xi32, #tpu.memory_space<vmem>>, vector<1x1x16xi32>,
        %get3A_346 = vector.shape_cast %get3A_345 : vector<1x1x16xi32> to vector<16xi32>
        %add3A_347 = arith.addi %mul3A_340, %get3A_346 : vector<16xi32>
        %swap3A_348 = arith.index_cast %scan3A_206 : i32 to index
        %swap3A_349 = arith.constant 96 : index
        %swap3A_350 = tpu.vector_load %arg7[%swap3A_348, %swap3A_349] {strides = array<i32>} : memref<4x128xi32, #tpu.memory_space<vmem>>, vector<1x16xi32>,
        %swap3A_351 = vector.shape_cast %swap3A_350 : vector<1x16xi32> to vector<16xi32>
        %swap3A_352 = vector.shape_cast %add3A_347 : vector<16xi32> to vector<1x16xi32>
        tpu.vector_store %arg7[%swap3A_348, %swap3A_349], %swap3A_352 {strides = array<i32>} : memref<4x128xi32, #tpu.memory_space<vmem>>, vector<1x16xi32>,
        %get3A_353 = arith.constant 0 : i32
        %get3A_354 = arith.index_cast %scan3A_206 : i32 to index
        %get3A_355 = arith.index_cast %get3A_353 : i32 to index
        %get3A_356 = arith.constant 112 : index
        %get3A_357 = tpu.vector_load %arg5[%get3A_354, %get3A_355, %get3A_356] {strides = array<i32>} : memref<4x3x128xi32, #tpu.memory_space<vmem>>, vector<1x1x16xi32>,
        %get3A_358 = vector.shape_cast %get3A_357 : vector<1x1x16xi32> to vector<16xi32>
        %mul3A_359 = arith.constant 27 : i32
        %mul3A_360 = vector.broadcast %mul3A_359 : i32 to vector<16xi32>
        %mul3A_361 = arith.muli %get3A_358, %mul3A_360 : vector<16xi32>
        %get3A_362 = arith.constant 1 : i32
        %get3A_363 = arith.index_cast %scan3A_206 : i32 to index
        %get3A_364 = arith.index_cast %get3A_362 : i32 to index
        %get3A_365 = arith.constant 112 : index
        %get3A_366 = tpu.vector_load %arg5[%get3A_363, %get3A_364, %get3A_365] {strides = array<i32>} : memref<4x3x128xi32, #tpu.memory_space<vmem>>, vector<1x1x16xi32>,
        %get3A_367 = vector.shape_cast %get3A_366 : vector<1x1x16xi32> to vector<16xi32>
        %add3A_368 = arith.addi %mul3A_361, %get3A_367 : vector<16xi32>
        %swap3A_369 = arith.index_cast %scan3A_206 : i32 to index
        %swap3A_370 = arith.constant 112 : index
        %swap3A_371 = tpu.vector_load %arg7[%swap3A_369, %swap3A_370] {strides = array<i32>} : memref<4x128xi32, #tpu.memory_space<vmem>>, vector<1x16xi32>,
        %swap3A_372 = vector.shape_cast %swap3A_371 : vector<1x16xi32> to vector<16xi32>
        %swap3A_373 = vector.shape_cast %add3A_368 : vector<16xi32> to vector<1x16xi32>
        tpu.vector_store %arg7[%swap3A_369, %swap3A_370], %swap3A_373 {strides = array<i32>} : memref<4x128xi32, #tpu.memory_space<vmem>>, vector<1x16xi32>,
        %scan3A_374 = arith.constant 0 : i32
        scf.yield %scan3A_374 : i32
      }
      %scan3A_52 = arith.constant 4 : i32
      %dma_start3A_53 = arith.constant 0 : i32
      %dma_start3A_54 = arith.constant 0 : i32
      %dma_start3A_55 = tpu.memref_slice %arg7[%dma_start3A_53, %dma_start3A_54] : memref<4x128xi32, #tpu.memory_space<vmem>> -> memref<1x128xi32, #tpu.memory_space<vmem>>
      %dma_start3A_56 = tpu.memref_squeeze %dma_start3A_55 : memref<1x128xi32, #tpu.memory_space<vmem>> -> memref<128xi32, #tpu.memory_space<vmem>>
      %dma_start3A_57 = arith.constant 0 : i32
      %dma_start3A_58 = arith.constant 0 : i32
      %dma_start3A_59 = tpu.memref_slice %arg3[%dma_start3A_57, %dma_start3A_58] : memref<270000x128xf32, #tpu.memory_space<hbm>> -> memref<270000x128xf32, #tpu.memory_space<hbm>>
      tpu.enqueue_indirect_dma source(%dma_start3A_59 : memref<270000x128xf32, #tpu.memory_space<hbm>>) target(%arg9 : memref<128x128xf32, #tpu.memory_space<vmem>>) offsets(%dma_start3A_56 : memref<128xi32, #tpu.memory_space<vmem>>) semaphore(%arg14 : memref<!tpu.dma_semaphore, #tpu.memory_space<semaphore_mem>>)
      %dma_start3A_60 = arith.constant 1 : i32
      %dma_start3A_61 = arith.constant 0 : i32
      %dma_start3A_62 = tpu.memref_slice %arg7[%dma_start3A_60, %dma_start3A_61] : memref<4x128xi32, #tpu.memory_space<vmem>> -> memref<1x128xi32, #tpu.memory_space<vmem>>
      %dma_start3A_63 = tpu.memref_squeeze %dma_start3A_62 : memref<1x128xi32, #tpu.memory_space<vmem>> -> memref<128xi32, #tpu.memory_space<vmem>>
      %dma_start3A_64 = arith.constant 0 : i32
      %dma_start3A_65 = arith.constant 0 : i32
      %dma_start3A_66 = tpu.memref_slice %arg3[%dma_start3A_64, %dma_start3A_65] : memref<270000x128xf32, #tpu.memory_space<hbm>> -> memref<270000x128xf32, #tpu.memory_space<hbm>>
      tpu.enqueue_indirect_dma source(%dma_start3A_66 : memref<270000x128xf32, #tpu.memory_space<hbm>>) target(%arg10 : memref<128x128xf32, #tpu.memory_space<vmem>>) offsets(%dma_start3A_63 : memref<128xi32, #tpu.memory_space<vmem>>) semaphore(%arg15 : memref<!tpu.dma_semaphore, #tpu.memory_space<semaphore_mem>>)
      %dma_wait3A_67 = arith.constant 0 : i32
      %dma_wait3A_68 = arith.constant 0 : i32
      %dma_wait3A_69 = tpu.memref_slice %arg7[%dma_wait3A_67, %dma_wait3A_68] : memref<4x128xi32, #tpu.memory_space<vmem>> -> memref<1x128xi32, #tpu.memory_space<vmem>>
      %dma_wait3A_70 = tpu.memref_squeeze %dma_wait3A_69 : memref<1x128xi32, #tpu.memory_space<vmem>> -> memref<128xi32, #tpu.memory_space<vmem>>
      %dma_wait3A_71 = arith.constant 0 : i32
      %dma_wait3A_72 = arith.constant 0 : i32
      %dma_wait3A_73 = tpu.memref_slice %arg3[%dma_wait3A_71, %dma_wait3A_72] : memref<270000x128xf32, #tpu.memory_space<hbm>> -> memref<270000x128xf32, #tpu.memory_space<hbm>>
      tpu.wait_indirect_dma semaphore(%arg14 : memref<!tpu.dma_semaphore, #tpu.memory_space<semaphore_mem>>) src(%dma_wait3A_73 : memref<270000x128xf32, #tpu.memory_space<hbm>>) dst(%arg9 : memref<128x128xf32, #tpu.memory_space<vmem>>)
      %run_scoped3A = arith.constant 0 : i32
      %run_scoped3A_74 = arith.constant 2 : i32
      "tpu.region"() ({
        %run_scoped3A_206 = tpu.sem_alloc : memref<!tpu.dma_semaphore, #tpu.memory_space<semaphore_mem>>
        %dma_start3A_207 = arith.constant 0 : i32
        %dma_start3A_208 = tpu.memref_slice %arg5[%run_scoped3A, %run_scoped3A_74, %dma_start3A_207] : memref<4x3x128xi32, #tpu.memory_space<vmem>> -> memref<1x1x128xi32, #tpu.memory_space<vmem>>
        %dma_start3A_209 = tpu.memref_squeeze %dma_start3A_208 : memref<1x1x128xi32, #tpu.memory_space<vmem>> -> memref<128xi32, #tpu.memory_space<vmem>>
        %dma_start3A_210 = arith.constant 0 : i32
        %dma_start3A_211 = arith.constant 0 : i32
        %dma_start3A_212 = tpu.memref_slice %arg11[%dma_start3A_210, %dma_start3A_211] : memref<10008x128xf32, #tpu.memory_space<vmem_shared>> -> memref<10008x128xf32, #tpu.memory_space<vmem_shared>>
        tpu.enqueue_indirect_dma source(%arg9 : memref<128x128xf32, #tpu.memory_space<vmem>>) target(%dma_start3A_212 : memref<10008x128xf32, #tpu.memory_space<vmem_shared>>) offsets(%dma_start3A_209 : memref<128xi32, #tpu.memory_space<vmem>>) semaphore(%run_scoped3A_206 : memref<!tpu.dma_semaphore, #tpu.memory_space<semaphore_mem>>) {add = true}
        %dma_wait3A_213 = arith.constant 0 : i32
        %dma_wait3A_214 = tpu.memref_slice %arg5[%run_scoped3A, %run_scoped3A_74, %dma_wait3A_213] : memref<4x3x128xi32, #tpu.memory_space<vmem>> -> memref<1x1x128xi32, #tpu.memory_space<vmem>>
        %dma_wait3A_215 = tpu.memref_squeeze %dma_wait3A_214 : memref<1x1x128xi32, #tpu.memory_space<vmem>> -> memref<128xi32, #tpu.memory_space<vmem>>
        %dma_wait3A_216 = arith.constant 0 : i32
        %dma_wait3A_217 = arith.constant 0 : i32
        %dma_wait3A_218 = tpu.memref_slice %arg11[%dma_wait3A_216, %dma_wait3A_217] : memref<10008x128xf32, #tpu.memory_space<vmem_shared>> -> memref<10008x128xf32, #tpu.memory_space<vmem_shared>>
        tpu.wait_indirect_dma semaphore(%run_scoped3A_206 : memref<!tpu.dma_semaphore, #tpu.memory_space<semaphore_mem>>) src(%arg9 : memref<128x128xf32, #tpu.memory_space<vmem>>) dst(%dma_wait3A_218 : memref<10008x128xf32, #tpu.memory_space<vmem_shared>>)
        tpu.yield
      }) : () -> ()
      %dma_start3A_75 = arith.constant 2 : i32
      %dma_start3A_76 = arith.constant 0 : i32
      %dma_start3A_77 = tpu.memref_slice %arg7[%dma_start3A_75, %dma_start3A_76] : memref<4x128xi32, #tpu.memory_space<vmem>> -> memref<1x128xi32, #tpu.memory_space<vmem>>
      %dma_start3A_78 = tpu.memref_squeeze %dma_start3A_77 : memref<1x128xi32, #tpu.memory_space<vmem>> -> memref<128xi32, #tpu.memory_space<vmem>>
      %dma_start3A_79 = arith.constant 0 : i32
      %dma_start3A_80 = arith.constant 0 : i32
      %dma_start3A_81 = tpu.memref_slice %arg3[%dma_start3A_79, %dma_start3A_80] : memref<270000x128xf32, #tpu.memory_space<hbm>> -> memref<270000x128xf32, #tpu.memory_space<hbm>>
      tpu.enqueue_indirect_dma source(%dma_start3A_81 : memref<270000x128xf32, #tpu.memory_space<hbm>>) target(%arg9 : memref<128x128xf32, #tpu.memory_space<vmem>>) offsets(%dma_start3A_78 : memref<128xi32, #tpu.memory_space<vmem>>) semaphore(%arg14 : memref<!tpu.dma_semaphore, #tpu.memory_space<semaphore_mem>>)
      %dma_wait3A_82 = arith.constant 1 : i32
      %dma_wait3A_83 = arith.constant 0 : i32
      %dma_wait3A_84 = tpu.memref_slice %arg7[%dma_wait3A_82, %dma_wait3A_83] : memref<4x128xi32, #tpu.memory_space<vmem>> -> memref<1x128xi32, #tpu.memory_space<vmem>>
      %dma_wait3A_85 = tpu.memref_squeeze %dma_wait3A_84 : memref<1x128xi32, #tpu.memory_space<vmem>> -> memref<128xi32, #tpu.memory_space<vmem>>
      %dma_wait3A_86 = arith.constant 0 : i32
      %dma_wait3A_87 = arith.constant 0 : i32
      %dma_wait3A_88 = tpu.memref_slice %arg3[%dma_wait3A_86, %dma_wait3A_87] : memref<270000x128xf32, #tpu.memory_space<hbm>> -> memref<270000x128xf32, #tpu.memory_space<hbm>>
      tpu.wait_indirect_dma semaphore(%arg15 : memref<!tpu.dma_semaphore, #tpu.memory_space<semaphore_mem>>) src(%dma_wait3A_88 : memref<270000x128xf32, #tpu.memory_space<hbm>>) dst(%arg10 : memref<128x128xf32, #tpu.memory_space<vmem>>)
      %run_scoped3A_89 = arith.constant 1 : i32
      %run_scoped3A_90 = arith.constant 2 : i32
      "tpu.region"() ({
        %run_scoped3A_206 = tpu.sem_alloc : memref<!tpu.dma_semaphore, #tpu.memory_space<semaphore_mem>>
        %dma_start3A_207 = arith.constant 0 : i32
        %dma_start3A_208 = tpu.memref_slice %arg5[%run_scoped3A_89, %run_scoped3A_90, %dma_start3A_207] : memref<4x3x128xi32, #tpu.memory_space<vmem>> -> memref<1x1x128xi32, #tpu.memory_space<vmem>>
        %dma_start3A_209 = tpu.memref_squeeze %dma_start3A_208 : memref<1x1x128xi32, #tpu.memory_space<vmem>> -> memref<128xi32, #tpu.memory_space<vmem>>
        %dma_start3A_210 = arith.constant 0 : i32
        %dma_start3A_211 = arith.constant 0 : i32
        %dma_start3A_212 = tpu.memref_slice %arg11[%dma_start3A_210, %dma_start3A_211] : memref<10008x128xf32, #tpu.memory_space<vmem_shared>> -> memref<10008x128xf32, #tpu.memory_space<vmem_shared>>
        tpu.enqueue_indirect_dma source(%arg10 : memref<128x128xf32, #tpu.memory_space<vmem>>) target(%dma_start3A_212 : memref<10008x128xf32, #tpu.memory_space<vmem_shared>>) offsets(%dma_start3A_209 : memref<128xi32, #tpu.memory_space<vmem>>) semaphore(%run_scoped3A_206 : memref<!tpu.dma_semaphore, #tpu.memory_space<semaphore_mem>>) {add = true}
        %dma_wait3A_213 = arith.constant 0 : i32
        %dma_wait3A_214 = tpu.memref_slice %arg5[%run_scoped3A_89, %run_scoped3A_90, %dma_wait3A_213] : memref<4x3x128xi32, #tpu.memory_space<vmem>> -> memref<1x1x128xi32, #tpu.memory_space<vmem>>
        %dma_wait3A_215 = tpu.memref_squeeze %dma_wait3A_214 : memref<1x1x128xi32, #tpu.memory_space<vmem>> -> memref<128xi32, #tpu.memory_space<vmem>>
        %dma_wait3A_216 = arith.constant 0 : i32
        %dma_wait3A_217 = arith.constant 0 : i32
        %dma_wait3A_218 = tpu.memref_slice %arg11[%dma_wait3A_216, %dma_wait3A_217] : memref<10008x128xf32, #tpu.memory_space<vmem_shared>> -> memref<10008x128xf32, #tpu.memory_space<vmem_shared>>
        tpu.wait_indirect_dma semaphore(%run_scoped3A_206 : memref<!tpu.dma_semaphore, #tpu.memory_space<semaphore_mem>>) src(%arg10 : memref<128x128xf32, #tpu.memory_space<vmem>>) dst(%dma_wait3A_218 : memref<10008x128xf32, #tpu.memory_space<vmem_shared>>)
        tpu.yield
      }) : () -> ()
      %dma_start3A_91 = arith.constant 3 : i32
      %dma_start3A_92 = arith.constant 0 : i32
      %dma_start3A_93 = tpu.memref_slice %arg7[%dma_start3A_91, %dma_start3A_92] : memref<4x128xi32, #tpu.memory_space<vmem>> -> memref<1x128xi32, #tpu.memory_space<vmem>>
      %dma_start3A_94 = tpu.memref_squeeze %dma_start3A_93 : memref<1x128xi32, #tpu.memory_space<vmem>> -> memref<128xi32, #tpu.memory_space<vmem>>
      %dma_start3A_95 = arith.constant 0 : i32
      %dma_start3A_96 = arith.constant 0 : i32
      %dma_start3A_97 = tpu.memref_slice %arg3[%dma_start3A_95, %dma_start3A_96] : memref<270000x128xf32, #tpu.memory_space<hbm>> -> memref<270000x128xf32, #tpu.memory_space<hbm>>
      tpu.enqueue_indirect_dma source(%dma_start3A_97 : memref<270000x128xf32, #tpu.memory_space<hbm>>) target(%arg10 : memref<128x128xf32, #tpu.memory_space<vmem>>) offsets(%dma_start3A_94 : memref<128xi32, #tpu.memory_space<vmem>>) semaphore(%arg15 : memref<!tpu.dma_semaphore, #tpu.memory_space<semaphore_mem>>)
      %dma_wait3A_98 = arith.constant 2 : i32
      %dma_wait3A_99 = arith.constant 0 : i32
      %dma_wait3A_100 = tpu.memref_slice %arg7[%dma_wait3A_98, %dma_wait3A_99] : memref<4x128xi32, #tpu.memory_space<vmem>> -> memref<1x128xi32, #tpu.memory_space<vmem>>
      %dma_wait3A_101 = tpu.memref_squeeze %dma_wait3A_100 : memref<1x128xi32, #tpu.memory_space<vmem>> -> memref<128xi32, #tpu.memory_space<vmem>>
      %dma_wait3A_102 = arith.constant 0 : i32
      %dma_wait3A_103 = arith.constant 0 : i32
      %dma_wait3A_104 = tpu.memref_slice %arg3[%dma_wait3A_102, %dma_wait3A_103] : memref<270000x128xf32, #tpu.memory_space<hbm>> -> memref<270000x128xf32, #tpu.memory_space<hbm>>
      tpu.wait_indirect_dma semaphore(%arg14 : memref<!tpu.dma_semaphore, #tpu.memory_space<semaphore_mem>>) src(%dma_wait3A_104 : memref<270000x128xf32, #tpu.memory_space<hbm>>) dst(%arg9 : memref<128x128xf32, #tpu.memory_space<vmem>>)
      %run_scoped3A_105 = arith.constant 2 : i32
      %run_scoped3A_106 = arith.constant 2 : i32
      "tpu.region"() ({
        %run_scoped3A_206 = tpu.sem_alloc : memref<!tpu.dma_semaphore, #tpu.memory_space<semaphore_mem>>
        %dma_start3A_207 = arith.constant 0 : i32
        %dma_start3A_208 = tpu.memref_slice %arg5[%run_scoped3A_105, %run_scoped3A_106, %dma_start3A_207] : memref<4x3x128xi32, #tpu.memory_space<vmem>> -> memref<1x1x128xi32, #tpu.memory_space<vmem>>
        %dma_start3A_209 = tpu.memref_squeeze %dma_start3A_208 : memref<1x1x128xi32, #tpu.memory_space<vmem>> -> memref<128xi32, #tpu.memory_space<vmem>>
        %dma_start3A_210 = arith.constant 0 : i32
        %dma_start3A_211 = arith.constant 0 : i32
        %dma_start3A_212 = tpu.memref_slice %arg11[%dma_start3A_210, %dma_start3A_211] : memref<10008x128xf32, #tpu.memory_space<vmem_shared>> -> memref<10008x128xf32, #tpu.memory_space<vmem_shared>>
        tpu.enqueue_indirect_dma source(%arg9 : memref<128x128xf32, #tpu.memory_space<vmem>>) target(%dma_start3A_212 : memref<10008x128xf32, #tpu.memory_space<vmem_shared>>) offsets(%dma_start3A_209 : memref<128xi32, #tpu.memory_space<vmem>>) semaphore(%run_scoped3A_206 : memref<!tpu.dma_semaphore, #tpu.memory_space<semaphore_mem>>) {add = true}
        %dma_wait3A_213 = arith.constant 0 : i32
        %dma_wait3A_214 = tpu.memref_slice %arg5[%run_scoped3A_105, %run_scoped3A_106, %dma_wait3A_213] : memref<4x3x128xi32, #tpu.memory_space<vmem>> -> memref<1x1x128xi32, #tpu.memory_space<vmem>>
        %dma_wait3A_215 = tpu.memref_squeeze %dma_wait3A_214 : memref<1x1x128xi32, #tpu.memory_space<vmem>> -> memref<128xi32, #tpu.memory_space<vmem>>
        %dma_wait3A_216 = arith.constant 0 : i32
        %dma_wait3A_217 = arith.constant 0 : i32
        %dma_wait3A_218 = tpu.memref_slice %arg11[%dma_wait3A_216, %dma_wait3A_217] : memref<10008x128xf32, #tpu.memory_space<vmem_shared>> -> memref<10008x128xf32, #tpu.memory_space<vmem_shared>>
        tpu.wait_indirect_dma semaphore(%run_scoped3A_206 : memref<!tpu.dma_semaphore, #tpu.memory_space<semaphore_mem>>) src(%arg9 : memref<128x128xf32, #tpu.memory_space<vmem>>) dst(%dma_wait3A_218 : memref<10008x128xf32, #tpu.memory_space<vmem_shared>>)
        tpu.yield
      }) : () -> ()
      %dma_wait3A_107 = arith.constant 3 : i32
      %dma_wait3A_108 = arith.constant 0 : i32
      %dma_wait3A_109 = tpu.memref_slice %arg7[%dma_wait3A_107, %dma_wait3A_108] : memref<4x128xi32, #tpu.memory_space<vmem>> -> memref<1x128xi32, #tpu.memory_space<vmem>>
      %dma_wait3A_110 = tpu.memref_squeeze %dma_wait3A_109 : memref<1x128xi32, #tpu.memory_space<vmem>> -> memref<128xi32, #tpu.memory_space<vmem>>
      %dma_wait3A_111 = arith.constant 0 : i32
      %dma_wait3A_112 = arith.constant 0 : i32
      %dma_wait3A_113 = tpu.memref_slice %arg3[%dma_wait3A_111, %dma_wait3A_112] : memref<270000x128xf32, #tpu.memory_space<hbm>> -> memref<270000x128xf32, #tpu.memory_space<hbm>>
      tpu.wait_indirect_dma semaphore(%arg15 : memref<!tpu.dma_semaphore, #tpu.memory_space<semaphore_mem>>) src(%dma_wait3A_113 : memref<270000x128xf32, #tpu.memory_space<hbm>>) dst(%arg10 : memref<128x128xf32, #tpu.memory_space<vmem>>)
      %run_scoped3A_114 = arith.constant 3 : i32
      %run_scoped3A_115 = arith.constant 2 : i32
      "tpu.region"() ({
        %run_scoped3A_206 = tpu.sem_alloc : memref<!tpu.dma_semaphore, #tpu.memory_space<semaphore_mem>>
        %dma_start3A_207 = arith.constant 0 : i32
        %dma_start3A_208 = tpu.memref_slice %arg5[%run_scoped3A_114, %run_scoped3A_115, %dma_start3A_207] : memref<4x3x128xi32, #tpu.memory_space<vmem>> -> memref<1x1x128xi32, #tpu.memory_space<vmem>>
        %dma_start3A_209 = tpu.memref_squeeze %dma_start3A_208 : memref<1x1x128xi32, #tpu.memory_space<vmem>> -> memref<128xi32, #tpu.memory_space<vmem>>
        %dma_start3A_210 = arith.constant 0 : i32
        %dma_start3A_211 = arith.constant 0 : i32
        %dma_start3A_212 = tpu.memref_slice %arg11[%dma_start3A_210, %dma_start3A_211] : memref<10008x128xf32, #tpu.memory_space<vmem_shared>> -> memref<10008x128xf32, #tpu.memory_space<vmem_shared>>
        tpu.enqueue_indirect_dma source(%arg10 : memref<128x128xf32, #tpu.memory_space<vmem>>) target(%dma_start3A_212 : memref<10008x128xf32, #tpu.memory_space<vmem_shared>>) offsets(%dma_start3A_209 : memref<128xi32, #tpu.memory_space<vmem>>) semaphore(%run_scoped3A_206 : memref<!tpu.dma_semaphore, #tpu.memory_space<semaphore_mem>>) {add = true}
        %dma_wait3A_213 = arith.constant 0 : i32
        %dma_wait3A_214 = tpu.memref_slice %arg5[%run_scoped3A_114, %run_scoped3A_115, %dma_wait3A_213] : memref<4x3x128xi32, #tpu.memory_space<vmem>> -> memref<1x1x128xi32, #tpu.memory_space<vmem>>
        %dma_wait3A_215 = tpu.memref_squeeze %dma_wait3A_214 : memref<1x1x128xi32, #tpu.memory_space<vmem>> -> memref<128xi32, #tpu.memory_space<vmem>>
        %dma_wait3A_216 = arith.constant 0 : i32
        %dma_wait3A_217 = arith.constant 0 : i32
        %dma_wait3A_218 = tpu.memref_slice %arg11[%dma_wait3A_216, %dma_wait3A_217] : memref<10008x128xf32, #tpu.memory_space<vmem_shared>> -> memref<10008x128xf32, #tpu.memory_space<vmem_shared>>
        tpu.wait_indirect_dma semaphore(%run_scoped3A_206 : memref<!tpu.dma_semaphore, #tpu.memory_space<semaphore_mem>>) src(%arg10 : memref<128x128xf32, #tpu.memory_space<vmem>>) dst(%dma_wait3A_218 : memref<10008x128xf32, #tpu.memory_space<vmem_shared>>)
        tpu.yield
      }) : () -> ()
      %mul3A_116 = arith.constant 2 : i32
      %mul3A_117 = arith.muli %mul3A_116, %scan3A_29 : i32
      %add3A_118 = arith.constant 1 : i32
      %add3A_119 = arith.addi %mul3A_117, %add3A_118 : i32
      %mul3A_120 = arith.constant 4 : i32
      %mul3A_121 = arith.muli %add3A_119, %mul3A_120 : i32
      %add3A_122 = arith.addi %add3A, %mul3A_121 : i32
      %dma_wait3A_123 = arith.constant 0 : i32
      %dma_wait3A_124 = arith.constant 0 : i32
      %dma_wait3A_125 = tpu.memref_slice %arg2[%add3A_122, %dma_wait3A_123, %dma_wait3A_124] : memref<1280x3x128xi32, #tpu.memory_space<hbm>> -> memref<4x3x128xi32, #tpu.memory_space<hbm>>
      %dma_wait3A_126 = arith.constant 0 : i32
      %dma_wait3A_127 = arith.constant 0 : i32
      %dma_wait3A_128 = tpu.memref_slice %arg2[%add3A_122, %dma_wait3A_126, %dma_wait3A_127] : memref<1280x3x128xi32, #tpu.memory_space<hbm>> -> memref<4x3x128xi32, #tpu.memory_space<hbm>>
      tpu.wait_dma2 semaphore(%arg13 : memref<!tpu.dma_semaphore, #tpu.memory_space<semaphore_mem>>) src(%dma_wait3A_128 : memref<4x3x128xi32, #tpu.memory_space<hbm>>) dst(%arg6 : memref<4x3x128xi32, #tpu.memory_space<vmem>>)
      %lt3A_129 = arith.constant 9 : i32
      %lt3A_130 = arith.cmpi slt, %add3A_119, %lt3A_129 : i32
      %convert_element_type3A_131 = arith.extui %lt3A_130 : i1 to i32
      %cond3A_132 = arith.constant 0 : i32
      %cond3A_133 = arith.cmpi ne, %convert_element_type3A_131, %cond3A_132 : i32
      scf.if %cond3A_133 {
        %add3A_206 = arith.constant 1 : i32
        %add3A_207 = arith.addi %add3A_119, %add3A_206 : i32
        %mul3A_208 = arith.constant 4 : i32
        %mul3A_209 = arith.muli %add3A_207, %mul3A_208 : i32
        %add3A_210 = arith.addi %add3A, %mul3A_209 : i32
        %dma_start3A_211 = arith.constant 0 : i32
        %dma_start3A_212 = arith.constant 0 : i32
        %dma_start3A_213 = tpu.memref_slice %arg2[%add3A_210, %dma_start3A_211, %dma_start3A_212] : memref<1280x3x128xi32, #tpu.memory_space<hbm>> -> memref<4x3x128xi32, #tpu.memory_space<hbm>>
        %dma_start3A_214 = arith.constant 0 : i32
        %dma_start3A_215 = arith.constant 0 : i32
        %dma_start3A_216 = tpu.memref_slice %arg2[%add3A_210, %dma_start3A_214, %dma_start3A_215] : memref<1280x3x128xi32, #tpu.memory_space<hbm>> -> memref<4x3x128xi32, #tpu.memory_space<hbm>>
        tpu.enqueue_dma source(%dma_start3A_216 : memref<4x3x128xi32, #tpu.memory_space<hbm>>) target(%arg5 : memref<4x3x128xi32, #tpu.memory_space<vmem>>) target_semaphore(%arg12 : memref<!tpu.dma_semaphore, #tpu.memory_space<semaphore_mem>>)
      } else {
      }
      %scan3A_134 = arith.constant 0 : i32
      %scan3A_135 = arith.constant 0 : i32
      %scan3A_136 = arith.constant 4 : i32
      %scan3A_137 = arith.addi %scan3A_135, %scan3A_136 : i32
      %scan3A_138 = arith.constant 1 : i32
      %scan3A_139 = scf.for %scan3A_206 = %scan3A_135 to %scan3A_137 step %scan3A_138 iter_args(%scan3A_207 = %scan3A_134) -> (i32)  : i32 {
        %get3A = arith.constant 0 : i32
        %get3A_208 = arith.index_cast %scan3A_206 : i32 to index
        %get3A_209 = arith.index_cast %get3A : i32 to index
        %get3A_210 = arith.constant 0 : index
        %get3A_211 = tpu.vector_load %arg6[%get3A_208, %get3A_209, %get3A_210] {strides = array<i32>} : memref<4x3x128xi32, #tpu.memory_space<vmem>>, vector<1x1x16xi32>,
        %get3A_212 = vector.shape_cast %get3A_211 : vector<1x1x16xi32> to vector<16xi32>
        %mul3A_213 = arith.constant 27 : i32
        %mul3A_214 = vector.broadcast %mul3A_213 : i32 to vector<16xi32>
        %mul3A_215 = arith.muli %get3A_212, %mul3A_214 : vector<16xi32>
        %get3A_216 = arith.constant 1 : i32
        %get3A_217 = arith.index_cast %scan3A_206 : i32 to index
        %get3A_218 = arith.index_cast %get3A_216 : i32 to index
        %get3A_219 = arith.constant 0 : index
        %get3A_220 = tpu.vector_load %arg6[%get3A_217, %get3A_218, %get3A_219] {strides = array<i32>} : memref<4x3x128xi32, #tpu.memory_space<vmem>>, vector<1x1x16xi32>,
        %get3A_221 = vector.shape_cast %get3A_220 : vector<1x1x16xi32> to vector<16xi32>
        %add3A_222 = arith.addi %mul3A_215, %get3A_221 : vector<16xi32>
        %swap3A = arith.index_cast %scan3A_206 : i32 to index
        %swap3A_223 = arith.constant 0 : index
        %swap3A_224 = tpu.vector_load %arg8[%swap3A, %swap3A_223] {strides = array<i32>} : memref<4x128xi32, #tpu.memory_space<vmem>>, vector<1x16xi32>,
        %swap3A_225 = vector.shape_cast %swap3A_224 : vector<1x16xi32> to vector<16xi32>
        %swap3A_226 = vector.shape_cast %add3A_222 : vector<16xi32> to vector<1x16xi32>
        tpu.vector_store %arg8[%swap3A, %swap3A_223], %swap3A_226 {strides = array<i32>} : memref<4x128xi32, #tpu.memory_space<vmem>>, vector<1x16xi32>,
        %get3A_227 = arith.constant 0 : i32
        %get3A_228 = arith.index_cast %scan3A_206 : i32 to index
        %get3A_229 = arith.index_cast %get3A_227 : i32 to index
        %get3A_230 = arith.constant 16 : index
        %get3A_231 = tpu.vector_load %arg6[%get3A_228, %get3A_229, %get3A_230] {strides = array<i32>} : memref<4x3x128xi32, #tpu.memory_space<vmem>>, vector<1x1x16xi32>,
        %get3A_232 = vector.shape_cast %get3A_231 : vector<1x1x16xi32> to vector<16xi32>
        %mul3A_233 = arith.constant 27 : i32
        %mul3A_234 = vector.broadcast %mul3A_233 : i32 to vector<16xi32>
        %mul3A_235 = arith.muli %get3A_232, %mul3A_234 : vector<16xi32>
        %get3A_236 = arith.constant 1 : i32
        %get3A_237 = arith.index_cast %scan3A_206 : i32 to index
        %get3A_238 = arith.index_cast %get3A_236 : i32 to index
        %get3A_239 = arith.constant 16 : index
        %get3A_240 = tpu.vector_load %arg6[%get3A_237, %get3A_238, %get3A_239] {strides = array<i32>} : memref<4x3x128xi32, #tpu.memory_space<vmem>>, vector<1x1x16xi32>,
        %get3A_241 = vector.shape_cast %get3A_240 : vector<1x1x16xi32> to vector<16xi32>
        %add3A_242 = arith.addi %mul3A_235, %get3A_241 : vector<16xi32>
        %swap3A_243 = arith.index_cast %scan3A_206 : i32 to index
        %swap3A_244 = arith.constant 16 : index
        %swap3A_245 = tpu.vector_load %arg8[%swap3A_243, %swap3A_244] {strides = array<i32>} : memref<4x128xi32, #tpu.memory_space<vmem>>, vector<1x16xi32>,
        %swap3A_246 = vector.shape_cast %swap3A_245 : vector<1x16xi32> to vector<16xi32>
        %swap3A_247 = vector.shape_cast %add3A_242 : vector<16xi32> to vector<1x16xi32>
        tpu.vector_store %arg8[%swap3A_243, %swap3A_244], %swap3A_247 {strides = array<i32>} : memref<4x128xi32, #tpu.memory_space<vmem>>, vector<1x16xi32>,
        %get3A_248 = arith.constant 0 : i32
        %get3A_249 = arith.index_cast %scan3A_206 : i32 to index
        %get3A_250 = arith.index_cast %get3A_248 : i32 to index
        %get3A_251 = arith.constant 32 : index
        %get3A_252 = tpu.vector_load %arg6[%get3A_249, %get3A_250, %get3A_251] {strides = array<i32>} : memref<4x3x128xi32, #tpu.memory_space<vmem>>, vector<1x1x16xi32>,
        %get3A_253 = vector.shape_cast %get3A_252 : vector<1x1x16xi32> to vector<16xi32>
        %mul3A_254 = arith.constant 27 : i32
        %mul3A_255 = vector.broadcast %mul3A_254 : i32 to vector<16xi32>
        %mul3A_256 = arith.muli %get3A_253, %mul3A_255 : vector<16xi32>
        %get3A_257 = arith.constant 1 : i32
        %get3A_258 = arith.index_cast %scan3A_206 : i32 to index
        %get3A_259 = arith.index_cast %get3A_257 : i32 to index
        %get3A_260 = arith.constant 32 : index
        %get3A_261 = tpu.vector_load %arg6[%get3A_258, %get3A_259, %get3A_260] {strides = array<i32>} : memref<4x3x128xi32, #tpu.memory_space<vmem>>, vector<1x1x16xi32>,
        %get3A_262 = vector.shape_cast %get3A_261 : vector<1x1x16xi32> to vector<16xi32>
        %add3A_263 = arith.addi %mul3A_256, %get3A_262 : vector<16xi32>
        %swap3A_264 = arith.index_cast %scan3A_206 : i32 to index
        %swap3A_265 = arith.constant 32 : index
        %swap3A_266 = tpu.vector_load %arg8[%swap3A_264, %swap3A_265] {strides = array<i32>} : memref<4x128xi32, #tpu.memory_space<vmem>>, vector<1x16xi32>,
        %swap3A_267 = vector.shape_cast %swap3A_266 : vector<1x16xi32> to vector<16xi32>
        %swap3A_268 = vector.shape_cast %add3A_263 : vector<16xi32> to vector<1x16xi32>
        tpu.vector_store %arg8[%swap3A_264, %swap3A_265], %swap3A_268 {strides = array<i32>} : memref<4x128xi32, #tpu.memory_space<vmem>>, vector<1x16xi32>,
        %get3A_269 = arith.constant 0 : i32
        %get3A_270 = arith.index_cast %scan3A_206 : i32 to index
        %get3A_271 = arith.index_cast %get3A_269 : i32 to index
        %get3A_272 = arith.constant 48 : index
        %get3A_273 = tpu.vector_load %arg6[%get3A_270, %get3A_271, %get3A_272] {strides = array<i32>} : memref<4x3x128xi32, #tpu.memory_space<vmem>>, vector<1x1x16xi32>,
        %get3A_274 = vector.shape_cast %get3A_273 : vector<1x1x16xi32> to vector<16xi32>
        %mul3A_275 = arith.constant 27 : i32
        %mul3A_276 = vector.broadcast %mul3A_275 : i32 to vector<16xi32>
        %mul3A_277 = arith.muli %get3A_274, %mul3A_276 : vector<16xi32>
        %get3A_278 = arith.constant 1 : i32
        %get3A_279 = arith.index_cast %scan3A_206 : i32 to index
        %get3A_280 = arith.index_cast %get3A_278 : i32 to index
        %get3A_281 = arith.constant 48 : index
        %get3A_282 = tpu.vector_load %arg6[%get3A_279, %get3A_280, %get3A_281] {strides = array<i32>} : memref<4x3x128xi32, #tpu.memory_space<vmem>>, vector<1x1x16xi32>,
        %get3A_283 = vector.shape_cast %get3A_282 : vector<1x1x16xi32> to vector<16xi32>
        %add3A_284 = arith.addi %mul3A_277, %get3A_283 : vector<16xi32>
        %swap3A_285 = arith.index_cast %scan3A_206 : i32 to index
        %swap3A_286 = arith.constant 48 : index
        %swap3A_287 = tpu.vector_load %arg8[%swap3A_285, %swap3A_286] {strides = array<i32>} : memref<4x128xi32, #tpu.memory_space<vmem>>, vector<1x16xi32>,
        %swap3A_288 = vector.shape_cast %swap3A_287 : vector<1x16xi32> to vector<16xi32>
        %swap3A_289 = vector.shape_cast %add3A_284 : vector<16xi32> to vector<1x16xi32>
        tpu.vector_store %arg8[%swap3A_285, %swap3A_286], %swap3A_289 {strides = array<i32>} : memref<4x128xi32, #tpu.memory_space<vmem>>, vector<1x16xi32>,
        %get3A_290 = arith.constant 0 : i32
        %get3A_291 = arith.index_cast %scan3A_206 : i32 to index
        %get3A_292 = arith.index_cast %get3A_290 : i32 to index
        %get3A_293 = arith.constant 64 : index
        %get3A_294 = tpu.vector_load %arg6[%get3A_291, %get3A_292, %get3A_293] {strides = array<i32>} : memref<4x3x128xi32, #tpu.memory_space<vmem>>, vector<1x1x16xi32>,
        %get3A_295 = vector.shape_cast %get3A_294 : vector<1x1x16xi32> to vector<16xi32>
        %mul3A_296 = arith.constant 27 : i32
        %mul3A_297 = vector.broadcast %mul3A_296 : i32 to vector<16xi32>
        %mul3A_298 = arith.muli %get3A_295, %mul3A_297 : vector<16xi32>
        %get3A_299 = arith.constant 1 : i32
        %get3A_300 = arith.index_cast %scan3A_206 : i32 to index
        %get3A_301 = arith.index_cast %get3A_299 : i32 to index
        %get3A_302 = arith.constant 64 : index
        %get3A_303 = tpu.vector_load %arg6[%get3A_300, %get3A_301, %get3A_302] {strides = array<i32>} : memref<4x3x128xi32, #tpu.memory_space<vmem>>, vector<1x1x16xi32>,
        %get3A_304 = vector.shape_cast %get3A_303 : vector<1x1x16xi32> to vector<16xi32>
        %add3A_305 = arith.addi %mul3A_298, %get3A_304 : vector<16xi32>
        %swap3A_306 = arith.index_cast %scan3A_206 : i32 to index
        %swap3A_307 = arith.constant 64 : index
        %swap3A_308 = tpu.vector_load %arg8[%swap3A_306, %swap3A_307] {strides = array<i32>} : memref<4x128xi32, #tpu.memory_space<vmem>>, vector<1x16xi32>,
        %swap3A_309 = vector.shape_cast %swap3A_308 : vector<1x16xi32> to vector<16xi32>
        %swap3A_310 = vector.shape_cast %add3A_305 : vector<16xi32> to vector<1x16xi32>
        tpu.vector_store %arg8[%swap3A_306, %swap3A_307], %swap3A_310 {strides = array<i32>} : memref<4x128xi32, #tpu.memory_space<vmem>>, vector<1x16xi32>,
        %get3A_311 = arith.constant 0 : i32
        %get3A_312 = arith.index_cast %scan3A_206 : i32 to index
        %get3A_313 = arith.index_cast %get3A_311 : i32 to index
        %get3A_314 = arith.constant 80 : index
        %get3A_315 = tpu.vector_load %arg6[%get3A_312, %get3A_313, %get3A_314] {strides = array<i32>} : memref<4x3x128xi32, #tpu.memory_space<vmem>>, vector<1x1x16xi32>,
        %get3A_316 = vector.shape_cast %get3A_315 : vector<1x1x16xi32> to vector<16xi32>
        %mul3A_317 = arith.constant 27 : i32
        %mul3A_318 = vector.broadcast %mul3A_317 : i32 to vector<16xi32>
        %mul3A_319 = arith.muli %get3A_316, %mul3A_318 : vector<16xi32>
        %get3A_320 = arith.constant 1 : i32
        %get3A_321 = arith.index_cast %scan3A_206 : i32 to index
        %get3A_322 = arith.index_cast %get3A_320 : i32 to index
        %get3A_323 = arith.constant 80 : index
        %get3A_324 = tpu.vector_load %arg6[%get3A_321, %get3A_322, %get3A_323] {strides = array<i32>} : memref<4x3x128xi32, #tpu.memory_space<vmem>>, vector<1x1x16xi32>,
        %get3A_325 = vector.shape_cast %get3A_324 : vector<1x1x16xi32> to vector<16xi32>
        %add3A_326 = arith.addi %mul3A_319, %get3A_325 : vector<16xi32>
        %swap3A_327 = arith.index_cast %scan3A_206 : i32 to index
        %swap3A_328 = arith.constant 80 : index
        %swap3A_329 = tpu.vector_load %arg8[%swap3A_327, %swap3A_328] {strides = array<i32>} : memref<4x128xi32, #tpu.memory_space<vmem>>, vector<1x16xi32>,
        %swap3A_330 = vector.shape_cast %swap3A_329 : vector<1x16xi32> to vector<16xi32>
        %swap3A_331 = vector.shape_cast %add3A_326 : vector<16xi32> to vector<1x16xi32>
        tpu.vector_store %arg8[%swap3A_327, %swap3A_328], %swap3A_331 {strides = array<i32>} : memref<4x128xi32, #tpu.memory_space<vmem>>, vector<1x16xi32>,
        %get3A_332 = arith.constant 0 : i32
        %get3A_333 = arith.index_cast %scan3A_206 : i32 to index
        %get3A_334 = arith.index_cast %get3A_332 : i32 to index
        %get3A_335 = arith.constant 96 : index
        %get3A_336 = tpu.vector_load %arg6[%get3A_333, %get3A_334, %get3A_335] {strides = array<i32>} : memref<4x3x128xi32, #tpu.memory_space<vmem>>, vector<1x1x16xi32>,
        %get3A_337 = vector.shape_cast %get3A_336 : vector<1x1x16xi32> to vector<16xi32>
        %mul3A_338 = arith.constant 27 : i32
        %mul3A_339 = vector.broadcast %mul3A_338 : i32 to vector<16xi32>
        %mul3A_340 = arith.muli %get3A_337, %mul3A_339 : vector<16xi32>
        %get3A_341 = arith.constant 1 : i32
        %get3A_342 = arith.index_cast %scan3A_206 : i32 to index
        %get3A_343 = arith.index_cast %get3A_341 : i32 to index
        %get3A_344 = arith.constant 96 : index
        %get3A_345 = tpu.vector_load %arg6[%get3A_342, %get3A_343, %get3A_344] {strides = array<i32>} : memref<4x3x128xi32, #tpu.memory_space<vmem>>, vector<1x1x16xi32>,
        %get3A_346 = vector.shape_cast %get3A_345 : vector<1x1x16xi32> to vector<16xi32>
        %add3A_347 = arith.addi %mul3A_340, %get3A_346 : vector<16xi32>
        %swap3A_348 = arith.index_cast %scan3A_206 : i32 to index
        %swap3A_349 = arith.constant 96 : index
        %swap3A_350 = tpu.vector_load %arg8[%swap3A_348, %swap3A_349] {strides = array<i32>} : memref<4x128xi32, #tpu.memory_space<vmem>>, vector<1x16xi32>,
        %swap3A_351 = vector.shape_cast %swap3A_350 : vector<1x16xi32> to vector<16xi32>
        %swap3A_352 = vector.shape_cast %add3A_347 : vector<16xi32> to vector<1x16xi32>
        tpu.vector_store %arg8[%swap3A_348, %swap3A_349], %swap3A_352 {strides = array<i32>} : memref<4x128xi32, #tpu.memory_space<vmem>>, vector<1x16xi32>,
        %get3A_353 = arith.constant 0 : i32
        %get3A_354 = arith.index_cast %scan3A_206 : i32 to index
        %get3A_355 = arith.index_cast %get3A_353 : i32 to index
        %get3A_356 = arith.constant 112 : index
        %get3A_357 = tpu.vector_load %arg6[%get3A_354, %get3A_355, %get3A_356] {strides = array<i32>} : memref<4x3x128xi32, #tpu.memory_space<vmem>>, vector<1x1x16xi32>,
        %get3A_358 = vector.shape_cast %get3A_357 : vector<1x1x16xi32> to vector<16xi32>
        %mul3A_359 = arith.constant 27 : i32
        %mul3A_360 = vector.broadcast %mul3A_359 : i32 to vector<16xi32>
        %mul3A_361 = arith.muli %get3A_358, %mul3A_360 : vector<16xi32>
        %get3A_362 = arith.constant 1 : i32
        %get3A_363 = arith.index_cast %scan3A_206 : i32 to index
        %get3A_364 = arith.index_cast %get3A_362 : i32 to index
        %get3A_365 = arith.constant 112 : index
        %get3A_366 = tpu.vector_load %arg6[%get3A_363, %get3A_364, %get3A_365] {strides = array<i32>} : memref<4x3x128xi32, #tpu.memory_space<vmem>>, vector<1x1x16xi32>,
        %get3A_367 = vector.shape_cast %get3A_366 : vector<1x1x16xi32> to vector<16xi32>
        %add3A_368 = arith.addi %mul3A_361, %get3A_367 : vector<16xi32>
        %swap3A_369 = arith.index_cast %scan3A_206 : i32 to index
        %swap3A_370 = arith.constant 112 : index
        %swap3A_371 = tpu.vector_load %arg8[%swap3A_369, %swap3A_370] {strides = array<i32>} : memref<4x128xi32, #tpu.memory_space<vmem>>, vector<1x16xi32>,
        %swap3A_372 = vector.shape_cast %swap3A_371 : vector<1x16xi32> to vector<16xi32>
        %swap3A_373 = vector.shape_cast %add3A_368 : vector<16xi32> to vector<1x16xi32>
        tpu.vector_store %arg8[%swap3A_369, %swap3A_370], %swap3A_373 {strides = array<i32>} : memref<4x128xi32, #tpu.memory_space<vmem>>, vector<1x16xi32>,
        %scan3A_374 = arith.constant 0 : i32
        scf.yield %scan3A_374 : i32
      }
      %scan3A_140 = arith.constant 4 : i32
      %dma_start3A_141 = arith.constant 0 : i32
      %dma_start3A_142 = arith.constant 0 : i32
      %dma_start3A_143 = tpu.memref_slice %arg8[%dma_start3A_141, %dma_start3A_142] : memref<4x128xi32, #tpu.memory_space<vmem>> -> memref<1x128xi32, #tpu.memory_space<vmem>>
      %dma_start3A_144 = tpu.memref_squeeze %dma_start3A_143 : memref<1x128xi32, #tpu.memory_space<vmem>> -> memref<128xi32, #tpu.memory_space<vmem>>
      %dma_start3A_145 = arith.constant 0 : i32
      %dma_start3A_146 = arith.constant 0 : i32
      %dma_start3A_147 = tpu.memref_slice %arg3[%dma_start3A_145, %dma_start3A_146] : memref<270000x128xf32, #tpu.memory_space<hbm>> -> memref<270000x128xf32, #tpu.memory_space<hbm>>
      tpu.enqueue_indirect_dma source(%dma_start3A_147 : memref<270000x128xf32, #tpu.memory_space<hbm>>) target(%arg9 : memref<128x128xf32, #tpu.memory_space<vmem>>) offsets(%dma_start3A_144 : memref<128xi32, #tpu.memory_space<vmem>>) semaphore(%arg14 : memref<!tpu.dma_semaphore, #tpu.memory_space<semaphore_mem>>)
      %dma_start3A_148 = arith.constant 1 : i32
      %dma_start3A_149 = arith.constant 0 : i32
      %dma_start3A_150 = tpu.memref_slice %arg8[%dma_start3A_148, %dma_start3A_149] : memref<4x128xi32, #tpu.memory_space<vmem>> -> memref<1x128xi32, #tpu.memory_space<vmem>>
      %dma_start3A_151 = tpu.memref_squeeze %dma_start3A_150 : memref<1x128xi32, #tpu.memory_space<vmem>> -> memref<128xi32, #tpu.memory_space<vmem>>
      %dma_start3A_152 = arith.constant 0 : i32
      %dma_start3A_153 = arith.constant 0 : i32
      %dma_start3A_154 = tpu.memref_slice %arg3[%dma_start3A_152, %dma_start3A_153] : memref<270000x128xf32, #tpu.memory_space<hbm>> -> memref<270000x128xf32, #tpu.memory_space<hbm>>
      tpu.enqueue_indirect_dma source(%dma_start3A_154 : memref<270000x128xf32, #tpu.memory_space<hbm>>) target(%arg10 : memref<128x128xf32, #tpu.memory_space<vmem>>) offsets(%dma_start3A_151 : memref<128xi32, #tpu.memory_space<vmem>>) semaphore(%arg15 : memref<!tpu.dma_semaphore, #tpu.memory_space<semaphore_mem>>)
      %dma_wait3A_155 = arith.constant 0 : i32
      %dma_wait3A_156 = arith.constant 0 : i32
      %dma_wait3A_157 = tpu.memref_slice %arg8[%dma_wait3A_155, %dma_wait3A_156] : memref<4x128xi32, #tpu.memory_space<vmem>> -> memref<1x128xi32, #tpu.memory_space<vmem>>
      %dma_wait3A_158 = tpu.memref_squeeze %dma_wait3A_157 : memref<1x128xi32, #tpu.memory_space<vmem>> -> memref<128xi32, #tpu.memory_space<vmem>>
      %dma_wait3A_159 = arith.constant 0 : i32
      %dma_wait3A_160 = arith.constant 0 : i32
      %dma_wait3A_161 = tpu.memref_slice %arg3[%dma_wait3A_159, %dma_wait3A_160] : memref<270000x128xf32, #tpu.memory_space<hbm>> -> memref<270000x128xf32, #tpu.memory_space<hbm>>
      tpu.wait_indirect_dma semaphore(%arg14 : memref<!tpu.dma_semaphore, #tpu.memory_space<semaphore_mem>>) src(%dma_wait3A_161 : memref<270000x128xf32, #tpu.memory_space<hbm>>) dst(%arg9 : memref<128x128xf32, #tpu.memory_space<vmem>>)
      %run_scoped3A_162 = arith.constant 0 : i32
      %run_scoped3A_163 = arith.constant 2 : i32
      "tpu.region"() ({
        %run_scoped3A_206 = tpu.sem_alloc : memref<!tpu.dma_semaphore, #tpu.memory_space<semaphore_mem>>
        %dma_start3A_207 = arith.constant 0 : i32
        %dma_start3A_208 = tpu.memref_slice %arg6[%run_scoped3A_162, %run_scoped3A_163, %dma_start3A_207] : memref<4x3x128xi32, #tpu.memory_space<vmem>> -> memref<1x1x128xi32, #tpu.memory_space<vmem>>
        %dma_start3A_209 = tpu.memref_squeeze %dma_start3A_208 : memref<1x1x128xi32, #tpu.memory_space<vmem>> -> memref<128xi32, #tpu.memory_space<vmem>>
        %dma_start3A_210 = arith.constant 0 : i32
        %dma_start3A_211 = arith.constant 0 : i32
        %dma_start3A_212 = tpu.memref_slice %arg11[%dma_start3A_210, %dma_start3A_211] : memref<10008x128xf32, #tpu.memory_space<vmem_shared>> -> memref<10008x128xf32, #tpu.memory_space<vmem_shared>>
        tpu.enqueue_indirect_dma source(%arg9 : memref<128x128xf32, #tpu.memory_space<vmem>>) target(%dma_start3A_212 : memref<10008x128xf32, #tpu.memory_space<vmem_shared>>) offsets(%dma_start3A_209 : memref<128xi32, #tpu.memory_space<vmem>>) semaphore(%run_scoped3A_206 : memref<!tpu.dma_semaphore, #tpu.memory_space<semaphore_mem>>) {add = true}
        %dma_wait3A_213 = arith.constant 0 : i32
        %dma_wait3A_214 = tpu.memref_slice %arg6[%run_scoped3A_162, %run_scoped3A_163, %dma_wait3A_213] : memref<4x3x128xi32, #tpu.memory_space<vmem>> -> memref<1x1x128xi32, #tpu.memory_space<vmem>>
        %dma_wait3A_215 = tpu.memref_squeeze %dma_wait3A_214 : memref<1x1x128xi32, #tpu.memory_space<vmem>> -> memref<128xi32, #tpu.memory_space<vmem>>
        %dma_wait3A_216 = arith.constant 0 : i32
        %dma_wait3A_217 = arith.constant 0 : i32
        %dma_wait3A_218 = tpu.memref_slice %arg11[%dma_wait3A_216, %dma_wait3A_217] : memref<10008x128xf32, #tpu.memory_space<vmem_shared>> -> memref<10008x128xf32, #tpu.memory_space<vmem_shared>>
        tpu.wait_indirect_dma semaphore(%run_scoped3A_206 : memref<!tpu.dma_semaphore, #tpu.memory_space<semaphore_mem>>) src(%arg9 : memref<128x128xf32, #tpu.memory_space<vmem>>) dst(%dma_wait3A_218 : memref<10008x128xf32, #tpu.memory_space<vmem_shared>>)
        tpu.yield
      }) : () -> ()
      %dma_start3A_164 = arith.constant 2 : i32
      %dma_start3A_165 = arith.constant 0 : i32
      %dma_start3A_166 = tpu.memref_slice %arg8[%dma_start3A_164, %dma_start3A_165] : memref<4x128xi32, #tpu.memory_space<vmem>> -> memref<1x128xi32, #tpu.memory_space<vmem>>
      %dma_start3A_167 = tpu.memref_squeeze %dma_start3A_166 : memref<1x128xi32, #tpu.memory_space<vmem>> -> memref<128xi32, #tpu.memory_space<vmem>>
      %dma_start3A_168 = arith.constant 0 : i32
      %dma_start3A_169 = arith.constant 0 : i32
      %dma_start3A_170 = tpu.memref_slice %arg3[%dma_start3A_168, %dma_start3A_169] : memref<270000x128xf32, #tpu.memory_space<hbm>> -> memref<270000x128xf32, #tpu.memory_space<hbm>>
      tpu.enqueue_indirect_dma source(%dma_start3A_170 : memref<270000x128xf32, #tpu.memory_space<hbm>>) target(%arg9 : memref<128x128xf32, #tpu.memory_space<vmem>>) offsets(%dma_start3A_167 : memref<128xi32, #tpu.memory_space<vmem>>) semaphore(%arg14 : memref<!tpu.dma_semaphore, #tpu.memory_space<semaphore_mem>>)
      %dma_wait3A_171 = arith.constant 1 : i32
      %dma_wait3A_172 = arith.constant 0 : i32
      %dma_wait3A_173 = tpu.memref_slice %arg8[%dma_wait3A_171, %dma_wait3A_172] : memref<4x128xi32, #tpu.memory_space<vmem>> -> memref<1x128xi32, #tpu.memory_space<vmem>>
      %dma_wait3A_174 = tpu.memref_squeeze %dma_wait3A_173 : memref<1x128xi32, #tpu.memory_space<vmem>> -> memref<128xi32, #tpu.memory_space<vmem>>
      %dma_wait3A_175 = arith.constant 0 : i32
      %dma_wait3A_176 = arith.constant 0 : i32
      %dma_wait3A_177 = tpu.memref_slice %arg3[%dma_wait3A_175, %dma_wait3A_176] : memref<270000x128xf32, #tpu.memory_space<hbm>> -> memref<270000x128xf32, #tpu.memory_space<hbm>>
      tpu.wait_indirect_dma semaphore(%arg15 : memref<!tpu.dma_semaphore, #tpu.memory_space<semaphore_mem>>) src(%dma_wait3A_177 : memref<270000x128xf32, #tpu.memory_space<hbm>>) dst(%arg10 : memref<128x128xf32, #tpu.memory_space<vmem>>)
      %run_scoped3A_178 = arith.constant 1 : i32
      %run_scoped3A_179 = arith.constant 2 : i32
      "tpu.region"() ({
        %run_scoped3A_206 = tpu.sem_alloc : memref<!tpu.dma_semaphore, #tpu.memory_space<semaphore_mem>>
        %dma_start3A_207 = arith.constant 0 : i32
        %dma_start3A_208 = tpu.memref_slice %arg6[%run_scoped3A_178, %run_scoped3A_179, %dma_start3A_207] : memref<4x3x128xi32, #tpu.memory_space<vmem>> -> memref<1x1x128xi32, #tpu.memory_space<vmem>>
        %dma_start3A_209 = tpu.memref_squeeze %dma_start3A_208 : memref<1x1x128xi32, #tpu.memory_space<vmem>> -> memref<128xi32, #tpu.memory_space<vmem>>
        %dma_start3A_210 = arith.constant 0 : i32
        %dma_start3A_211 = arith.constant 0 : i32
        %dma_start3A_212 = tpu.memref_slice %arg11[%dma_start3A_210, %dma_start3A_211] : memref<10008x128xf32, #tpu.memory_space<vmem_shared>> -> memref<10008x128xf32, #tpu.memory_space<vmem_shared>>
        tpu.enqueue_indirect_dma source(%arg10 : memref<128x128xf32, #tpu.memory_space<vmem>>) target(%dma_start3A_212 : memref<10008x128xf32, #tpu.memory_space<vmem_shared>>) offsets(%dma_start3A_209 : memref<128xi32, #tpu.memory_space<vmem>>) semaphore(%run_scoped3A_206 : memref<!tpu.dma_semaphore, #tpu.memory_space<semaphore_mem>>) {add = true}
        %dma_wait3A_213 = arith.constant 0 : i32
        %dma_wait3A_214 = tpu.memref_slice %arg6[%run_scoped3A_178, %run_scoped3A_179, %dma_wait3A_213] : memref<4x3x128xi32, #tpu.memory_space<vmem>> -> memref<1x1x128xi32, #tpu.memory_space<vmem>>
        %dma_wait3A_215 = tpu.memref_squeeze %dma_wait3A_214 : memref<1x1x128xi32, #tpu.memory_space<vmem>> -> memref<128xi32, #tpu.memory_space<vmem>>
        %dma_wait3A_216 = arith.constant 0 : i32
        %dma_wait3A_217 = arith.constant 0 : i32
        %dma_wait3A_218 = tpu.memref_slice %arg11[%dma_wait3A_216, %dma_wait3A_217] : memref<10008x128xf32, #tpu.memory_space<vmem_shared>> -> memref<10008x128xf32, #tpu.memory_space<vmem_shared>>
        tpu.wait_indirect_dma semaphore(%run_scoped3A_206 : memref<!tpu.dma_semaphore, #tpu.memory_space<semaphore_mem>>) src(%arg10 : memref<128x128xf32, #tpu.memory_space<vmem>>) dst(%dma_wait3A_218 : memref<10008x128xf32, #tpu.memory_space<vmem_shared>>)
        tpu.yield
      }) : () -> ()
      %dma_start3A_180 = arith.constant 3 : i32
      %dma_start3A_181 = arith.constant 0 : i32
      %dma_start3A_182 = tpu.memref_slice %arg8[%dma_start3A_180, %dma_start3A_181] : memref<4x128xi32, #tpu.memory_space<vmem>> -> memref<1x128xi32, #tpu.memory_space<vmem>>
      %dma_start3A_183 = tpu.memref_squeeze %dma_start3A_182 : memref<1x128xi32, #tpu.memory_space<vmem>> -> memref<128xi32, #tpu.memory_space<vmem>>
      %dma_start3A_184 = arith.constant 0 : i32
      %dma_start3A_185 = arith.constant 0 : i32
      %dma_start3A_186 = tpu.memref_slice %arg3[%dma_start3A_184, %dma_start3A_185] : memref<270000x128xf32, #tpu.memory_space<hbm>> -> memref<270000x128xf32, #tpu.memory_space<hbm>>
      tpu.enqueue_indirect_dma source(%dma_start3A_186 : memref<270000x128xf32, #tpu.memory_space<hbm>>) target(%arg10 : memref<128x128xf32, #tpu.memory_space<vmem>>) offsets(%dma_start3A_183 : memref<128xi32, #tpu.memory_space<vmem>>) semaphore(%arg15 : memref<!tpu.dma_semaphore, #tpu.memory_space<semaphore_mem>>)
      %dma_wait3A_187 = arith.constant 2 : i32
      %dma_wait3A_188 = arith.constant 0 : i32
      %dma_wait3A_189 = tpu.memref_slice %arg8[%dma_wait3A_187, %dma_wait3A_188] : memref<4x128xi32, #tpu.memory_space<vmem>> -> memref<1x128xi32, #tpu.memory_space<vmem>>
      %dma_wait3A_190 = tpu.memref_squeeze %dma_wait3A_189 : memref<1x128xi32, #tpu.memory_space<vmem>> -> memref<128xi32, #tpu.memory_space<vmem>>
      %dma_wait3A_191 = arith.constant 0 : i32
      %dma_wait3A_192 = arith.constant 0 : i32
      %dma_wait3A_193 = tpu.memref_slice %arg3[%dma_wait3A_191, %dma_wait3A_192] : memref<270000x128xf32, #tpu.memory_space<hbm>> -> memref<270000x128xf32, #tpu.memory_space<hbm>>
      tpu.wait_indirect_dma semaphore(%arg14 : memref<!tpu.dma_semaphore, #tpu.memory_space<semaphore_mem>>) src(%dma_wait3A_193 : memref<270000x128xf32, #tpu.memory_space<hbm>>) dst(%arg9 : memref<128x128xf32, #tpu.memory_space<vmem>>)
      %run_scoped3A_194 = arith.constant 2 : i32
      %run_scoped3A_195 = arith.constant 2 : i32
      "tpu.region"() ({
        %run_scoped3A_206 = tpu.sem_alloc : memref<!tpu.dma_semaphore, #tpu.memory_space<semaphore_mem>>
        %dma_start3A_207 = arith.constant 0 : i32
        %dma_start3A_208 = tpu.memref_slice %arg6[%run_scoped3A_194, %run_scoped3A_195, %dma_start3A_207] : memref<4x3x128xi32, #tpu.memory_space<vmem>> -> memref<1x1x128xi32, #tpu.memory_space<vmem>>
        %dma_start3A_209 = tpu.memref_squeeze %dma_start3A_208 : memref<1x1x128xi32, #tpu.memory_space<vmem>> -> memref<128xi32, #tpu.memory_space<vmem>>
        %dma_start3A_210 = arith.constant 0 : i32
        %dma_start3A_211 = arith.constant 0 : i32
        %dma_start3A_212 = tpu.memref_slice %arg11[%dma_start3A_210, %dma_start3A_211] : memref<10008x128xf32, #tpu.memory_space<vmem_shared>> -> memref<10008x128xf32, #tpu.memory_space<vmem_shared>>
        tpu.enqueue_indirect_dma source(%arg9 : memref<128x128xf32, #tpu.memory_space<vmem>>) target(%dma_start3A_212 : memref<10008x128xf32, #tpu.memory_space<vmem_shared>>) offsets(%dma_start3A_209 : memref<128xi32, #tpu.memory_space<vmem>>) semaphore(%run_scoped3A_206 : memref<!tpu.dma_semaphore, #tpu.memory_space<semaphore_mem>>) {add = true}
        %dma_wait3A_213 = arith.constant 0 : i32
        %dma_wait3A_214 = tpu.memref_slice %arg6[%run_scoped3A_194, %run_scoped3A_195, %dma_wait3A_213] : memref<4x3x128xi32, #tpu.memory_space<vmem>> -> memref<1x1x128xi32, #tpu.memory_space<vmem>>
        %dma_wait3A_215 = tpu.memref_squeeze %dma_wait3A_214 : memref<1x1x128xi32, #tpu.memory_space<vmem>> -> memref<128xi32, #tpu.memory_space<vmem>>
        %dma_wait3A_216 = arith.constant 0 : i32
        %dma_wait3A_217 = arith.constant 0 : i32
        %dma_wait3A_218 = tpu.memref_slice %arg11[%dma_wait3A_216, %dma_wait3A_217] : memref<10008x128xf32, #tpu.memory_space<vmem_shared>> -> memref<10008x128xf32, #tpu.memory_space<vmem_shared>>
        tpu.wait_indirect_dma semaphore(%run_scoped3A_206 : memref<!tpu.dma_semaphore, #tpu.memory_space<semaphore_mem>>) src(%arg9 : memref<128x128xf32, #tpu.memory_space<vmem>>) dst(%dma_wait3A_218 : memref<10008x128xf32, #tpu.memory_space<vmem_shared>>)
        tpu.yield
      }) : () -> ()
      %dma_wait3A_196 = arith.constant 3 : i32
      %dma_wait3A_197 = arith.constant 0 : i32
      %dma_wait3A_198 = tpu.memref_slice %arg8[%dma_wait3A_196, %dma_wait3A_197] : memref<4x128xi32, #tpu.memory_space<vmem>> -> memref<1x128xi32, #tpu.memory_space<vmem>>
      %dma_wait3A_199 = tpu.memref_squeeze %dma_wait3A_198 : memref<1x128xi32, #tpu.memory_space<vmem>> -> memref<128xi32, #tpu.memory_space<vmem>>
      %dma_wait3A_200 = arith.constant 0 : i32
      %dma_wait3A_201 = arith.constant 0 : i32
      %dma_wait3A_202 = tpu.memref_slice %arg3[%dma_wait3A_200, %dma_wait3A_201] : memref<270000x128xf32, #tpu.memory_space<hbm>> -> memref<270000x128xf32, #tpu.memory_space<hbm>>
      tpu.wait_indirect_dma semaphore(%arg15 : memref<!tpu.dma_semaphore, #tpu.memory_space<semaphore_mem>>) src(%dma_wait3A_202 : memref<270000x128xf32, #tpu.memory_space<hbm>>) dst(%arg10 : memref<128x128xf32, #tpu.memory_space<vmem>>)
      %run_scoped3A_203 = arith.constant 3 : i32
      %run_scoped3A_204 = arith.constant 2 : i32
      "tpu.region"() ({
        %run_scoped3A_206 = tpu.sem_alloc : memref<!tpu.dma_semaphore, #tpu.memory_space<semaphore_mem>>
        %dma_start3A_207 = arith.constant 0 : i32
        %dma_start3A_208 = tpu.memref_slice %arg6[%run_scoped3A_203, %run_scoped3A_204, %dma_start3A_207] : memref<4x3x128xi32, #tpu.memory_space<vmem>> -> memref<1x1x128xi32, #tpu.memory_space<vmem>>
        %dma_start3A_209 = tpu.memref_squeeze %dma_start3A_208 : memref<1x1x128xi32, #tpu.memory_space<vmem>> -> memref<128xi32, #tpu.memory_space<vmem>>
        %dma_start3A_210 = arith.constant 0 : i32
        %dma_start3A_211 = arith.constant 0 : i32
        %dma_start3A_212 = tpu.memref_slice %arg11[%dma_start3A_210, %dma_start3A_211] : memref<10008x128xf32, #tpu.memory_space<vmem_shared>> -> memref<10008x128xf32, #tpu.memory_space<vmem_shared>>
        tpu.enqueue_indirect_dma source(%arg10 : memref<128x128xf32, #tpu.memory_space<vmem>>) target(%dma_start3A_212 : memref<10008x128xf32, #tpu.memory_space<vmem_shared>>) offsets(%dma_start3A_209 : memref<128xi32, #tpu.memory_space<vmem>>) semaphore(%run_scoped3A_206 : memref<!tpu.dma_semaphore, #tpu.memory_space<semaphore_mem>>) {add = true}
        %dma_wait3A_213 = arith.constant 0 : i32
        %dma_wait3A_214 = tpu.memref_slice %arg6[%run_scoped3A_203, %run_scoped3A_204, %dma_wait3A_213] : memref<4x3x128xi32, #tpu.memory_space<vmem>> -> memref<1x1x128xi32, #tpu.memory_space<vmem>>
        %dma_wait3A_215 = tpu.memref_squeeze %dma_wait3A_214 : memref<1x1x128xi32, #tpu.memory_space<vmem>> -> memref<128xi32, #tpu.memory_space<vmem>>
        %dma_wait3A_216 = arith.constant 0 : i32
        %dma_wait3A_217 = arith.constant 0 : i32
        %dma_wait3A_218 = tpu.memref_slice %arg11[%dma_wait3A_216, %dma_wait3A_217] : memref<10008x128xf32, #tpu.memory_space<vmem_shared>> -> memref<10008x128xf32, #tpu.memory_space<vmem_shared>>
        tpu.wait_indirect_dma semaphore(%run_scoped3A_206 : memref<!tpu.dma_semaphore, #tpu.memory_space<semaphore_mem>>) src(%arg10 : memref<128x128xf32, #tpu.memory_space<vmem>>) dst(%dma_wait3A_218 : memref<10008x128xf32, #tpu.memory_space<vmem_shared>>)
        tpu.yield
      }) : () -> ()
      %scan3A_205 = arith.constant 0 : i32
      scf.yield %scan3A_205 : i32
    }
    %scan3A_22 = arith.constant 5 : i32
    %barrier3A_23 = arith.constant 0 : index
    tpu.barrier barrier_id(%barrier3A_23)
    %lt3A_24 = arith.constant 10 : i32
    %lt3A_25 = arith.cmpi slt, %arg1, %lt3A_24 : i32
    %convert_element_type3A_26 = arith.extui %lt3A_25 : i1 to i32
    %cond3A_27 = arith.constant 0 : i32
    %cond3A_28 = arith.cmpi ne, %convert_element_type3A_26, %cond3A_27 : i32
    scf.if %cond3A_28 {
      %mul3A_29 = arith.constant 1000 : i32
      %mul3A_30 = arith.muli %arg1, %mul3A_29 : i32
      %mul3A_31 = arith.constant 10000 : i32
      %mul3A_32 = arith.muli %arg0, %mul3A_31 : i32
      %add3A_33 = arith.addi %mul3A_32, %mul3A_30 : i32
      "tpu.region"() ({
        %run_scoped3A = tpu.sem_alloc : memref<!tpu.dma_semaphore, #tpu.memory_space<semaphore_mem>>
        %dma_start3A_34 = arith.constant 0 : i32
        %dma_start3A_35 = tpu.memref_slice %arg4[%add3A_33, %dma_start3A_34] : memref<20000x128xf32, #tpu.memory_space<hbm>> -> memref<1000x128xf32, #tpu.memory_space<hbm>>
        %dma_start3A_36 = arith.constant 0 : i32
        %dma_start3A_37 = tpu.memref_slice %arg11[%mul3A_30, %dma_start3A_36] : memref<10008x128xf32, #tpu.memory_space<vmem_shared>> -> memref<1000x128xf32, #tpu.memory_space<vmem_shared>>
        tpu.enqueue_dma source(%dma_start3A_37 : memref<1000x128xf32, #tpu.memory_space<vmem_shared>>) target(%dma_start3A_35 : memref<1000x128xf32, #tpu.memory_space<hbm>>) target_semaphore(%run_scoped3A : memref<!tpu.dma_semaphore, #tpu.memory_space<semaphore_mem>>)
        %dma_wait3A = arith.constant 0 : i32
        %dma_wait3A_38 = tpu.memref_slice %arg4[%add3A_33, %dma_wait3A] : memref<20000x128xf32, #tpu.memory_space<hbm>> -> memref<1000x128xf32, #tpu.memory_space<hbm>>
        %dma_wait3A_39 = arith.constant 0 : i32
        %dma_wait3A_40 = tpu.memref_slice %arg11[%mul3A_30, %dma_wait3A_39] : memref<10008x128xf32, #tpu.memory_space<vmem_shared>> -> memref<1000x128xf32, #tpu.memory_space<vmem_shared>>
        tpu.wait_dma2 semaphore(%run_scoped3A : memref<!tpu.dma_semaphore, #tpu.memory_space<semaphore_mem>>) src(%dma_wait3A_40 : memref<1000x128xf32, #tpu.memory_space<vmem_shared>>) dst(%dma_wait3A_38 : memref<1000x128xf32, #tpu.memory_space<hbm>>)
        tpu.yield
      }) : () -> ()
    } else {
    }
    return
  }
}

module attributes {stable_mosaic.version = 14 : i64} {
  func.func @_mm_body(%arg0: i32, %arg1: i32, %arg2: memref<400x256xbf16, #tpu.memory_space<vmem>>, %arg3: memref<256x1152xbf16, #tpu.memory_space<vmem>>, %arg4: memref<400x1152xf32, #tpu.memory_space<vmem>>) attributes {dimension_semantics = [#tpu.dimension_semantics<arbitrary>, #tpu.dimension_semantics<arbitrary>], iteration_bounds = array<i64: 3, 25>, scalar_prefetch = 0 : i64, scratch_operands = 0 : i64, tpu.core_type = #tpu.core_type<tc>, window_params = [{transform_indices = @transform_0, window_bounds = array<i64: 400, 256>}, {transform_indices = @transform_1, window_bounds = array<i64: 256, 1152>}, {transform_indices = @transform_2, window_bounds = array<i64: 400, 1152>}]} {
    %get3A = arith.constant 0 : index
    %get3A_0 = arith.constant 0 : index
    %get3A_1 = vector.load %arg2[%get3A, %get3A_0] : memref<400x256xbf16, #tpu.memory_space<vmem>>, vector<400x256xbf16>
    %get3A_2 = arith.constant 0 : index
    %get3A_3 = arith.constant 0 : index
    %get3A_4 = vector.load %arg3[%get3A_2, %get3A_3] : memref<256x1152xbf16, #tpu.memory_space<vmem>>, vector<256x1152xbf16>
    %dot_general3A = arith.constant dense<0.000000e+00> : vector<400x1152xf32>
    %dot_general3A_5 = tpu.matmul %get3A_1, %get3A_4, %dot_general3A {dimension_numbers = #tpu.dot_dimension_numbers<[1], [0], [0], [1], [0, 0, 1, 1], [], []>, transpose_lhs_hint = false} : vector<400x256xbf16>, vector<256x1152xbf16>, vector<400x1152xf32> -> vector<400x1152xf32>
    %swap3A = arith.constant 0 : index
    %swap3A_6 = arith.constant 0 : index
    %swap3A_7 = vector.load %arg4[%swap3A, %swap3A_6] : memref<400x1152xf32, #tpu.memory_space<vmem>>, vector<400x1152xf32>
    tpu.vector_store %arg4[%swap3A, %swap3A_6], %dot_general3A_5 {strides = array<i32>} : memref<400x1152xf32, #tpu.memory_space<vmem>>, vector<400x1152xf32>,
    return
  }
  func.func @transform_0(%arg0: i32, %arg1: i32) -> (i32, i32) {
    %c0_i32 = arith.constant 0 : i32
    %c0_i32_0 = arith.constant 0 : i32
    return %arg1, %c0_i32 : i32, i32
  }
  func.func @transform_1(%arg0: i32, %arg1: i32) -> (i32, i32) {
    %c0_i32 = arith.constant 0 : i32
    %c0_i32_0 = arith.constant 0 : i32
    return %c0_i32, %arg0 : i32, i32
  }
  func.func @transform_2(%arg0: i32, %arg1: i32) -> (i32, i32) {
    %c0_i32 = arith.constant 0 : i32
    return %arg1, %arg0 : i32, i32
  }
}

module attributes {stable_mosaic.version = 14 : i64} {
  func.func @_q_mm_body(%arg0: i32, %arg1: i32, %arg2: memref<400x128xf32, #tpu.memory_space<vmem>>, %arg3: memref<400x128xf32, #tpu.memory_space<vmem>>, %arg4: memref<400x128xf32, #tpu.memory_space<vmem>>, %arg5: memref<400x128xf32, #tpu.memory_space<vmem>>, %arg6: memref<1x128xf32, #tpu.memory_space<vmem>>, %arg7: memref<128x1152xbf16, #tpu.memory_space<vmem>>, %arg8: memref<128x1152xbf16, #tpu.memory_space<vmem>>, %arg9: memref<400x1152xf32, #tpu.memory_space<vmem>>) attributes {dimension_semantics = [#tpu.dimension_semantics<arbitrary>, #tpu.dimension_semantics<arbitrary>], iteration_bounds = array<i64: 3, 25>, scalar_prefetch = 0 : i64, scratch_operands = 0 : i64, tpu.core_type = #tpu.core_type<tc>, window_params = [{transform_indices = @transform_0, window_bounds = array<i64: 400, 128>}, {transform_indices = @transform_1, window_bounds = array<i64: 400, 128>}, {transform_indices = @transform_2, window_bounds = array<i64: 400, 128>}, {transform_indices = @transform_3, window_bounds = array<i64: 400, 128>}, {pipeline_mode = #tpu.pipeline_mode<synchronous>, transform_indices = @transform_4, window_bounds = array<i64: 1, 128>}, {transform_indices = @transform_5, window_bounds = array<i64: 128, 1152>}, {transform_indices = @transform_6, window_bounds = array<i64: 128, 1152>}, {transform_indices = @transform_7, window_bounds = array<i64: 400, 1152>}]} {
    %get3A = arith.constant 0 : index
    %get3A_0 = arith.constant 0 : index
    %get3A_1 = vector.load %arg2[%get3A, %get3A_0] : memref<400x128xf32, #tpu.memory_space<vmem>>, vector<400x128xf32>
    %get3A_2 = arith.constant 0 : index
    %get3A_3 = arith.constant 0 : index
    %get3A_4 = vector.load %arg3[%get3A_2, %get3A_3] : memref<400x128xf32, #tpu.memory_space<vmem>>, vector<400x128xf32>
    %add3A = arith.addf %get3A_1, %get3A_4 : vector<400x128xf32>
    %get3A_5 = arith.constant 0 : index
    %get3A_6 = arith.constant 0 : index
    %get3A_7 = vector.load %arg6[%get3A_5, %get3A_6] : memref<1x128xf32, #tpu.memory_space<vmem>>, vector<1x128xf32>
    %get3A_8 = vector.shape_cast %get3A_7 : vector<1x128xf32> to vector<128xf32>
    %broadcast_in_dim3A = vector.shape_cast %get3A_8 : vector<128xf32> to vector<1x128xf32>
    %add3A_9 = vector.broadcast %broadcast_in_dim3A : vector<1x128xf32> to vector<400x128xf32>
    %add3A_10 = arith.addf %add3A, %add3A_9 : vector<400x128xf32>
    %logistic3A = arith.negf %add3A_10 : vector<400x128xf32>
    %logistic3A_11 = math.exp %logistic3A : vector<400x128xf32>
    %logistic3A_12 = arith.constant 1.000000e+00 : f32
    %logistic3A_13 = vector.broadcast %logistic3A_12 : f32 to vector<400x128xf32>
    %logistic3A_14 = arith.addf %logistic3A_13, %logistic3A_11 : vector<400x128xf32>
    %logistic3A_15 = arith.divf %logistic3A_13, %logistic3A_14 : vector<400x128xf32>
    %get3A_16 = arith.constant 0 : index
    %get3A_17 = arith.constant 0 : index
    %get3A_18 = vector.load %arg4[%get3A_16, %get3A_17] : memref<400x128xf32, #tpu.memory_space<vmem>>, vector<400x128xf32>
    %mul3A = arith.mulf %logistic3A_15, %get3A_18 : vector<400x128xf32>
    %convert_element_type3A = arith.truncf %mul3A : vector<400x128xf32> to vector<400x128xbf16>
    %get3A_19 = arith.constant 0 : index
    %get3A_20 = arith.constant 0 : index
    %get3A_21 = vector.load %arg5[%get3A_19, %get3A_20] : memref<400x128xf32, #tpu.memory_space<vmem>>, vector<400x128xf32>
    %convert_element_type3A_22 = arith.truncf %get3A_21 : vector<400x128xf32> to vector<400x128xbf16>
    %get3A_23 = arith.constant 0 : index
    %get3A_24 = arith.constant 0 : index
    %get3A_25 = vector.load %arg7[%get3A_23, %get3A_24] : memref<128x1152xbf16, #tpu.memory_space<vmem>>, vector<128x1152xbf16>
    %dot_general3A = arith.constant dense<0.000000e+00> : vector<400x1152xf32>
    %dot_general3A_26 = tpu.matmul %convert_element_type3A, %get3A_25, %dot_general3A {dimension_numbers = #tpu.dot_dimension_numbers<[1], [0], [0], [1], [0, 0, 1, 1], [], []>, transpose_lhs_hint = false} : vector<400x128xbf16>, vector<128x1152xbf16>, vector<400x1152xf32> -> vector<400x1152xf32>
    %get3A_27 = arith.constant 0 : index
    %get3A_28 = arith.constant 0 : index
    %get3A_29 = vector.load %arg8[%get3A_27, %get3A_28] : memref<128x1152xbf16, #tpu.memory_space<vmem>>, vector<128x1152xbf16>
    %dot_general3A_30 = arith.constant dense<0.000000e+00> : vector<400x1152xf32>
    %dot_general3A_31 = tpu.matmul %convert_element_type3A_22, %get3A_29, %dot_general3A_30 {dimension_numbers = #tpu.dot_dimension_numbers<[1], [0], [0], [1], [0, 0, 1, 1], [], []>, transpose_lhs_hint = false} : vector<400x128xbf16>, vector<128x1152xbf16>, vector<400x1152xf32> -> vector<400x1152xf32>
    %add3A_32 = arith.addf %dot_general3A_26, %dot_general3A_31 : vector<400x1152xf32>
    %swap3A = arith.constant 0 : index
    %swap3A_33 = arith.constant 0 : index
    %swap3A_34 = vector.load %arg9[%swap3A, %swap3A_33] : memref<400x1152xf32, #tpu.memory_space<vmem>>, vector<400x1152xf32>
    tpu.vector_store %arg9[%swap3A, %swap3A_33], %add3A_32 {strides = array<i32>} : memref<400x1152xf32, #tpu.memory_space<vmem>>, vector<400x1152xf32>,
    return
  }
  func.func @transform_0(%arg0: i32, %arg1: i32) -> (i32, i32) {
    %c0_i32 = arith.constant 0 : i32
    %c0_i32_0 = arith.constant 0 : i32
    return %arg1, %c0_i32 : i32, i32
  }
  func.func @transform_1(%arg0: i32, %arg1: i32) -> (i32, i32) {
    %c0_i32 = arith.constant 0 : i32
    %c0_i32_0 = arith.constant 0 : i32
    return %arg1, %c0_i32 : i32, i32
  }
  func.func @transform_2(%arg0: i32, %arg1: i32) -> (i32, i32) {
    %c0_i32 = arith.constant 0 : i32
    %c0_i32_0 = arith.constant 0 : i32
    return %arg1, %c0_i32 : i32, i32
  }
  func.func @transform_3(%arg0: i32, %arg1: i32) -> (i32, i32) {
    %c0_i32 = arith.constant 0 : i32
    %c0_i32_0 = arith.constant 0 : i32
    return %arg1, %c0_i32 : i32, i32
  }
  func.func @transform_4(%arg0: i32, %arg1: i32) -> (i32, i32) {
    %c0_i32 = arith.constant 0 : i32
    %c0_i32_0 = arith.constant 0 : i32
    %c0_i32_1 = arith.constant 0 : i32
    return %c0_i32, %c0_i32_0 : i32, i32
  }
  func.func @transform_5(%arg0: i32, %arg1: i32) -> (i32, i32) {
    %c0_i32 = arith.constant 0 : i32
    %c0_i32_0 = arith.constant 0 : i32
    return %c0_i32, %arg0 : i32, i32
  }
  func.func @transform_6(%arg0: i32, %arg1: i32) -> (i32, i32) {
    %c0_i32 = arith.constant 0 : i32
    %c0_i32_0 = arith.constant 0 : i32
    return %c0_i32, %arg0 : i32, i32
  }
  func.func @transform_7(%arg0: i32, %arg1: i32) -> (i32, i32) {
    %c0_i32 = arith.constant 0 : i32
    return %arg1, %arg0 : i32, i32
  }
}

module attributes {stable_mosaic.version = 14 : i64} {
  func.func @_gate_body(%arg0: i32, %arg1: memref<400x128xf32, #tpu.memory_space<vmem>>, %arg2: memref<400x128xf32, #tpu.memory_space<vmem>>, %arg3: memref<400x128xf32, #tpu.memory_space<vmem>>, %arg4: memref<400x128xf32, #tpu.memory_space<vmem>>, %arg5: memref<400x128xf32, #tpu.memory_space<vmem>>, %arg6: memref<1x128xf32, #tpu.memory_space<vmem>>, %arg7: memref<1x128xf32, #tpu.memory_space<vmem>>, %arg8: memref<400x128xf32, #tpu.memory_space<vmem>>) attributes {dimension_semantics = [#tpu.dimension_semantics<arbitrary>], iteration_bounds = array<i64: 25>, scalar_prefetch = 0 : i64, scratch_operands = 0 : i64, tpu.core_type = #tpu.core_type<tc>, window_params = [{transform_indices = @transform_0, window_bounds = array<i64: 400, 128>}, {transform_indices = @transform_1, window_bounds = array<i64: 400, 128>}, {transform_indices = @transform_2, window_bounds = array<i64: 400, 128>}, {transform_indices = @transform_3, window_bounds = array<i64: 400, 128>}, {transform_indices = @transform_4, window_bounds = array<i64: 400, 128>}, {pipeline_mode = #tpu.pipeline_mode<synchronous>, transform_indices = @transform_5, window_bounds = array<i64: 1, 128>}, {pipeline_mode = #tpu.pipeline_mode<synchronous>, transform_indices = @transform_6, window_bounds = array<i64: 1, 128>}, {transform_indices = @transform_7, window_bounds = array<i64: 400, 128>}]} {
    %get3A = arith.constant 0 : index
    %get3A_0 = arith.constant 0 : index
    %get3A_1 = vector.load %arg1[%get3A, %get3A_0] : memref<400x128xf32, #tpu.memory_space<vmem>>, vector<400x128xf32>
    %get3A_2 = arith.constant 0 : index
    %get3A_3 = arith.constant 0 : index
    %get3A_4 = vector.load %arg2[%get3A_2, %get3A_3] : memref<400x128xf32, #tpu.memory_space<vmem>>, vector<400x128xf32>
    %add3A = arith.addf %get3A_1, %get3A_4 : vector<400x128xf32>
    %get3A_5 = arith.constant 0 : index
    %get3A_6 = arith.constant 0 : index
    %get3A_7 = vector.load %arg6[%get3A_5, %get3A_6] : memref<1x128xf32, #tpu.memory_space<vmem>>, vector<1x128xf32>
    %get3A_8 = vector.shape_cast %get3A_7 : vector<1x128xf32> to vector<128xf32>
    %broadcast_in_dim3A = vector.shape_cast %get3A_8 : vector<128xf32> to vector<1x128xf32>
    %add3A_9 = vector.broadcast %broadcast_in_dim3A : vector<1x128xf32> to vector<400x128xf32>
    %add3A_10 = arith.addf %add3A, %add3A_9 : vector<400x128xf32>
    %logistic3A = arith.negf %add3A_10 : vector<400x128xf32>
    %logistic3A_11 = math.exp %logistic3A : vector<400x128xf32>
    %logistic3A_12 = arith.constant 1.000000e+00 : f32
    %logistic3A_13 = vector.broadcast %logistic3A_12 : f32 to vector<400x128xf32>
    %logistic3A_14 = arith.addf %logistic3A_13, %logistic3A_11 : vector<400x128xf32>
    %logistic3A_15 = arith.divf %logistic3A_13, %logistic3A_14 : vector<400x128xf32>
    %get3A_16 = arith.constant 0 : index
    %get3A_17 = arith.constant 0 : index
    %get3A_18 = vector.load %arg3[%get3A_16, %get3A_17] : memref<400x128xf32, #tpu.memory_space<vmem>>, vector<400x128xf32>
    %get3A_19 = arith.constant 0 : index
    %get3A_20 = arith.constant 0 : index
    %get3A_21 = vector.load %arg4[%get3A_19, %get3A_20] : memref<400x128xf32, #tpu.memory_space<vmem>>, vector<400x128xf32>
    %add3A_22 = arith.addf %get3A_18, %get3A_21 : vector<400x128xf32>
    %get3A_23 = arith.constant 0 : index
    %get3A_24 = arith.constant 0 : index
    %get3A_25 = vector.load %arg7[%get3A_23, %get3A_24] : memref<1x128xf32, #tpu.memory_space<vmem>>, vector<1x128xf32>
    %get3A_26 = vector.shape_cast %get3A_25 : vector<1x128xf32> to vector<128xf32>
    %broadcast_in_dim3A_27 = vector.shape_cast %get3A_26 : vector<128xf32> to vector<1x128xf32>
    %add3A_28 = vector.broadcast %broadcast_in_dim3A_27 : vector<1x128xf32> to vector<400x128xf32>
    %add3A_29 = arith.addf %add3A_22, %add3A_28 : vector<400x128xf32>
    %tanh3A = math.tanh %add3A_29 : vector<400x128xf32>
    %sub3A = arith.constant 1.000000e+00 : f32
    %sub3A_30 = vector.broadcast %sub3A : f32 to vector<400x128xf32>
    %sub3A_31 = arith.subf %sub3A_30, %logistic3A_15 : vector<400x128xf32>
    %get3A_32 = arith.constant 0 : index
    %get3A_33 = arith.constant 0 : index
    %get3A_34 = vector.load %arg5[%get3A_32, %get3A_33] : memref<400x128xf32, #tpu.memory_space<vmem>>, vector<400x128xf32>
    %mul3A = arith.mulf %sub3A_31, %get3A_34 : vector<400x128xf32>
    %mul3A_35 = arith.mulf %logistic3A_15, %tanh3A : vector<400x128xf32>
    %add3A_36 = arith.addf %mul3A, %mul3A_35 : vector<400x128xf32>
    %swap3A = arith.constant 0 : index
    %swap3A_37 = arith.constant 0 : index
    %swap3A_38 = vector.load %arg8[%swap3A, %swap3A_37] : memref<400x128xf32, #tpu.memory_space<vmem>>, vector<400x128xf32>
    tpu.vector_store %arg8[%swap3A, %swap3A_37], %add3A_36 {strides = array<i32>} : memref<400x128xf32, #tpu.memory_space<vmem>>, vector<400x128xf32>,
    return
  }
  func.func @transform_0(%arg0: i32) -> (i32, i32) {
    %c0_i32 = arith.constant 0 : i32
    %c0_i32_0 = arith.constant 0 : i32
    return %arg0, %c0_i32 : i32, i32
  }
  func.func @transform_1(%arg0: i32) -> (i32, i32) {
    %c0_i32 = arith.constant 0 : i32
    %c0_i32_0 = arith.constant 0 : i32
    return %arg0, %c0_i32 : i32, i32
  }
  func.func @transform_2(%arg0: i32) -> (i32, i32) {
    %c0_i32 = arith.constant 0 : i32
    %c0_i32_0 = arith.constant 0 : i32
    return %arg0, %c0_i32 : i32, i32
  }
  func.func @transform_3(%arg0: i32) -> (i32, i32) {
    %c0_i32 = arith.constant 0 : i32
    %c0_i32_0 = arith.constant 0 : i32
    return %arg0, %c0_i32 : i32, i32
  }
  func.func @transform_4(%arg0: i32) -> (i32, i32) {
    %c0_i32 = arith.constant 0 : i32
    %c0_i32_0 = arith.constant 0 : i32
    return %arg0, %c0_i32 : i32, i32
  }
  func.func @transform_5(%arg0: i32) -> (i32, i32) {
    %c0_i32 = arith.constant 0 : i32
    %c0_i32_0 = arith.constant 0 : i32
    %c0_i32_1 = arith.constant 0 : i32
    return %c0_i32, %c0_i32_0 : i32, i32
  }
  func.func @transform_6(%arg0: i32) -> (i32, i32) {
    %c0_i32 = arith.constant 0 : i32
    %c0_i32_0 = arith.constant 0 : i32
    %c0_i32_1 = arith.constant 0 : i32
    return %c0_i32, %c0_i32_0 : i32, i32
  }
  func.func @transform_7(%arg0: i32) -> (i32, i32) {
    %c0_i32 = arith.constant 0 : i32
    %c0_i32_0 = arith.constant 0 : i32
    return %arg0, %c0_i32 : i32, i32
  }
}

</mosaic_0001>

<sc_bundles>
// kernel: kernel.12.cloned.1.call-start
scs
__scs_entry_jumppad:
0x0: {  	(pc) =	sbr.rel $0x88, $3  }
0x1: {  	(tag) =	ssettag $0x0;
	lr =	simm.s32 $0x1  }
0x2: {  	[smem:$0x3F97] =	sst lr;
	_ =	strace $0xD0000000  }
0x3: {  	_ = 	snop  }
0x4: {  	_ = 	snop  }
0x5: {  	_ = 	snop  }
0x6: {  	_ = 	snop  }
0x7: {  	_ = 	snop  }
__scs_overlays_trampoline_lowered:
0x8: {  	[smem:$0x3FA6] =	sst s0  }
0x9: {  	[smem:$0x3FA7] =	sst s1  }
0xa: {  	[smem:$0x3FA8] =	sst s2  }
0xb: {  	[smem:$0x3FA9] =	sst s3  }
0xc: {  	[smem:$0x3FAA] =	sst s4  }
0xd: {  	[smem:$0x3FAB] =	sst s5  }
0xe: {  	[smem:$0x3FAC] =	sst s6  }
0xf: {  	[smem:$0x3FAD] =	sst s7  }
0x10: {  	[smem:$0x3FAE] =	sst s8  }
0x11: {  	[smem:$0x3FAF] =	sst s9;
	s0 =	simm.s32 @!p0 $0x0  }
0x12: {  	s1 =	sld [smem:$0x3F95];
	s0 =	simm.s32 @p0 $0x1  }
0x13: {  	[smem:$0x3FB0] =	sst s0;
	s0 =	simm.s32 @!p1 $0x0  }
0x14: {  	s2 =	sld [smem:$0x3F94];
	s0 =	simm.s32 @p1 $0x1  }
0x15: {  	[smem:$0x3FB1] =	sst s0;
	s0 =	simm.s32 @!p2 $0x0  }
0x16: {  	s3 =	sld [smem:$0x3FDB];
	s0 =	simm.s32 @p2 $0x1  }
0x17: {  	s4 =	simm.s32 $0x1BF5;
	[smem:$0x3FB3] =	sst s0  }
0x18: {  	s0 =	sld [smem:$0x3F96];
	_ =	swait.ge [sflag:s4], $0x0  }
0x19: {  	s7 =	sld [smem:$0x3F97]  }
0x1a: {  	s8 =	sadd.s32 $0xFFFFE003, lr  }
0x1b: {  	s9 =	sadd.s32 $0xFFFFFEF7, lr;
	s5 =	simm.s32 $0xFFFFFFFF;
	p2 =	slt.u32 s8, $0xFFFFF086  }
0x1c: {  	p1 =	slt.u32 s9, $0xF7A;
	s5 =	simm.s32 @!p2 $0x0  }
0x1d: {  	s5 =	simm.s32 @p1 $0x1;
	p0 =	seq.s32 s7, s2  }
0x1e: {  	s7 =	smul.u32 @!p0 $0xF7A, s2;
	p2 =	seq.s32 @!p0 s5, $0x0  }
0x1f: {  	s9 =	smul.u32 $0xF7A, s1;
	s8 =	simm.s32 @!p0 $0x1BF5;
	p2 =	por !p2, p0  }
0x20: {  	[sflag:s8] =	ssyncset.s32 @!p0 $0xFFFFF086;
	s6 =	sadd.s32 @!p0 s3, s7;
	s7 =	simm.s32 @!p0 $0x108  }
0x21: {  	s3 =	sadd.s32 s3, s9;
	s6 =	sadd.s32 @!p0 $0x88, s6;
	s7 =	simm.s32 @p2 $0x1082  }
0x22: {  	[simem:s7], [sflag:s8] =	dma.local @!p0 [hbm:s6], $0xF7A  }
0x23: {  	s9 =	sor.u32 $0xD0000000, s2;
	s6 =	simm.s32 $0x108;
	_ =	swait.ge @!p0 [sflag:s8], $0x0  }
0x24: {  	s3 =	sadd.s32 $0x88, s3;
	s6 =	simm.s32 @!p1 $0x1082;
	[sflag:s4] =	ssyncset.s32 $0xFFFFF086  }
0x25: {  	[simem:s6], [sflag:s4] =	dma.local [hbm:s3], $0xF7A  }
0x26: {  	[smem:$0x3F97] =	sst s1;
	(tag) =	ssettag s2;
	_ =	strace s9  }
0x27: {  	s1 =	sld [smem:$0x3FA7]  }
0x28: {  	s2 =	sld [smem:$0x3FA8]  }
0x29: {  	s4 =	sld [smem:$0x3FAA]  }
0x2a: {  	p0 =	seq.s32 s5, $0x0;
	s5 =	sld [smem:$0x3FAB]  }
0x2b: {  	s6 =	sld [smem:$0x3FAC]  }
0x2c: {  	s7 =	sld [smem:$0x3FAD]  }
0x2d: {  	s3 =	simm.s32 $0x108;
	s8 =	sld [smem:$0x3FAE]  }
0x2e: {  	s3 =	simm.s32 @!p0 $0x1082;
	s9 =	sld [smem:$0x3FAF]  }
0x2f: {  	lr =	sadd.s32 s0, s3;
	s0 =	sld [smem:$0x3FA6]  }
0x30: {  	s3 =	sld [smem:$0x3FA9]  }
0x31: {  	[smem:$0x3FB2] =	sst s10  }
0x32: {  	s10 =	sld [smem:$0x3FB0];
	_ =	sdelay $0x3  }
0x33: {  	p0 =	seq.s32 s10, $0x1;
	s10 =	sld [smem:$0x3FB2];
	_ =	sdelay $0x3  }
0x34: {  	[smem:$0x3FB2] =	sst s10  }
0x35: {  	s10 =	sld [smem:$0x3FB1];
	_ =	sdelay $0x3  }
0x36: {  	p1 =	seq.s32 s10, $0x1;
	s10 =	sld [smem:$0x3FB2];
	_ =	sdelay $0x3  }
0x37: {  	[smem:$0x3FB2] =	sst s10  }
0x38: {  	s10 =	sld [smem:$0x3FB3]  }
0x39: {  	_ = 	snop;
	(pc) =	sbr.ind lr, $3  }
0x3a: {  	_ = 	snop  }
0x3b: {  	_ = 	snop  }
0x3c: {  	p2 =	seq.s32 s10, $0x1;
	s10 =	sld [smem:$0x3FB2]  }
0x3d: {  	_ =	shalt  }
0x3e: {  	_ =	shalt  }
0x3f: {  	_ =	shalt  }
0x40: {  	_ =	shalt  }
0x41: {  	_ =	shalt  }
0x42: {  	_ =	shalt  }
0x43: {  	_ =	shalt  }
0x44: {  	_ =	shalt  }
0x45: {  	_ =	shalt  }
0x46: {  	_ =	shalt  }
0x47: {  	_ =	shalt  }
0x48: {  	_ =	shalt  }
0x49: {  	_ =	shalt  }
0x4a: {  	_ =	shalt  }
0x4b: {  	_ =	shalt  }
0x4c: {  	_ =	shalt  }
0x4d: {  	_ =	shalt  }
0x4e: {  	_ =	shalt  }
0x4f: {  	_ =	shalt  }
0x50: {  	_ =	shalt  }
0x51: {  	_ =	shalt  }
0x52: {  	_ =	shalt  }
0x53: {  	_ =	shalt  }
0x54: {  	_ =	shalt  }
0x55: {  	_ =	shalt  }
0x56: {  	_ =	shalt  }
0x57: {  	_ =	shalt  }
0x58: {  	_ =	shalt  }
0x59: {  	_ =	shalt  }
0x5a: {  	_ =	shalt  }
0x5b: {  	_ =	shalt  }
0x5c: {  	_ =	shalt  }
0x5d: {  	_ =	shalt  }
0x5e: {  	_ =	shalt  }
0x5f: {  	_ =	shalt  }
0x60: {  	_ =	shalt  }
0x61: {  	_ =	shalt  }
0x62: {  	_ =	shalt  }
0x63: {  	_ =	shalt  }
0x64: {  	_ =	shalt  }
0x65: {  	_ =	shalt  }
0x66: {  	_ =	shalt  }
0x67: {  	_ =	shalt  }
0x68: {  	_ =	shalt  }
0x69: {  	_ =	shalt  }
0x6a: {  	_ =	shalt  }
0x6b: {  	_ =	shalt  }
0x6c: {  	_ =	shalt  }
0x6d: {  	_ =	shalt  }
0x6e: {  	_ =	shalt  }
0x6f: {  	_ =	shalt  }
0x70: {  	_ =	shalt  }
0x71: {  	_ =	shalt  }
0x72: {  	_ =	shalt  }
0x73: {  	_ =	shalt  }
0x74: {  	_ =	shalt  }
0x75: {  	_ =	shalt  }
0x76: {  	_ =	shalt  }
0x77: {  	_ =	shalt  }
0x78: {  	_ =	shalt  }
0x79: {  	_ =	shalt  }
0x7a: {  	_ =	shalt  }
0x7b: {  	_ =	shalt  }
0x7c: {  	_ =	shalt  }
0x7d: {  	_ =	shalt  }
0x7e: {  	_ =	shalt  }
0x7f: {  	_ =	shalt  }
0x80: {  	_ =	shalt  }
0x81: {  	_ =	shalt  }
0x82: {  	_ =	shalt  }
0x83: {  	_ =	shalt  }
0x84: {  	_ =	shalt  }
0x85: {  	_ =	shalt  }
0x86: {  	_ =	shalt  }
0x87: {  	_ =	shalt  }
.Lfunc_end0:
.L_simem_size_0:
called_computation.1_lowered:
.L_overlay_start_0:
0x88: {  	s2 =	sld [smem:$0x3FD9]  }
0x89: {  	s3 =	sld [smem:$0x3FFE];
	_ =	sdelay $0x1  }
0x8a: {  	s1 =	srdreg.scid  }
0x8b: {  	s0 =	sand.u32 $0x1, s1  }
0x8c: {  	s17 =	sshll.u32 s0, $0xA;
	s2 =	sadd.s32 s3, s2  }
0x8d: {  	s2 =	sadd.s32 s2, s17  }
0x8e: {  	[smem:$0x3FBE] =	sst s2  }
0x8f: {  	_ = 	snop  }
0x90: {  	(tm) =	ssettm $0x1  }
0x91: {  	s18 =	sld [smem:$0x3FFB];
	_ =	sdelay $0x3  }
0x92: {  	_ =	strace s18  }
0x93: {  	s2 =	sld [smem:$0x3FFC];
	_ =	sdelay $0x3  }
0x94: {  	_ =	strace s2  }
0x95: {  	s2 =	sld [smem:$0x3FFD];
	_ =	sdelay $0x3  }
0x96: {  	_ =	strace s2  }
0x97: {  	_ =	strace $0x8FFFFFFF  }
0x98: {  	s19 =	sld [smem:$0x3FDB];
	_ =	sdelay $0x1  }
0x99: {  	s20 =	simm.s32 $_scs_section_size  }
0x9a: {  	s4 =	simm.s32 $_size__tile_overlayer_lowered;
	s5 =	simm.s32 $_tile_overlayer_lowered  }
0x9b: {  	s6 =	simm.s32 $0x1BFF;
	s21 =	sshll.u32 s5, $0x1;
	s3 =	sadd.s32 s20, s19  }
0x9c: {  	s22 =	simm.s32 $0x0;
	s4 =	sshll.u32 s4, $0x1;
	s5 =	sadd.s32 s21, s3  }
0x9d: {  	[timem:s22], [sflag:s6] =	dma.local [hbm:s5], s4  }
0x9e: {  	_ =	swait.ge [sflag:s6], s4  }
0x9f: {  	s4 =	ssub.s32 $0x0, s4;
	[sflag:s6] =	ssyncset.done $0x0  }
0xa0: {  	[sflag:s6] =	ssyncadd.s32 s4;
	_ =	sdelay $0x1  }
0xa1: {  	s23 =	simm.s32 $0x1B8B  }
0xa2: {  	_ =	swait.ge [sflag:s23], $0x1  }
0xa3: {  	[sflag:s23] =	ssyncset.done $0x0  }
0xa4: {  	[sflag:s23] =	ssyncadd.s32 $0xFFFFFFFF  }
0xa5: {  	s4 =	sld [smem:$0x0]  }
0xa6: {  	s5 =	sand.u32 $0xFFFFFFFE, s1  }
0xa7: {  	p0 =	sne.s32 s1, s5  }
0xa8: {  	s5 =	sshll.u32 @p0 s5, $0xE  }
0xa9: {  	s5 =	sadd.s32 @p0 $0x11B8D, s5;
	s6 =	sshll.u32 @p0 s4, $0x11  }
0xaa: {  	s5 =	sor.u32 @p0 s6, s5  }
0xab: {  	[sflag:s5] =	ssyncadd.remote.s32 @p0 $0x1;
	_ =	sdelay $0x1  }
0xac: {  	s5 =	simm.s32 @p0 $0x1B8D  }
0xad: {  	_ =	swait.eq @p0 [sflag:s5], $0x1  }
0xae: {  	[sflag:s5] =	ssyncadd.s32 @p0 $0xFFFFFFFF  }
0xaf: {  	s6 =	sshll.u32 @!p0 s1, $0xE  }
0xb0: {  	s6 =	sor.u32 @!p0 $0x4000, s6;
	s5 =	simm.s32 @!p0 $0x1B8D  }
0xb1: {  	s4 =	sshll.u32 @!p0 s4, $0x11;
	s6 =	sadd.s32 @!p0 $0x11B8D, s6;
	_ =	swait.eq @!p0 [sflag:s5], $0x1  }
0xb2: {  	s4 =	sor.u32 @!p0 s4, s6;
	[sflag:s5] =	ssyncadd.s32 @!p0 $0xFFFFFFFF  }
0xb3: {  	s25 =	simm.s32 $0x1B8E;
	s24 =	sld [smem:$0x3FFE];
	[sflag:s4] =	ssyncadd.remote.s32 @!p0 $0x1  }
0xb4: {  	s26 =	simm.s32 $execute0_lowered;
	[smem:$0x3FD2] =	sst s25  }
0xb5: {  	s5 =	sshll.u32 s26, $0x1;
	_ =	strace $0x80000049;
	[dreg:$0x1] =	wrdreg $0xFFFFFFFF  }
0xb6: {  	s28 =	simm.s32 $_size_execute0_lowered;
	s3 =	sadd.s32 s3, s5;
	[dreg:$0x0] =	wrdreg $0x0  }
0xb7: {  	s5 =	sshll.u32 s28, $0x1;
	[dreg:$0x2] =	wrdreg s3  }
0xb8: {  	[dreg:$0x3] =	wrdreg s5  }
0xb9: {  	[dreg:$0x4] =	wrdreg $0xC0  }
0xba: {  	_ =	task [dreg:s22], $0x5FFFF  }
0xbb: {  	[dreg:$0x1] =	wrdreg $0xFFFFFFFF  }
0xbc: {  	[dreg:$0x0] =	wrdreg $0x60  }
0xbd: {  	[dreg:$0x2] =	wrdreg s24  }
0xbe: {  	[dreg:$0x3] =	wrdreg $0x94000  }
0xbf: {  	[dreg:$0x4] =	wrdreg $0x9  }
0xc0: {  	_ =	task.clear_ibuf [dreg:s22], $0x5FFFF;
	_ =	strace $0x90000049  }
0xc1: {  	s29 =	simm.s32 $0x9;
	_ =	strace $0x8000004B  }
0xc2: {  	_ =	swait.ge [sflag:s29], $0x1  }
0xc3: {  	[sflag:s29] =	ssyncadd.s32 $0xFFFFFFFF  }
0xc4: {  	_ =	strace $0x9000004B  }
0xc5: {  	_ =	sfence  }
0xc6: {  	s30 =	sld [smem:$0x0];
	_ =	sdelay $0x2  }
0xc7: {  	s31 =	sshll.u32 s1, $0xD;
	s1 =	sshrl.u32 s1, $0x2  }
0xc8: {  	s4 =	sand.u32 $0x4000, s31;
	s1 =	sadd.s32 s1, s30  }
0xc9: {  	s0 =	sor.u32 s4, s0;
	s1 =	sshll.u32 s1, $0x11  }
0xca: {  	s0 =	sor.u32 s1, s0  }
0xcb: {  	s0 =	sadd.s32 $0x8F2B, s0  }
0xcc: {  	[sflag:s0] =	ssyncadd.remote.s32 $0x1  }
0xcd: {  	_ =	sfence.sel $0xFFFF  }
0xce: {  	[dreg:$0x0] =	wrdreg $0xFFFFFFFF;
	(pc) =	sbr.abs _section_cstart, $3  }
0xcf: {  	[dreg:$0x1] =	wrdreg $0xFFFFFFFF  }
0xd0: {  	_ =	task.clear_ibuf [dreg:s22], $0x2FFFF;
	_ =	strace $0x9FFFFFFF  }
0xd1: {  	(tm) =	ssettm $0x7FFFFFFF  }
tec
execute0_lowered:
.L_overlay_start_1:
0x0: {  	(tag) =	ssettag $0x1  }
0x1: {  	s0 =	rddreg [dreg:$0x0]  }
0x2: {  	s1 =	srdreg.scid;
	s2 =	rddreg [dreg:$0x1]  }
0x3: {  	s10 =	stileid.u32;
	s3 =	simm.s32 $0x0;
	s11 =	simm.s32 $0xC00  }
0x4: {  	s13 =	simm.s32 $0xE00;
	s14 =	simm.s32 $0x1000;
	s28 =	simm.s32 $0x3  }
0x5: {  	s29 =	simm.s32 $0x5;
	s30 =	simm.s32 $0x4;
	s6 =	smul.u32 $0x3E80, s10  }
0x6: {  	s31 =	simm.s32 $0x2;
	s1 =	sand.u32 $0x1, s1;
	s9 =	smul.u32 $0x28, s10  }
0x7: {  	[smem:$0x7FF] =	sst s3;
	s8 =	sadd.s32 $0x4000, s0;
	s17 =	smul.u32 $0x7D000, s10  }
0x8: {  	s4 =	sadd.s32 $0xC60400, s0;
	s12 =	smul.u32 $0xA00, s10;
	p0 =	sgt.u32 s10, $0x9  }
0x9: {  	s5 =	smul.u32 $0x27100, s1;
	_ =	strace $0x8000004A;
	[dreg:$0x5] =	wrdreg s11  }
0xa: {  	s7 =	smul.u32 $0x280, s1;
	s18 =	ssub.s32 $0x2, s1;
	[dreg:$0x6] =	wrdreg s13  }
0xb: {  	s1 =	smul.u32 $0xA000, s1;
	[dreg:$0x7] =	wrdreg s14;
	s19 =	sshrl.u32 s18, $0x1  }
0xc: {  	s5 =	sadd.s32 s6, s5;
	s7 =	sadd.s32 s9, s7;
	s6 =	sshrl.u32 s17, $0x2  }
0xd: {  	s9 =	ssub.s32 s18, s19;
	s19 =	simm.s32 $0x1080;
	s6 =	sadd.s32 s6, s2  }
0xe: {  	s15 =	smax.u32 s9, $0x1;
	s9 =	simm.s32 $0xA00;
	[dreg:$0x8] =	wrdreg s19  }
0xf: {  	s1 =	sadd.s32 s1, s8;
	s20 =	sadd.s32 $0x4000, s6;
	[dreg:$0x4] =	wrdreg s9  }
0x10: {  	s0 =	sadd.s32 s5, s0;
	s21 =	sadd.s32 $0x8000, s6;
	[dreg:$0x10] =	wrdreg s20  }
0x11: {  	s7 =	sshll.u32 s7, $0x6;
	s22 =	sadd.s32 $0xC000, s6;
	[dreg:$0x11] =	wrdreg s21  }
0x12: {  	s1 =	sadd.s32 s12, s1;
	s23 =	sadd.s32 $0x10000, s6;
	[dreg:$0x12] =	wrdreg s22  }
0x13: {  	s5 =	sadd.s32 s8, s7;
	s24 =	sadd.s32 $0x14000, s6;
	[dreg:$0x13] =	wrdreg s23  }
0x14: {  	s25 =	sadd.s32 $0x18000, s6;
	s26 =	sadd.s32 $0x1C000, s6;
	[dreg:$0x14] =	wrdreg s24  }
0x15: {  	s0 =	sadd.s32 $0x66200, s0;
	s7 =	simm.s32 $0x800;
	[dreg:$0x15] =	wrdreg s25  }
0x16: {  	s11 =	sadd.s32 $0x200, s1;
	s1 =	simm.s32 $0x1380;
	[dreg:$0x16] =	wrdreg s26  }
0x17: {  	s8 =	simm.s32 $0xF00;
	s9 =	simm.s32 $0x0;
	[dreg:$0x17] =	wrdreg s0  }
0x18: {  	s16 =	sadd.s32 $0x40, s5;
	[dreg:$0x3] =	wrdreg s7;
	s20 =	simm.s32 $0x100  }
0x19: {  	s17 =	sadd.s32 $0x80, s5;
	s21 =	simm.s32 $0x1100;
	[dreg:$0x9] =	wrdreg s20  }
0x1a: {  	s18 =	sadd.s32 $0xC0, s5;
	s22 =	simm.s32 $0x300;
	[dreg:$0xa] =	wrdreg s21  }
0x1b: {  	s23 =	simm.s32 $0x1180;
	s24 =	simm.s32 $0x500;
	[dreg:$0xb] =	wrdreg s22  }
0x1c: {  	s25 =	simm.s32 $0x700;
	s26 =	simm.s32 $0x1200;
	[dreg:$0xc] =	wrdreg s23  }
0x1d: {  	s0 =	simm.s32 $0x1280;
	s7 =	simm.s32 $0xD00;
	[dreg:$0xd] =	wrdreg s24  }
0x1e: {  	s23 =	simm.s32 $0x1;
	s24 =	simm.s32 $0x80;
	[dreg:$0xe] =	wrdreg s25  }
0x1f: {  	[dreg:$0xf] =	wrdreg s26;
	s25 =	simm.s32 $0x1400;
	s26 =	simm.s32 $0x5400  }
0x20: {  	v0 =	vimm.f32 $0.0e+00;
	s20 =	simm.s32 $0x900;
	s21 =	simm.s32 $0x1300;
	s22 =	simm.s32 $0xB00  }
.LBB2_1:
0x21: {  	[tilespmem:s3], [sflag:$0x1] =	stream.linear.gather [hbm4b:s5+s3], $0x180, $0x38;
	[tilespmem:$0x1CCC0] =	vst v63  }
0x22: {  	s10 =	simm.s32 $0x200;
	s13 =	simm.s32 $0x400;
	s19 =	sand.u32 $0xFE00, s3  }
0x23: {  	[tilespmem:s10], [sflag:$0x1] =	stream.linear.gather [hbm4b:s16+s3], $0x180, $0x38;
	[tilespmem:$0x1CCC0] =	vst v63  }
0x24: {  	s14 =	simm.s32 $0x600;
	s12 =	sand.u32 $0x70, s3;
	s19 =	sshrl.u32 s19, $0x2  }
0x25: {  	[tilespmem:s13], [sflag:$0x1] =	stream.linear.gather [hbm4b:s17+s3], $0x180, $0x38;
	[tilespmem:$0x1CCC0] =	vst v63  }
0x26: {  	s10 =	simm.s32 $0x40;
	s12 =	sor.u32 s12, s19;
	s19 =	simm.s32 $0x0  }
0x27: {  	[tilespmem:s14], [sflag:$0x1] =	stream.linear.gather [hbm4b:s18+s3], $0x180, $0x38;
	[tilespmem:$0x1CCC0] =	vst v63  }
.LBB2_2:
0x28: {  	p1 =	sne.s32 s10, $0xFFC0  }
0x29: {  	[tilespmem:s12+$0x1400] =	vst v0;
	s19 =	sadd.s32 $0x10, s19;
	s12 =	smov.u32 s10;
	s10 =	sadd.s32 $0x40, s10  }
.Ltmp0:
0x2a: {  	(pc) =	sbr.rel @p1 .LBB2_2-.Ltmp0, $4  }
0x2b: {  	_ = 	snop  }
0x2c: {  	s12 =	sand.u32 $0xFE00, s12  }
0x2d: {  	s13 =	sand.u32 $0x70, s19;
	s12 =	sshrl.u32 s12, $0x2  }
0x2e: {  	s12 =	sor.u32 s13, s12  }
0x2f: {  	[tilespmem:s12+$0x1400] =	vst v0;
	s10 =	simm.s32 @!p0 $0x1400;
	s12 =	simm.s32 @!p0 $0x5  }
0x30: {  	[spmem:s6] =	stream.linear.scatter @!p0 [tilespmem:s10], [sflag:$0x5], $0x4000, $0x38;
	[tilespmem:$0x1CCC0] =	vst v63  }
0x31: {  	_ =	swait.ge @!p0 [sflag:s12], $0x4000  }
0x32: {  	[sflag:s12] =	ssyncset.done @!p0 $0x0  }
0x33: {  	s13 =	rddreg [dreg:$0x10];
	[sflag:s12] =	ssyncadd.s32 @!p0 $0xFFFFC000  }
0x34: {  	[spmem:s13] =	stream.linear.scatter @!p0 [tilespmem:s10], [sflag:$0x5], $0x4000, $0x38;
	[tilespmem:$0x1CCC0] =	vst v63  }
0x35: {  	_ =	swait.ge @!p0 [sflag:s12], $0x4000  }
0x36: {  	[sflag:s12] =	ssyncset.done @!p0 $0x0  }
0x37: {  	s13 =	rddreg [dreg:$0x11];
	[sflag:s12] =	ssyncadd.s32 @!p0 $0xFFFFC000  }
0x38: {  	[spmem:s13] =	stream.linear.scatter @!p0 [tilespmem:s10], [sflag:$0x5], $0x4000, $0x38;
	[tilespmem:$0x1CCC0] =	vst v63  }
0x39: {  	_ =	swait.ge @!p0 [sflag:s12], $0x4000  }
0x3a: {  	[sflag:s12] =	ssyncset.done @!p0 $0x0  }
0x3b: {  	s13 =	rddreg [dreg:$0x12];
	[sflag:s12] =	ssyncadd.s32 @!p0 $0xFFFFC000  }
0x3c: {  	[spmem:s13] =	stream.linear.scatter @!p0 [tilespmem:s10], [sflag:$0x5], $0x4000, $0x38;
	[tilespmem:$0x1CCC0] =	vst v63  }
0x3d: {  	_ =	swait.ge @!p0 [sflag:s12], $0x4000  }
0x3e: {  	[sflag:s12] =	ssyncset.done @!p0 $0x0  }
0x3f: {  	s13 =	rddreg [dreg:$0x13];
	[sflag:s12] =	ssyncadd.s32 @!p0 $0xFFFFC000  }
0x40: {  	[spmem:s13] =	stream.linear.scatter @!p0 [tilespmem:s10], [sflag:$0x5], $0x4000, $0x38;
	[tilespmem:$0x1CCC0] =	vst v63  }
0x41: {  	_ =	swait.ge @!p0 [sflag:s12], $0x4000  }
0x42: {  	[sflag:s12] =	ssyncset.done @!p0 $0x0  }
0x43: {  	s13 =	rddreg [dreg:$0x14];
	[sflag:s12] =	ssyncadd.s32 @!p0 $0xFFFFC000  }
0x44: {  	[spmem:s13] =	stream.linear.scatter @!p0 [tilespmem:s10], [sflag:$0x5], $0x4000, $0x38;
	[tilespmem:$0x1CCC0] =	vst v63  }
0x45: {  	_ =	swait.ge @!p0 [sflag:s12], $0x4000  }
0x46: {  	[sflag:s12] =	ssyncset.done @!p0 $0x0  }
0x47: {  	s13 =	rddreg [dreg:$0x15];
	[sflag:s12] =	ssyncadd.s32 @!p0 $0xFFFFC000  }
0x48: {  	[spmem:s13] =	stream.linear.scatter @!p0 [tilespmem:s10], [sflag:$0x5], $0x4000, $0x38;
	[tilespmem:$0x1CCC0] =	vst v63  }
0x49: {  	_ =	swait.ge @!p0 [sflag:s12], $0x4000  }
0x4a: {  	[sflag:s12] =	ssyncset.done @!p0 $0x0  }
0x4b: {  	s13 =	rddreg [dreg:$0x16];
	[sflag:s12] =	ssyncadd.s32 @!p0 $0xFFFFC000  }
0x4c: {  	[spmem:s13] =	stream.linear.scatter @!p0 [tilespmem:s10], [sflag:$0x5], $0x3400, $0x38;
	[tilespmem:$0x1CCC0] =	vst v63  }
0x4d: {  	_ =	swait.ge @!p0 [sflag:s12], $0x3400  }
0x4e: {  	[sflag:s12] =	ssyncset.done @!p0 $0x0  }
0x4f: {  	[sflag:s12] =	ssyncadd.s32 @!p0 $0xFFFFCC00  }
0x50: {  	s19 =	smov.u32 s11;
	s10 =	simm.s32 $0x0;
	[bflag:$0x0] =	sbarrier.arrive $0xFFFF  }
.LBB2_4:
0x51: {  	_ =	swait.ge [sflag:s23], $0x600  }
0x52: {  	[sflag:s23] =	ssyncset.done $0x0  }
0x53: {  	s13 =	sadd.s32 $0xFFFFFF00, s19;
	s12 =	rddreg [dreg:$0x3];
	[sflag:s23] =	ssyncadd.s32 $0xFFFFFA00  }
0x54: {  	[tilespmem:s12], [sflag:$0x2] =	stream.linear.gather [hbm4b:s13+s3], $0x180, $0x38;
	[tilespmem:$0x1CCC0] =	vst v63  }
0x55: {  	s14 =	rddreg [dreg:$0x4];
	s12 =	sadd.s32 $0xFFFFFF40, s19  }
0x56: {  	[tilespmem:s14], [sflag:$0x2] =	stream.linear.gather [hbm4b:s12+s3], $0x180, $0x38;
	[tilespmem:$0x1CCC0] =	vst v63  }
0x57: {  	s13 =	rddreg [dreg:$0x5];
	s12 =	sadd.s32 $0xFFFFFF80, s19  }
0x58: {  	[tilespmem:s13], [sflag:$0x2] =	stream.linear.gather [hbm4b:s12+s3], $0x180, $0x38;
	[tilespmem:$0x1CCC0] =	vst v63  }
0x59: {  	s14 =	rddreg [dreg:$0x6];
	s13 =	sadd.s32 $0xFFFFFFC0, s19  }
0x5a: {  	[tilespmem:s14], [sflag:$0x2] =	stream.linear.gather [hbm4b:s13+s3], $0x180, $0x38;
	[tilespmem:$0x1CCC0] =	vst v63  }
0x5b: {  	v1 =	vld [tilespmem:$0x0]  }
0x5c: {  	v2 =	vld [tilespmem:$0x80]  }
0x5d: {  	v3 =	vld [tilespmem:$0x10]  }
0x5e: {  	v4 =	vld [tilespmem:$0x90]  }
0x5f: {  	v5 =	vld [tilespmem:$0x20]  }
0x60: {  	v6 =	vld [tilespmem:$0xA0]  }
0x61: {  	v7 =	vld [tilespmem:$0x30]  }
0x62: {  	v8 =	vld [tilespmem:$0xB0]  }
0x63: {  	v9 =	vld [tilespmem:$0x40]  }
0x64: {  	v10 =	vld [tilespmem:$0xC0]  }
0x65: {  	v11 =	vld [tilespmem:$0x50]  }
0x66: {  	v12 =	vld [tilespmem:$0xD0]  }
0x67: {  	v13 =	vld [tilespmem:$0x60]  }
0x68: {  	v14 =	vld [tilespmem:$0xE0]  }
0x69: {  	v15 =	vld [tilespmem:$0x70]  }
0x6a: {  	v16 =	vld [tilespmem:$0xF0]  }
0x6b: {  	v17 =	vld [tilespmem:$0x200]  }
0x6c: {  	v18 =	vld [tilespmem:$0x280]  }
0x6d: {  	v19 =	vld [tilespmem:$0x210]  }
0x6e: {  	v20 =	vld [tilespmem:$0x290]  }
0x6f: {  	v21 =	vld [tilespmem:$0x220]  }
0x70: {  	v22 =	vld [tilespmem:$0x2A0]  }
0x71: {  	v23 =	vld [tilespmem:$0x230]  }
0x72: {  	v24 =	vld [tilespmem:$0x2B0]  }
0x73: {  	v25 =	vld [tilespmem:$0x240]  }
0x74: {  	v26 =	vld [tilespmem:$0x2C0]  }
0x75: {  	v27 =	vld [tilespmem:$0x250]  }
0x76: {  	v28 =	vld [tilespmem:$0x2D0]  }
0x77: {  	v29 =	vld [tilespmem:$0x260]  }
0x78: {  	v30 =	vld [tilespmem:$0x2E0]  }
0x79: {  	v31 =	vld [tilespmem:$0x270]  }
0x7a: {  	v32 =	vld [tilespmem:$0x2F0]  }
0x7b: {  	v33 =	vld [tilespmem:$0x400]  }
0x7c: {  	v34 =	vld [tilespmem:$0x480]  }
0x7d: {  	v35 =	vld [tilespmem:$0x410]  }
0x7e: {  	v36 =	vld [tilespmem:$0x490];
	v1 =	vmul.u32 $0x1B, v1  }
0x7f: {  	v37 =	vld [tilespmem:$0x420];
	v3 =	vmul.u32 $0x1B, v3  }
0x80: {  	v62 =	vld [tilespmem:$0x4A0];
	v1 =	vadd.s32 v2, v1;
	v2 =	vmul.u32 $0x1B, v5  }
0x81: {  	v63 =	vld [tilespmem:$0x430];
	[tilespmem:$0x1000] =	vst v1;
	v1 =	vadd.s32 v4, v3;
	v3 =	vmul.u32 $0x1B, v7  }
0x82: {  	v38 =	vld [tilespmem:$0x4B0];
	[tilespmem:$0x1010] =	vst v1;
	v1 =	vadd.s32 v6, v2;
	v2 =	vmul.u32 $0x1B, v9  }
0x83: {  	v39 =	vld [tilespmem:$0x440];
	[tilespmem:$0x1020] =	vst v1;
	v1 =	vadd.s32 v8, v3;
	v3 =	vmul.u32 $0x1B, v11  }
0x84: {  	v40 =	vld [tilespmem:$0x4C0];
	[tilespmem:$0x1030] =	vst v1;
	v1 =	vadd.s32 v10, v2;
	v2 =	vmul.u32 $0x1B, v13  }
0x85: {  	v41 =	vld [tilespmem:$0x450];
	[tilespmem:$0x1040] =	vst v1;
	v1 =	vadd.s32 v12, v3;
	v3 =	vmul.u32 $0x1B, v15  }
0x86: {  	v42 =	vld [tilespmem:$0x4D0];
	[tilespmem:$0x1050] =	vst v1;
	v1 =	vadd.s32 v14, v2;
	v2 =	vmul.u32 $0x1B, v17  }
0x87: {  	v43 =	vld [tilespmem:$0x460];
	[tilespmem:$0x1060] =	vst v1;
	v1 =	vadd.s32 v16, v3;
	v3 =	vmul.u32 $0x1B, v19  }
0x88: {  	v44 =	vld [tilespmem:$0x4E0];
	[tilespmem:$0x1070] =	vst v1;
	v1 =	vadd.s32 v18, v2;
	v2 =	vmul.u32 $0x1B, v21  }
0x89: {  	v45 =	vld [tilespmem:$0x470];
	[tilespmem:$0x1080] =	vst v1;
	v1 =	vadd.s32 v20, v3;
	v3 =	vmul.u32 $0x1B, v23  }
0x8a: {  	v46 =	vld [tilespmem:$0x4F0];
	[tilespmem:$0x1090] =	vst v1;
	v1 =	vadd.s32 v22, v2;
	v2 =	vmul.u32 $0x1B, v25  }
0x8b: {  	v47 =	vld [tilespmem:$0x600];
	[tilespmem:$0x10A0] =	vst v1;
	v1 =	vadd.s32 v24, v3;
	v3 =	vmul.u32 $0x1B, v27  }
0x8c: {  	v48 =	vld [tilespmem:$0x680];
	[tilespmem:$0x10B0] =	vst v1;
	v1 =	vadd.s32 v26, v2;
	v2 =	vmul.u32 $0x1B, v29  }
0x8d: {  	v49 =	vld [tilespmem:$0x610];
	[tilespmem:$0x10C0] =	vst v1;
	v1 =	vadd.s32 v28, v3;
	v3 =	vmul.u32 $0x1B, v31  }
0x8e: {  	v50 =	vld [tilespmem:$0x690];
	[tilespmem:$0x10D0] =	vst v1;
	v1 =	vadd.s32 v30, v2;
	v2 =	vmul.u32 $0x1B, v33  }
0x8f: {  	v51 =	vld [tilespmem:$0x620];
	[tilespmem:$0x10E0] =	vst v1;
	v1 =	vadd.s32 v32, v3;
	v3 =	vmul.u32 $0x1B, v35  }
0x90: {  	v52 =	vld [tilespmem:$0x6A0];
	[tilespmem:$0x10F0] =	vst v1;
	v1 =	vadd.s32 v34, v2;
	v2 =	vmul.u32 $0x1B, v37  }
0x91: {  	v53 =	vld [tilespmem:$0x630];
	[tilespmem:$0x1100] =	vst v1;
	v1 =	vadd.s32 v36, v3;
	v3 =	vmul.u32 $0x1B, v63  }
0x92: {  	v54 =	vld [tilespmem:$0x6B0];
	[tilespmem:$0x1110] =	vst v1;
	v1 =	vadd.s32 v62, v2;
	v2 =	vmul.u32 $0x1B, v39  }
0x93: {  	v55 =	vld [tilespmem:$0x640];
	[tilespmem:$0x1120] =	vst v1;
	v1 =	vadd.s32 v38, v3;
	v3 =	vmul.u32 $0x1B, v41  }
0x94: {  	v56 =	vld [tilespmem:$0x6C0];
	[tilespmem:$0x1130] =	vst v1;
	v1 =	vadd.s32 v40, v2;
	v2 =	vmul.u32 $0x1B, v43  }
0x95: {  	v57 =	vld [tilespmem:$0x650];
	[tilespmem:$0x1140] =	vst v1;
	v1 =	vadd.s32 v42, v3;
	v3 =	vmul.u32 $0x1B, v45  }
0x96: {  	v58 =	vld [tilespmem:$0x6D0];
	[tilespmem:$0x1150] =	vst v1;
	v1 =	vadd.s32 v44, v2;
	v2 =	vmul.u32 $0x1B, v47  }
0x97: {  	v59 =	vld [tilespmem:$0x660];
	[tilespmem:$0x1160] =	vst v1;
	v1 =	vadd.s32 v46, v3;
	v3 =	vmul.u32 $0x1B, v49  }
0x98: {  	v60 =	vld [tilespmem:$0x670];
	[tilespmem:$0x1170] =	vst v1;
	v1 =	vadd.s32 v48, v2;
	v2 =	vmul.u32 $0x1B, v51  }
0x99: {  	v61 =	vld [tilespmem:$0x6E0];
	[tilespmem:$0x1180] =	vst v1;
	v1 =	vadd.s32 v50, v3;
	v3 =	vmul.u32 $0x1B, v53  }
0x9a: {  	v62 =	vld [tilespmem:$0x6F0];
	[tilespmem:$0x1190] =	vst v1;
	v1 =	vadd.s32 v52, v2;
	v2 =	vmul.u32 $0x1B, v55  }
0x9b: {  	[tilespmem:$0x11A0] =	vst v1;
	v1 =	vadd.s32 v54, v3;
	v3 =	vmul.u32 $0x1B, v57  }
0x9c: {  	[tilespmem:$0x11B0] =	vst v1;
	v1 =	vadd.s32 v56, v2;
	v2 =	vmul.u32 $0x1B, v59  }
0x9d: {  	[tilespmem:$0x11C0] =	vst v1;
	v1 =	vadd.s32 v58, v3;
	v3 =	vmul.u32 $0x1B, v60  }
0x9e: {  	[tilespmem:$0x11D0] =	vst v1;
	v1 =	vadd.s32 v61, v2  }
0x9f: {  	[tilespmem:$0x11E0] =	vst v1;
	v1 =	vadd.s32 v62, v3  }
0xa0: {  	s13 =	rddreg [dreg:$0x7];
	[tilespmem:$0x11F0] =	vst v1  }
0xa1: {  	[tilespmem:s25], [sflag:$0x3] =	stream.indirect.gather [hbm4b:s4+s24], $0x80, s13, s24, $0xb8;
	[tilespmem:$0x1CCC0] =	vst v63  }
0xa2: {  	s14 =	rddreg [dreg:$0x8]  }
0xa3: {  	[tilespmem:s26], [sflag:$0x4] =	stream.indirect.gather [hbm4b:s4+s24], $0x80, s14, s24, $0xb8;
	[tilespmem:$0x1CCC0] =	vst v63  }
0xa4: {  	_ =	swait.ge [sflag:s28], $0x4000  }
0xa5: {  	[sflag:s28] =	ssyncset.done $0x0  }
0xa6: {  	s14 =	rddreg [dreg:$0x9];
	[sflag:s28] =	ssyncadd.s32 $0xFFFFC000  }
0xa7: {  	[spmem:s2] =	stream.indirect.scatter.add.f32 [tilespmem:s25], [sflag:$0x5], $0x80, s14, s24, $0xb8;
	[tilespmem:$0x1CCC0] =	vst v63  }
0xa8: {  	_ =	swait.ge [sflag:s29], $0x4000  }
0xa9: {  	[sflag:s29] =	ssyncset.done $0x0  }
0xaa: {  	s13 =	rddreg [dreg:$0xa];
	[sflag:s29] =	ssyncadd.s32 $0xFFFFC000  }
0xab: {  	[tilespmem:s25], [sflag:$0x3] =	stream.indirect.gather [hbm4b:s4+s24], $0x80, s13, s24, $0xb8;
	[tilespmem:$0x1CCC0] =	vst v63  }
0xac: {  	_ =	swait.ge [sflag:s30], $0x4000  }
0xad: {  	[sflag:s30] =	ssyncset.done $0x0  }
0xae: {  	s14 =	rddreg [dreg:$0xb];
	[sflag:s30] =	ssyncadd.s32 $0xFFFFC000  }
0xaf: {  	[spmem:s2] =	stream.indirect.scatter.add.f32 [tilespmem:s26], [sflag:$0x5], $0x80, s14, s24, $0xb8;
	[tilespmem:$0x1CCC0] =	vst v63  }
0xb0: {  	_ =	swait.ge [sflag:s29], $0x4000  }
0xb1: {  	[sflag:s29] =	ssyncset.done $0x0  }
0xb2: {  	s13 =	rddreg [dreg:$0xc];
	[sflag:s29] =	ssyncadd.s32 $0xFFFFC000  }
0xb3: {  	[tilespmem:s26], [sflag:$0x4] =	stream.indirect.gather [hbm4b:s4+s24], $0x80, s13, s24, $0xb8;
	[tilespmem:$0x1CCC0] =	vst v63  }
0xb4: {  	_ =	swait.ge [sflag:s28], $0x4000  }
0xb5: {  	[sflag:s28] =	ssyncset.done $0x0  }
0xb6: {  	s14 =	rddreg [dreg:$0xd];
	[sflag:s28] =	ssyncadd.s32 $0xFFFFC000  }
0xb7: {  	[spmem:s2] =	stream.indirect.scatter.add.f32 [tilespmem:s25], [sflag:$0x5], $0x80, s14, s24, $0xb8;
	[tilespmem:$0x1CCC0] =	vst v63  }
0xb8: {  	_ =	swait.ge [sflag:s29], $0x4000  }
0xb9: {  	[sflag:s29] =	ssyncset.done $0x0  }
0xba: {  	[sflag:s29] =	ssyncadd.s32 $0xFFFFC000  }
0xbb: {  	_ =	swait.ge [sflag:s30], $0x4000  }
0xbc: {  	[sflag:s30] =	ssyncset.done $0x0  }
0xbd: {  	s13 =	rddreg [dreg:$0xe];
	[sflag:s30] =	ssyncadd.s32 $0xFFFFC000  }
0xbe: {  	[spmem:s2] =	stream.indirect.scatter.add.f32 [tilespmem:s26], [sflag:$0x5], $0x80, s13, s24, $0xb8;
	[tilespmem:$0x1CCC0] =	vst v63  }
0xbf: {  	_ =	swait.ge [sflag:s29], $0x4000  }
0xc0: {  	[sflag:s29] =	ssyncset.done $0x0  }
0xc1: {  	[sflag:s29] =	ssyncadd.s32 $0xFFFFC000  }
0xc2: {  	_ =	swait.ge [sflag:s31], $0x600  }
0xc3: {  	p1 =	sgt.u32 s10, $0x3;
	[sflag:s31] =	ssyncset.done $0x0  }
0xc4: {  	s12 =	simm.s32 @!p1 $0x0;
	[sflag:s31] =	ssyncadd.s32 $0xFFFFFA00  }
0xc5: {  	[tilespmem:s12], [sflag:$0x1] =	stream.linear.gather @!p1 [hbm4b:s19+s12], $0x180, $0x38;
	[tilespmem:$0x1CCC0] =	vst v63  }
0xc6: {  	s14 =	simm.s32 @!p1 $0x200;
	s13 =	sadd.s32 @!p1 $0x40, s19  }
0xc7: {  	[tilespmem:s14], [sflag:$0x1] =	stream.linear.gather @!p1 [hbm4b:s13+s12], $0x180, $0x38;
	[tilespmem:$0x1CCC0] =	vst v63  }
0xc8: {  	s13 =	sadd.s32 @!p1 $0x80, s19;
	s14 =	simm.s32 @!p1 $0x400  }
0xc9: {  	[tilespmem:s14], [sflag:$0x1] =	stream.linear.gather @!p1 [hbm4b:s13+s12], $0x180, $0x38;
	[tilespmem:$0x1CCC0] =	vst v63  }
0xca: {  	s13 =	sadd.s32 @!p1 $0xC0, s19;
	s14 =	simm.s32 @!p1 $0x600  }
0xcb: {  	[tilespmem:s14], [sflag:$0x1] =	stream.linear.gather @!p1 [hbm4b:s13+s12], $0x180, $0x38;
	[tilespmem:$0x1CCC0] =	vst v63  }
0xcc: {  	v1 =	vld [tilespmem:$0x800]  }
0xcd: {  	v2 =	vld [tilespmem:$0x880]  }
0xce: {  	v3 =	vld [tilespmem:$0x810]  }
0xcf: {  	v4 =	vld [tilespmem:$0x890]  }
0xd0: {  	v63 =	vld [tilespmem:$0x820]  }
0xd1: {  	v6 =	vld [tilespmem:$0x8A0]  }
0xd2: {  	v7 =	vld [tilespmem:$0x830]  }
0xd3: {  	v8 =	vld [tilespmem:$0x8B0]  }
0xd4: {  	v40 =	vld [tilespmem:$0x840]  }
0xd5: {  	v10 =	vld [tilespmem:$0x8C0]  }
0xd6: {  	v41 =	vld [tilespmem:$0x850]  }
0xd7: {  	v12 =	vld [tilespmem:$0x8D0]  }
0xd8: {  	v42 =	vld [tilespmem:$0x860]  }
0xd9: {  	v14 =	vld [tilespmem:$0x8E0]  }
0xda: {  	v43 =	vld [tilespmem:$0x870]  }
0xdb: {  	v16 =	vld [tilespmem:$0x8F0]  }
0xdc: {  	v44 =	vld [tilespmem:$0xA00]  }
0xdd: {  	v18 =	vld [tilespmem:$0xA80]  }
0xde: {  	v45 =	vld [tilespmem:$0xA10]  }
0xdf: {  	v20 =	vld [tilespmem:$0xA90]  }
0xe0: {  	v46 =	vld [tilespmem:$0xA20]  }
0xe1: {  	v47 =	vld [tilespmem:$0xAA0]  }
0xe2: {  	v48 =	vld [tilespmem:$0xA30]  }
0xe3: {  	v49 =	vld [tilespmem:$0xAB0]  }
0xe4: {  	v50 =	vld [tilespmem:$0xA40]  }
0xe5: {  	v51 =	vld [tilespmem:$0xAC0]  }
0xe6: {  	v52 =	vld [tilespmem:$0xA50]  }
0xe7: {  	v53 =	vld [tilespmem:$0xAD0]  }
0xe8: {  	v54 =	vld [tilespmem:$0xA60]  }
0xe9: {  	v55 =	vld [tilespmem:$0xAE0]  }
0xea: {  	v56 =	vld [tilespmem:$0xA70]  }
0xeb: {  	v57 =	vld [tilespmem:$0xAF0]  }
0xec: {  	v58 =	vld [tilespmem:$0xC00]  }
0xed: {  	v59 =	vld [tilespmem:$0xC80]  }
0xee: {  	v60 =	vld [tilespmem:$0xC10]  }
0xef: {  	v61 =	vld [tilespmem:$0xC90];
	v1 =	vmul.u32 $0x1B, v1  }
0xf0: {  	v62 =	vld [tilespmem:$0xC20];
	v3 =	vmul.u32 $0x1B, v3  }
0xf1: {  	v38 =	vld [tilespmem:$0xC30];
	v1 =	vadd.s32 v2, v1;
	v2 =	vmul.u32 $0x1B, v63  }
0xf2: {  	v39 =	vld [tilespmem:$0xCB0];
	[tilespmem:$0x1200] =	vst v1;
	v1 =	vadd.s32 v4, v3;
	v3 =	vmul.u32 $0x1B, v7  }
0xf3: {  	v63 =	vld [tilespmem:$0xCA0];
	[tilespmem:$0x1210] =	vst v1;
	v1 =	vadd.s32 v6, v2;
	v2 =	vmul.u32 $0x1B, v40  }
0xf4: {  	v40 =	vld [tilespmem:$0xC40];
	[tilespmem:$0x1220] =	vst v1;
	v1 =	vadd.s32 v8, v3;
	v3 =	vmul.u32 $0x1B, v41  }
0xf5: {  	v41 =	vld [tilespmem:$0xCC0];
	[tilespmem:$0x1230] =	vst v1;
	v1 =	vadd.s32 v10, v2;
	v2 =	vmul.u32 $0x1B, v42  }
0xf6: {  	v42 =	vld [tilespmem:$0xC50];
	[tilespmem:$0x1240] =	vst v1;
	v1 =	vadd.s32 v12, v3;
	v3 =	vmul.u32 $0x1B, v43  }
0xf7: {  	v43 =	vld [tilespmem:$0xCD0];
	[tilespmem:$0x1250] =	vst v1;
	v1 =	vadd.s32 v14, v2;
	v2 =	vmul.u32 $0x1B, v44  }
0xf8: {  	v44 =	vld [tilespmem:$0xC60];
	[tilespmem:$0x1260] =	vst v1;
	v1 =	vadd.s32 v16, v3;
	v3 =	vmul.u32 $0x1B, v45  }
0xf9: {  	v45 =	vld [tilespmem:$0xCE0];
	[tilespmem:$0x1270] =	vst v1;
	v1 =	vadd.s32 v18, v2;
	v2 =	vmul.u32 $0x1B, v46  }
0xfa: {  	v46 =	vld [tilespmem:$0xC70];
	[tilespmem:$0x1280] =	vst v1;
	v1 =	vadd.s32 v20, v3;
	v3 =	vmul.u32 $0x1B, v48  }
0xfb: {  	v48 =	vld [tilespmem:$0xE00];
	[tilespmem:$0x1290] =	vst v1;
	v1 =	vadd.s32 v47, v2;
	v2 =	vmul.u32 $0x1B, v50  }
0xfc: {  	v47 =	vld [tilespmem:$0xCF0];
	[tilespmem:$0x12A0] =	vst v1;
	v1 =	vadd.s32 v49, v3;
	v3 =	vmul.u32 $0x1B, v52  }
0xfd: {  	v50 =	vld [tilespmem:$0xE10];
	[tilespmem:$0x12B0] =	vst v1;
	v1 =	vadd.s32 v51, v2;
	v2 =	vmul.u32 $0x1B, v54  }
0xfe: {  	v49 =	vld [tilespmem:$0xE80];
	[tilespmem:$0x12C0] =	vst v1;
	v1 =	vadd.s32 v53, v3;
	v3 =	vmul.u32 $0x1B, v56  }
0xff: {  	v52 =	vld [tilespmem:$0xE20];
	[tilespmem:$0x12D0] =	vst v1;
	v1 =	vadd.s32 v55, v2;
	v2 =	vmul.u32 $0x1B, v58  }
0x100: {  	v51 =	vld [tilespmem:$0xE90];
	[tilespmem:$0x12E0] =	vst v1;
	v1 =	vadd.s32 v57, v3;
	v3 =	vmul.u32 $0x1B, v60  }
0x101: {  	v54 =	vld [tilespmem:$0xE30];
	[tilespmem:$0x12F0] =	vst v1;
	v1 =	vadd.s32 v59, v2;
	v2 =	vmul.u32 $0x1B, v62  }
0x102: {  	v53 =	vld [tilespmem:$0xEA0];
	[tilespmem:$0x1300] =	vst v1;
	v1 =	vadd.s32 v61, v3;
	v3 =	vmul.u32 $0x1B, v38  }
0x103: {  	v56 =	vld [tilespmem:$0xE40];
	[tilespmem:$0x1310] =	vst v1;
	v1 =	vadd.s32 v63, v2;
	v2 =	vmul.u32 $0x1B, v40  }
0x104: {  	v55 =	vld [tilespmem:$0xEB0];
	[tilespmem:$0x1320] =	vst v1;
	v1 =	vadd.s32 v39, v3;
	v3 =	vmul.u32 $0x1B, v42  }
0x105: {  	v58 =	vld [tilespmem:$0xE50];
	[tilespmem:$0x1330] =	vst v1;
	v1 =	vadd.s32 v41, v2;
	v2 =	vmul.u32 $0x1B, v44  }
0x106: {  	v57 =	vld [tilespmem:$0xEC0];
	[tilespmem:$0x1340] =	vst v1;
	v1 =	vadd.s32 v43, v3;
	v3 =	vmul.u32 $0x1B, v46  }
0x107: {  	v60 =	vld [tilespmem:$0xE60];
	[tilespmem:$0x1350] =	vst v1;
	v1 =	vadd.s32 v45, v2;
	v2 =	vmul.u32 $0x1B, v48  }
0x108: {  	v59 =	vld [tilespmem:$0xED0];
	[tilespmem:$0x1360] =	vst v1;
	v1 =	vadd.s32 v47, v3;
	v3 =	vmul.u32 $0x1B, v50  }
0x109: {  	v61 =	vld [tilespmem:$0xE70];
	[tilespmem:$0x1370] =	vst v1;
	v1 =	vadd.s32 v49, v2;
	v2 =	vmul.u32 $0x1B, v52  }
0x10a: {  	v62 =	vld [tilespmem:$0xEE0];
	[tilespmem:$0x1380] =	vst v1;
	v1 =	vadd.s32 v51, v3;
	v3 =	vmul.u32 $0x1B, v54  }
0x10b: {  	v63 =	vld [tilespmem:$0xEF0];
	[tilespmem:$0x1390] =	vst v1;
	v1 =	vadd.s32 v53, v2;
	v2 =	vmul.u32 $0x1B, v56  }
0x10c: {  	[tilespmem:$0x13A0] =	vst v1;
	v1 =	vadd.s32 v55, v3;
	v3 =	vmul.u32 $0x1B, v58  }
0x10d: {  	[tilespmem:$0x13B0] =	vst v1;
	v1 =	vadd.s32 v57, v2;
	v2 =	vmul.u32 $0x1B, v60  }
0x10e: {  	[tilespmem:$0x13C0] =	vst v1;
	v1 =	vadd.s32 v59, v3;
	v3 =	vmul.u32 $0x1B, v61  }
0x10f: {  	[tilespmem:$0x13D0] =	vst v1;
	v1 =	vadd.s32 v62, v2  }
0x110: {  	[tilespmem:$0x13E0] =	vst v1;
	v1 =	vadd.s32 v63, v3  }
0x111: {  	s14 =	rddreg [dreg:$0xf];
	[tilespmem:$0x13F0] =	vst v1  }
0x112: {  	[tilespmem:s25], [sflag:$0x3] =	stream.indirect.gather [hbm4b:s4+s24], $0x80, s14, s24, $0xb8;
	[tilespmem:$0x1CCC0] =	vst v63  }
0x113: {  	_ = 	snop  }
0x114: {  	[tilespmem:s26], [sflag:$0x4] =	stream.indirect.gather [hbm4b:s4+s24], $0x80, s0, s24, $0xb8;
	[tilespmem:$0x1CCC0] =	vst v63  }
0x115: {  	_ =	swait.ge [sflag:s28], $0x4000  }
0x116: {  	[sflag:s28] =	ssyncset.done $0x0  }
0x117: {  	[sflag:s28] =	ssyncadd.s32 $0xFFFFC000  }
0x118: {  	[spmem:s2] =	stream.indirect.scatter.add.f32 [tilespmem:s25], [sflag:$0x5], $0x80, s20, s24, $0xb8;
	[tilespmem:$0x1CCC0] =	vst v63  }
0x119: {  	_ =	swait.ge [sflag:s29], $0x4000  }
0x11a: {  	[sflag:s29] =	ssyncset.done $0x0  }
0x11b: {  	[sflag:s29] =	ssyncadd.s32 $0xFFFFC000  }
0x11c: {  	[tilespmem:s25], [sflag:$0x3] =	stream.indirect.gather [hbm4b:s4+s24], $0x80, s21, s24, $0xb8;
	[tilespmem:$0x1CCC0] =	vst v63  }
0x11d: {  	_ =	swait.ge [sflag:s30], $0x4000  }
0x11e: {  	[sflag:s30] =	ssyncset.done $0x0  }
0x11f: {  	[sflag:s30] =	ssyncadd.s32 $0xFFFFC000  }
0x120: {  	[spmem:s2] =	stream.indirect.scatter.add.f32 [tilespmem:s26], [sflag:$0x5], $0x80, s22, s24, $0xb8;
	[tilespmem:$0x1CCC0] =	vst v63  }
0x121: {  	_ =	swait.ge [sflag:s29], $0x4000  }
0x122: {  	[sflag:s29] =	ssyncset.done $0x0  }
0x123: {  	[sflag:s29] =	ssyncadd.s32 $0xFFFFC000  }
0x124: {  	[tilespmem:s26], [sflag:$0x4] =	stream.indirect.gather [hbm4b:s4+s24], $0x80, s1, s24, $0xb8;
	[tilespmem:$0x1CCC0] =	vst v63  }
0x125: {  	_ =	swait.ge [sflag:s28], $0x4000  }
0x126: {  	[sflag:s28] =	ssyncset.done $0x0  }
0x127: {  	[sflag:s28] =	ssyncadd.s32 $0xFFFFC000  }
0x128: {  	[spmem:s2] =	stream.indirect.scatter.add.f32 [tilespmem:s25], [sflag:$0x5], $0x80, s7, s24, $0xb8;
	[tilespmem:$0x1CCC0] =	vst v63  }
0x129: {  	_ =	swait.ge [sflag:s29], $0x4000  }
0x12a: {  	[sflag:s29] =	ssyncset.done $0x0  }
0x12b: {  	[sflag:s29] =	ssyncadd.s32 $0xFFFFC000  }
0x12c: {  	s10 =	sadd.s32 $0x1, s10;
	_ =	swait.ge [sflag:s30], $0x4000  }
0x12d: {  	p1 =	sne.s32 s10, $0x5;
	[sflag:s30] =	ssyncset.done $0x0  }
.Ltmp1:
0x12e: {  	[sflag:s30] =	ssyncadd.s32 $0xFFFFC000;
	(pc) =	sbr.rel @p1 .LBB2_4-.Ltmp1, $4  }
0x12f: {  	[spmem:s2] =	stream.indirect.scatter.add.f32 [tilespmem:s26], [sflag:$0x5], $0x80, s8, s24, $0xb8;
	[tilespmem:$0x1CCC0] =	vst v63  }
0x130: {  	_ =	swait.ge [sflag:s29], $0x4000  }
0x131: {  	[sflag:s29] =	ssyncset.done $0x0  }
0x132: {  	s19 =	sadd.s32 $0x200, s19;
	[sflag:s29] =	ssyncadd.s32 $0xFFFFC000  }
0x133: {  	s10 =	stileid.u32;
	[bflag:$0x0] =	sbarrier.arrive $0xFFFF  }
0x134: {  	s12 =	sshrl.u32 @!p0 s6, $0x3;
	s9 =	sadd.s32 $0x1, s9;
	s10 =	sshll.u32 @!p0 s10, $0x6  }
0x135: {  	s13 =	rddreg [dreg:$0x17];
	p1 =	sne.s32 s9, s15;
	s10 =	sor.u32 @!p0 $0x1C05, s10  }
0x136: {  	[hbm:s13], [sflag:s10] =	dma.local @!p0 [spmem:s12], $0x3E80  }
.Ltmp2:
0x137: {  	_ = 	snop;
	(pc) =	sbr.rel @p1 .LBB2_1-.Ltmp2, $4  }
0x138: {  	s10 =	simm.s32 @!p0 $0x5  }
0x139: {  	_ =	swait.ge @!p0 [sflag:s10], $0x3E80  }
0x13a: {  	[sflag:s10] =	ssyncset.done @!p0 $0x0  }
0x13b: {  	[sflag:s10] =	ssyncadd.s32 @!p0 $0xFFFFC180  }
0x13c: {  	_ =	sfence.sel $0x180000  }
0x13d: {  	[bflag:$0x0] =	sbarrier.arrive $0xFFFF  }
0x13e: {  	_ =	strace $0x9000004A  }
0x13f: {  	s0 =	stileid.u32;
	[bflag:$0x2] =	sbarrier.arrive $0xFFFF  }
0x140: {  	p0 =	sne.s32 s0, $0x0;
	s0 =	rddreg [dreg:$0x2]  }
0x141: {  	s0 =	sadd.s32 @!p0 $0x100000, s0  }
0x142: {  	[sflag:s0] =	ssyncadd.tile.s32 @!p0 $0x1;
	_ =	shalt  }
.Lfunc_end2:
_tile_overlayer_lowered:
.L_overlay_start_2:
0x143: {  	(tag) =	ssettag $0x2  }
0x144: {  	s0 =	rddreg [dreg:$0x0];
	s2 =	stileid.u32  }
0x145: {  	s1 =	rddreg [dreg:$0x1];
	p0 =	sne.s32 s2, $0x0  }
0x146: {  	s3 =	rddreg [dreg:$0x2];
	[bflag:$0x3] =	sbarrier.arrive $0xFFFF;
	s2 =	simm.s32 @!p0 $0x1C05  }
0x147: {  	[timem:s3], [sflag:s2] =	dma.local @!p0 [hbm:s0], s1  }
0x148: {  	s0 =	simm.s32 @!p0 $0x5  }
0x149: {  	_ =	swait.ge @!p0 [sflag:s0], s1  }
0x14a: {  	s1 =	ssub.s32 @!p0 $0x0, s1;
	[sflag:s0] =	ssyncset.done @!p0 $0x0  }
0x14b: {  	[sflag:s0] =	ssyncadd.s32 @!p0 s1  }
0x14c: {  	[bflag:$0x3] =	sbarrier.arrive $0xFFFF  }
0x14d: {  	_ =	shalt  }

// kernel: kernel.15.cloned.1.call-start
scs
__scs_entry_jumppad:
0x0: {  	(pc) =	sbr.rel $0x88, $3  }
0x1: {  	(tag) =	ssettag $0x0;
	lr =	simm.s32 $0x1  }
0x2: {  	[smem:$0x3F97] =	sst lr;
	_ =	strace $0xD0000000  }
0x3: {  	_ = 	snop  }
0x4: {  	_ = 	snop  }
0x5: {  	_ = 	snop  }
0x6: {  	_ = 	snop  }
0x7: {  	_ = 	snop  }
__scs_overlays_trampoline_lowered:
0x8: {  	[smem:$0x3FA6] =	sst s0  }
0x9: {  	[smem:$0x3FA7] =	sst s1  }
0xa: {  	[smem:$0x3FA8] =	sst s2  }
0xb: {  	[smem:$0x3FA9] =	sst s3  }
0xc: {  	[smem:$0x3FAA] =	sst s4  }
0xd: {  	[smem:$0x3FAB] =	sst s5  }
0xe: {  	[smem:$0x3FAC] =	sst s6  }
0xf: {  	[smem:$0x3FAD] =	sst s7  }
0x10: {  	[smem:$0x3FAE] =	sst s8  }
0x11: {  	[smem:$0x3FAF] =	sst s9;
	s0 =	simm.s32 @!p0 $0x0  }
0x12: {  	s1 =	sld [smem:$0x3F95];
	s0 =	simm.s32 @p0 $0x1  }
0x13: {  	[smem:$0x3FB0] =	sst s0;
	s0 =	simm.s32 @!p1 $0x0  }
0x14: {  	s2 =	sld [smem:$0x3F94];
	s0 =	simm.s32 @p1 $0x1  }
0x15: {  	[smem:$0x3FB1] =	sst s0;
	s0 =	simm.s32 @!p2 $0x0  }
0x16: {  	s3 =	sld [smem:$0x3FDB];
	s0 =	simm.s32 @p2 $0x1  }
0x17: {  	s4 =	simm.s32 $0x1BF5;
	[smem:$0x3FB3] =	sst s0  }
0x18: {  	s0 =	sld [smem:$0x3F96];
	_ =	swait.ge [sflag:s4], $0x0  }
0x19: {  	s7 =	sld [smem:$0x3F97]  }
0x1a: {  	s8 =	sadd.s32 $0xFFFFE003, lr  }
0x1b: {  	s9 =	sadd.s32 $0xFFFFFEF7, lr;
	s5 =	simm.s32 $0xFFFFFFFF;
	p2 =	slt.u32 s8, $0xFFFFF086  }
0x1c: {  	p1 =	slt.u32 s9, $0xF7A;
	s5 =	simm.s32 @!p2 $0x0  }
0x1d: {  	s5 =	simm.s32 @p1 $0x1;
	p0 =	seq.s32 s7, s2  }
0x1e: {  	s7 =	smul.u32 @!p0 $0xF7A, s2;
	p2 =	seq.s32 @!p0 s5, $0x0  }
0x1f: {  	s9 =	smul.u32 $0xF7A, s1;
	s8 =	simm.s32 @!p0 $0x1BF5;
	p2 =	por !p2, p0  }
0x20: {  	[sflag:s8] =	ssyncset.s32 @!p0 $0xFFFFF086;
	s6 =	sadd.s32 @!p0 s3, s7;
	s7 =	simm.s32 @!p0 $0x108  }
0x21: {  	s3 =	sadd.s32 s3, s9;
	s6 =	sadd.s32 @!p0 $0x88, s6;
	s7 =	simm.s32 @p2 $0x1082  }
0x22: {  	[simem:s7], [sflag:s8] =	dma.local @!p0 [hbm:s6], $0xF7A  }
0x23: {  	s9 =	sor.u32 $0xD0000000, s2;
	s6 =	simm.s32 $0x108;
	_ =	swait.ge @!p0 [sflag:s8], $0x0  }
0x24: {  	s3 =	sadd.s32 $0x88, s3;
	s6 =	simm.s32 @!p1 $0x1082;
	[sflag:s4] =	ssyncset.s32 $0xFFFFF086  }
0x25: {  	[simem:s6], [sflag:s4] =	dma.local [hbm:s3], $0xF7A  }
0x26: {  	[smem:$0x3F97] =	sst s1;
	(tag) =	ssettag s2;
	_ =	strace s9  }
0x27: {  	s1 =	sld [smem:$0x3FA7]  }
0x28: {  	s2 =	sld [smem:$0x3FA8]  }
0x29: {  	s4 =	sld [smem:$0x3FAA]  }
0x2a: {  	p0 =	seq.s32 s5, $0x0;
	s5 =	sld [smem:$0x3FAB]  }
0x2b: {  	s6 =	sld [smem:$0x3FAC]  }
0x2c: {  	s7 =	sld [smem:$0x3FAD]  }
0x2d: {  	s3 =	simm.s32 $0x108;
	s8 =	sld [smem:$0x3FAE]  }
0x2e: {  	s3 =	simm.s32 @!p0 $0x1082;
	s9 =	sld [smem:$0x3FAF]  }
0x2f: {  	lr =	sadd.s32 s0, s3;
	s0 =	sld [smem:$0x3FA6]  }
0x30: {  	s3 =	sld [smem:$0x3FA9]  }
0x31: {  	[smem:$0x3FB2] =	sst s10  }
0x32: {  	s10 =	sld [smem:$0x3FB0];
	_ =	sdelay $0x3  }
0x33: {  	p0 =	seq.s32 s10, $0x1;
	s10 =	sld [smem:$0x3FB2];
	_ =	sdelay $0x3  }
0x34: {  	[smem:$0x3FB2] =	sst s10  }
0x35: {  	s10 =	sld [smem:$0x3FB1];
	_ =	sdelay $0x3  }
0x36: {  	p1 =	seq.s32 s10, $0x1;
	s10 =	sld [smem:$0x3FB2];
	_ =	sdelay $0x3  }
0x37: {  	[smem:$0x3FB2] =	sst s10  }
0x38: {  	s10 =	sld [smem:$0x3FB3]  }
0x39: {  	_ = 	snop;
	(pc) =	sbr.ind lr, $3  }
0x3a: {  	_ = 	snop  }
0x3b: {  	_ = 	snop  }
0x3c: {  	p2 =	seq.s32 s10, $0x1;
	s10 =	sld [smem:$0x3FB2]  }
0x3d: {  	_ =	shalt  }
0x3e: {  	_ =	shalt  }
0x3f: {  	_ =	shalt  }
0x40: {  	_ =	shalt  }
0x41: {  	_ =	shalt  }
0x42: {  	_ =	shalt  }
0x43: {  	_ =	shalt  }
0x44: {  	_ =	shalt  }
0x45: {  	_ =	shalt  }
0x46: {  	_ =	shalt  }
0x47: {  	_ =	shalt  }
0x48: {  	_ =	shalt  }
0x49: {  	_ =	shalt  }
0x4a: {  	_ =	shalt  }
0x4b: {  	_ =	shalt  }
0x4c: {  	_ =	shalt  }
0x4d: {  	_ =	shalt  }
0x4e: {  	_ =	shalt  }
0x4f: {  	_ =	shalt  }
0x50: {  	_ =	shalt  }
0x51: {  	_ =	shalt  }
0x52: {  	_ =	shalt  }
0x53: {  	_ =	shalt  }
0x54: {  	_ =	shalt  }
0x55: {  	_ =	shalt  }
0x56: {  	_ =	shalt  }
0x57: {  	_ =	shalt  }
0x58: {  	_ =	shalt  }
0x59: {  	_ =	shalt  }
0x5a: {  	_ =	shalt  }
0x5b: {  	_ =	shalt  }
0x5c: {  	_ =	shalt  }
0x5d: {  	_ =	shalt  }
0x5e: {  	_ =	shalt  }
0x5f: {  	_ =	shalt  }
0x60: {  	_ =	shalt  }
0x61: {  	_ =	shalt  }
0x62: {  	_ =	shalt  }
0x63: {  	_ =	shalt  }
0x64: {  	_ =	shalt  }
0x65: {  	_ =	shalt  }
0x66: {  	_ =	shalt  }
0x67: {  	_ =	shalt  }
0x68: {  	_ =	shalt  }
0x69: {  	_ =	shalt  }
0x6a: {  	_ =	shalt  }
0x6b: {  	_ =	shalt  }
0x6c: {  	_ =	shalt  }
0x6d: {  	_ =	shalt  }
0x6e: {  	_ =	shalt  }
0x6f: {  	_ =	shalt  }
0x70: {  	_ =	shalt  }
0x71: {  	_ =	shalt  }
0x72: {  	_ =	shalt  }
0x73: {  	_ =	shalt  }
0x74: {  	_ =	shalt  }
0x75: {  	_ =	shalt  }
0x76: {  	_ =	shalt  }
0x77: {  	_ =	shalt  }
0x78: {  	_ =	shalt  }
0x79: {  	_ =	shalt  }
0x7a: {  	_ =	shalt  }
0x7b: {  	_ =	shalt  }
0x7c: {  	_ =	shalt  }
0x7d: {  	_ =	shalt  }
0x7e: {  	_ =	shalt  }
0x7f: {  	_ =	shalt  }
0x80: {  	_ =	shalt  }
0x81: {  	_ =	shalt  }
0x82: {  	_ =	shalt  }
0x83: {  	_ =	shalt  }
0x84: {  	_ =	shalt  }
0x85: {  	_ =	shalt  }
0x86: {  	_ =	shalt  }
0x87: {  	_ =	shalt  }
.Lfunc_end0:
.L_simem_size_0:
called_computation.2_lowered:
.L_overlay_start_0:
0x88: {  	s2 =	sld [smem:$0x3FD9]  }
0x89: {  	s3 =	sld [smem:$0x3FFE];
	_ =	sdelay $0x1  }
0x8a: {  	s1 =	srdreg.scid  }
0x8b: {  	s0 =	sand.u32 $0x1, s1  }
0x8c: {  	s17 =	sshll.u32 s0, $0xA;
	s2 =	sadd.s32 s3, s2  }
0x8d: {  	s2 =	sadd.s32 s2, s17  }
0x8e: {  	[smem:$0x3FBE] =	sst s2  }
0x8f: {  	_ = 	snop  }
0x90: {  	(tm) =	ssettm $0x1  }
0x91: {  	s18 =	sld [smem:$0x3FFB];
	_ =	sdelay $0x3  }
0x92: {  	_ =	strace s18  }
0x93: {  	s2 =	sld [smem:$0x3FFC];
	_ =	sdelay $0x3  }
0x94: {  	_ =	strace s2  }
0x95: {  	s2 =	sld [smem:$0x3FFD];
	_ =	sdelay $0x3  }
0x96: {  	_ =	strace s2  }
0x97: {  	_ =	strace $0x8FFFFFFF  }
0x98: {  	s19 =	sld [smem:$0x3FDB];
	_ =	sdelay $0x1  }
0x99: {  	s20 =	simm.s32 $_scs_section_size  }
0x9a: {  	s4 =	simm.s32 $_size__tile_overlayer_lowered;
	s5 =	simm.s32 $_tile_overlayer_lowered  }
0x9b: {  	s6 =	simm.s32 $0x1BFF;
	s21 =	sshll.u32 s5, $0x1;
	s3 =	sadd.s32 s20, s19  }
0x9c: {  	s22 =	simm.s32 $0x0;
	s4 =	sshll.u32 s4, $0x1;
	s5 =	sadd.s32 s21, s3  }
0x9d: {  	[timem:s22], [sflag:s6] =	dma.local [hbm:s5], s4  }
0x9e: {  	_ =	swait.ge [sflag:s6], s4  }
0x9f: {  	s4 =	ssub.s32 $0x0, s4;
	[sflag:s6] =	ssyncset.done $0x0  }
0xa0: {  	[sflag:s6] =	ssyncadd.s32 s4;
	_ =	sdelay $0x1  }
0xa1: {  	s23 =	simm.s32 $0x1B8B  }
0xa2: {  	_ =	swait.ge [sflag:s23], $0x1  }
0xa3: {  	[sflag:s23] =	ssyncset.done $0x0  }
0xa4: {  	[sflag:s23] =	ssyncadd.s32 $0xFFFFFFFF  }
0xa5: {  	s4 =	sld [smem:$0x0]  }
0xa6: {  	s5 =	sand.u32 $0xFFFFFFFE, s1  }
0xa7: {  	p0 =	sne.s32 s1, s5  }
0xa8: {  	s5 =	sshll.u32 @p0 s5, $0xE  }
0xa9: {  	s5 =	sadd.s32 @p0 $0x11B8D, s5;
	s6 =	sshll.u32 @p0 s4, $0x11  }
0xaa: {  	s5 =	sor.u32 @p0 s6, s5  }
0xab: {  	[sflag:s5] =	ssyncadd.remote.s32 @p0 $0x1;
	_ =	sdelay $0x1  }
0xac: {  	s5 =	simm.s32 @p0 $0x1B8D  }
0xad: {  	_ =	swait.eq @p0 [sflag:s5], $0x1  }
0xae: {  	[sflag:s5] =	ssyncadd.s32 @p0 $0xFFFFFFFF  }
0xaf: {  	s6 =	sshll.u32 @!p0 s1, $0xE  }
0xb0: {  	s6 =	sor.u32 @!p0 $0x4000, s6;
	s5 =	simm.s32 @!p0 $0x1B8D  }
0xb1: {  	s4 =	sshll.u32 @!p0 s4, $0x11;
	s6 =	sadd.s32 @!p0 $0x11B8D, s6;
	_ =	swait.eq @!p0 [sflag:s5], $0x1  }
0xb2: {  	s4 =	sor.u32 @!p0 s4, s6;
	[sflag:s5] =	ssyncadd.s32 @!p0 $0xFFFFFFFF  }
0xb3: {  	s25 =	simm.s32 $0x1B8E;
	s24 =	sld [smem:$0x3FFE];
	[sflag:s4] =	ssyncadd.remote.s32 @!p0 $0x1  }
0xb4: {  	s26 =	simm.s32 $execute0_lowered;
	[smem:$0x3FD2] =	sst s25  }
0xb5: {  	s5 =	sshll.u32 s26, $0x1;
	_ =	strace $0x8000004C;
	[dreg:$0x1] =	wrdreg $0xFFFFFFFF  }
0xb6: {  	s28 =	simm.s32 $_size_execute0_lowered;
	s3 =	sadd.s32 s3, s5;
	[dreg:$0x0] =	wrdreg $0x0  }
0xb7: {  	s5 =	sshll.u32 s28, $0x1;
	[dreg:$0x2] =	wrdreg s3  }
0xb8: {  	[dreg:$0x3] =	wrdreg s5  }
0xb9: {  	[dreg:$0x4] =	wrdreg $0xC0  }
0xba: {  	_ =	task [dreg:s22], $0x5FFFF  }
0xbb: {  	[dreg:$0x1] =	wrdreg $0xFFFFFFFF  }
0xbc: {  	[dreg:$0x0] =	wrdreg $0x60  }
0xbd: {  	[dreg:$0x2] =	wrdreg s24  }
0xbe: {  	[dreg:$0x3] =	wrdreg $0x94000  }
0xbf: {  	[dreg:$0x4] =	wrdreg $0xA  }
0xc0: {  	_ =	task.clear_ibuf [dreg:s22], $0x5FFFF;
	_ =	strace $0x9000004C  }
0xc1: {  	s29 =	simm.s32 $0xA;
	_ =	strace $0x8000004E  }
0xc2: {  	_ =	swait.ge [sflag:s29], $0x1  }
0xc3: {  	[sflag:s29] =	ssyncadd.s32 $0xFFFFFFFF  }
0xc4: {  	_ =	strace $0x9000004E  }
0xc5: {  	_ =	sfence  }
0xc6: {  	s30 =	sld [smem:$0x0];
	_ =	sdelay $0x2  }
0xc7: {  	s31 =	sshll.u32 s1, $0xD;
	s1 =	sshrl.u32 s1, $0x2  }
0xc8: {  	s4 =	sand.u32 $0x4000, s31;
	s1 =	sadd.s32 s1, s30  }
0xc9: {  	s0 =	sor.u32 s4, s0;
	s1 =	sshll.u32 s1, $0x11  }
0xca: {  	s0 =	sor.u32 s1, s0  }
0xcb: {  	s0 =	sadd.s32 $0x8F2B, s0  }
0xcc: {  	[sflag:s0] =	ssyncadd.remote.s32 $0x1  }
0xcd: {  	_ =	sfence.sel $0xFFFF  }
0xce: {  	[dreg:$0x0] =	wrdreg $0xFFFFFFFF;
	(pc) =	sbr.abs _section_cstart, $3  }
0xcf: {  	[dreg:$0x1] =	wrdreg $0xFFFFFFFF  }
0xd0: {  	_ =	task.clear_ibuf [dreg:s22], $0x2FFFF;
	_ =	strace $0x9FFFFFFF  }
0xd1: {  	(tm) =	ssettm $0x7FFFFFFF  }
tec
execute0_lowered:
.L_overlay_start_1:
0x0: {  	(tag) =	ssettag $0x1  }
0x1: {  	s0 =	rddreg [dreg:$0x0]  }
0x2: {  	s1 =	srdreg.scid;
	s2 =	rddreg [dreg:$0x1]  }
0x3: {  	s10 =	stileid.u32;
	s3 =	simm.s32 $0x0;
	s11 =	simm.s32 $0xC00  }
0x4: {  	s13 =	simm.s32 $0xE00;
	s14 =	simm.s32 $0x1000;
	s28 =	simm.s32 $0x3  }
0x5: {  	s29 =	simm.s32 $0x5;
	s30 =	simm.s32 $0x4;
	s6 =	smul.u32 $0x3E80, s10  }
0x6: {  	s31 =	simm.s32 $0x2;
	s1 =	sand.u32 $0x1, s1;
	s9 =	smul.u32 $0x28, s10  }
0x7: {  	[smem:$0x7FF] =	sst s3;
	s8 =	sadd.s32 $0x4000, s0;
	s17 =	smul.u32 $0x7D000, s10  }
0x8: {  	s4 =	sadd.s32 $0x4D3000, s0;
	s12 =	smul.u32 $0xA00, s10;
	p0 =	sgt.u32 s10, $0x9  }
0x9: {  	s5 =	smul.u32 $0x27100, s1;
	_ =	strace $0x8000004D;
	[dreg:$0x5] =	wrdreg s11  }
0xa: {  	s7 =	smul.u32 $0x280, s1;
	s18 =	ssub.s32 $0x2, s1;
	[dreg:$0x6] =	wrdreg s13  }
0xb: {  	s1 =	smul.u32 $0xA000, s1;
	[dreg:$0x7] =	wrdreg s14;
	s19 =	sshrl.u32 s18, $0x1  }
0xc: {  	s5 =	sadd.s32 s6, s5;
	s7 =	sadd.s32 s9, s7;
	s6 =	sshrl.u32 s17, $0x2  }
0xd: {  	s9 =	ssub.s32 s18, s19;
	s19 =	simm.s32 $0x1080;
	s6 =	sadd.s32 s6, s2  }
0xe: {  	s15 =	smax.u32 s9, $0x1;
	s9 =	simm.s32 $0xA00;
	[dreg:$0x8] =	wrdreg s19  }
0xf: {  	s1 =	sadd.s32 s1, s8;
	s20 =	sadd.s32 $0x4000, s6;
	[dreg:$0x4] =	wrdreg s9  }
0x10: {  	s0 =	sadd.s32 s5, s0;
	s21 =	sadd.s32 $0x8000, s6;
	[dreg:$0x10] =	wrdreg s20  }
0x11: {  	s7 =	sshll.u32 s7, $0x6;
	s22 =	sadd.s32 $0xC000, s6;
	[dreg:$0x11] =	wrdreg s21  }
0x12: {  	s1 =	sadd.s32 s12, s1;
	s23 =	sadd.s32 $0x10000, s6;
	[dreg:$0x12] =	wrdreg s22  }
0x13: {  	s5 =	sadd.s32 s8, s7;
	s24 =	sadd.s32 $0x14000, s6;
	[dreg:$0x13] =	wrdreg s23  }
0x14: {  	s25 =	sadd.s32 $0x18000, s6;
	s26 =	sadd.s32 $0x1C000, s6;
	[dreg:$0x14] =	wrdreg s24  }
0x15: {  	s0 =	sadd.s32 $0x18000, s0;
	s7 =	simm.s32 $0x800;
	[dreg:$0x15] =	wrdreg s25  }
0x16: {  	s11 =	sadd.s32 $0x200, s1;
	s1 =	simm.s32 $0x1380;
	[dreg:$0x16] =	wrdreg s26  }
0x17: {  	s8 =	simm.s32 $0xF00;
	s9 =	simm.s32 $0x0;
	[dreg:$0x17] =	wrdreg s0  }
0x18: {  	s16 =	sadd.s32 $0x40, s5;
	[dreg:$0x3] =	wrdreg s7;
	s20 =	simm.s32 $0x100  }
0x19: {  	s17 =	sadd.s32 $0x80, s5;
	s21 =	simm.s32 $0x1100;
	[dreg:$0x9] =	wrdreg s20  }
0x1a: {  	s18 =	sadd.s32 $0xC0, s5;
	s22 =	simm.s32 $0x300;
	[dreg:$0xa] =	wrdreg s21  }
0x1b: {  	s23 =	simm.s32 $0x1180;
	s24 =	simm.s32 $0x500;
	[dreg:$0xb] =	wrdreg s22  }
0x1c: {  	s25 =	simm.s32 $0x700;
	s26 =	simm.s32 $0x1200;
	[dreg:$0xc] =	wrdreg s23  }
0x1d: {  	s0 =	simm.s32 $0x1280;
	s7 =	simm.s32 $0xD00;
	[dreg:$0xd] =	wrdreg s24  }
0x1e: {  	s23 =	simm.s32 $0x1;
	s24 =	simm.s32 $0x80;
	[dreg:$0xe] =	wrdreg s25  }
0x1f: {  	[dreg:$0xf] =	wrdreg s26;
	s25 =	simm.s32 $0x1400;
	s26 =	simm.s32 $0x5400  }
0x20: {  	v0 =	vimm.f32 $0.0e+00;
	s20 =	simm.s32 $0x900;
	s21 =	simm.s32 $0x1300;
	s22 =	simm.s32 $0xB00  }
.LBB2_1:
0x21: {  	[tilespmem:s3], [sflag:$0x1] =	stream.linear.gather [hbm4b:s5+s3], $0x180, $0x38;
	[tilespmem:$0x1CCC0] =	vst v63  }
0x22: {  	s10 =	simm.s32 $0x200;
	s13 =	simm.s32 $0x400;
	s19 =	sand.u32 $0xFE00, s3  }
0x23: {  	[tilespmem:s10], [sflag:$0x1] =	stream.linear.gather [hbm4b:s16+s3], $0x180, $0x38;
	[tilespmem:$0x1CCC0] =	vst v63  }
0x24: {  	s14 =	simm.s32 $0x600;
	s12 =	sand.u32 $0x70, s3;
	s19 =	sshrl.u32 s19, $0x2  }
0x25: {  	[tilespmem:s13], [sflag:$0x1] =	stream.linear.gather [hbm4b:s17+s3], $0x180, $0x38;
	[tilespmem:$0x1CCC0] =	vst v63  }
0x26: {  	s10 =	simm.s32 $0x40;
	s12 =	sor.u32 s12, s19;
	s19 =	simm.s32 $0x0  }
0x27: {  	[tilespmem:s14], [sflag:$0x1] =	stream.linear.gather [hbm4b:s18+s3], $0x180, $0x38;
	[tilespmem:$0x1CCC0] =	vst v63  }
.LBB2_2:
0x28: {  	p1 =	sne.s32 s10, $0xFFC0  }
0x29: {  	[tilespmem:s12+$0x1400] =	vst v0;
	s19 =	sadd.s32 $0x10, s19;
	s12 =	smov.u32 s10;
	s10 =	sadd.s32 $0x40, s10  }
.Ltmp0:
0x2a: {  	(pc) =	sbr.rel @p1 .LBB2_2-.Ltmp0, $4  }
0x2b: {  	_ = 	snop  }
0x2c: {  	s12 =	sand.u32 $0xFE00, s12  }
0x2d: {  	s13 =	sand.u32 $0x70, s19;
	s12 =	sshrl.u32 s12, $0x2  }
0x2e: {  	s12 =	sor.u32 s13, s12  }
0x2f: {  	[tilespmem:s12+$0x1400] =	vst v0;
	s10 =	simm.s32 @!p0 $0x1400;
	s12 =	simm.s32 @!p0 $0x5  }
0x30: {  	[spmem:s6] =	stream.linear.scatter @!p0 [tilespmem:s10], [sflag:$0x5], $0x4000, $0x38;
	[tilespmem:$0x1CCC0] =	vst v63  }
0x31: {  	_ =	swait.ge @!p0 [sflag:s12], $0x4000  }
0x32: {  	[sflag:s12] =	ssyncset.done @!p0 $0x0  }
0x33: {  	s13 =	rddreg [dreg:$0x10];
	[sflag:s12] =	ssyncadd.s32 @!p0 $0xFFFFC000  }
0x34: {  	[spmem:s13] =	stream.linear.scatter @!p0 [tilespmem:s10], [sflag:$0x5], $0x4000, $0x38;
	[tilespmem:$0x1CCC0] =	vst v63  }
0x35: {  	_ =	swait.ge @!p0 [sflag:s12], $0x4000  }
0x36: {  	[sflag:s12] =	ssyncset.done @!p0 $0x0  }
0x37: {  	s13 =	rddreg [dreg:$0x11];
	[sflag:s12] =	ssyncadd.s32 @!p0 $0xFFFFC000  }
0x38: {  	[spmem:s13] =	stream.linear.scatter @!p0 [tilespmem:s10], [sflag:$0x5], $0x4000, $0x38;
	[tilespmem:$0x1CCC0] =	vst v63  }
0x39: {  	_ =	swait.ge @!p0 [sflag:s12], $0x4000  }
0x3a: {  	[sflag:s12] =	ssyncset.done @!p0 $0x0  }
0x3b: {  	s13 =	rddreg [dreg:$0x12];
	[sflag:s12] =	ssyncadd.s32 @!p0 $0xFFFFC000  }
0x3c: {  	[spmem:s13] =	stream.linear.scatter @!p0 [tilespmem:s10], [sflag:$0x5], $0x4000, $0x38;
	[tilespmem:$0x1CCC0] =	vst v63  }
0x3d: {  	_ =	swait.ge @!p0 [sflag:s12], $0x4000  }
0x3e: {  	[sflag:s12] =	ssyncset.done @!p0 $0x0  }
0x3f: {  	s13 =	rddreg [dreg:$0x13];
	[sflag:s12] =	ssyncadd.s32 @!p0 $0xFFFFC000  }
0x40: {  	[spmem:s13] =	stream.linear.scatter @!p0 [tilespmem:s10], [sflag:$0x5], $0x4000, $0x38;
	[tilespmem:$0x1CCC0] =	vst v63  }
0x41: {  	_ =	swait.ge @!p0 [sflag:s12], $0x4000  }
0x42: {  	[sflag:s12] =	ssyncset.done @!p0 $0x0  }
0x43: {  	s13 =	rddreg [dreg:$0x14];
	[sflag:s12] =	ssyncadd.s32 @!p0 $0xFFFFC000  }
0x44: {  	[spmem:s13] =	stream.linear.scatter @!p0 [tilespmem:s10], [sflag:$0x5], $0x4000, $0x38;
	[tilespmem:$0x1CCC0] =	vst v63  }
0x45: {  	_ =	swait.ge @!p0 [sflag:s12], $0x4000  }
0x46: {  	[sflag:s12] =	ssyncset.done @!p0 $0x0  }
0x47: {  	s13 =	rddreg [dreg:$0x15];
	[sflag:s12] =	ssyncadd.s32 @!p0 $0xFFFFC000  }
0x48: {  	[spmem:s13] =	stream.linear.scatter @!p0 [tilespmem:s10], [sflag:$0x5], $0x4000, $0x38;
	[tilespmem:$0x1CCC0] =	vst v63  }
0x49: {  	_ =	swait.ge @!p0 [sflag:s12], $0x4000  }
0x4a: {  	[sflag:s12] =	ssyncset.done @!p0 $0x0  }
0x4b: {  	s13 =	rddreg [dreg:$0x16];
	[sflag:s12] =	ssyncadd.s32 @!p0 $0xFFFFC000  }
0x4c: {  	[spmem:s13] =	stream.linear.scatter @!p0 [tilespmem:s10], [sflag:$0x5], $0x3400, $0x38;
	[tilespmem:$0x1CCC0] =	vst v63  }
0x4d: {  	_ =	swait.ge @!p0 [sflag:s12], $0x3400  }
0x4e: {  	[sflag:s12] =	ssyncset.done @!p0 $0x0  }
0x4f: {  	[sflag:s12] =	ssyncadd.s32 @!p0 $0xFFFFCC00  }
0x50: {  	s19 =	smov.u32 s11;
	s10 =	simm.s32 $0x0;
	[bflag:$0x0] =	sbarrier.arrive $0xFFFF  }
.LBB2_4:
0x51: {  	_ =	swait.ge [sflag:s23], $0x600  }
0x52: {  	[sflag:s23] =	ssyncset.done $0x0  }
0x53: {  	s13 =	sadd.s32 $0xFFFFFF00, s19;
	s12 =	rddreg [dreg:$0x3];
	[sflag:s23] =	ssyncadd.s32 $0xFFFFFA00  }
0x54: {  	[tilespmem:s12], [sflag:$0x2] =	stream.linear.gather [hbm4b:s13+s3], $0x180, $0x38;
	[tilespmem:$0x1CCC0] =	vst v63  }
0x55: {  	s14 =	rddreg [dreg:$0x4];
	s12 =	sadd.s32 $0xFFFFFF40, s19  }
0x56: {  	[tilespmem:s14], [sflag:$0x2] =	stream.linear.gather [hbm4b:s12+s3], $0x180, $0x38;
	[tilespmem:$0x1CCC0] =	vst v63  }
0x57: {  	s13 =	rddreg [dreg:$0x5];
	s12 =	sadd.s32 $0xFFFFFF80, s19  }
0x58: {  	[tilespmem:s13], [sflag:$0x2] =	stream.linear.gather [hbm4b:s12+s3], $0x180, $0x38;
	[tilespmem:$0x1CCC0] =	vst v63  }
0x59: {  	s14 =	rddreg [dreg:$0x6];
	s13 =	sadd.s32 $0xFFFFFFC0, s19  }
0x5a: {  	[tilespmem:s14], [sflag:$0x2] =	stream.linear.gather [hbm4b:s13+s3], $0x180, $0x38;
	[tilespmem:$0x1CCC0] =	vst v63  }
0x5b: {  	v1 =	vld [tilespmem:$0x0]  }
0x5c: {  	v2 =	vld [tilespmem:$0x80]  }
0x5d: {  	v3 =	vld [tilespmem:$0x10]  }
0x5e: {  	v4 =	vld [tilespmem:$0x90]  }
0x5f: {  	v5 =	vld [tilespmem:$0x20]  }
0x60: {  	v6 =	vld [tilespmem:$0xA0]  }
0x61: {  	v7 =	vld [tilespmem:$0x30]  }
0x62: {  	v8 =	vld [tilespmem:$0xB0]  }
0x63: {  	v9 =	vld [tilespmem:$0x40]  }
0x64: {  	v10 =	vld [tilespmem:$0xC0]  }
0x65: {  	v11 =	vld [tilespmem:$0x50]  }
0x66: {  	v12 =	vld [tilespmem:$0xD0]  }
0x67: {  	v13 =	vld [tilespmem:$0x60]  }
0x68: {  	v14 =	vld [tilespmem:$0xE0]  }
0x69: {  	v15 =	vld [tilespmem:$0x70]  }
0x6a: {  	v16 =	vld [tilespmem:$0xF0]  }
0x6b: {  	v17 =	vld [tilespmem:$0x200]  }
0x6c: {  	v18 =	vld [tilespmem:$0x280]  }
0x6d: {  	v19 =	vld [tilespmem:$0x210]  }
0x6e: {  	v20 =	vld [tilespmem:$0x290]  }
0x6f: {  	v21 =	vld [tilespmem:$0x220]  }
0x70: {  	v22 =	vld [tilespmem:$0x2A0]  }
0x71: {  	v23 =	vld [tilespmem:$0x230]  }
0x72: {  	v24 =	vld [tilespmem:$0x2B0]  }
0x73: {  	v25 =	vld [tilespmem:$0x240]  }
0x74: {  	v26 =	vld [tilespmem:$0x2C0]  }
0x75: {  	v27 =	vld [tilespmem:$0x250]  }
0x76: {  	v28 =	vld [tilespmem:$0x2D0]  }
0x77: {  	v29 =	vld [tilespmem:$0x260]  }
0x78: {  	v30 =	vld [tilespmem:$0x2E0]  }
0x79: {  	v31 =	vld [tilespmem:$0x270]  }
0x7a: {  	v32 =	vld [tilespmem:$0x2F0]  }
0x7b: {  	v33 =	vld [tilespmem:$0x400]  }
0x7c: {  	v34 =	vld [tilespmem:$0x480]  }
0x7d: {  	v35 =	vld [tilespmem:$0x410]  }
0x7e: {  	v36 =	vld [tilespmem:$0x490];
	v1 =	vmul.u32 $0x1B, v1  }
0x7f: {  	v37 =	vld [tilespmem:$0x420];
	v3 =	vmul.u32 $0x1B, v3  }
0x80: {  	v62 =	vld [tilespmem:$0x4A0];
	v1 =	vadd.s32 v2, v1;
	v2 =	vmul.u32 $0x1B, v5  }
0x81: {  	v63 =	vld [tilespmem:$0x430];
	[tilespmem:$0x1000] =	vst v1;
	v1 =	vadd.s32 v4, v3;
	v3 =	vmul.u32 $0x1B, v7  }
0x82: {  	v38 =	vld [tilespmem:$0x4B0];
	[tilespmem:$0x1010] =	vst v1;
	v1 =	vadd.s32 v6, v2;
	v2 =	vmul.u32 $0x1B, v9  }
0x83: {  	v39 =	vld [tilespmem:$0x440];
	[tilespmem:$0x1020] =	vst v1;
	v1 =	vadd.s32 v8, v3;
	v3 =	vmul.u32 $0x1B, v11  }
0x84: {  	v40 =	vld [tilespmem:$0x4C0];
	[tilespmem:$0x1030] =	vst v1;
	v1 =	vadd.s32 v10, v2;
	v2 =	vmul.u32 $0x1B, v13  }
0x85: {  	v41 =	vld [tilespmem:$0x450];
	[tilespmem:$0x1040] =	vst v1;
	v1 =	vadd.s32 v12, v3;
	v3 =	vmul.u32 $0x1B, v15  }
0x86: {  	v42 =	vld [tilespmem:$0x4D0];
	[tilespmem:$0x1050] =	vst v1;
	v1 =	vadd.s32 v14, v2;
	v2 =	vmul.u32 $0x1B, v17  }
0x87: {  	v43 =	vld [tilespmem:$0x460];
	[tilespmem:$0x1060] =	vst v1;
	v1 =	vadd.s32 v16, v3;
	v3 =	vmul.u32 $0x1B, v19  }
0x88: {  	v44 =	vld [tilespmem:$0x4E0];
	[tilespmem:$0x1070] =	vst v1;
	v1 =	vadd.s32 v18, v2;
	v2 =	vmul.u32 $0x1B, v21  }
0x89: {  	v45 =	vld [tilespmem:$0x470];
	[tilespmem:$0x1080] =	vst v1;
	v1 =	vadd.s32 v20, v3;
	v3 =	vmul.u32 $0x1B, v23  }
0x8a: {  	v46 =	vld [tilespmem:$0x4F0];
	[tilespmem:$0x1090] =	vst v1;
	v1 =	vadd.s32 v22, v2;
	v2 =	vmul.u32 $0x1B, v25  }
0x8b: {  	v47 =	vld [tilespmem:$0x600];
	[tilespmem:$0x10A0] =	vst v1;
	v1 =	vadd.s32 v24, v3;
	v3 =	vmul.u32 $0x1B, v27  }
0x8c: {  	v48 =	vld [tilespmem:$0x680];
	[tilespmem:$0x10B0] =	vst v1;
	v1 =	vadd.s32 v26, v2;
	v2 =	vmul.u32 $0x1B, v29  }
0x8d: {  	v49 =	vld [tilespmem:$0x610];
	[tilespmem:$0x10C0] =	vst v1;
	v1 =	vadd.s32 v28, v3;
	v3 =	vmul.u32 $0x1B, v31  }
0x8e: {  	v50 =	vld [tilespmem:$0x690];
	[tilespmem:$0x10D0] =	vst v1;
	v1 =	vadd.s32 v30, v2;
	v2 =	vmul.u32 $0x1B, v33  }
0x8f: {  	v51 =	vld [tilespmem:$0x620];
	[tilespmem:$0x10E0] =	vst v1;
	v1 =	vadd.s32 v32, v3;
	v3 =	vmul.u32 $0x1B, v35  }
0x90: {  	v52 =	vld [tilespmem:$0x6A0];
	[tilespmem:$0x10F0] =	vst v1;
	v1 =	vadd.s32 v34, v2;
	v2 =	vmul.u32 $0x1B, v37  }
0x91: {  	v53 =	vld [tilespmem:$0x630];
	[tilespmem:$0x1100] =	vst v1;
	v1 =	vadd.s32 v36, v3;
	v3 =	vmul.u32 $0x1B, v63  }
0x92: {  	v54 =	vld [tilespmem:$0x6B0];
	[tilespmem:$0x1110] =	vst v1;
	v1 =	vadd.s32 v62, v2;
	v2 =	vmul.u32 $0x1B, v39  }
0x93: {  	v55 =	vld [tilespmem:$0x640];
	[tilespmem:$0x1120] =	vst v1;
	v1 =	vadd.s32 v38, v3;
	v3 =	vmul.u32 $0x1B, v41  }
0x94: {  	v56 =	vld [tilespmem:$0x6C0];
	[tilespmem:$0x1130] =	vst v1;
	v1 =	vadd.s32 v40, v2;
	v2 =	vmul.u32 $0x1B, v43  }
0x95: {  	v57 =	vld [tilespmem:$0x650];
	[tilespmem:$0x1140] =	vst v1;
	v1 =	vadd.s32 v42, v3;
	v3 =	vmul.u32 $0x1B, v45  }
0x96: {  	v58 =	vld [tilespmem:$0x6D0];
	[tilespmem:$0x1150] =	vst v1;
	v1 =	vadd.s32 v44, v2;
	v2 =	vmul.u32 $0x1B, v47  }
0x97: {  	v59 =	vld [tilespmem:$0x660];
	[tilespmem:$0x1160] =	vst v1;
	v1 =	vadd.s32 v46, v3;
	v3 =	vmul.u32 $0x1B, v49  }
0x98: {  	v60 =	vld [tilespmem:$0x670];
	[tilespmem:$0x1170] =	vst v1;
	v1 =	vadd.s32 v48, v2;
	v2 =	vmul.u32 $0x1B, v51  }
0x99: {  	v61 =	vld [tilespmem:$0x6E0];
	[tilespmem:$0x1180] =	vst v1;
	v1 =	vadd.s32 v50, v3;
	v3 =	vmul.u32 $0x1B, v53  }
0x9a: {  	v62 =	vld [tilespmem:$0x6F0];
	[tilespmem:$0x1190] =	vst v1;
	v1 =	vadd.s32 v52, v2;
	v2 =	vmul.u32 $0x1B, v55  }
0x9b: {  	[tilespmem:$0x11A0] =	vst v1;
	v1 =	vadd.s32 v54, v3;
	v3 =	vmul.u32 $0x1B, v57  }
0x9c: {  	[tilespmem:$0x11B0] =	vst v1;
	v1 =	vadd.s32 v56, v2;
	v2 =	vmul.u32 $0x1B, v59  }
0x9d: {  	[tilespmem:$0x11C0] =	vst v1;
	v1 =	vadd.s32 v58, v3;
	v3 =	vmul.u32 $0x1B, v60  }
0x9e: {  	[tilespmem:$0x11D0] =	vst v1;
	v1 =	vadd.s32 v61, v2  }
0x9f: {  	[tilespmem:$0x11E0] =	vst v1;
	v1 =	vadd.s32 v62, v3  }
0xa0: {  	s13 =	rddreg [dreg:$0x7];
	[tilespmem:$0x11F0] =	vst v1  }
0xa1: {  	[tilespmem:s25], [sflag:$0x3] =	stream.indirect.gather [hbm4b:s4+s24], $0x80, s13, s24, $0xb8;
	[tilespmem:$0x1CCC0] =	vst v63  }
0xa2: {  	s14 =	rddreg [dreg:$0x8]  }
0xa3: {  	[tilespmem:s26], [sflag:$0x4] =	stream.indirect.gather [hbm4b:s4+s24], $0x80, s14, s24, $0xb8;
	[tilespmem:$0x1CCC0] =	vst v63  }
0xa4: {  	_ =	swait.ge [sflag:s28], $0x4000  }
0xa5: {  	[sflag:s28] =	ssyncset.done $0x0  }
0xa6: {  	s14 =	rddreg [dreg:$0x9];
	[sflag:s28] =	ssyncadd.s32 $0xFFFFC000  }
0xa7: {  	[spmem:s2] =	stream.indirect.scatter.add.f32 [tilespmem:s25], [sflag:$0x5], $0x80, s14, s24, $0xb8;
	[tilespmem:$0x1CCC0] =	vst v63  }
0xa8: {  	_ =	swait.ge [sflag:s29], $0x4000  }
0xa9: {  	[sflag:s29] =	ssyncset.done $0x0  }
0xaa: {  	s13 =	rddreg [dreg:$0xa];
	[sflag:s29] =	ssyncadd.s32 $0xFFFFC000  }
0xab: {  	[tilespmem:s25], [sflag:$0x3] =	stream.indirect.gather [hbm4b:s4+s24], $0x80, s13, s24, $0xb8;
	[tilespmem:$0x1CCC0] =	vst v63  }
0xac: {  	_ =	swait.ge [sflag:s30], $0x4000  }
0xad: {  	[sflag:s30] =	ssyncset.done $0x0  }
0xae: {  	s14 =	rddreg [dreg:$0xb];
	[sflag:s30] =	ssyncadd.s32 $0xFFFFC000  }
0xaf: {  	[spmem:s2] =	stream.indirect.scatter.add.f32 [tilespmem:s26], [sflag:$0x5], $0x80, s14, s24, $0xb8;
	[tilespmem:$0x1CCC0] =	vst v63  }
0xb0: {  	_ =	swait.ge [sflag:s29], $0x4000  }
0xb1: {  	[sflag:s29] =	ssyncset.done $0x0  }
0xb2: {  	s13 =	rddreg [dreg:$0xc];
	[sflag:s29] =	ssyncadd.s32 $0xFFFFC000  }
0xb3: {  	[tilespmem:s26], [sflag:$0x4] =	stream.indirect.gather [hbm4b:s4+s24], $0x80, s13, s24, $0xb8;
	[tilespmem:$0x1CCC0] =	vst v63  }
0xb4: {  	_ =	swait.ge [sflag:s28], $0x4000  }
0xb5: {  	[sflag:s28] =	ssyncset.done $0x0  }
0xb6: {  	s14 =	rddreg [dreg:$0xd];
	[sflag:s28] =	ssyncadd.s32 $0xFFFFC000  }
0xb7: {  	[spmem:s2] =	stream.indirect.scatter.add.f32 [tilespmem:s25], [sflag:$0x5], $0x80, s14, s24, $0xb8;
	[tilespmem:$0x1CCC0] =	vst v63  }
0xb8: {  	_ =	swait.ge [sflag:s29], $0x4000  }
0xb9: {  	[sflag:s29] =	ssyncset.done $0x0  }
0xba: {  	[sflag:s29] =	ssyncadd.s32 $0xFFFFC000  }
0xbb: {  	_ =	swait.ge [sflag:s30], $0x4000  }
0xbc: {  	[sflag:s30] =	ssyncset.done $0x0  }
0xbd: {  	s13 =	rddreg [dreg:$0xe];
	[sflag:s30] =	ssyncadd.s32 $0xFFFFC000  }
0xbe: {  	[spmem:s2] =	stream.indirect.scatter.add.f32 [tilespmem:s26], [sflag:$0x5], $0x80, s13, s24, $0xb8;
	[tilespmem:$0x1CCC0] =	vst v63  }
0xbf: {  	_ =	swait.ge [sflag:s29], $0x4000  }
0xc0: {  	[sflag:s29] =	ssyncset.done $0x0  }
0xc1: {  	[sflag:s29] =	ssyncadd.s32 $0xFFFFC000  }
0xc2: {  	_ =	swait.ge [sflag:s31], $0x600  }
0xc3: {  	p1 =	sgt.u32 s10, $0x3;
	[sflag:s31] =	ssyncset.done $0x0  }
0xc4: {  	s12 =	simm.s32 @!p1 $0x0;
	[sflag:s31] =	ssyncadd.s32 $0xFFFFFA00  }
0xc5: {  	[tilespmem:s12], [sflag:$0x1] =	stream.linear.gather @!p1 [hbm4b:s19+s12], $0x180, $0x38;
	[tilespmem:$0x1CCC0] =	vst v63  }
0xc6: {  	s14 =	simm.s32 @!p1 $0x200;
	s13 =	sadd.s32 @!p1 $0x40, s19  }
0xc7: {  	[tilespmem:s14], [sflag:$0x1] =	stream.linear.gather @!p1 [hbm4b:s13+s12], $0x180, $0x38;
	[tilespmem:$0x1CCC0] =	vst v63  }
0xc8: {  	s13 =	sadd.s32 @!p1 $0x80, s19;
	s14 =	simm.s32 @!p1 $0x400  }
0xc9: {  	[tilespmem:s14], [sflag:$0x1] =	stream.linear.gather @!p1 [hbm4b:s13+s12], $0x180, $0x38;
	[tilespmem:$0x1CCC0] =	vst v63  }
0xca: {  	s13 =	sadd.s32 @!p1 $0xC0, s19;
	s14 =	simm.s32 @!p1 $0x600  }
0xcb: {  	[tilespmem:s14], [sflag:$0x1] =	stream.linear.gather @!p1 [hbm4b:s13+s12], $0x180, $0x38;
	[tilespmem:$0x1CCC0] =	vst v63  }
0xcc: {  	v1 =	vld [tilespmem:$0x800]  }
0xcd: {  	v2 =	vld [tilespmem:$0x880]  }
0xce: {  	v3 =	vld [tilespmem:$0x810]  }
0xcf: {  	v4 =	vld [tilespmem:$0x890]  }
0xd0: {  	v63 =	vld [tilespmem:$0x820]  }
0xd1: {  	v6 =	vld [tilespmem:$0x8A0]  }
0xd2: {  	v7 =	vld [tilespmem:$0x830]  }
0xd3: {  	v8 =	vld [tilespmem:$0x8B0]  }
0xd4: {  	v40 =	vld [tilespmem:$0x840]  }
0xd5: {  	v10 =	vld [tilespmem:$0x8C0]  }
0xd6: {  	v41 =	vld [tilespmem:$0x850]  }
0xd7: {  	v12 =	vld [tilespmem:$0x8D0]  }
0xd8: {  	v42 =	vld [tilespmem:$0x860]  }
0xd9: {  	v14 =	vld [tilespmem:$0x8E0]  }
0xda: {  	v43 =	vld [tilespmem:$0x870]  }
0xdb: {  	v16 =	vld [tilespmem:$0x8F0]  }
0xdc: {  	v44 =	vld [tilespmem:$0xA00]  }
0xdd: {  	v18 =	vld [tilespmem:$0xA80]  }
0xde: {  	v45 =	vld [tilespmem:$0xA10]  }
0xdf: {  	v20 =	vld [tilespmem:$0xA90]  }
0xe0: {  	v46 =	vld [tilespmem:$0xA20]  }
0xe1: {  	v47 =	vld [tilespmem:$0xAA0]  }
0xe2: {  	v48 =	vld [tilespmem:$0xA30]  }
0xe3: {  	v49 =	vld [tilespmem:$0xAB0]  }
0xe4: {  	v50 =	vld [tilespmem:$0xA40]  }
0xe5: {  	v51 =	vld [tilespmem:$0xAC0]  }
0xe6: {  	v52 =	vld [tilespmem:$0xA50]  }
0xe7: {  	v53 =	vld [tilespmem:$0xAD0]  }
0xe8: {  	v54 =	vld [tilespmem:$0xA60]  }
0xe9: {  	v55 =	vld [tilespmem:$0xAE0]  }
0xea: {  	v56 =	vld [tilespmem:$0xA70]  }
0xeb: {  	v57 =	vld [tilespmem:$0xAF0]  }
0xec: {  	v58 =	vld [tilespmem:$0xC00]  }
0xed: {  	v59 =	vld [tilespmem:$0xC80]  }
0xee: {  	v60 =	vld [tilespmem:$0xC10]  }
0xef: {  	v61 =	vld [tilespmem:$0xC90];
	v1 =	vmul.u32 $0x1B, v1  }
0xf0: {  	v62 =	vld [tilespmem:$0xC20];
	v3 =	vmul.u32 $0x1B, v3  }
0xf1: {  	v38 =	vld [tilespmem:$0xC30];
	v1 =	vadd.s32 v2, v1;
	v2 =	vmul.u32 $0x1B, v63  }
0xf2: {  	v39 =	vld [tilespmem:$0xCB0];
	[tilespmem:$0x1200] =	vst v1;
	v1 =	vadd.s32 v4, v3;
	v3 =	vmul.u32 $0x1B, v7  }
0xf3: {  	v63 =	vld [tilespmem:$0xCA0];
	[tilespmem:$0x1210] =	vst v1;
	v1 =	vadd.s32 v6, v2;
	v2 =	vmul.u32 $0x1B, v40  }
0xf4: {  	v40 =	vld [tilespmem:$0xC40];
	[tilespmem:$0x1220] =	vst v1;
	v1 =	vadd.s32 v8, v3;
	v3 =	vmul.u32 $0x1B, v41  }
0xf5: {  	v41 =	vld [tilespmem:$0xCC0];
	[tilespmem:$0x1230] =	vst v1;
	v1 =	vadd.s32 v10, v2;
	v2 =	vmul.u32 $0x1B, v42  }
0xf6: {  	v42 =	vld [tilespmem:$0xC50];
	[tilespmem:$0x1240] =	vst v1;
	v1 =	vadd.s32 v12, v3;
	v3 =	vmul.u32 $0x1B, v43  }
0xf7: {  	v43 =	vld [tilespmem:$0xCD0];
	[tilespmem:$0x1250] =	vst v1;
	v1 =	vadd.s32 v14, v2;
	v2 =	vmul.u32 $0x1B, v44  }
0xf8: {  	v44 =	vld [tilespmem:$0xC60];
	[tilespmem:$0x1260] =	vst v1;
	v1 =	vadd.s32 v16, v3;
	v3 =	vmul.u32 $0x1B, v45  }
0xf9: {  	v45 =	vld [tilespmem:$0xCE0];
	[tilespmem:$0x1270] =	vst v1;
	v1 =	vadd.s32 v18, v2;
	v2 =	vmul.u32 $0x1B, v46  }
0xfa: {  	v46 =	vld [tilespmem:$0xC70];
	[tilespmem:$0x1280] =	vst v1;
	v1 =	vadd.s32 v20, v3;
	v3 =	vmul.u32 $0x1B, v48  }
0xfb: {  	v48 =	vld [tilespmem:$0xE00];
	[tilespmem:$0x1290] =	vst v1;
	v1 =	vadd.s32 v47, v2;
	v2 =	vmul.u32 $0x1B, v50  }
0xfc: {  	v47 =	vld [tilespmem:$0xCF0];
	[tilespmem:$0x12A0] =	vst v1;
	v1 =	vadd.s32 v49, v3;
	v3 =	vmul.u32 $0x1B, v52  }
0xfd: {  	v50 =	vld [tilespmem:$0xE10];
	[tilespmem:$0x12B0] =	vst v1;
	v1 =	vadd.s32 v51, v2;
	v2 =	vmul.u32 $0x1B, v54  }
0xfe: {  	v49 =	vld [tilespmem:$0xE80];
	[tilespmem:$0x12C0] =	vst v1;
	v1 =	vadd.s32 v53, v3;
	v3 =	vmul.u32 $0x1B, v56  }
0xff: {  	v52 =	vld [tilespmem:$0xE20];
	[tilespmem:$0x12D0] =	vst v1;
	v1 =	vadd.s32 v55, v2;
	v2 =	vmul.u32 $0x1B, v58  }
0x100: {  	v51 =	vld [tilespmem:$0xE90];
	[tilespmem:$0x12E0] =	vst v1;
	v1 =	vadd.s32 v57, v3;
	v3 =	vmul.u32 $0x1B, v60  }
0x101: {  	v54 =	vld [tilespmem:$0xE30];
	[tilespmem:$0x12F0] =	vst v1;
	v1 =	vadd.s32 v59, v2;
	v2 =	vmul.u32 $0x1B, v62  }
0x102: {  	v53 =	vld [tilespmem:$0xEA0];
	[tilespmem:$0x1300] =	vst v1;
	v1 =	vadd.s32 v61, v3;
	v3 =	vmul.u32 $0x1B, v38  }
0x103: {  	v56 =	vld [tilespmem:$0xE40];
	[tilespmem:$0x1310] =	vst v1;
	v1 =	vadd.s32 v63, v2;
	v2 =	vmul.u32 $0x1B, v40  }
0x104: {  	v55 =	vld [tilespmem:$0xEB0];
	[tilespmem:$0x1320] =	vst v1;
	v1 =	vadd.s32 v39, v3;
	v3 =	vmul.u32 $0x1B, v42  }
0x105: {  	v58 =	vld [tilespmem:$0xE50];
	[tilespmem:$0x1330] =	vst v1;
	v1 =	vadd.s32 v41, v2;
	v2 =	vmul.u32 $0x1B, v44  }
0x106: {  	v57 =	vld [tilespmem:$0xEC0];
	[tilespmem:$0x1340] =	vst v1;
	v1 =	vadd.s32 v43, v3;
	v3 =	vmul.u32 $0x1B, v46  }
0x107: {  	v60 =	vld [tilespmem:$0xE60];
	[tilespmem:$0x1350] =	vst v1;
	v1 =	vadd.s32 v45, v2;
	v2 =	vmul.u32 $0x1B, v48  }
0x108: {  	v59 =	vld [tilespmem:$0xED0];
	[tilespmem:$0x1360] =	vst v1;
	v1 =	vadd.s32 v47, v3;
	v3 =	vmul.u32 $0x1B, v50  }
0x109: {  	v61 =	vld [tilespmem:$0xE70];
	[tilespmem:$0x1370] =	vst v1;
	v1 =	vadd.s32 v49, v2;
	v2 =	vmul.u32 $0x1B, v52  }
0x10a: {  	v62 =	vld [tilespmem:$0xEE0];
	[tilespmem:$0x1380] =	vst v1;
	v1 =	vadd.s32 v51, v3;
	v3 =	vmul.u32 $0x1B, v54  }
0x10b: {  	v63 =	vld [tilespmem:$0xEF0];
	[tilespmem:$0x1390] =	vst v1;
	v1 =	vadd.s32 v53, v2;
	v2 =	vmul.u32 $0x1B, v56  }
0x10c: {  	[tilespmem:$0x13A0] =	vst v1;
	v1 =	vadd.s32 v55, v3;
	v3 =	vmul.u32 $0x1B, v58  }
0x10d: {  	[tilespmem:$0x13B0] =	vst v1;
	v1 =	vadd.s32 v57, v2;
	v2 =	vmul.u32 $0x1B, v60  }
0x10e: {  	[tilespmem:$0x13C0] =	vst v1;
	v1 =	vadd.s32 v59, v3;
	v3 =	vmul.u32 $0x1B, v61  }
0x10f: {  	[tilespmem:$0x13D0] =	vst v1;
	v1 =	vadd.s32 v62, v2  }
0x110: {  	[tilespmem:$0x13E0] =	vst v1;
	v1 =	vadd.s32 v63, v3  }
0x111: {  	s14 =	rddreg [dreg:$0xf];
	[tilespmem:$0x13F0] =	vst v1  }
0x112: {  	[tilespmem:s25], [sflag:$0x3] =	stream.indirect.gather [hbm4b:s4+s24], $0x80, s14, s24, $0xb8;
	[tilespmem:$0x1CCC0] =	vst v63  }
0x113: {  	_ = 	snop  }
0x114: {  	[tilespmem:s26], [sflag:$0x4] =	stream.indirect.gather [hbm4b:s4+s24], $0x80, s0, s24, $0xb8;
	[tilespmem:$0x1CCC0] =	vst v63  }
0x115: {  	_ =	swait.ge [sflag:s28], $0x4000  }
0x116: {  	[sflag:s28] =	ssyncset.done $0x0  }
0x117: {  	[sflag:s28] =	ssyncadd.s32 $0xFFFFC000  }
0x118: {  	[spmem:s2] =	stream.indirect.scatter.add.f32 [tilespmem:s25], [sflag:$0x5], $0x80, s20, s24, $0xb8;
	[tilespmem:$0x1CCC0] =	vst v63  }
0x119: {  	_ =	swait.ge [sflag:s29], $0x4000  }
0x11a: {  	[sflag:s29] =	ssyncset.done $0x0  }
0x11b: {  	[sflag:s29] =	ssyncadd.s32 $0xFFFFC000  }
0x11c: {  	[tilespmem:s25], [sflag:$0x3] =	stream.indirect.gather [hbm4b:s4+s24], $0x80, s21, s24, $0xb8;
	[tilespmem:$0x1CCC0] =	vst v63  }
0x11d: {  	_ =	swait.ge [sflag:s30], $0x4000  }
0x11e: {  	[sflag:s30] =	ssyncset.done $0x0  }
0x11f: {  	[sflag:s30] =	ssyncadd.s32 $0xFFFFC000  }
0x120: {  	[spmem:s2] =	stream.indirect.scatter.add.f32 [tilespmem:s26], [sflag:$0x5], $0x80, s22, s24, $0xb8;
	[tilespmem:$0x1CCC0] =	vst v63  }
0x121: {  	_ =	swait.ge [sflag:s29], $0x4000  }
0x122: {  	[sflag:s29] =	ssyncset.done $0x0  }
0x123: {  	[sflag:s29] =	ssyncadd.s32 $0xFFFFC000  }
0x124: {  	[tilespmem:s26], [sflag:$0x4] =	stream.indirect.gather [hbm4b:s4+s24], $0x80, s1, s24, $0xb8;
	[tilespmem:$0x1CCC0] =	vst v63  }
0x125: {  	_ =	swait.ge [sflag:s28], $0x4000  }
0x126: {  	[sflag:s28] =	ssyncset.done $0x0  }
0x127: {  	[sflag:s28] =	ssyncadd.s32 $0xFFFFC000  }
0x128: {  	[spmem:s2] =	stream.indirect.scatter.add.f32 [tilespmem:s25], [sflag:$0x5], $0x80, s7, s24, $0xb8;
	[tilespmem:$0x1CCC0] =	vst v63  }
0x129: {  	_ =	swait.ge [sflag:s29], $0x4000  }
0x12a: {  	[sflag:s29] =	ssyncset.done $0x0  }
0x12b: {  	[sflag:s29] =	ssyncadd.s32 $0xFFFFC000  }
0x12c: {  	s10 =	sadd.s32 $0x1, s10;
	_ =	swait.ge [sflag:s30], $0x4000  }
0x12d: {  	p1 =	sne.s32 s10, $0x5;
	[sflag:s30] =	ssyncset.done $0x0  }
.Ltmp1:
0x12e: {  	[sflag:s30] =	ssyncadd.s32 $0xFFFFC000;
	(pc) =	sbr.rel @p1 .LBB2_4-.Ltmp1, $4  }
0x12f: {  	[spmem:s2] =	stream.indirect.scatter.add.f32 [tilespmem:s26], [sflag:$0x5], $0x80, s8, s24, $0xb8;
	[tilespmem:$0x1CCC0] =	vst v63  }
0x130: {  	_ =	swait.ge [sflag:s29], $0x4000  }
0x131: {  	[sflag:s29] =	ssyncset.done $0x0  }
0x132: {  	s19 =	sadd.s32 $0x200, s19;
	[sflag:s29] =	ssyncadd.s32 $0xFFFFC000  }
0x133: {  	s10 =	stileid.u32;
	[bflag:$0x0] =	sbarrier.arrive $0xFFFF  }
0x134: {  	s12 =	sshrl.u32 @!p0 s6, $0x3;
	s9 =	sadd.s32 $0x1, s9;
	s10 =	sshll.u32 @!p0 s10, $0x6  }
0x135: {  	s13 =	rddreg [dreg:$0x17];
	p1 =	sne.s32 s9, s15;
	s10 =	sor.u32 @!p0 $0x1C05, s10  }
0x136: {  	[hbm:s13], [sflag:s10] =	dma.local @!p0 [spmem:s12], $0x3E80  }
.Ltmp2:
0x137: {  	_ = 	snop;
	(pc) =	sbr.rel @p1 .LBB2_1-.Ltmp2, $4  }
0x138: {  	s10 =	simm.s32 @!p0 $0x5  }
0x139: {  	_ =	swait.ge @!p0 [sflag:s10], $0x3E80  }
0x13a: {  	[sflag:s10] =	ssyncset.done @!p0 $0x0  }
0x13b: {  	[sflag:s10] =	ssyncadd.s32 @!p0 $0xFFFFC180  }
0x13c: {  	_ =	sfence.sel $0x180000  }
0x13d: {  	[bflag:$0x0] =	sbarrier.arrive $0xFFFF  }
0x13e: {  	_ =	strace $0x9000004D  }
0x13f: {  	s0 =	stileid.u32;
	[bflag:$0x2] =	sbarrier.arrive $0xFFFF  }
0x140: {  	p0 =	sne.s32 s0, $0x0;
	s0 =	rddreg [dreg:$0x2]  }
0x141: {  	s0 =	sadd.s32 @!p0 $0x100000, s0  }
0x142: {  	[sflag:s0] =	ssyncadd.tile.s32 @!p0 $0x1;
	_ =	shalt  }
.Lfunc_end2:
_tile_overlayer_lowered:
.L_overlay_start_2:
0x143: {  	(tag) =	ssettag $0x2  }
0x144: {  	s0 =	rddreg [dreg:$0x0];
	s2 =	stileid.u32  }
0x145: {  	s1 =	rddreg [dreg:$0x1];
	p0 =	sne.s32 s2, $0x0  }
0x146: {  	s3 =	rddreg [dreg:$0x2];
	[bflag:$0x3] =	sbarrier.arrive $0xFFFF;
	s2 =	simm.s32 @!p0 $0x1C05  }
0x147: {  	[timem:s3], [sflag:s2] =	dma.local @!p0 [hbm:s0], s1  }
0x148: {  	s0 =	simm.s32 @!p0 $0x5  }
0x149: {  	_ =	swait.ge @!p0 [sflag:s0], s1  }
0x14a: {  	s1 =	ssub.s32 @!p0 $0x0, s1;
	[sflag:s0] =	ssyncset.done @!p0 $0x0  }
0x14b: {  	[sflag:s0] =	ssyncadd.s32 @!p0 s1  }
0x14c: {  	[bflag:$0x3] =	sbarrier.arrive $0xFFFF  }
0x14d: {  	_ =	shalt  }

// kernel: kernel.9.cloned.1.call-start
scs
__scs_entry_jumppad:
0x0: {  	(pc) =	sbr.rel $0x88, $3  }
0x1: {  	(tag) =	ssettag $0x0;
	lr =	simm.s32 $0x1  }
0x2: {  	[smem:$0x3F97] =	sst lr;
	_ =	strace $0xD0000000  }
0x3: {  	_ = 	snop  }
0x4: {  	_ = 	snop  }
0x5: {  	_ = 	snop  }
0x6: {  	_ = 	snop  }
0x7: {  	_ = 	snop  }
__scs_overlays_trampoline_lowered:
0x8: {  	[smem:$0x3FA6] =	sst s0  }
0x9: {  	[smem:$0x3FA7] =	sst s1  }
0xa: {  	[smem:$0x3FA8] =	sst s2  }
0xb: {  	[smem:$0x3FA9] =	sst s3  }
0xc: {  	[smem:$0x3FAA] =	sst s4  }
0xd: {  	[smem:$0x3FAB] =	sst s5  }
0xe: {  	[smem:$0x3FAC] =	sst s6  }
0xf: {  	[smem:$0x3FAD] =	sst s7  }
0x10: {  	[smem:$0x3FAE] =	sst s8  }
0x11: {  	[smem:$0x3FAF] =	sst s9;
	s0 =	simm.s32 @!p0 $0x0  }
0x12: {  	s1 =	sld [smem:$0x3F95];
	s0 =	simm.s32 @p0 $0x1  }
0x13: {  	[smem:$0x3FB0] =	sst s0;
	s0 =	simm.s32 @!p1 $0x0  }
0x14: {  	s2 =	sld [smem:$0x3F94];
	s0 =	simm.s32 @p1 $0x1  }
0x15: {  	[smem:$0x3FB1] =	sst s0;
	s0 =	simm.s32 @!p2 $0x0  }
0x16: {  	s3 =	sld [smem:$0x3FDB];
	s0 =	simm.s32 @p2 $0x1  }
0x17: {  	s4 =	simm.s32 $0x1BF5;
	[smem:$0x3FB3] =	sst s0  }
0x18: {  	s0 =	sld [smem:$0x3F96];
	_ =	swait.ge [sflag:s4], $0x0  }
0x19: {  	s7 =	sld [smem:$0x3F97]  }
0x1a: {  	s8 =	sadd.s32 $0xFFFFE003, lr  }
0x1b: {  	s9 =	sadd.s32 $0xFFFFFEF7, lr;
	s5 =	simm.s32 $0xFFFFFFFF;
	p2 =	slt.u32 s8, $0xFFFFF086  }
0x1c: {  	p1 =	slt.u32 s9, $0xF7A;
	s5 =	simm.s32 @!p2 $0x0  }
0x1d: {  	s5 =	simm.s32 @p1 $0x1;
	p0 =	seq.s32 s7, s2  }
0x1e: {  	s7 =	smul.u32 @!p0 $0xF7A, s2;
	p2 =	seq.s32 @!p0 s5, $0x0  }
0x1f: {  	s9 =	smul.u32 $0xF7A, s1;
	s8 =	simm.s32 @!p0 $0x1BF5;
	p2 =	por !p2, p0  }
0x20: {  	[sflag:s8] =	ssyncset.s32 @!p0 $0xFFFFF086;
	s6 =	sadd.s32 @!p0 s3, s7;
	s7 =	simm.s32 @!p0 $0x108  }
0x21: {  	s3 =	sadd.s32 s3, s9;
	s6 =	sadd.s32 @!p0 $0x88, s6;
	s7 =	simm.s32 @p2 $0x1082  }
0x22: {  	[simem:s7], [sflag:s8] =	dma.local @!p0 [hbm:s6], $0xF7A  }
0x23: {  	s9 =	sor.u32 $0xD0000000, s2;
	s6 =	simm.s32 $0x108;
	_ =	swait.ge @!p0 [sflag:s8], $0x0  }
0x24: {  	s3 =	sadd.s32 $0x88, s3;
	s6 =	simm.s32 @!p1 $0x1082;
	[sflag:s4] =	ssyncset.s32 $0xFFFFF086  }
0x25: {  	[simem:s6], [sflag:s4] =	dma.local [hbm:s3], $0xF7A  }
0x26: {  	[smem:$0x3F97] =	sst s1;
	(tag) =	ssettag s2;
	_ =	strace s9  }
0x27: {  	s1 =	sld [smem:$0x3FA7]  }
0x28: {  	s2 =	sld [smem:$0x3FA8]  }
0x29: {  	s4 =	sld [smem:$0x3FAA]  }
0x2a: {  	p0 =	seq.s32 s5, $0x0;
	s5 =	sld [smem:$0x3FAB]  }
0x2b: {  	s6 =	sld [smem:$0x3FAC]  }
0x2c: {  	s7 =	sld [smem:$0x3FAD]  }
0x2d: {  	s3 =	simm.s32 $0x108;
	s8 =	sld [smem:$0x3FAE]  }
0x2e: {  	s3 =	simm.s32 @!p0 $0x1082;
	s9 =	sld [smem:$0x3FAF]  }
0x2f: {  	lr =	sadd.s32 s0, s3;
	s0 =	sld [smem:$0x3FA6]  }
0x30: {  	s3 =	sld [smem:$0x3FA9]  }
0x31: {  	[smem:$0x3FB2] =	sst s10  }
0x32: {  	s10 =	sld [smem:$0x3FB0];
	_ =	sdelay $0x3  }
0x33: {  	p0 =	seq.s32 s10, $0x1;
	s10 =	sld [smem:$0x3FB2];
	_ =	sdelay $0x3  }
0x34: {  	[smem:$0x3FB2] =	sst s10  }
0x35: {  	s10 =	sld [smem:$0x3FB1];
	_ =	sdelay $0x3  }
0x36: {  	p1 =	seq.s32 s10, $0x1;
	s10 =	sld [smem:$0x3FB2];
	_ =	sdelay $0x3  }
0x37: {  	[smem:$0x3FB2] =	sst s10  }
0x38: {  	s10 =	sld [smem:$0x3FB3]  }
0x39: {  	_ = 	snop;
	(pc) =	sbr.ind lr, $3  }
0x3a: {  	_ = 	snop  }
0x3b: {  	_ = 	snop  }
0x3c: {  	p2 =	seq.s32 s10, $0x1;
	s10 =	sld [smem:$0x3FB2]  }
0x3d: {  	_ =	shalt  }
0x3e: {  	_ =	shalt  }
0x3f: {  	_ =	shalt  }
0x40: {  	_ =	shalt  }
0x41: {  	_ =	shalt  }
0x42: {  	_ =	shalt  }
0x43: {  	_ =	shalt  }
0x44: {  	_ =	shalt  }
0x45: {  	_ =	shalt  }
0x46: {  	_ =	shalt  }
0x47: {  	_ =	shalt  }
0x48: {  	_ =	shalt  }
0x49: {  	_ =	shalt  }
0x4a: {  	_ =	shalt  }
0x4b: {  	_ =	shalt  }
0x4c: {  	_ =	shalt  }
0x4d: {  	_ =	shalt  }
0x4e: {  	_ =	shalt  }
0x4f: {  	_ =	shalt  }
0x50: {  	_ =	shalt  }
0x51: {  	_ =	shalt  }
0x52: {  	_ =	shalt  }
0x53: {  	_ =	shalt  }
0x54: {  	_ =	shalt  }
0x55: {  	_ =	shalt  }
0x56: {  	_ =	shalt  }
0x57: {  	_ =	shalt  }
0x58: {  	_ =	shalt  }
0x59: {  	_ =	shalt  }
0x5a: {  	_ =	shalt  }
0x5b: {  	_ =	shalt  }
0x5c: {  	_ =	shalt  }
0x5d: {  	_ =	shalt  }
0x5e: {  	_ =	shalt  }
0x5f: {  	_ =	shalt  }
0x60: {  	_ =	shalt  }
0x61: {  	_ =	shalt  }
0x62: {  	_ =	shalt  }
0x63: {  	_ =	shalt  }
0x64: {  	_ =	shalt  }
0x65: {  	_ =	shalt  }
0x66: {  	_ =	shalt  }
0x67: {  	_ =	shalt  }
0x68: {  	_ =	shalt  }
0x69: {  	_ =	shalt  }
0x6a: {  	_ =	shalt  }
0x6b: {  	_ =	shalt  }
0x6c: {  	_ =	shalt  }
0x6d: {  	_ =	shalt  }
0x6e: {  	_ =	shalt  }
0x6f: {  	_ =	shalt  }
0x70: {  	_ =	shalt  }
0x71: {  	_ =	shalt  }
0x72: {  	_ =	shalt  }
0x73: {  	_ =	shalt  }
0x74: {  	_ =	shalt  }
0x75: {  	_ =	shalt  }
0x76: {  	_ =	shalt  }
0x77: {  	_ =	shalt  }
0x78: {  	_ =	shalt  }
0x79: {  	_ =	shalt  }
0x7a: {  	_ =	shalt  }
0x7b: {  	_ =	shalt  }
0x7c: {  	_ =	shalt  }
0x7d: {  	_ =	shalt  }
0x7e: {  	_ =	shalt  }
0x7f: {  	_ =	shalt  }
0x80: {  	_ =	shalt  }
0x81: {  	_ =	shalt  }
0x82: {  	_ =	shalt  }
0x83: {  	_ =	shalt  }
0x84: {  	_ =	shalt  }
0x85: {  	_ =	shalt  }
0x86: {  	_ =	shalt  }
0x87: {  	_ =	shalt  }
.Lfunc_end0:
.L_simem_size_0:
called_computation_lowered:
.L_overlay_start_0:
0x88: {  	s2 =	sld [smem:$0x3FD9]  }
0x89: {  	s3 =	sld [smem:$0x3FFE];
	_ =	sdelay $0x1  }
0x8a: {  	s1 =	srdreg.scid  }
0x8b: {  	s0 =	sand.u32 $0x1, s1  }
0x8c: {  	s16 =	sshll.u32 s0, $0xA;
	s2 =	sadd.s32 s3, s2  }
0x8d: {  	s2 =	sadd.s32 s2, s16  }
0x8e: {  	[smem:$0x3FBE] =	sst s2  }
0x8f: {  	_ = 	snop  }
0x90: {  	(tm) =	ssettm $0x1  }
0x91: {  	s17 =	sld [smem:$0x3FFB];
	_ =	sdelay $0x3  }
0x92: {  	_ =	strace s17  }
0x93: {  	s2 =	sld [smem:$0x3FFC];
	_ =	sdelay $0x3  }
0x94: {  	_ =	strace s2  }
0x95: {  	s2 =	sld [smem:$0x3FFD];
	_ =	sdelay $0x3  }
0x96: {  	_ =	strace s2  }
0x97: {  	_ =	strace $0x8FFFFFFF  }
0x98: {  	s18 =	sld [smem:$0x3FDB];
	_ =	sdelay $0x1  }
0x99: {  	s19 =	simm.s32 $_scs_section_size  }
0x9a: {  	s4 =	simm.s32 $_size__tile_overlayer_lowered;
	s5 =	simm.s32 $_tile_overlayer_lowered  }
0x9b: {  	s22 =	simm.s32 $0x1BFF;
	s21 =	sshll.u32 s5, $0x1;
	s2 =	sadd.s32 s19, s18  }
0x9c: {  	s6 =	simm.s32 $0x0;
	s20 =	sshll.u32 s4, $0x1;
	s4 =	sadd.s32 s21, s2  }
0x9d: {  	[timem:s6], [sflag:s22] =	dma.local [hbm:s4], s20  }
0x9e: {  	_ =	swait.ge [sflag:s22], s20  }
0x9f: {  	s3 =	ssub.s32 $0x0, s20;
	[sflag:s22] =	ssyncset.done $0x0  }
0xa0: {  	[sflag:s22] =	ssyncadd.s32 s3;
	_ =	sdelay $0x1  }
0xa1: {  	s23 =	simm.s32 $0x1B8B  }
0xa2: {  	_ =	swait.ge [sflag:s23], $0x1  }
0xa3: {  	[sflag:s23] =	ssyncset.done $0x0  }
0xa4: {  	s25 =	simm.s32 $0x1B8E;
	s24 =	sld [smem:$0x3FFE];
	[sflag:s23] =	ssyncadd.s32 $0xFFFFFFFF  }
0xa5: {  	s26 =	simm.s32 $execute0_lowered;
	[smem:$0x3FD2] =	sst s25  }
0xa6: {  	s4 =	sshll.u32 s26, $0x1;
	_ =	strace $0x80000046;
	[dreg:$0x1] =	wrdreg $0xFFFFFFFF  }
0xa7: {  	s28 =	simm.s32 $_size_execute0_lowered;
	s2 =	sadd.s32 s2, s4;
	[dreg:$0x0] =	wrdreg $0x0  }
0xa8: {  	s4 =	sshll.u32 s28, $0x1;
	[dreg:$0x2] =	wrdreg s2  }
0xa9: {  	[dreg:$0x3] =	wrdreg s4  }
0xaa: {  	[dreg:$0x4] =	wrdreg $0xC0  }
0xab: {  	_ =	task [dreg:s6], $0x5FFFF  }
0xac: {  	[dreg:$0x1] =	wrdreg $0xFFFFFFFF  }
0xad: {  	[dreg:$0x0] =	wrdreg $0x60  }
0xae: {  	[dreg:$0x2] =	wrdreg s24  }
0xaf: {  	[dreg:$0x3] =	wrdreg $0x94000  }
0xb0: {  	[dreg:$0x4] =	wrdreg $0xA  }
0xb1: {  	_ =	task.clear_ibuf [dreg:s6], $0x5FFFF;
	_ =	strace $0x90000046  }
0xb2: {  	s29 =	simm.s32 $0xA;
	_ =	strace $0x80000048  }
0xb3: {  	_ =	swait.ge [sflag:s29], $0x1  }
0xb4: {  	[sflag:s29] =	ssyncadd.s32 $0xFFFFFFFF  }
0xb5: {  	_ =	strace $0x90000048  }
0xb6: {  	_ =	sfence  }
0xb7: {  	s30 =	sld [smem:$0x0];
	_ =	sdelay $0x2  }
0xb8: {  	s31 =	sshll.u32 s1, $0xD;
	s1 =	sshrl.u32 s1, $0x2  }
0xb9: {  	s3 =	sand.u32 $0x4000, s31;
	s1 =	sadd.s32 s1, s30  }
0xba: {  	s0 =	sor.u32 s3, s0;
	s1 =	sshll.u32 s1, $0x11  }
0xbb: {  	s0 =	sor.u32 s1, s0  }
0xbc: {  	s0 =	sadd.s32 $0x8F2B, s0  }
0xbd: {  	[sflag:s0] =	ssyncadd.remote.s32 $0x1  }
0xbe: {  	_ =	sfence.sel $0xFFFF  }
0xbf: {  	[dreg:$0x0] =	wrdreg $0xFFFFFFFF;
	(pc) =	sbr.abs _section_cstart, $3  }
0xc0: {  	[dreg:$0x1] =	wrdreg $0xFFFFFFFF  }
0xc1: {  	_ =	task.clear_ibuf [dreg:s6], $0x2FFFF;
	_ =	strace $0x9FFFFFFF  }
0xc2: {  	(tm) =	ssettm $0x7FFFFFFF  }
0xc3: {  	_ =	shalt  }
tec
execute0_lowered:
.L_overlay_start_1:
0x0: {  	(tag) =	ssettag $0x1  }
0x1: {  	s0 =	rddreg [dreg:$0x0]  }
0x2: {  	s1 =	srdreg.scid;
	s2 =	rddreg [dreg:$0x1]  }
0x3: {  	s10 =	stileid.u32;
	s3 =	simm.s32 $0x0;
	s11 =	simm.s32 $0xC00  }
0x4: {  	s13 =	simm.s32 $0xE00;
	s14 =	simm.s32 $0x1000;
	s28 =	simm.s32 $0x3  }
0x5: {  	s29 =	simm.s32 $0x5;
	s30 =	simm.s32 $0x4;
	s6 =	smul.u32 $0x3E80, s10  }
0x6: {  	s31 =	simm.s32 $0x2;
	s1 =	sand.u32 $0x1, s1;
	s9 =	smul.u32 $0x28, s10  }
0x7: {  	[smem:$0x7FF] =	sst s3;
	s8 =	sadd.s32 $0x4000, s0;
	s17 =	smul.u32 $0x7D000, s10  }
0x8: {  	s4 =	sadd.s32 $0x422C00, s0;
	s12 =	smul.u32 $0xA00, s10;
	p0 =	sgt.u32 s10, $0x9  }
0x9: {  	s5 =	smul.u32 $0x27100, s1;
	_ =	strace $0x80000047;
	[dreg:$0x5] =	wrdreg s11  }
0xa: {  	s7 =	smul.u32 $0x280, s1;
	s18 =	ssub.s32 $0x2, s1;
	[dreg:$0x6] =	wrdreg s13  }
0xb: {  	s1 =	smul.u32 $0xA000, s1;
	[dreg:$0x7] =	wrdreg s14;
	s19 =	sshrl.u32 s18, $0x1  }
0xc: {  	s5 =	sadd.s32 s6, s5;
	s7 =	sadd.s32 s9, s7;
	s6 =	sshrl.u32 s17, $0x2  }
0xd: {  	s9 =	ssub.s32 s18, s19;
	s19 =	simm.s32 $0x1080;
	s6 =	sadd.s32 s6, s2  }
0xe: {  	s15 =	smax.u32 s9, $0x1;
	s9 =	simm.s32 $0xA00;
	[dreg:$0x8] =	wrdreg s19  }
0xf: {  	s1 =	sadd.s32 s1, s8;
	s20 =	sadd.s32 $0x4000, s6;
	[dreg:$0x4] =	wrdreg s9  }
0x10: {  	s0 =	sadd.s32 s5, s0;
	s21 =	sadd.s32 $0x8000, s6;
	[dreg:$0x10] =	wrdreg s20  }
0x11: {  	s7 =	sshll.u32 s7, $0x6;
	s22 =	sadd.s32 $0xC000, s6;
	[dreg:$0x11] =	wrdreg s21  }
0x12: {  	s1 =	sadd.s32 s12, s1;
	s23 =	sadd.s32 $0x10000, s6;
	[dreg:$0x12] =	wrdreg s22  }
0x13: {  	s5 =	sadd.s32 s8, s7;
	s24 =	sadd.s32 $0x14000, s6;
	[dreg:$0x13] =	wrdreg s23  }
0x14: {  	s25 =	sadd.s32 $0x18000, s6;
	s26 =	sadd.s32 $0x1C000, s6;
	[dreg:$0x14] =	wrdreg s24  }
0x15: {  	s0 =	sadd.s32 $0x18000, s0;
	s7 =	simm.s32 $0x800;
	[dreg:$0x15] =	wrdreg s25  }
0x16: {  	s11 =	sadd.s32 $0x200, s1;
	s1 =	simm.s32 $0x1380;
	[dreg:$0x16] =	wrdreg s26  }
0x17: {  	s8 =	simm.s32 $0xF00;
	s9 =	simm.s32 $0x0;
	[dreg:$0x17] =	wrdreg s0  }
0x18: {  	s16 =	sadd.s32 $0x40, s5;
	[dreg:$0x3] =	wrdreg s7;
	s20 =	simm.s32 $0x100  }
0x19: {  	s17 =	sadd.s32 $0x80, s5;
	s21 =	simm.s32 $0x1100;
	[dreg:$0x9] =	wrdreg s20  }
0x1a: {  	s18 =	sadd.s32 $0xC0, s5;
	s22 =	simm.s32 $0x300;
	[dreg:$0xa] =	wrdreg s21  }
0x1b: {  	s23 =	simm.s32 $0x1180;
	s24 =	simm.s32 $0x500;
	[dreg:$0xb] =	wrdreg s22  }
0x1c: {  	s25 =	simm.s32 $0x700;
	s26 =	simm.s32 $0x1200;
	[dreg:$0xc] =	wrdreg s23  }
0x1d: {  	s0 =	simm.s32 $0x1280;
	s7 =	simm.s32 $0xD00;
	[dreg:$0xd] =	wrdreg s24  }
0x1e: {  	s23 =	simm.s32 $0x1;
	s24 =	simm.s32 $0x80;
	[dreg:$0xe] =	wrdreg s25  }
0x1f: {  	[dreg:$0xf] =	wrdreg s26;
	s25 =	simm.s32 $0x1400;
	s26 =	simm.s32 $0x5400  }
0x20: {  	v0 =	vimm.f32 $0.0e+00;
	s20 =	simm.s32 $0x900;
	s21 =	simm.s32 $0x1300;
	s22 =	simm.s32 $0xB00  }
.LBB2_1:
0x21: {  	[tilespmem:s3], [sflag:$0x1] =	stream.linear.gather [hbm4b:s5+s3], $0x180, $0x38;
	[tilespmem:$0x1CCC0] =	vst v63  }
0x22: {  	s10 =	simm.s32 $0x200;
	s13 =	simm.s32 $0x400;
	s19 =	sand.u32 $0xFE00, s3  }
0x23: {  	[tilespmem:s10], [sflag:$0x1] =	stream.linear.gather [hbm4b:s16+s3], $0x180, $0x38;
	[tilespmem:$0x1CCC0] =	vst v63  }
0x24: {  	s14 =	simm.s32 $0x600;
	s12 =	sand.u32 $0x70, s3;
	s19 =	sshrl.u32 s19, $0x2  }
0x25: {  	[tilespmem:s13], [sflag:$0x1] =	stream.linear.gather [hbm4b:s17+s3], $0x180, $0x38;
	[tilespmem:$0x1CCC0] =	vst v63  }
0x26: {  	s10 =	simm.s32 $0x40;
	s12 =	sor.u32 s12, s19;
	s19 =	simm.s32 $0x0  }
0x27: {  	[tilespmem:s14], [sflag:$0x1] =	stream.linear.gather [hbm4b:s18+s3], $0x180, $0x38;
	[tilespmem:$0x1CCC0] =	vst v63  }
.LBB2_2:
0x28: {  	p1 =	sne.s32 s10, $0xFFC0  }
0x29: {  	[tilespmem:s12+$0x1400] =	vst v0;
	s19 =	sadd.s32 $0x10, s19;
	s12 =	smov.u32 s10;
	s10 =	sadd.s32 $0x40, s10  }
.Ltmp0:
0x2a: {  	(pc) =	sbr.rel @p1 .LBB2_2-.Ltmp0, $4  }
0x2b: {  	_ = 	snop  }
0x2c: {  	s12 =	sand.u32 $0xFE00, s12  }
0x2d: {  	s13 =	sand.u32 $0x70, s19;
	s12 =	sshrl.u32 s12, $0x2  }
0x2e: {  	s12 =	sor.u32 s13, s12  }
0x2f: {  	[tilespmem:s12+$0x1400] =	vst v0;
	s10 =	simm.s32 @!p0 $0x1400;
	s12 =	simm.s32 @!p0 $0x5  }
0x30: {  	[spmem:s6] =	stream.linear.scatter @!p0 [tilespmem:s10], [sflag:$0x5], $0x4000, $0x38;
	[tilespmem:$0x1CCC0] =	vst v63  }
0x31: {  	_ =	swait.ge @!p0 [sflag:s12], $0x4000  }
0x32: {  	[sflag:s12] =	ssyncset.done @!p0 $0x0  }
0x33: {  	s13 =	rddreg [dreg:$0x10];
	[sflag:s12] =	ssyncadd.s32 @!p0 $0xFFFFC000  }
0x34: {  	[spmem:s13] =	stream.linear.scatter @!p0 [tilespmem:s10], [sflag:$0x5], $0x4000, $0x38;
	[tilespmem:$0x1CCC0] =	vst v63  }
0x35: {  	_ =	swait.ge @!p0 [sflag:s12], $0x4000  }
0x36: {  	[sflag:s12] =	ssyncset.done @!p0 $0x0  }
0x37: {  	s13 =	rddreg [dreg:$0x11];
	[sflag:s12] =	ssyncadd.s32 @!p0 $0xFFFFC000  }
0x38: {  	[spmem:s13] =	stream.linear.scatter @!p0 [tilespmem:s10], [sflag:$0x5], $0x4000, $0x38;
	[tilespmem:$0x1CCC0] =	vst v63  }
0x39: {  	_ =	swait.ge @!p0 [sflag:s12], $0x4000  }
0x3a: {  	[sflag:s12] =	ssyncset.done @!p0 $0x0  }
0x3b: {  	s13 =	rddreg [dreg:$0x12];
	[sflag:s12] =	ssyncadd.s32 @!p0 $0xFFFFC000  }
0x3c: {  	[spmem:s13] =	stream.linear.scatter @!p0 [tilespmem:s10], [sflag:$0x5], $0x4000, $0x38;
	[tilespmem:$0x1CCC0] =	vst v63  }
0x3d: {  	_ =	swait.ge @!p0 [sflag:s12], $0x4000  }
0x3e: {  	[sflag:s12] =	ssyncset.done @!p0 $0x0  }
0x3f: {  	s13 =	rddreg [dreg:$0x13];
	[sflag:s12] =	ssyncadd.s32 @!p0 $0xFFFFC000  }
0x40: {  	[spmem:s13] =	stream.linear.scatter @!p0 [tilespmem:s10], [sflag:$0x5], $0x4000, $0x38;
	[tilespmem:$0x1CCC0] =	vst v63  }
0x41: {  	_ =	swait.ge @!p0 [sflag:s12], $0x4000  }
0x42: {  	[sflag:s12] =	ssyncset.done @!p0 $0x0  }
0x43: {  	s13 =	rddreg [dreg:$0x14];
	[sflag:s12] =	ssyncadd.s32 @!p0 $0xFFFFC000  }
0x44: {  	[spmem:s13] =	stream.linear.scatter @!p0 [tilespmem:s10], [sflag:$0x5], $0x4000, $0x38;
	[tilespmem:$0x1CCC0] =	vst v63  }
0x45: {  	_ =	swait.ge @!p0 [sflag:s12], $0x4000  }
0x46: {  	[sflag:s12] =	ssyncset.done @!p0 $0x0  }
0x47: {  	s13 =	rddreg [dreg:$0x15];
	[sflag:s12] =	ssyncadd.s32 @!p0 $0xFFFFC000  }
0x48: {  	[spmem:s13] =	stream.linear.scatter @!p0 [tilespmem:s10], [sflag:$0x5], $0x4000, $0x38;
	[tilespmem:$0x1CCC0] =	vst v63  }
0x49: {  	_ =	swait.ge @!p0 [sflag:s12], $0x4000  }
0x4a: {  	[sflag:s12] =	ssyncset.done @!p0 $0x0  }
0x4b: {  	s13 =	rddreg [dreg:$0x16];
	[sflag:s12] =	ssyncadd.s32 @!p0 $0xFFFFC000  }
0x4c: {  	[spmem:s13] =	stream.linear.scatter @!p0 [tilespmem:s10], [sflag:$0x5], $0x3400, $0x38;
	[tilespmem:$0x1CCC0] =	vst v63  }
0x4d: {  	_ =	swait.ge @!p0 [sflag:s12], $0x3400  }
0x4e: {  	[sflag:s12] =	ssyncset.done @!p0 $0x0  }
0x4f: {  	[sflag:s12] =	ssyncadd.s32 @!p0 $0xFFFFCC00  }
0x50: {  	s19 =	smov.u32 s11;
	s10 =	simm.s32 $0x0;
	[bflag:$0x0] =	sbarrier.arrive $0xFFFF  }
.LBB2_4:
0x51: {  	_ =	swait.ge [sflag:s23], $0x600  }
0x52: {  	[sflag:s23] =	ssyncset.done $0x0  }
0x53: {  	s13 =	sadd.s32 $0xFFFFFF00, s19;
	s12 =	rddreg [dreg:$0x3];
	[sflag:s23] =	ssyncadd.s32 $0xFFFFFA00  }
0x54: {  	[tilespmem:s12], [sflag:$0x2] =	stream.linear.gather [hbm4b:s13+s3], $0x180, $0x38;
	[tilespmem:$0x1CCC0] =	vst v63  }
0x55: {  	s14 =	rddreg [dreg:$0x4];
	s12 =	sadd.s32 $0xFFFFFF40, s19  }
0x56: {  	[tilespmem:s14], [sflag:$0x2] =	stream.linear.gather [hbm4b:s12+s3], $0x180, $0x38;
	[tilespmem:$0x1CCC0] =	vst v63  }
0x57: {  	s13 =	rddreg [dreg:$0x5];
	s12 =	sadd.s32 $0xFFFFFF80, s19  }
0x58: {  	[tilespmem:s13], [sflag:$0x2] =	stream.linear.gather [hbm4b:s12+s3], $0x180, $0x38;
	[tilespmem:$0x1CCC0] =	vst v63  }
0x59: {  	s14 =	rddreg [dreg:$0x6];
	s13 =	sadd.s32 $0xFFFFFFC0, s19  }
0x5a: {  	[tilespmem:s14], [sflag:$0x2] =	stream.linear.gather [hbm4b:s13+s3], $0x180, $0x38;
	[tilespmem:$0x1CCC0] =	vst v63  }
0x5b: {  	v1 =	vld [tilespmem:$0x0]  }
0x5c: {  	v2 =	vld [tilespmem:$0x80]  }
0x5d: {  	v3 =	vld [tilespmem:$0x10]  }
0x5e: {  	v4 =	vld [tilespmem:$0x90]  }
0x5f: {  	v5 =	vld [tilespmem:$0x20]  }
0x60: {  	v6 =	vld [tilespmem:$0xA0]  }
0x61: {  	v7 =	vld [tilespmem:$0x30]  }
0x62: {  	v8 =	vld [tilespmem:$0xB0]  }
0x63: {  	v9 =	vld [tilespmem:$0x40]  }
0x64: {  	v10 =	vld [tilespmem:$0xC0]  }
0x65: {  	v11 =	vld [tilespmem:$0x50]  }
0x66: {  	v12 =	vld [tilespmem:$0xD0]  }
0x67: {  	v13 =	vld [tilespmem:$0x60]  }
0x68: {  	v14 =	vld [tilespmem:$0xE0]  }
0x69: {  	v15 =	vld [tilespmem:$0x70]  }
0x6a: {  	v16 =	vld [tilespmem:$0xF0]  }
0x6b: {  	v17 =	vld [tilespmem:$0x200]  }
0x6c: {  	v18 =	vld [tilespmem:$0x280]  }
0x6d: {  	v19 =	vld [tilespmem:$0x210]  }
0x6e: {  	v20 =	vld [tilespmem:$0x290]  }
0x6f: {  	v21 =	vld [tilespmem:$0x220]  }
0x70: {  	v22 =	vld [tilespmem:$0x2A0]  }
0x71: {  	v23 =	vld [tilespmem:$0x230]  }
0x72: {  	v24 =	vld [tilespmem:$0x2B0]  }
0x73: {  	v25 =	vld [tilespmem:$0x240]  }
0x74: {  	v26 =	vld [tilespmem:$0x2C0]  }
0x75: {  	v27 =	vld [tilespmem:$0x250]  }
0x76: {  	v28 =	vld [tilespmem:$0x2D0]  }
0x77: {  	v29 =	vld [tilespmem:$0x260]  }
0x78: {  	v30 =	vld [tilespmem:$0x2E0]  }
0x79: {  	v31 =	vld [tilespmem:$0x270]  }
0x7a: {  	v32 =	vld [tilespmem:$0x2F0]  }
0x7b: {  	v33 =	vld [tilespmem:$0x400]  }
0x7c: {  	v34 =	vld [tilespmem:$0x480]  }
0x7d: {  	v35 =	vld [tilespmem:$0x410]  }
0x7e: {  	v36 =	vld [tilespmem:$0x490];
	v1 =	vmul.u32 $0x1B, v1  }
0x7f: {  	v37 =	vld [tilespmem:$0x420];
	v3 =	vmul.u32 $0x1B, v3  }
0x80: {  	v62 =	vld [tilespmem:$0x4A0];
	v1 =	vadd.s32 v2, v1;
	v2 =	vmul.u32 $0x1B, v5  }
0x81: {  	v63 =	vld [tilespmem:$0x430];
	[tilespmem:$0x1000] =	vst v1;
	v1 =	vadd.s32 v4, v3;
	v3 =	vmul.u32 $0x1B, v7  }
0x82: {  	v38 =	vld [tilespmem:$0x4B0];
	[tilespmem:$0x1010] =	vst v1;
	v1 =	vadd.s32 v6, v2;
	v2 =	vmul.u32 $0x1B, v9  }
0x83: {  	v39 =	vld [tilespmem:$0x440];
	[tilespmem:$0x1020] =	vst v1;
	v1 =	vadd.s32 v8, v3;
	v3 =	vmul.u32 $0x1B, v11  }
0x84: {  	v40 =	vld [tilespmem:$0x4C0];
	[tilespmem:$0x1030] =	vst v1;
	v1 =	vadd.s32 v10, v2;
	v2 =	vmul.u32 $0x1B, v13  }
0x85: {  	v41 =	vld [tilespmem:$0x450];
	[tilespmem:$0x1040] =	vst v1;
	v1 =	vadd.s32 v12, v3;
	v3 =	vmul.u32 $0x1B, v15  }
0x86: {  	v42 =	vld [tilespmem:$0x4D0];
	[tilespmem:$0x1050] =	vst v1;
	v1 =	vadd.s32 v14, v2;
	v2 =	vmul.u32 $0x1B, v17  }
0x87: {  	v43 =	vld [tilespmem:$0x460];
	[tilespmem:$0x1060] =	vst v1;
	v1 =	vadd.s32 v16, v3;
	v3 =	vmul.u32 $0x1B, v19  }
0x88: {  	v44 =	vld [tilespmem:$0x4E0];
	[tilespmem:$0x1070] =	vst v1;
	v1 =	vadd.s32 v18, v2;
	v2 =	vmul.u32 $0x1B, v21  }
0x89: {  	v45 =	vld [tilespmem:$0x470];
	[tilespmem:$0x1080] =	vst v1;
	v1 =	vadd.s32 v20, v3;
	v3 =	vmul.u32 $0x1B, v23  }
0x8a: {  	v46 =	vld [tilespmem:$0x4F0];
	[tilespmem:$0x1090] =	vst v1;
	v1 =	vadd.s32 v22, v2;
	v2 =	vmul.u32 $0x1B, v25  }
0x8b: {  	v47 =	vld [tilespmem:$0x600];
	[tilespmem:$0x10A0] =	vst v1;
	v1 =	vadd.s32 v24, v3;
	v3 =	vmul.u32 $0x1B, v27  }
0x8c: {  	v48 =	vld [tilespmem:$0x680];
	[tilespmem:$0x10B0] =	vst v1;
	v1 =	vadd.s32 v26, v2;
	v2 =	vmul.u32 $0x1B, v29  }
0x8d: {  	v49 =	vld [tilespmem:$0x610];
	[tilespmem:$0x10C0] =	vst v1;
	v1 =	vadd.s32 v28, v3;
	v3 =	vmul.u32 $0x1B, v31  }
0x8e: {  	v50 =	vld [tilespmem:$0x690];
	[tilespmem:$0x10D0] =	vst v1;
	v1 =	vadd.s32 v30, v2;
	v2 =	vmul.u32 $0x1B, v33  }
0x8f: {  	v51 =	vld [tilespmem:$0x620];
	[tilespmem:$0x10E0] =	vst v1;
	v1 =	vadd.s32 v32, v3;
	v3 =	vmul.u32 $0x1B, v35  }
0x90: {  	v52 =	vld [tilespmem:$0x6A0];
	[tilespmem:$0x10F0] =	vst v1;
	v1 =	vadd.s32 v34, v2;
	v2 =	vmul.u32 $0x1B, v37  }
0x91: {  	v53 =	vld [tilespmem:$0x630];
	[tilespmem:$0x1100] =	vst v1;
	v1 =	vadd.s32 v36, v3;
	v3 =	vmul.u32 $0x1B, v63  }
0x92: {  	v54 =	vld [tilespmem:$0x6B0];
	[tilespmem:$0x1110] =	vst v1;
	v1 =	vadd.s32 v62, v2;
	v2 =	vmul.u32 $0x1B, v39  }
0x93: {  	v55 =	vld [tilespmem:$0x640];
	[tilespmem:$0x1120] =	vst v1;
	v1 =	vadd.s32 v38, v3;
	v3 =	vmul.u32 $0x1B, v41  }
0x94: {  	v56 =	vld [tilespmem:$0x6C0];
	[tilespmem:$0x1130] =	vst v1;
	v1 =	vadd.s32 v40, v2;
	v2 =	vmul.u32 $0x1B, v43  }
0x95: {  	v57 =	vld [tilespmem:$0x650];
	[tilespmem:$0x1140] =	vst v1;
	v1 =	vadd.s32 v42, v3;
	v3 =	vmul.u32 $0x1B, v45  }
0x96: {  	v58 =	vld [tilespmem:$0x6D0];
	[tilespmem:$0x1150] =	vst v1;
	v1 =	vadd.s32 v44, v2;
	v2 =	vmul.u32 $0x1B, v47  }
0x97: {  	v59 =	vld [tilespmem:$0x660];
	[tilespmem:$0x1160] =	vst v1;
	v1 =	vadd.s32 v46, v3;
	v3 =	vmul.u32 $0x1B, v49  }
0x98: {  	v60 =	vld [tilespmem:$0x670];
	[tilespmem:$0x1170] =	vst v1;
	v1 =	vadd.s32 v48, v2;
	v2 =	vmul.u32 $0x1B, v51  }
0x99: {  	v61 =	vld [tilespmem:$0x6E0];
	[tilespmem:$0x1180] =	vst v1;
	v1 =	vadd.s32 v50, v3;
	v3 =	vmul.u32 $0x1B, v53  }
0x9a: {  	v62 =	vld [tilespmem:$0x6F0];
	[tilespmem:$0x1190] =	vst v1;
	v1 =	vadd.s32 v52, v2;
	v2 =	vmul.u32 $0x1B, v55  }
0x9b: {  	[tilespmem:$0x11A0] =	vst v1;
	v1 =	vadd.s32 v54, v3;
	v3 =	vmul.u32 $0x1B, v57  }
0x9c: {  	[tilespmem:$0x11B0] =	vst v1;
	v1 =	vadd.s32 v56, v2;
	v2 =	vmul.u32 $0x1B, v59  }
0x9d: {  	[tilespmem:$0x11C0] =	vst v1;
	v1 =	vadd.s32 v58, v3;
	v3 =	vmul.u32 $0x1B, v60  }
0x9e: {  	[tilespmem:$0x11D0] =	vst v1;
	v1 =	vadd.s32 v61, v2  }
0x9f: {  	[tilespmem:$0x11E0] =	vst v1;
	v1 =	vadd.s32 v62, v3  }
0xa0: {  	s13 =	rddreg [dreg:$0x7];
	[tilespmem:$0x11F0] =	vst v1  }
0xa1: {  	[tilespmem:s25], [sflag:$0x3] =	stream.indirect.gather [hbm4b:s4+s24], $0x80, s13, s24, $0xb8;
	[tilespmem:$0x1CCC0] =	vst v63  }
0xa2: {  	s14 =	rddreg [dreg:$0x8]  }
0xa3: {  	[tilespmem:s26], [sflag:$0x4] =	stream.indirect.gather [hbm4b:s4+s24], $0x80, s14, s24, $0xb8;
	[tilespmem:$0x1CCC0] =	vst v63  }
0xa4: {  	_ =	swait.ge [sflag:s28], $0x4000  }
0xa5: {  	[sflag:s28] =	ssyncset.done $0x0  }
0xa6: {  	s14 =	rddreg [dreg:$0x9];
	[sflag:s28] =	ssyncadd.s32 $0xFFFFC000  }
0xa7: {  	[spmem:s2] =	stream.indirect.scatter.add.f32 [tilespmem:s25], [sflag:$0x5], $0x80, s14, s24, $0xb8;
	[tilespmem:$0x1CCC0] =	vst v63  }
0xa8: {  	_ =	swait.ge [sflag:s29], $0x4000  }
0xa9: {  	[sflag:s29] =	ssyncset.done $0x0  }
0xaa: {  	s13 =	rddreg [dreg:$0xa];
	[sflag:s29] =	ssyncadd.s32 $0xFFFFC000  }
0xab: {  	[tilespmem:s25], [sflag:$0x3] =	stream.indirect.gather [hbm4b:s4+s24], $0x80, s13, s24, $0xb8;
	[tilespmem:$0x1CCC0] =	vst v63  }
0xac: {  	_ =	swait.ge [sflag:s30], $0x4000  }
0xad: {  	[sflag:s30] =	ssyncset.done $0x0  }
0xae: {  	s14 =	rddreg [dreg:$0xb];
	[sflag:s30] =	ssyncadd.s32 $0xFFFFC000  }
0xaf: {  	[spmem:s2] =	stream.indirect.scatter.add.f32 [tilespmem:s26], [sflag:$0x5], $0x80, s14, s24, $0xb8;
	[tilespmem:$0x1CCC0] =	vst v63  }
0xb0: {  	_ =	swait.ge [sflag:s29], $0x4000  }
0xb1: {  	[sflag:s29] =	ssyncset.done $0x0  }
0xb2: {  	s13 =	rddreg [dreg:$0xc];
	[sflag:s29] =	ssyncadd.s32 $0xFFFFC000  }
0xb3: {  	[tilespmem:s26], [sflag:$0x4] =	stream.indirect.gather [hbm4b:s4+s24], $0x80, s13, s24, $0xb8;
	[tilespmem:$0x1CCC0] =	vst v63  }
0xb4: {  	_ =	swait.ge [sflag:s28], $0x4000  }
0xb5: {  	[sflag:s28] =	ssyncset.done $0x0  }
0xb6: {  	s14 =	rddreg [dreg:$0xd];
	[sflag:s28] =	ssyncadd.s32 $0xFFFFC000  }
0xb7: {  	[spmem:s2] =	stream.indirect.scatter.add.f32 [tilespmem:s25], [sflag:$0x5], $0x80, s14, s24, $0xb8;
	[tilespmem:$0x1CCC0] =	vst v63  }
0xb8: {  	_ =	swait.ge [sflag:s29], $0x4000  }
0xb9: {  	[sflag:s29] =	ssyncset.done $0x0  }
0xba: {  	[sflag:s29] =	ssyncadd.s32 $0xFFFFC000  }
0xbb: {  	_ =	swait.ge [sflag:s30], $0x4000  }
0xbc: {  	[sflag:s30] =	ssyncset.done $0x0  }
0xbd: {  	s13 =	rddreg [dreg:$0xe];
	[sflag:s30] =	ssyncadd.s32 $0xFFFFC000  }
0xbe: {  	[spmem:s2] =	stream.indirect.scatter.add.f32 [tilespmem:s26], [sflag:$0x5], $0x80, s13, s24, $0xb8;
	[tilespmem:$0x1CCC0] =	vst v63  }
0xbf: {  	_ =	swait.ge [sflag:s29], $0x4000  }
0xc0: {  	[sflag:s29] =	ssyncset.done $0x0  }
0xc1: {  	[sflag:s29] =	ssyncadd.s32 $0xFFFFC000  }
0xc2: {  	_ =	swait.ge [sflag:s31], $0x600  }
0xc3: {  	p1 =	sgt.u32 s10, $0x3;
	[sflag:s31] =	ssyncset.done $0x0  }
0xc4: {  	s12 =	simm.s32 @!p1 $0x0;
	[sflag:s31] =	ssyncadd.s32 $0xFFFFFA00  }
0xc5: {  	[tilespmem:s12], [sflag:$0x1] =	stream.linear.gather @!p1 [hbm4b:s19+s12], $0x180, $0x38;
	[tilespmem:$0x1CCC0] =	vst v63  }
0xc6: {  	s14 =	simm.s32 @!p1 $0x200;
	s13 =	sadd.s32 @!p1 $0x40, s19  }
0xc7: {  	[tilespmem:s14], [sflag:$0x1] =	stream.linear.gather @!p1 [hbm4b:s13+s12], $0x180, $0x38;
	[tilespmem:$0x1CCC0] =	vst v63  }
0xc8: {  	s13 =	sadd.s32 @!p1 $0x80, s19;
	s14 =	simm.s32 @!p1 $0x400  }
0xc9: {  	[tilespmem:s14], [sflag:$0x1] =	stream.linear.gather @!p1 [hbm4b:s13+s12], $0x180, $0x38;
	[tilespmem:$0x1CCC0] =	vst v63  }
0xca: {  	s13 =	sadd.s32 @!p1 $0xC0, s19;
	s14 =	simm.s32 @!p1 $0x600  }
0xcb: {  	[tilespmem:s14], [sflag:$0x1] =	stream.linear.gather @!p1 [hbm4b:s13+s12], $0x180, $0x38;
	[tilespmem:$0x1CCC0] =	vst v63  }
0xcc: {  	v1 =	vld [tilespmem:$0x800]  }
0xcd: {  	v2 =	vld [tilespmem:$0x880]  }
0xce: {  	v3 =	vld [tilespmem:$0x810]  }
0xcf: {  	v4 =	vld [tilespmem:$0x890]  }
0xd0: {  	v63 =	vld [tilespmem:$0x820]  }
0xd1: {  	v6 =	vld [tilespmem:$0x8A0]  }
0xd2: {  	v7 =	vld [tilespmem:$0x830]  }
0xd3: {  	v8 =	vld [tilespmem:$0x8B0]  }
0xd4: {  	v40 =	vld [tilespmem:$0x840]  }
0xd5: {  	v10 =	vld [tilespmem:$0x8C0]  }
0xd6: {  	v41 =	vld [tilespmem:$0x850]  }
0xd7: {  	v12 =	vld [tilespmem:$0x8D0]  }
0xd8: {  	v42 =	vld [tilespmem:$0x860]  }
0xd9: {  	v14 =	vld [tilespmem:$0x8E0]  }
0xda: {  	v43 =	vld [tilespmem:$0x870]  }
0xdb: {  	v16 =	vld [tilespmem:$0x8F0]  }
0xdc: {  	v44 =	vld [tilespmem:$0xA00]  }
0xdd: {  	v18 =	vld [tilespmem:$0xA80]  }
0xde: {  	v45 =	vld [tilespmem:$0xA10]  }
0xdf: {  	v20 =	vld [tilespmem:$0xA90]  }
0xe0: {  	v46 =	vld [tilespmem:$0xA20]  }
0xe1: {  	v47 =	vld [tilespmem:$0xAA0]  }
0xe2: {  	v48 =	vld [tilespmem:$0xA30]  }
0xe3: {  	v49 =	vld [tilespmem:$0xAB0]  }
0xe4: {  	v50 =	vld [tilespmem:$0xA40]  }
0xe5: {  	v51 =	vld [tilespmem:$0xAC0]  }
0xe6: {  	v52 =	vld [tilespmem:$0xA50]  }
0xe7: {  	v53 =	vld [tilespmem:$0xAD0]  }
0xe8: {  	v54 =	vld [tilespmem:$0xA60]  }
0xe9: {  	v55 =	vld [tilespmem:$0xAE0]  }
0xea: {  	v56 =	vld [tilespmem:$0xA70]  }
0xeb: {  	v57 =	vld [tilespmem:$0xAF0]  }
0xec: {  	v58 =	vld [tilespmem:$0xC00]  }
0xed: {  	v59 =	vld [tilespmem:$0xC80]  }
0xee: {  	v60 =	vld [tilespmem:$0xC10]  }
0xef: {  	v61 =	vld [tilespmem:$0xC90];
	v1 =	vmul.u32 $0x1B, v1  }
0xf0: {  	v62 =	vld [tilespmem:$0xC20];
	v3 =	vmul.u32 $0x1B, v3  }
0xf1: {  	v38 =	vld [tilespmem:$0xC30];
	v1 =	vadd.s32 v2, v1;
	v2 =	vmul.u32 $0x1B, v63  }
0xf2: {  	v39 =	vld [tilespmem:$0xCB0];
	[tilespmem:$0x1200] =	vst v1;
	v1 =	vadd.s32 v4, v3;
	v3 =	vmul.u32 $0x1B, v7  }
0xf3: {  	v63 =	vld [tilespmem:$0xCA0];
	[tilespmem:$0x1210] =	vst v1;
	v1 =	vadd.s32 v6, v2;
	v2 =	vmul.u32 $0x1B, v40  }
0xf4: {  	v40 =	vld [tilespmem:$0xC40];
	[tilespmem:$0x1220] =	vst v1;
	v1 =	vadd.s32 v8, v3;
	v3 =	vmul.u32 $0x1B, v41  }
0xf5: {  	v41 =	vld [tilespmem:$0xCC0];
	[tilespmem:$0x1230] =	vst v1;
	v1 =	vadd.s32 v10, v2;
	v2 =	vmul.u32 $0x1B, v42  }
0xf6: {  	v42 =	vld [tilespmem:$0xC50];
	[tilespmem:$0x1240] =	vst v1;
	v1 =	vadd.s32 v12, v3;
	v3 =	vmul.u32 $0x1B, v43  }
0xf7: {  	v43 =	vld [tilespmem:$0xCD0];
	[tilespmem:$0x1250] =	vst v1;
	v1 =	vadd.s32 v14, v2;
	v2 =	vmul.u32 $0x1B, v44  }
0xf8: {  	v44 =	vld [tilespmem:$0xC60];
	[tilespmem:$0x1260] =	vst v1;
	v1 =	vadd.s32 v16, v3;
	v3 =	vmul.u32 $0x1B, v45  }
0xf9: {  	v45 =	vld [tilespmem:$0xCE0];
	[tilespmem:$0x1270] =	vst v1;
	v1 =	vadd.s32 v18, v2;
	v2 =	vmul.u32 $0x1B, v46  }
0xfa: {  	v46 =	vld [tilespmem:$0xC70];
	[tilespmem:$0x1280] =	vst v1;
	v1 =	vadd.s32 v20, v3;
	v3 =	vmul.u32 $0x1B, v48  }
0xfb: {  	v48 =	vld [tilespmem:$0xE00];
	[tilespmem:$0x1290] =	vst v1;
	v1 =	vadd.s32 v47, v2;
	v2 =	vmul.u32 $0x1B, v50  }
0xfc: {  	v47 =	vld [tilespmem:$0xCF0];
	[tilespmem:$0x12A0] =	vst v1;
	v1 =	vadd.s32 v49, v3;
	v3 =	vmul.u32 $0x1B, v52  }
0xfd: {  	v50 =	vld [tilespmem:$0xE10];
	[tilespmem:$0x12B0] =	vst v1;
	v1 =	vadd.s32 v51, v2;
	v2 =	vmul.u32 $0x1B, v54  }
0xfe: {  	v49 =	vld [tilespmem:$0xE80];
	[tilespmem:$0x12C0] =	vst v1;
	v1 =	vadd.s32 v53, v3;
	v3 =	vmul.u32 $0x1B, v56  }
0xff: {  	v52 =	vld [tilespmem:$0xE20];
	[tilespmem:$0x12D0] =	vst v1;
	v1 =	vadd.s32 v55, v2;
	v2 =	vmul.u32 $0x1B, v58  }
0x100: {  	v51 =	vld [tilespmem:$0xE90];
	[tilespmem:$0x12E0] =	vst v1;
	v1 =	vadd.s32 v57, v3;
	v3 =	vmul.u32 $0x1B, v60  }
0x101: {  	v54 =	vld [tilespmem:$0xE30];
	[tilespmem:$0x12F0] =	vst v1;
	v1 =	vadd.s32 v59, v2;
	v2 =	vmul.u32 $0x1B, v62  }
0x102: {  	v53 =	vld [tilespmem:$0xEA0];
	[tilespmem:$0x1300] =	vst v1;
	v1 =	vadd.s32 v61, v3;
	v3 =	vmul.u32 $0x1B, v38  }
0x103: {  	v56 =	vld [tilespmem:$0xE40];
	[tilespmem:$0x1310] =	vst v1;
	v1 =	vadd.s32 v63, v2;
	v2 =	vmul.u32 $0x1B, v40  }
0x104: {  	v55 =	vld [tilespmem:$0xEB0];
	[tilespmem:$0x1320] =	vst v1;
	v1 =	vadd.s32 v39, v3;
	v3 =	vmul.u32 $0x1B, v42  }
0x105: {  	v58 =	vld [tilespmem:$0xE50];
	[tilespmem:$0x1330] =	vst v1;
	v1 =	vadd.s32 v41, v2;
	v2 =	vmul.u32 $0x1B, v44  }
0x106: {  	v57 =	vld [tilespmem:$0xEC0];
	[tilespmem:$0x1340] =	vst v1;
	v1 =	vadd.s32 v43, v3;
	v3 =	vmul.u32 $0x1B, v46  }
0x107: {  	v60 =	vld [tilespmem:$0xE60];
	[tilespmem:$0x1350] =	vst v1;
	v1 =	vadd.s32 v45, v2;
	v2 =	vmul.u32 $0x1B, v48  }
0x108: {  	v59 =	vld [tilespmem:$0xED0];
	[tilespmem:$0x1360] =	vst v1;
	v1 =	vadd.s32 v47, v3;
	v3 =	vmul.u32 $0x1B, v50  }
0x109: {  	v61 =	vld [tilespmem:$0xE70];
	[tilespmem:$0x1370] =	vst v1;
	v1 =	vadd.s32 v49, v2;
	v2 =	vmul.u32 $0x1B, v52  }
0x10a: {  	v62 =	vld [tilespmem:$0xEE0];
	[tilespmem:$0x1380] =	vst v1;
	v1 =	vadd.s32 v51, v3;
	v3 =	vmul.u32 $0x1B, v54  }
0x10b: {  	v63 =	vld [tilespmem:$0xEF0];
	[tilespmem:$0x1390] =	vst v1;
	v1 =	vadd.s32 v53, v2;
	v2 =	vmul.u32 $0x1B, v56  }
0x10c: {  	[tilespmem:$0x13A0] =	vst v1;
	v1 =	vadd.s32 v55, v3;
	v3 =	vmul.u32 $0x1B, v58  }
0x10d: {  	[tilespmem:$0x13B0] =	vst v1;
	v1 =	vadd.s32 v57, v2;
	v2 =	vmul.u32 $0x1B, v60  }
0x10e: {  	[tilespmem:$0x13C0] =	vst v1;
	v1 =	vadd.s32 v59, v3;
	v3 =	vmul.u32 $0x1B, v61  }
0x10f: {  	[tilespmem:$0x13D0] =	vst v1;
	v1 =	vadd.s32 v62, v2  }
0x110: {  	[tilespmem:$0x13E0] =	vst v1;
	v1 =	vadd.s32 v63, v3  }
0x111: {  	s14 =	rddreg [dreg:$0xf];
	[tilespmem:$0x13F0] =	vst v1  }
0x112: {  	[tilespmem:s25], [sflag:$0x3] =	stream.indirect.gather [hbm4b:s4+s24], $0x80, s14, s24, $0xb8;
	[tilespmem:$0x1CCC0] =	vst v63  }
0x113: {  	_ = 	snop  }
0x114: {  	[tilespmem:s26], [sflag:$0x4] =	stream.indirect.gather [hbm4b:s4+s24], $0x80, s0, s24, $0xb8;
	[tilespmem:$0x1CCC0] =	vst v63  }
0x115: {  	_ =	swait.ge [sflag:s28], $0x4000  }
0x116: {  	[sflag:s28] =	ssyncset.done $0x0  }
0x117: {  	[sflag:s28] =	ssyncadd.s32 $0xFFFFC000  }
0x118: {  	[spmem:s2] =	stream.indirect.scatter.add.f32 [tilespmem:s25], [sflag:$0x5], $0x80, s20, s24, $0xb8;
	[tilespmem:$0x1CCC0] =	vst v63  }
0x119: {  	_ =	swait.ge [sflag:s29], $0x4000  }
0x11a: {  	[sflag:s29] =	ssyncset.done $0x0  }
0x11b: {  	[sflag:s29] =	ssyncadd.s32 $0xFFFFC000  }
0x11c: {  	[tilespmem:s25], [sflag:$0x3] =	stream.indirect.gather [hbm4b:s4+s24], $0x80, s21, s24, $0xb8;
	[tilespmem:$0x1CCC0] =	vst v63  }
0x11d: {  	_ =	swait.ge [sflag:s30], $0x4000  }
0x11e: {  	[sflag:s30] =	ssyncset.done $0x0  }
0x11f: {  	[sflag:s30] =	ssyncadd.s32 $0xFFFFC000  }
0x120: {  	[spmem:s2] =	stream.indirect.scatter.add.f32 [tilespmem:s26], [sflag:$0x5], $0x80, s22, s24, $0xb8;
	[tilespmem:$0x1CCC0] =	vst v63  }
0x121: {  	_ =	swait.ge [sflag:s29], $0x4000  }
0x122: {  	[sflag:s29] =	ssyncset.done $0x0  }
0x123: {  	[sflag:s29] =	ssyncadd.s32 $0xFFFFC000  }
0x124: {  	[tilespmem:s26], [sflag:$0x4] =	stream.indirect.gather [hbm4b:s4+s24], $0x80, s1, s24, $0xb8;
	[tilespmem:$0x1CCC0] =	vst v63  }
0x125: {  	_ =	swait.ge [sflag:s28], $0x4000  }
0x126: {  	[sflag:s28] =	ssyncset.done $0x0  }
0x127: {  	[sflag:s28] =	ssyncadd.s32 $0xFFFFC000  }
0x128: {  	[spmem:s2] =	stream.indirect.scatter.add.f32 [tilespmem:s25], [sflag:$0x5], $0x80, s7, s24, $0xb8;
	[tilespmem:$0x1CCC0] =	vst v63  }
0x129: {  	_ =	swait.ge [sflag:s29], $0x4000  }
0x12a: {  	[sflag:s29] =	ssyncset.done $0x0  }
0x12b: {  	[sflag:s29] =	ssyncadd.s32 $0xFFFFC000  }
0x12c: {  	s10 =	sadd.s32 $0x1, s10;
	_ =	swait.ge [sflag:s30], $0x4000  }
0x12d: {  	p1 =	sne.s32 s10, $0x5;
	[sflag:s30] =	ssyncset.done $0x0  }
.Ltmp1:
0x12e: {  	[sflag:s30] =	ssyncadd.s32 $0xFFFFC000;
	(pc) =	sbr.rel @p1 .LBB2_4-.Ltmp1, $4  }
0x12f: {  	[spmem:s2] =	stream.indirect.scatter.add.f32 [tilespmem:s26], [sflag:$0x5], $0x80, s8, s24, $0xb8;
	[tilespmem:$0x1CCC0] =	vst v63  }
0x130: {  	_ =	swait.ge [sflag:s29], $0x4000  }
0x131: {  	[sflag:s29] =	ssyncset.done $0x0  }
0x132: {  	s19 =	sadd.s32 $0x200, s19;
	[sflag:s29] =	ssyncadd.s32 $0xFFFFC000  }
0x133: {  	s10 =	stileid.u32;
	[bflag:$0x0] =	sbarrier.arrive $0xFFFF  }
0x134: {  	s12 =	sshrl.u32 @!p0 s6, $0x3;
	s9 =	sadd.s32 $0x1, s9;
	s10 =	sshll.u32 @!p0 s10, $0x6  }
0x135: {  	s13 =	rddreg [dreg:$0x17];
	p1 =	sne.s32 s9, s15;
	s10 =	sor.u32 @!p0 $0x1C05, s10  }
0x136: {  	[hbm:s13], [sflag:s10] =	dma.local @!p0 [spmem:s12], $0x3E80  }
.Ltmp2:
0x137: {  	_ = 	snop;
	(pc) =	sbr.rel @p1 .LBB2_1-.Ltmp2, $4  }
0x138: {  	s10 =	simm.s32 @!p0 $0x5  }
0x139: {  	_ =	swait.ge @!p0 [sflag:s10], $0x3E80  }
0x13a: {  	[sflag:s10] =	ssyncset.done @!p0 $0x0  }
0x13b: {  	[sflag:s10] =	ssyncadd.s32 @!p0 $0xFFFFC180  }
0x13c: {  	_ =	sfence.sel $0x180000  }
0x13d: {  	[bflag:$0x0] =	sbarrier.arrive $0xFFFF  }
0x13e: {  	_ =	strace $0x90000047  }
0x13f: {  	s0 =	stileid.u32;
	[bflag:$0x2] =	sbarrier.arrive $0xFFFF  }
0x140: {  	p0 =	sne.s32 s0, $0x0;
	s0 =	rddreg [dreg:$0x2]  }
0x141: {  	s0 =	sadd.s32 @!p0 $0x100000, s0  }
0x142: {  	[sflag:s0] =	ssyncadd.tile.s32 @!p0 $0x1;
	_ =	shalt  }
.Lfunc_end2:
_tile_overlayer_lowered:
.L_overlay_start_2:
0x143: {  	(tag) =	ssettag $0x2  }
0x144: {  	s0 =	rddreg [dreg:$0x0];
	s2 =	stileid.u32  }
0x145: {  	s1 =	rddreg [dreg:$0x1];
	p0 =	sne.s32 s2, $0x0  }
0x146: {  	s3 =	rddreg [dreg:$0x2];
	[bflag:$0x3] =	sbarrier.arrive $0xFFFF;
	s2 =	simm.s32 @!p0 $0x1C05  }
0x147: {  	[timem:s3], [sflag:s2] =	dma.local @!p0 [hbm:s0], s1  }
0x148: {  	s0 =	simm.s32 @!p0 $0x5  }
0x149: {  	_ =	swait.ge @!p0 [sflag:s0], s1  }
0x14a: {  	s1 =	ssub.s32 @!p0 $0x0, s1;
	[sflag:s0] =	ssyncset.done @!p0 $0x0  }
0x14b: {  	[sflag:s0] =	ssyncadd.s32 @!p0 s1  }
0x14c: {  	[bflag:$0x3] =	sbarrier.arrive $0xFFFF  }
0x14d: {  	_ =	shalt  }

</sc_bundles>
